<compile_context>
chip_gen: v7x
topology: tpu7x:2x2x1
jax: 0.10.2.dev20260603
libtpu: 0.0.44.dev20260713+nightly
codegen_flags: <defaults>
</compile_context>

<pallas_src>
import functools

import jax
import jax.numpy as jnp
from jax import lax
from jax.experimental import pallas as pl
from jax.experimental.pallas import tpu as pltpu
from jax.experimental.pallas import tpu_sc as plsc

N = 10000
D = 128
DH = D // 2
E = 320000

NC = 2
NS = 16
NW = NC * NS
CH = 128
N_PAD = 10112
TRASH = N
NB = 1
E_PAD = ((E + NS * CH * 2 - 1) // (NS * CH * 2)) * (NS * CH * 2)
NCH_P = E_PAD // NW // CH
NCH_A = E_PAD // NS // CH
RPT = N_PAD // NS

_MESH = dict(core_axis_name="c", subcore_axis_name="s")


def _zero16():
    return jnp.zeros((16,), jnp.float32)


def _sc_prep():
    out_type = [
        jax.ShapeDtypeStruct((NW, NCH_P, CH), jnp.int32),
        jax.ShapeDtypeStruct((N_PAD,), jnp.float32),
        jax.ShapeDtypeStruct((N_PAD,), jnp.float32),
    ]
    scratch = [
        pltpu.VMEM((NCH_P, CH), jnp.int32),
        pltpu.VMEM((NCH_P, CH), jnp.int32),
        pltpu.VMEM((RPT,), jnp.float32),
        pltpu.VMEM((CH,), jnp.float32),
        pltpu.VMEM_SHARED((N_PAD,), jnp.float32),
    ]

    def body(row3, col3, colp3, d0_out, d1_out, rowv, colv, degv, onesv, deg_sh):
        c = lax.axis_index("c")
        s = lax.axis_index("s")
        wid = c * NS + s

        def zdeg(r, _):
            degv[pl.ds(r * 16, 16)] = _zero16()
            return 0

        lax.fori_loop(0, RPT // 16, zdeg, 0)
        for k in range(CH // 16):
            onesv[pl.ds(k * 16, 16)] = jnp.ones((16,), jnp.float32)
        pltpu.sync_copy(degv, deg_sh.at[pl.ds(s * RPT, RPT)])

        pltpu.sync_copy(row3.at[wid], rowv)
        pltpu.sync_copy(col3.at[wid], colv)

        def fix(i, _):
            for k in range(CH // 16):
                rv = rowv[i, pl.ds(k * 16, 16)]
                cv = colv[i, pl.ds(k * 16, 16)]
                colv[i, pl.ds(k * 16, 16)] = jnp.where(
                    rv == cv, jnp.full((16,), TRASH, jnp.int32), cv)
            return 0

        lax.fori_loop(0, NCH_P, fix, 0)
        pltpu.sync_copy(colv, colp3.at[wid])

        plsc.subcore_barrier()

        def step(i, _):
            pltpu.sync_copy(onesv, deg_sh.at[colv.at[i]], add=True)
            return 0

        lax.fori_loop(0, NCH_P, step, 0)

        plsc.subcore_barrier()

        pltpu.sync_copy(deg_sh.at[pl.ds(s * RPT, RPT)], degv)

        @pl.when(c == 0)
        def _():
            pltpu.sync_copy(degv, d0_out.at[pl.ds(s * RPT, RPT)])

        @pl.when(c == 1)
        def _():
            pltpu.sync_copy(degv, d1_out.at[pl.ds(s * RPT, RPT)])

    return pl.kernel(body, out_type=out_type,
                     mesh=plsc.VectorSubcoreMesh(**_MESH),
                     compiler_params=pltpu.CompilerParams(
                         use_tc_tiling_on_sc=False),
                     scratch_types=scratch)


def _sc_aggregate():
    out_type = [
        jax.ShapeDtypeStruct((N_PAD, DH), jnp.float32),
        jax.ShapeDtypeStruct((N_PAD, DH), jnp.float32),
    ]
    qr = RPT // 4
    scratch = (
        [pltpu.VMEM((NCH_A, CH), jnp.int32),
         pltpu.VMEM((NCH_A, CH), jnp.int32)]
        + [pltpu.VMEM((CH, DH), jnp.float32),
           pltpu.VMEM((CH, DH), jnp.float32),
           pltpu.VMEM((qr, DH), jnp.float32),
           pltpu.VMEM_SHARED((N_PAD, DH), jnp.float32)]
        + [pltpu.SemaphoreType.DMA] * 2
    )

    def body(row3, colp3, xa, xb, s0_out, s1_out, rowv, colv, bb0, bb1,
             zbuf, s_sh, gs0, gs1):
        bbuf = (bb0, bb1)
        gsem = (gs0, gs1)
        c = lax.axis_index("c")
        s = lax.axis_index("s")
        nsup = NCH_A // NB

        def zrow(r, _):
            for k in range(DH // 16):
                zbuf[r, pl.ds(k * 16, 16)] = _zero16()
            return 0

        lax.fori_loop(0, qr, zrow, 0)
        for q in range(4):
            pltpu.sync_copy(zbuf, s_sh.at[pl.ds(s * RPT + q * qr, qr)])

        pltpu.sync_copy(row3.at[s], rowv)
        pltpu.sync_copy(colp3.at[s], colv)

        plsc.subcore_barrier()

        def fire_gathers(t, p, sem):
            dst = bbuf[p]

            @pl.when(c == 0)
            def _():
                pltpu.async_copy(xa.at[rowv.at[t]], dst, sem)

            @pl.when(c == 1)
            def _():
                pltpu.async_copy(xb.at[rowv.at[t]], dst, sem)

        def scatter_sync(t, p):
            pltpu.sync_copy(bbuf[p], s_sh.at[colv.at[t]], add=True)

        def drain_big(sem):
            pltpu.make_async_copy(xa.at[pl.ds(0, CH)], bbuf[0], sem).wait()

        def phase(t, p):
            q = 1 - p

            @pl.when(t + 1 < nsup)
            def _():
                fire_gathers(t + 1, q, gsem[q])

            drain_big(gsem[p])
            scatter_sync(t, p)

        fire_gathers(0, 0, gs0)

        def group(g, _):
            phase(2 * g, 0)
            phase(2 * g + 1, 1)
            return 0

        lax.fori_loop(0, nsup // 2, group, 0)

        plsc.subcore_barrier()

        for q in range(4):
            pltpu.sync_copy(s_sh.at[pl.ds(s * RPT + q * qr, qr)], zbuf)

            @pl.when(c == 0)
            def _():
                pltpu.sync_copy(zbuf, s0_out.at[pl.ds(s * RPT + q * qr, qr)])

            @pl.when(c == 1)
            def _():
                pltpu.sync_copy(zbuf, s1_out.at[pl.ds(s * RPT + q * qr, qr)])

    return pl.kernel(body, out_type=out_type,
                     mesh=plsc.VectorSubcoreMesh(**_MESH),
                     compiler_params=pltpu.CompilerParams(
                         use_tc_tiling_on_sc=False),
                     scratch_types=scratch)


BR = 1264


def _tc_dense_body(first_layer, last_layer, s0, s1, xa, xb, dinv_a, dinv_b,
                   wo_t, wr_t, b, *outs):
    if first_layer:
        dinv = 1.0 / (dinv_a[...] + dinv_b[...] + 1.0)
    else:
        dinv = dinv_a[...]
    x = jnp.concatenate([xa[...], xb[...]], axis=1)
    agg = jnp.concatenate([s0[...] + xa[...], s1[...] + xb[...]], axis=1)
    agg = agg * dinv[:, None]
    out = (jnp.dot(agg, wo_t[...], preferred_element_type=jnp.float32)
           + jnp.dot(x, wr_t[...], preferred_element_type=jnp.float32)
           + b[...][None, :])
    if last_layer:
        outs[0][...] = out
    else:
        out = jnp.maximum(out, 0.0)
        outs[0][...] = out[:, :DH]
        outs[1][...] = out[:, DH:]
    if first_layer:
        outs[2][...] = dinv


def _tc_dense(first_layer: bool, last_layer: bool):
    if last_layer:
        out_shape = [jax.ShapeDtypeStruct((N_PAD, D), jnp.float32)]
    else:
        out_shape = [jax.ShapeDtypeStruct((N_PAD, DH), jnp.float32),
                     jax.ShapeDtypeStruct((N_PAD, DH), jnp.float32)]
    if first_layer:
        out_shape.append(jax.ShapeDtypeStruct((N_PAD,), jnp.float32))
    return pl.pallas_call(
        functools.partial(_tc_dense_body, first_layer, last_layer),
        out_shape=out_shape,
    )


def kernel(x, edge_index, W_out1, b_out1, W_root1, W_out2, b_out2, W_root2,
           W_out3, b_out3, W_root3):
    row = edge_index[0]
    col = edge_index[1]
    pad = E_PAD - E
    row_p = jnp.concatenate([row, jnp.zeros((pad,), jnp.int32)])
    col_p = jnp.concatenate([col, jnp.full((pad,), TRASH, jnp.int32)])
    row3p = row_p.reshape(NW, NCH_P, CH)
    col3p = col_p.reshape(NW, NCH_P, CH)
    row3a = row_p.reshape(NS, NCH_A, CH)
    x_pad = jnp.zeros((N_PAD, D), jnp.float32).at[:N].set(x)
    xa = x_pad[:, :DH]
    xb = x_pad[:, DH:]

    colp3, d0, d1 = _sc_prep()(row3p, col3p)
    colp3a = colp3.reshape(NS, NCH_A, CH)
    sc = _sc_aggregate()

    s0, s1 = sc(row3a, colp3a, xa, xb)
    ha, hb, dinv = _tc_dense(True, False)(
        s0, s1, xa, xb, d0, d1, W_out1.T, W_root1.T, b_out1)

    s0, s1 = sc(row3a, colp3a, ha, hb)
    ha, hb = _tc_dense(False, False)(
        s0, s1, ha, hb, dinv, dinv, W_out2.T, W_root2.T, b_out2)

    s0, s1 = sc(row3a, colp3a, ha, hb)
    out, = _tc_dense(False, True)(
        s0, s1, ha, hb, dinv, dinv, W_out3.T, W_root3.T, b_out3)

    return out[:N]

# --- scband reference (transcript-rebuilt; emitter-appended) ---
"""Pipeline reference for scband-gnn-31997506355646 (READ-ONLY COPY).

The authoritative reference and input builder live on the scoring server;
editing this copy changes nothing except your own understanding.
"""

import jax, jax.numpy as jnp
import numpy as np

N = 10000
E = 320000
D_IN = 128
D_HID = 128
D_OUT = 128


def _cluster_gcn_conv(x, edge_index, W_out, b_out, W_root):
    # PyG ClusterGCNConv with diag_lambda=0.0:
    #   remove self loops, add self loops, deg over target col,
    #   edge_weight = deg_inv[col], propagate (scatter-add of w * x[row] at col),
    #   out = lin_out(agg) + lin_root(x)
    n = x.shape[0]
    row = edge_index[0]
    col = edge_index[1]
    mask = (row != col).astype(x.dtype)  # drop original self loops
    deg = jnp.zeros((n,), x.dtype).at[col].add(mask) + 1.0  # +1 for added self loop
    deg_inv = 1.0 / jnp.clip(deg, 1.0)
    w = deg_inv[col] * mask
    agg = jnp.zeros_like(x).at[col].add(w[:, None] * x[row])  # neighbor messages
    agg = agg + deg_inv[:, None] * x  # self-loop message
    return agg @ W_out.T + b_out + x @ W_root.T


def setup_inputs(seed: int = 0) -> dict:
    key = jax.random.key(seed)
    ks = jax.random.split(key, 12)
    x = jax.random.normal(ks[0], (N, D_IN), dtype=jnp.float32)
    edge_index = jax.random.randint(ks[1], (2, E), 0, N, dtype=jnp.int32)
    s = 0.05
    inp = {
        'x': x,
        'edge_index': edge_index,
        'W_out1': jax.random.normal(ks[2], (D_HID, D_IN), dtype=jnp.float32) * s,
        'b_out1': jnp.zeros((D_HID,), dtype=jnp.float32),
        'W_root1': jax.random.normal(ks[3], (D_HID, D_IN), dtype=jnp.float32) * s,
        'W_out2': jax.random.normal(ks[4], (D_HID, D_HID), dtype=jnp.float32) * s,
        'b_out2': jnp.zeros((D_HID,), dtype=jnp.float32),
        'W_root2': jax.random.normal(ks[5], (D_HID, D_HID), dtype=jnp.float32) * s,
        'W_out3': jax.random.normal(ks[6], (D_OUT, D_HID), dtype=jnp.float32) * s,
        'b_out3': jnp.zeros((D_OUT,), dtype=jnp.float32),
        'W_root3': jax.random.normal(ks[7], (D_OUT, D_HID), dtype=jnp.float32) * s,
    }
    return inp


def reference(x, edge_index, W_out1, b_out1, W_root1, W_out2, b_out2, W_root2, W_out3, b_out3, W_root3):
    h = jax.nn.relu(_cluster_gcn_conv(x, edge_index, W_out1, b_out1, W_root1))
    h = jax.nn.relu(_cluster_gcn_conv(h, edge_index, W_out2, b_out2, W_root2))
    out = _cluster_gcn_conv(h, edge_index, W_out3, b_out3, W_root3)
    return out

if __name__ == "__main__":
    import jax
    _d = setup_inputs()
    print(jax.jit(kernel)(*tuple(_d.values())))

</pallas_src>

<mosaic_0001>
#map = affine_map<(d0, d1) -> (0, 0, 0)>
#map1 = affine_map<(d0, d1) -> (0, 0)>
module attributes {stable_mosaic.version = 14 : i64} {
  func.func @body(%arg0: i32, %arg1: i32, %arg2: memref<16x158x128xi32, #tpu.memory_space<hbm>>, %arg3: memref<16x158x128xi32, #tpu.memory_space<hbm>>, %arg4: memref<10112x64xf32, #tpu.memory_space<hbm>>, %arg5: memref<10112x64xf32, #tpu.memory_space<hbm>>, %arg6: memref<10112x64xf32, #tpu.memory_space<hbm>>, %arg7: memref<10112x64xf32, #tpu.memory_space<hbm>>, %arg8: memref<158x128xi32, #tpu.memory_space<vmem>>, %arg9: memref<158x128xi32, #tpu.memory_space<vmem>>, %arg10: memref<128x64xf32, #tpu.memory_space<vmem>>, %arg11: memref<128x64xf32, #tpu.memory_space<vmem>>, %arg12: memref<158x64xf32, #tpu.memory_space<vmem>>, %arg13: memref<10112x64xf32, #tpu.memory_space<vmem_shared>>, %arg14: memref<!tpu.dma_semaphore, #tpu.memory_space<semaphore_mem>>, %arg15: memref<!tpu.dma_semaphore, #tpu.memory_space<semaphore_mem>>) attributes {dimension_semantics = [#tpu.dimension_semantics<core_parallel>, #tpu.dimension_semantics<subcore_parallel>], iteration_bounds = array<i64: 2, 16>, scalar_prefetch = 0 : i64, scratch_operands = 8 : i64, tpu.core_type = #tpu.core_type<sc_vector_subcore>, window_params = [{transform_indices = #map}, {transform_indices = #map}, {transform_indices = #map1}, {transform_indices = #map1}, {transform_indices = #map1}, {transform_indices = #map1}]} {
    %scan3A = arith.constant 0 : i32
    %scan3A_0 = arith.constant 0 : i32
    %scan3A_1 = arith.constant 158 : i32
    %scan3A_2 = arith.addi %scan3A_0, %scan3A_1 : i32
    %scan3A_3 = arith.constant 1 : i32
    %scan3A_4 = scf.for %scan3A_91 = %scan3A_0 to %scan3A_2 step %scan3A_3 iter_args(%scan3A_92 = %scan3A) -> (i32)  : i32 {
      %broadcast_in_dim3A = arith.constant 0.000000e+00 : f32
      %broadcast_in_dim3A_93 = vector.broadcast %broadcast_in_dim3A : f32 to vector<16xf32>
      %swap3A = arith.index_cast %scan3A_91 : i32 to index
      %swap3A_94 = arith.constant 0 : index
      %swap3A_95 = tpu.vector_load %arg12[%swap3A, %swap3A_94] {strides = array<i32>} : memref<158x64xf32, #tpu.memory_space<vmem>>, vector<1x16xf32>,
      %swap3A_96 = vector.shape_cast %swap3A_95 : vector<1x16xf32> to vector<16xf32>
      %swap3A_97 = vector.shape_cast %broadcast_in_dim3A_93 : vector<16xf32> to vector<1x16xf32>
      tpu.vector_store %arg12[%swap3A, %swap3A_94], %swap3A_97 {strides = array<i32>} : memref<158x64xf32, #tpu.memory_space<vmem>>, vector<1x16xf32>,
      %broadcast_in_dim3A_98 = arith.constant 0.000000e+00 : f32
      %broadcast_in_dim3A_99 = vector.broadcast %broadcast_in_dim3A_98 : f32 to vector<16xf32>
      %swap3A_100 = arith.index_cast %scan3A_91 : i32 to index
      %swap3A_101 = arith.constant 16 : index
      %swap3A_102 = tpu.vector_load %arg12[%swap3A_100, %swap3A_101] {strides = array<i32>} : memref<158x64xf32, #tpu.memory_space<vmem>>, vector<1x16xf32>,
      %swap3A_103 = vector.shape_cast %swap3A_102 : vector<1x16xf32> to vector<16xf32>
      %swap3A_104 = vector.shape_cast %broadcast_in_dim3A_99 : vector<16xf32> to vector<1x16xf32>
      tpu.vector_store %arg12[%swap3A_100, %swap3A_101], %swap3A_104 {strides = array<i32>} : memref<158x64xf32, #tpu.memory_space<vmem>>, vector<1x16xf32>,
      %broadcast_in_dim3A_105 = arith.constant 0.000000e+00 : f32
      %broadcast_in_dim3A_106 = vector.broadcast %broadcast_in_dim3A_105 : f32 to vector<16xf32>
      %swap3A_107 = arith.index_cast %scan3A_91 : i32 to index
      %swap3A_108 = arith.constant 32 : index
      %swap3A_109 = tpu.vector_load %arg12[%swap3A_107, %swap3A_108] {strides = array<i32>} : memref<158x64xf32, #tpu.memory_space<vmem>>, vector<1x16xf32>,
      %swap3A_110 = vector.shape_cast %swap3A_109 : vector<1x16xf32> to vector<16xf32>
      %swap3A_111 = vector.shape_cast %broadcast_in_dim3A_106 : vector<16xf32> to vector<1x16xf32>
      tpu.vector_store %arg12[%swap3A_107, %swap3A_108], %swap3A_111 {strides = array<i32>} : memref<158x64xf32, #tpu.memory_space<vmem>>, vector<1x16xf32>,
      %broadcast_in_dim3A_112 = arith.constant 0.000000e+00 : f32
      %broadcast_in_dim3A_113 = vector.broadcast %broadcast_in_dim3A_112 : f32 to vector<16xf32>
      %swap3A_114 = arith.index_cast %scan3A_91 : i32 to index
      %swap3A_115 = arith.constant 48 : index
      %swap3A_116 = tpu.vector_load %arg12[%swap3A_114, %swap3A_115] {strides = array<i32>} : memref<158x64xf32, #tpu.memory_space<vmem>>, vector<1x16xf32>,
      %swap3A_117 = vector.shape_cast %swap3A_116 : vector<1x16xf32> to vector<16xf32>
      %swap3A_118 = vector.shape_cast %broadcast_in_dim3A_113 : vector<16xf32> to vector<1x16xf32>
      tpu.vector_store %arg12[%swap3A_114, %swap3A_115], %swap3A_118 {strides = array<i32>} : memref<158x64xf32, #tpu.memory_space<vmem>>, vector<1x16xf32>,
      %scan3A_119 = arith.constant 0 : i32
      scf.yield %scan3A_119 : i32
    }
    %scan3A_5 = arith.constant 158 : i32
    %mul3A = arith.constant 632 : i32
    %mul3A_6 = arith.muli %arg1, %mul3A : i32
    %add3A = arith.constant 0 : i32
    %add3A_7 = arith.addi %mul3A_6, %add3A : i32
    "tpu.region"() ({
      %run_scoped3A = tpu.sem_alloc : memref<!tpu.dma_semaphore, #tpu.memory_space<semaphore_mem>>
      %dma_start3A = arith.constant 0 : i32
      %dma_start3A_91 = tpu.memref_slice %arg13[%add3A_7, %dma_start3A] : memref<10112x64xf32, #tpu.memory_space<vmem_shared>> -> memref<158x64xf32, #tpu.memory_space<vmem_shared>>
      %dma_start3A_92 = arith.constant 0 : i32
      %dma_start3A_93 = tpu.memref_slice %arg13[%add3A_7, %dma_start3A_92] : memref<10112x64xf32, #tpu.memory_space<vmem_shared>> -> memref<158x64xf32, #tpu.memory_space<vmem_shared>>
      tpu.enqueue_dma source(%arg12 : memref<158x64xf32, #tpu.memory_space<vmem>>) target(%dma_start3A_93 : memref<158x64xf32, #tpu.memory_space<vmem_shared>>) target_semaphore(%run_scoped3A : memref<!tpu.dma_semaphore, #tpu.memory_space<semaphore_mem>>)
      %dma_wait3A = arith.constant 0 : i32
      %dma_wait3A_94 = tpu.memref_slice %arg13[%add3A_7, %dma_wait3A] : memref<10112x64xf32, #tpu.memory_space<vmem_shared>> -> memref<158x64xf32, #tpu.memory_space<vmem_shared>>
      %dma_wait3A_95 = arith.constant 0 : i32
      %dma_wait3A_96 = tpu.memref_slice %arg13[%add3A_7, %dma_wait3A_95] : memref<10112x64xf32, #tpu.memory_space<vmem_shared>> -> memref<158x64xf32, #tpu.memory_space<vmem_shared>>
      tpu.wait_dma2 semaphore(%run_scoped3A : memref<!tpu.dma_semaphore, #tpu.memory_space<semaphore_mem>>) src(%arg12 : memref<158x64xf32, #tpu.memory_space<vmem>>) dst(%dma_wait3A_96 : memref<158x64xf32, #tpu.memory_space<vmem_shared>>)
      tpu.yield
    }) : () -> ()
    %mul3A_8 = arith.constant 632 : i32
    %mul3A_9 = arith.muli %arg1, %mul3A_8 : i32
    %add3A_10 = arith.constant 158 : i32
    %add3A_11 = arith.addi %mul3A_9, %add3A_10 : i32
    "tpu.region"() ({
      %run_scoped3A = tpu.sem_alloc : memref<!tpu.dma_semaphore, #tpu.memory_space<semaphore_mem>>
      %dma_start3A = arith.constant 0 : i32
      %dma_start3A_91 = tpu.memref_slice %arg13[%add3A_11, %dma_start3A] : memref<10112x64xf32, #tpu.memory_space<vmem_shared>> -> memref<158x64xf32, #tpu.memory_space<vmem_shared>>
      %dma_start3A_92 = arith.constant 0 : i32
      %dma_start3A_93 = tpu.memref_slice %arg13[%add3A_11, %dma_start3A_92] : memref<10112x64xf32, #tpu.memory_space<vmem_shared>> -> memref<158x64xf32, #tpu.memory_space<vmem_shared>>
      tpu.enqueue_dma source(%arg12 : memref<158x64xf32, #tpu.memory_space<vmem>>) target(%dma_start3A_93 : memref<158x64xf32, #tpu.memory_space<vmem_shared>>) target_semaphore(%run_scoped3A : memref<!tpu.dma_semaphore, #tpu.memory_space<semaphore_mem>>)
      %dma_wait3A = arith.constant 0 : i32
      %dma_wait3A_94 = tpu.memref_slice %arg13[%add3A_11, %dma_wait3A] : memref<10112x64xf32, #tpu.memory_space<vmem_shared>> -> memref<158x64xf32, #tpu.memory_space<vmem_shared>>
      %dma_wait3A_95 = arith.constant 0 : i32
      %dma_wait3A_96 = tpu.memref_slice %arg13[%add3A_11, %dma_wait3A_95] : memref<10112x64xf32, #tpu.memory_space<vmem_shared>> -> memref<158x64xf32, #tpu.memory_space<vmem_shared>>
      tpu.wait_dma2 semaphore(%run_scoped3A : memref<!tpu.dma_semaphore, #tpu.memory_space<semaphore_mem>>) src(%arg12 : memref<158x64xf32, #tpu.memory_space<vmem>>) dst(%dma_wait3A_96 : memref<158x64xf32, #tpu.memory_space<vmem_shared>>)
      tpu.yield
    }) : () -> ()
    %mul3A_12 = arith.constant 632 : i32
    %mul3A_13 = arith.muli %arg1, %mul3A_12 : i32
    %add3A_14 = arith.constant 316 : i32
    %add3A_15 = arith.addi %mul3A_13, %add3A_14 : i32
    "tpu.region"() ({
      %run_scoped3A = tpu.sem_alloc : memref<!tpu.dma_semaphore, #tpu.memory_space<semaphore_mem>>
      %dma_start3A = arith.constant 0 : i32
      %dma_start3A_91 = tpu.memref_slice %arg13[%add3A_15, %dma_start3A] : memref<10112x64xf32, #tpu.memory_space<vmem_shared>> -> memref<158x64xf32, #tpu.memory_space<vmem_shared>>
      %dma_start3A_92 = arith.constant 0 : i32
      %dma_start3A_93 = tpu.memref_slice %arg13[%add3A_15, %dma_start3A_92] : memref<10112x64xf32, #tpu.memory_space<vmem_shared>> -> memref<158x64xf32, #tpu.memory_space<vmem_shared>>
      tpu.enqueue_dma source(%arg12 : memref<158x64xf32, #tpu.memory_space<vmem>>) target(%dma_start3A_93 : memref<158x64xf32, #tpu.memory_space<vmem_shared>>) target_semaphore(%run_scoped3A : memref<!tpu.dma_semaphore, #tpu.memory_space<semaphore_mem>>)
      %dma_wait3A = arith.constant 0 : i32
      %dma_wait3A_94 = tpu.memref_slice %arg13[%add3A_15, %dma_wait3A] : memref<10112x64xf32, #tpu.memory_space<vmem_shared>> -> memref<158x64xf32, #tpu.memory_space<vmem_shared>>
      %dma_wait3A_95 = arith.constant 0 : i32
      %dma_wait3A_96 = tpu.memref_slice %arg13[%add3A_15, %dma_wait3A_95] : memref<10112x64xf32, #tpu.memory_space<vmem_shared>> -> memref<158x64xf32, #tpu.memory_space<vmem_shared>>
      tpu.wait_dma2 semaphore(%run_scoped3A : memref<!tpu.dma_semaphore, #tpu.memory_space<semaphore_mem>>) src(%arg12 : memref<158x64xf32, #tpu.memory_space<vmem>>) dst(%dma_wait3A_96 : memref<158x64xf32, #tpu.memory_space<vmem_shared>>)
      tpu.yield
    }) : () -> ()
    %mul3A_16 = arith.constant 632 : i32
    %mul3A_17 = arith.muli %arg1, %mul3A_16 : i32
    %add3A_18 = arith.constant 474 : i32
    %add3A_19 = arith.addi %mul3A_17, %add3A_18 : i32
    "tpu.region"() ({
      %run_scoped3A = tpu.sem_alloc : memref<!tpu.dma_semaphore, #tpu.memory_space<semaphore_mem>>
      %dma_start3A = arith.constant 0 : i32
      %dma_start3A_91 = tpu.memref_slice %arg13[%add3A_19, %dma_start3A] : memref<10112x64xf32, #tpu.memory_space<vmem_shared>> -> memref<158x64xf32, #tpu.memory_space<vmem_shared>>
      %dma_start3A_92 = arith.constant 0 : i32
      %dma_start3A_93 = tpu.memref_slice %arg13[%add3A_19, %dma_start3A_92] : memref<10112x64xf32, #tpu.memory_space<vmem_shared>> -> memref<158x64xf32, #tpu.memory_space<vmem_shared>>
      tpu.enqueue_dma source(%arg12 : memref<158x64xf32, #tpu.memory_space<vmem>>) target(%dma_start3A_93 : memref<158x64xf32, #tpu.memory_space<vmem_shared>>) target_semaphore(%run_scoped3A : memref<!tpu.dma_semaphore, #tpu.memory_space<semaphore_mem>>)
      %dma_wait3A = arith.constant 0 : i32
      %dma_wait3A_94 = tpu.memref_slice %arg13[%add3A_19, %dma_wait3A] : memref<10112x64xf32, #tpu.memory_space<vmem_shared>> -> memref<158x64xf32, #tpu.memory_space<vmem_shared>>
      %dma_wait3A_95 = arith.constant 0 : i32
      %dma_wait3A_96 = tpu.memref_slice %arg13[%add3A_19, %dma_wait3A_95] : memref<10112x64xf32, #tpu.memory_space<vmem_shared>> -> memref<158x64xf32, #tpu.memory_space<vmem_shared>>
      tpu.wait_dma2 semaphore(%run_scoped3A : memref<!tpu.dma_semaphore, #tpu.memory_space<semaphore_mem>>) src(%arg12 : memref<158x64xf32, #tpu.memory_space<vmem>>) dst(%dma_wait3A_96 : memref<158x64xf32, #tpu.memory_space<vmem_shared>>)
      tpu.yield
    }) : () -> ()
    "tpu.region"() ({
      %run_scoped3A = tpu.sem_alloc : memref<!tpu.dma_semaphore, #tpu.memory_space<semaphore_mem>>
      %dma_start3A = arith.constant 0 : i32
      %dma_start3A_91 = arith.constant 0 : i32
      %dma_start3A_92 = tpu.memref_slice %arg2[%arg1, %dma_start3A, %dma_start3A_91] : memref<16x158x128xi32, #tpu.memory_space<hbm>> -> memref<1x158x128xi32, #tpu.memory_space<hbm>>
      %dma_start3A_93 = tpu.memref_squeeze %dma_start3A_92 : memref<1x158x128xi32, #tpu.memory_space<hbm>> -> memref<158x128xi32, #tpu.memory_space<hbm>>
      %dma_start3A_94 = arith.constant 0 : i32
      %dma_start3A_95 = arith.constant 0 : i32
      %dma_start3A_96 = tpu.memref_slice %arg2[%arg1, %dma_start3A_94, %dma_start3A_95] : memref<16x158x128xi32, #tpu.memory_space<hbm>> -> memref<1x158x128xi32, #tpu.memory_space<hbm>>
      %dma_start3A_97 = tpu.memref_squeeze %dma_start3A_96 : memref<1x158x128xi32, #tpu.memory_space<hbm>> -> memref<158x128xi32, #tpu.memory_space<hbm>>
      tpu.enqueue_dma source(%dma_start3A_97 : memref<158x128xi32, #tpu.memory_space<hbm>>) target(%arg8 : memref<158x128xi32, #tpu.memory_space<vmem>>) target_semaphore(%run_scoped3A : memref<!tpu.dma_semaphore, #tpu.memory_space<semaphore_mem>>)
      %dma_wait3A = arith.constant 0 : i32
      %dma_wait3A_98 = arith.constant 0 : i32
      %dma_wait3A_99 = tpu.memref_slice %arg2[%arg1, %dma_wait3A, %dma_wait3A_98] : memref<16x158x128xi32, #tpu.memory_space<hbm>> -> memref<1x158x128xi32, #tpu.memory_space<hbm>>
      %dma_wait3A_100 = tpu.memref_squeeze %dma_wait3A_99 : memref<1x158x128xi32, #tpu.memory_space<hbm>> -> memref<158x128xi32, #tpu.memory_space<hbm>>
      %dma_wait3A_101 = arith.constant 0 : i32
      %dma_wait3A_102 = arith.constant 0 : i32
      %dma_wait3A_103 = tpu.memref_slice %arg2[%arg1, %dma_wait3A_101, %dma_wait3A_102] : memref<16x158x128xi32, #tpu.memory_space<hbm>> -> memref<1x158x128xi32, #tpu.memory_space<hbm>>
      %dma_wait3A_104 = tpu.memref_squeeze %dma_wait3A_103 : memref<1x158x128xi32, #tpu.memory_space<hbm>> -> memref<158x128xi32, #tpu.memory_space<hbm>>
      tpu.wait_dma2 semaphore(%run_scoped3A : memref<!tpu.dma_semaphore, #tpu.memory_space<semaphore_mem>>) src(%dma_wait3A_104 : memref<158x128xi32, #tpu.memory_space<hbm>>) dst(%arg8 : memref<158x128xi32, #tpu.memory_space<vmem>>)
      tpu.yield
    }) : () -> ()
    "tpu.region"() ({
      %run_scoped3A = tpu.sem_alloc : memref<!tpu.dma_semaphore, #tpu.memory_space<semaphore_mem>>
      %dma_start3A = arith.constant 0 : i32
      %dma_start3A_91 = arith.constant 0 : i32
      %dma_start3A_92 = tpu.memref_slice %arg3[%arg1, %dma_start3A, %dma_start3A_91] : memref<16x158x128xi32, #tpu.memory_space<hbm>> -> memref<1x158x128xi32, #tpu.memory_space<hbm>>
      %dma_start3A_93 = tpu.memref_squeeze %dma_start3A_92 : memref<1x158x128xi32, #tpu.memory_space<hbm>> -> memref<158x128xi32, #tpu.memory_space<hbm>>
      %dma_start3A_94 = arith.constant 0 : i32
      %dma_start3A_95 = arith.constant 0 : i32
      %dma_start3A_96 = tpu.memref_slice %arg3[%arg1, %dma_start3A_94, %dma_start3A_95] : memref<16x158x128xi32, #tpu.memory_space<hbm>> -> memref<1x158x128xi32, #tpu.memory_space<hbm>>
      %dma_start3A_97 = tpu.memref_squeeze %dma_start3A_96 : memref<1x158x128xi32, #tpu.memory_space<hbm>> -> memref<158x128xi32, #tpu.memory_space<hbm>>
      tpu.enqueue_dma source(%dma_start3A_97 : memref<158x128xi32, #tpu.memory_space<hbm>>) target(%arg9 : memref<158x128xi32, #tpu.memory_space<vmem>>) target_semaphore(%run_scoped3A : memref<!tpu.dma_semaphore, #tpu.memory_space<semaphore_mem>>)
      %dma_wait3A = arith.constant 0 : i32
      %dma_wait3A_98 = arith.constant 0 : i32
      %dma_wait3A_99 = tpu.memref_slice %arg3[%arg1, %dma_wait3A, %dma_wait3A_98] : memref<16x158x128xi32, #tpu.memory_space<hbm>> -> memref<1x158x128xi32, #tpu.memory_space<hbm>>
      %dma_wait3A_100 = tpu.memref_squeeze %dma_wait3A_99 : memref<1x158x128xi32, #tpu.memory_space<hbm>> -> memref<158x128xi32, #tpu.memory_space<hbm>>
      %dma_wait3A_101 = arith.constant 0 : i32
      %dma_wait3A_102 = arith.constant 0 : i32
      %dma_wait3A_103 = tpu.memref_slice %arg3[%arg1, %dma_wait3A_101, %dma_wait3A_102] : memref<16x158x128xi32, #tpu.memory_space<hbm>> -> memref<1x158x128xi32, #tpu.memory_space<hbm>>
      %dma_wait3A_104 = tpu.memref_squeeze %dma_wait3A_103 : memref<1x158x128xi32, #tpu.memory_space<hbm>> -> memref<158x128xi32, #tpu.memory_space<hbm>>
      tpu.wait_dma2 semaphore(%run_scoped3A : memref<!tpu.dma_semaphore, #tpu.memory_space<semaphore_mem>>) src(%dma_wait3A_104 : memref<158x128xi32, #tpu.memory_space<hbm>>) dst(%arg9 : memref<158x128xi32, #tpu.memory_space<vmem>>)
      tpu.yield
    }) : () -> ()
    %barrier3A = arith.constant 0 : index
    tpu.barrier barrier_id(%barrier3A)
    %eq3A = arith.constant 0 : i32
    %eq3A_20 = arith.cmpi eq, %arg0, %eq3A : i32
    %convert_element_type3A = arith.extui %eq3A_20 : i1 to i32
    %cond3A = arith.constant 0 : i32
    %cond3A_21 = arith.cmpi ne, %convert_element_type3A, %cond3A : i32
    scf.if %cond3A_21 {
      %dma_start3A = arith.constant 0 : i32
      %dma_start3A_91 = arith.constant 0 : i32
      %dma_start3A_92 = tpu.memref_slice %arg8[%dma_start3A, %dma_start3A_91] : memref<158x128xi32, #tpu.memory_space<vmem>> -> memref<1x128xi32, #tpu.memory_space<vmem>>
      %dma_start3A_93 = tpu.memref_squeeze %dma_start3A_92 : memref<1x128xi32, #tpu.memory_space<vmem>> -> memref<128xi32, #tpu.memory_space<vmem>>
      %dma_start3A_94 = arith.constant 0 : i32
      %dma_start3A_95 = arith.constant 0 : i32
      %dma_start3A_96 = tpu.memref_slice %arg4[%dma_start3A_94, %dma_start3A_95] : memref<10112x64xf32, #tpu.memory_space<hbm>> -> memref<10112x64xf32, #tpu.memory_space<hbm>>
      tpu.enqueue_indirect_dma source(%dma_start3A_96 : memref<10112x64xf32, #tpu.memory_space<hbm>>) target(%arg10 : memref<128x64xf32, #tpu.memory_space<vmem>>) offsets(%dma_start3A_93 : memref<128xi32, #tpu.memory_space<vmem>>) semaphore(%arg14 : memref<!tpu.dma_semaphore, #tpu.memory_space<semaphore_mem>>)
    } else {
    }
    %eq3A_22 = arith.constant 1 : i32
    %eq3A_23 = arith.cmpi eq, %arg0, %eq3A_22 : i32
    %convert_element_type3A_24 = arith.extui %eq3A_23 : i1 to i32
    %cond3A_25 = arith.constant 0 : i32
    %cond3A_26 = arith.cmpi ne, %convert_element_type3A_24, %cond3A_25 : i32
    scf.if %cond3A_26 {
      %dma_start3A = arith.constant 0 : i32
      %dma_start3A_91 = arith.constant 0 : i32
      %dma_start3A_92 = tpu.memref_slice %arg8[%dma_start3A, %dma_start3A_91] : memref<158x128xi32, #tpu.memory_space<vmem>> -> memref<1x128xi32, #tpu.memory_space<vmem>>
      %dma_start3A_93 = tpu.memref_squeeze %dma_start3A_92 : memref<1x128xi32, #tpu.memory_space<vmem>> -> memref<128xi32, #tpu.memory_space<vmem>>
      %dma_start3A_94 = arith.constant 0 : i32
      %dma_start3A_95 = arith.constant 0 : i32
      %dma_start3A_96 = tpu.memref_slice %arg5[%dma_start3A_94, %dma_start3A_95] : memref<10112x64xf32, #tpu.memory_space<hbm>> -> memref<10112x64xf32, #tpu.memory_space<hbm>>
      tpu.enqueue_indirect_dma source(%dma_start3A_96 : memref<10112x64xf32, #tpu.memory_space<hbm>>) target(%arg10 : memref<128x64xf32, #tpu.memory_space<vmem>>) offsets(%dma_start3A_93 : memref<128xi32, #tpu.memory_space<vmem>>) semaphore(%arg14 : memref<!tpu.dma_semaphore, #tpu.memory_space<semaphore_mem>>)
    } else {
    }
    %scan3A_27 = arith.constant 0 : i32
    %scan3A_28 = arith.constant 0 : i32
    %scan3A_29 = arith.constant 79 : i32
    %scan3A_30 = arith.addi %scan3A_28, %scan3A_29 : i32
    %scan3A_31 = arith.constant 1 : i32
    %scan3A_32 = scf.for %scan3A_91 = %scan3A_28 to %scan3A_30 step %scan3A_31 iter_args(%scan3A_92 = %scan3A_27) -> (i32)  : i32 {
      %mul3A_93 = arith.constant 2 : i32
      %mul3A_94 = arith.muli %mul3A_93, %scan3A_91 : i32
      %add3A_95 = arith.constant 1 : i32
      %add3A_96 = arith.addi %mul3A_94, %add3A_95 : i32
      %lt3A = arith.constant 158 : i32
      %lt3A_97 = arith.cmpi slt, %add3A_96, %lt3A : i32
      %convert_element_type3A_98 = arith.extui %lt3A_97 : i1 to i32
      %cond3A_99 = arith.constant 0 : i32
      %cond3A_100 = arith.cmpi ne, %convert_element_type3A_98, %cond3A_99 : i32
      scf.if %cond3A_100 {
        %add3A_124 = arith.constant 1 : i32
        %add3A_125 = arith.addi %mul3A_94, %add3A_124 : i32
        %eq3A_126 = arith.constant 0 : i32
        %eq3A_127 = arith.cmpi eq, %arg0, %eq3A_126 : i32
        %convert_element_type3A_128 = arith.extui %eq3A_127 : i1 to i32
        %cond3A_129 = arith.constant 0 : i32
        %cond3A_130 = arith.cmpi ne, %convert_element_type3A_128, %cond3A_129 : i32
        scf.if %cond3A_130 {
          %dma_start3A = arith.constant 0 : i32
          %dma_start3A_136 = tpu.memref_slice %arg8[%add3A_125, %dma_start3A] : memref<158x128xi32, #tpu.memory_space<vmem>> -> memref<1x128xi32, #tpu.memory_space<vmem>>
          %dma_start3A_137 = tpu.memref_squeeze %dma_start3A_136 : memref<1x128xi32, #tpu.memory_space<vmem>> -> memref<128xi32, #tpu.memory_space<vmem>>
          %dma_start3A_138 = arith.constant 0 : i32
          %dma_start3A_139 = arith.constant 0 : i32
          %dma_start3A_140 = tpu.memref_slice %arg4[%dma_start3A_138, %dma_start3A_139] : memref<10112x64xf32, #tpu.memory_space<hbm>> -> memref<10112x64xf32, #tpu.memory_space<hbm>>
          tpu.enqueue_indirect_dma source(%dma_start3A_140 : memref<10112x64xf32, #tpu.memory_space<hbm>>) target(%arg11 : memref<128x64xf32, #tpu.memory_space<vmem>>) offsets(%dma_start3A_137 : memref<128xi32, #tpu.memory_space<vmem>>) semaphore(%arg15 : memref<!tpu.dma_semaphore, #tpu.memory_space<semaphore_mem>>)
        } else {
        }
        %eq3A_131 = arith.constant 1 : i32
        %eq3A_132 = arith.cmpi eq, %arg0, %eq3A_131 : i32
        %convert_element_type3A_133 = arith.extui %eq3A_132 : i1 to i32
        %cond3A_134 = arith.constant 0 : i32
        %cond3A_135 = arith.cmpi ne, %convert_element_type3A_133, %cond3A_134 : i32
        scf.if %cond3A_135 {
          %dma_start3A = arith.constant 0 : i32
          %dma_start3A_136 = tpu.memref_slice %arg8[%add3A_125, %dma_start3A] : memref<158x128xi32, #tpu.memory_space<vmem>> -> memref<1x128xi32, #tpu.memory_space<vmem>>
          %dma_start3A_137 = tpu.memref_squeeze %dma_start3A_136 : memref<1x128xi32, #tpu.memory_space<vmem>> -> memref<128xi32, #tpu.memory_space<vmem>>
          %dma_start3A_138 = arith.constant 0 : i32
          %dma_start3A_139 = arith.constant 0 : i32
          %dma_start3A_140 = tpu.memref_slice %arg5[%dma_start3A_138, %dma_start3A_139] : memref<10112x64xf32, #tpu.memory_space<hbm>> -> memref<10112x64xf32, #tpu.memory_space<hbm>>
          tpu.enqueue_indirect_dma source(%dma_start3A_140 : memref<10112x64xf32, #tpu.memory_space<hbm>>) target(%arg11 : memref<128x64xf32, #tpu.memory_space<vmem>>) offsets(%dma_start3A_137 : memref<128xi32, #tpu.memory_space<vmem>>) semaphore(%arg15 : memref<!tpu.dma_semaphore, #tpu.memory_space<semaphore_mem>>)
        } else {
        }
      } else {
      }
      %dma_wait3A = arith.constant 0 : i32
      %dma_wait3A_101 = arith.constant 0 : i32
      %dma_wait3A_102 = tpu.memref_slice %arg4[%dma_wait3A, %dma_wait3A_101] : memref<10112x64xf32, #tpu.memory_space<hbm>> -> memref<128x64xf32, #tpu.memory_space<hbm>>
      %dma_wait3A_103 = arith.constant 0 : i32
      %dma_wait3A_104 = arith.constant 0 : i32
      %dma_wait3A_105 = tpu.memref_slice %arg4[%dma_wait3A_103, %dma_wait3A_104] : memref<10112x64xf32, #tpu.memory_space<hbm>> -> memref<128x64xf32, #tpu.memory_space<hbm>>
      tpu.wait_dma2 semaphore(%arg14 : memref<!tpu.dma_semaphore, #tpu.memory_space<semaphore_mem>>) src(%dma_wait3A_105 : memref<128x64xf32, #tpu.memory_space<hbm>>) dst(%arg10 : memref<128x64xf32, #tpu.memory_space<vmem>>)
      "tpu.region"() ({
        %run_scoped3A = tpu.sem_alloc : memref<!tpu.dma_semaphore, #tpu.memory_space<semaphore_mem>>
        %dma_start3A = arith.constant 0 : i32
        %dma_start3A_124 = tpu.memref_slice %arg9[%mul3A_94, %dma_start3A] : memref<158x128xi32, #tpu.memory_space<vmem>> -> memref<1x128xi32, #tpu.memory_space<vmem>>
        %dma_start3A_125 = tpu.memref_squeeze %dma_start3A_124 : memref<1x128xi32, #tpu.memory_space<vmem>> -> memref<128xi32, #tpu.memory_space<vmem>>
        %dma_start3A_126 = arith.constant 0 : i32
        %dma_start3A_127 = arith.constant 0 : i32
        %dma_start3A_128 = tpu.memref_slice %arg13[%dma_start3A_126, %dma_start3A_127] : memref<10112x64xf32, #tpu.memory_space<vmem_shared>> -> memref<10112x64xf32, #tpu.memory_space<vmem_shared>>
        tpu.enqueue_indirect_dma source(%arg10 : memref<128x64xf32, #tpu.memory_space<vmem>>) target(%dma_start3A_128 : memref<10112x64xf32, #tpu.memory_space<vmem_shared>>) offsets(%dma_start3A_125 : memref<128xi32, #tpu.memory_space<vmem>>) semaphore(%run_scoped3A : memref<!tpu.dma_semaphore, #tpu.memory_space<semaphore_mem>>) {add = true}
        %dma_wait3A_129 = arith.constant 0 : i32
        %dma_wait3A_130 = tpu.memref_slice %arg9[%mul3A_94, %dma_wait3A_129] : memref<158x128xi32, #tpu.memory_space<vmem>> -> memref<1x128xi32, #tpu.memory_space<vmem>>
        %dma_wait3A_131 = tpu.memref_squeeze %dma_wait3A_130 : memref<1x128xi32, #tpu.memory_space<vmem>> -> memref<128xi32, #tpu.memory_space<vmem>>
        %dma_wait3A_132 = arith.constant 0 : i32
        %dma_wait3A_133 = arith.constant 0 : i32
        %dma_wait3A_134 = tpu.memref_slice %arg13[%dma_wait3A_132, %dma_wait3A_133] : memref<10112x64xf32, #tpu.memory_space<vmem_shared>> -> memref<10112x64xf32, #tpu.memory_space<vmem_shared>>
        tpu.wait_indirect_dma semaphore(%run_scoped3A : memref<!tpu.dma_semaphore, #tpu.memory_space<semaphore_mem>>) src(%arg10 : memref<128x64xf32, #tpu.memory_space<vmem>>) dst(%dma_wait3A_134 : memref<10112x64xf32, #tpu.memory_space<vmem_shared>>)
        tpu.yield
      }) : () -> ()
      %mul3A_106 = arith.constant 2 : i32
      %mul3A_107 = arith.muli %mul3A_106, %scan3A_91 : i32
      %add3A_108 = arith.constant 1 : i32
      %add3A_109 = arith.addi %mul3A_107, %add3A_108 : i32
      %add3A_110 = arith.constant 1 : i32
      %add3A_111 = arith.addi %add3A_109, %add3A_110 : i32
      %lt3A_112 = arith.constant 158 : i32
      %lt3A_113 = arith.cmpi slt, %add3A_111, %lt3A_112 : i32
      %convert_element_type3A_114 = arith.extui %lt3A_113 : i1 to i32
      %cond3A_115 = arith.constant 0 : i32
      %cond3A_116 = arith.cmpi ne, %convert_element_type3A_114, %cond3A_115 : i32
      scf.if %cond3A_116 {
        %add3A_124 = arith.constant 1 : i32
        %add3A_125 = arith.addi %add3A_109, %add3A_124 : i32
        %eq3A_126 = arith.constant 0 : i32
        %eq3A_127 = arith.cmpi eq, %arg0, %eq3A_126 : i32
        %convert_element_type3A_128 = arith.extui %eq3A_127 : i1 to i32
        %cond3A_129 = arith.constant 0 : i32
        %cond3A_130 = arith.cmpi ne, %convert_element_type3A_128, %cond3A_129 : i32
        scf.if %cond3A_130 {
          %dma_start3A = arith.constant 0 : i32
          %dma_start3A_136 = tpu.memref_slice %arg8[%add3A_125, %dma_start3A] : memref<158x128xi32, #tpu.memory_space<vmem>> -> memref<1x128xi32, #tpu.memory_space<vmem>>
          %dma_start3A_137 = tpu.memref_squeeze %dma_start3A_136 : memref<1x128xi32, #tpu.memory_space<vmem>> -> memref<128xi32, #tpu.memory_space<vmem>>
          %dma_start3A_138 = arith.constant 0 : i32
          %dma_start3A_139 = arith.constant 0 : i32
          %dma_start3A_140 = tpu.memref_slice %arg4[%dma_start3A_138, %dma_start3A_139] : memref<10112x64xf32, #tpu.memory_space<hbm>> -> memref<10112x64xf32, #tpu.memory_space<hbm>>
          tpu.enqueue_indirect_dma source(%dma_start3A_140 : memref<10112x64xf32, #tpu.memory_space<hbm>>) target(%arg10 : memref<128x64xf32, #tpu.memory_space<vmem>>) offsets(%dma_start3A_137 : memref<128xi32, #tpu.memory_space<vmem>>) semaphore(%arg14 : memref<!tpu.dma_semaphore, #tpu.memory_space<semaphore_mem>>)
        } else {
        }
        %eq3A_131 = arith.constant 1 : i32
        %eq3A_132 = arith.cmpi eq, %arg0, %eq3A_131 : i32
        %convert_element_type3A_133 = arith.extui %eq3A_132 : i1 to i32
        %cond3A_134 = arith.constant 0 : i32
        %cond3A_135 = arith.cmpi ne, %convert_element_type3A_133, %cond3A_134 : i32
        scf.if %cond3A_135 {
          %dma_start3A = arith.constant 0 : i32
          %dma_start3A_136 = tpu.memref_slice %arg8[%add3A_125, %dma_start3A] : memref<158x128xi32, #tpu.memory_space<vmem>> -> memref<1x128xi32, #tpu.memory_space<vmem>>
          %dma_start3A_137 = tpu.memref_squeeze %dma_start3A_136 : memref<1x128xi32, #tpu.memory_space<vmem>> -> memref<128xi32, #tpu.memory_space<vmem>>
          %dma_start3A_138 = arith.constant 0 : i32
          %dma_start3A_139 = arith.constant 0 : i32
          %dma_start3A_140 = tpu.memref_slice %arg5[%dma_start3A_138, %dma_start3A_139] : memref<10112x64xf32, #tpu.memory_space<hbm>> -> memref<10112x64xf32, #tpu.memory_space<hbm>>
          tpu.enqueue_indirect_dma source(%dma_start3A_140 : memref<10112x64xf32, #tpu.memory_space<hbm>>) target(%arg10 : memref<128x64xf32, #tpu.memory_space<vmem>>) offsets(%dma_start3A_137 : memref<128xi32, #tpu.memory_space<vmem>>) semaphore(%arg14 : memref<!tpu.dma_semaphore, #tpu.memory_space<semaphore_mem>>)
        } else {
        }
      } else {
      }
      %dma_wait3A_117 = arith.constant 0 : i32
      %dma_wait3A_118 = arith.constant 0 : i32
      %dma_wait3A_119 = tpu.memref_slice %arg4[%dma_wait3A_117, %dma_wait3A_118] : memref<10112x64xf32, #tpu.memory_space<hbm>> -> memref<128x64xf32, #tpu.memory_space<hbm>>
      %dma_wait3A_120 = arith.constant 0 : i32
      %dma_wait3A_121 = arith.constant 0 : i32
      %dma_wait3A_122 = tpu.memref_slice %arg4[%dma_wait3A_120, %dma_wait3A_121] : memref<10112x64xf32, #tpu.memory_space<hbm>> -> memref<128x64xf32, #tpu.memory_space<hbm>>
      tpu.wait_dma2 semaphore(%arg15 : memref<!tpu.dma_semaphore, #tpu.memory_space<semaphore_mem>>) src(%dma_wait3A_122 : memref<128x64xf32, #tpu.memory_space<hbm>>) dst(%arg10 : memref<128x64xf32, #tpu.memory_space<vmem>>)
      "tpu.region"() ({
        %run_scoped3A = tpu.sem_alloc : memref<!tpu.dma_semaphore, #tpu.memory_space<semaphore_mem>>
        %dma_start3A = arith.constant 0 : i32
        %dma_start3A_124 = tpu.memref_slice %arg9[%add3A_109, %dma_start3A] : memref<158x128xi32, #tpu.memory_space<vmem>> -> memref<1x128xi32, #tpu.memory_space<vmem>>
        %dma_start3A_125 = tpu.memref_squeeze %dma_start3A_124 : memref<1x128xi32, #tpu.memory_space<vmem>> -> memref<128xi32, #tpu.memory_space<vmem>>
        %dma_start3A_126 = arith.constant 0 : i32
        %dma_start3A_127 = arith.constant 0 : i32
        %dma_start3A_128 = tpu.memref_slice %arg13[%dma_start3A_126, %dma_start3A_127] : memref<10112x64xf32, #tpu.memory_space<vmem_shared>> -> memref<10112x64xf32, #tpu.memory_space<vmem_shared>>
        tpu.enqueue_indirect_dma source(%arg11 : memref<128x64xf32, #tpu.memory_space<vmem>>) target(%dma_start3A_128 : memref<10112x64xf32, #tpu.memory_space<vmem_shared>>) offsets(%dma_start3A_125 : memref<128xi32, #tpu.memory_space<vmem>>) semaphore(%run_scoped3A : memref<!tpu.dma_semaphore, #tpu.memory_space<semaphore_mem>>) {add = true}
        %dma_wait3A_129 = arith.constant 0 : i32
        %dma_wait3A_130 = tpu.memref_slice %arg9[%add3A_109, %dma_wait3A_129] : memref<158x128xi32, #tpu.memory_space<vmem>> -> memref<1x128xi32, #tpu.memory_space<vmem>>
        %dma_wait3A_131 = tpu.memref_squeeze %dma_wait3A_130 : memref<1x128xi32, #tpu.memory_space<vmem>> -> memref<128xi32, #tpu.memory_space<vmem>>
        %dma_wait3A_132 = arith.constant 0 : i32
        %dma_wait3A_133 = arith.constant 0 : i32
        %dma_wait3A_134 = tpu.memref_slice %arg13[%dma_wait3A_132, %dma_wait3A_133] : memref<10112x64xf32, #tpu.memory_space<vmem_shared>> -> memref<10112x64xf32, #tpu.memory_space<vmem_shared>>
        tpu.wait_indirect_dma semaphore(%run_scoped3A : memref<!tpu.dma_semaphore, #tpu.memory_space<semaphore_mem>>) src(%arg11 : memref<128x64xf32, #tpu.memory_space<vmem>>) dst(%dma_wait3A_134 : memref<10112x64xf32, #tpu.memory_space<vmem_shared>>)
        tpu.yield
      }) : () -> ()
      %scan3A_123 = arith.constant 0 : i32
      scf.yield %scan3A_123 : i32
    }
    %scan3A_33 = arith.constant 79 : i32
    %barrier3A_34 = arith.constant 0 : index
    tpu.barrier barrier_id(%barrier3A_34)
    %mul3A_35 = arith.constant 632 : i32
    %mul3A_36 = arith.muli %arg1, %mul3A_35 : i32
    %add3A_37 = arith.constant 0 : i32
    %add3A_38 = arith.addi %mul3A_36, %add3A_37 : i32
    "tpu.region"() ({
      %run_scoped3A = tpu.sem_alloc : memref<!tpu.dma_semaphore, #tpu.memory_space<semaphore_mem>>
      %dma_start3A = arith.constant 0 : i32
      %dma_start3A_91 = tpu.memref_slice %arg13[%add3A_38, %dma_start3A] : memref<10112x64xf32, #tpu.memory_space<vmem_shared>> -> memref<158x64xf32, #tpu.memory_space<vmem_shared>>
      %dma_start3A_92 = arith.constant 0 : i32
      %dma_start3A_93 = tpu.memref_slice %arg13[%add3A_38, %dma_start3A_92] : memref<10112x64xf32, #tpu.memory_space<vmem_shared>> -> memref<158x64xf32, #tpu.memory_space<vmem_shared>>
      tpu.enqueue_dma source(%dma_start3A_93 : memref<158x64xf32, #tpu.memory_space<vmem_shared>>) target(%arg12 : memref<158x64xf32, #tpu.memory_space<vmem>>) target_semaphore(%run_scoped3A : memref<!tpu.dma_semaphore, #tpu.memory_space<semaphore_mem>>)
      %dma_wait3A = arith.constant 0 : i32
      %dma_wait3A_94 = tpu.memref_slice %arg13[%add3A_38, %dma_wait3A] : memref<10112x64xf32, #tpu.memory_space<vmem_shared>> -> memref<158x64xf32, #tpu.memory_space<vmem_shared>>
      %dma_wait3A_95 = arith.constant 0 : i32
      %dma_wait3A_96 = tpu.memref_slice %arg13[%add3A_38, %dma_wait3A_95] : memref<10112x64xf32, #tpu.memory_space<vmem_shared>> -> memref<158x64xf32, #tpu.memory_space<vmem_shared>>
      tpu.wait_dma2 semaphore(%run_scoped3A : memref<!tpu.dma_semaphore, #tpu.memory_space<semaphore_mem>>) src(%dma_wait3A_96 : memref<158x64xf32, #tpu.memory_space<vmem_shared>>) dst(%arg12 : memref<158x64xf32, #tpu.memory_space<vmem>>)
      tpu.yield
    }) : () -> ()
    %eq3A_39 = arith.constant 0 : i32
    %eq3A_40 = arith.cmpi eq, %arg0, %eq3A_39 : i32
    %convert_element_type3A_41 = arith.extui %eq3A_40 : i1 to i32
    %cond3A_42 = arith.constant 0 : i32
    %cond3A_43 = arith.cmpi ne, %convert_element_type3A_41, %cond3A_42 : i32
    scf.if %cond3A_43 {
      %mul3A_91 = arith.constant 632 : i32
      %mul3A_92 = arith.muli %arg1, %mul3A_91 : i32
      %add3A_93 = arith.constant 0 : i32
      %add3A_94 = arith.addi %mul3A_92, %add3A_93 : i32
      "tpu.region"() ({
        %run_scoped3A = tpu.sem_alloc : memref<!tpu.dma_semaphore, #tpu.memory_space<semaphore_mem>>
        %dma_start3A = arith.constant 0 : i32
        %dma_start3A_95 = tpu.memref_slice %arg6[%add3A_94, %dma_start3A] : memref<10112x64xf32, #tpu.memory_space<hbm>> -> memref<158x64xf32, #tpu.memory_space<hbm>>
        %dma_start3A_96 = arith.constant 0 : i32
        %dma_start3A_97 = tpu.memref_slice %arg6[%add3A_94, %dma_start3A_96] : memref<10112x64xf32, #tpu.memory_space<hbm>> -> memref<158x64xf32, #tpu.memory_space<hbm>>
        tpu.enqueue_dma source(%arg12 : memref<158x64xf32, #tpu.memory_space<vmem>>) target(%dma_start3A_97 : memref<158x64xf32, #tpu.memory_space<hbm>>) target_semaphore(%run_scoped3A : memref<!tpu.dma_semaphore, #tpu.memory_space<semaphore_mem>>)
        %dma_wait3A = arith.constant 0 : i32
        %dma_wait3A_98 = tpu.memref_slice %arg6[%add3A_94, %dma_wait3A] : memref<10112x64xf32, #tpu.memory_space<hbm>> -> memref<158x64xf32, #tpu.memory_space<hbm>>
        %dma_wait3A_99 = arith.constant 0 : i32
        %dma_wait3A_100 = tpu.memref_slice %arg6[%add3A_94, %dma_wait3A_99] : memref<10112x64xf32, #tpu.memory_space<hbm>> -> memref<158x64xf32, #tpu.memory_space<hbm>>
        tpu.wait_dma2 semaphore(%run_scoped3A : memref<!tpu.dma_semaphore, #tpu.memory_space<semaphore_mem>>) src(%arg12 : memref<158x64xf32, #tpu.memory_space<vmem>>) dst(%dma_wait3A_100 : memref<158x64xf32, #tpu.memory_space<hbm>>)
        tpu.yield
      }) : () -> ()
    } else {
    }
    %eq3A_44 = arith.constant 1 : i32
    %eq3A_45 = arith.cmpi eq, %arg0, %eq3A_44 : i32
    %convert_element_type3A_46 = arith.extui %eq3A_45 : i1 to i32
    %cond3A_47 = arith.constant 0 : i32
    %cond3A_48 = arith.cmpi ne, %convert_element_type3A_46, %cond3A_47 : i32
    scf.if %cond3A_48 {
      %mul3A_91 = arith.constant 632 : i32
      %mul3A_92 = arith.muli %arg1, %mul3A_91 : i32
      %add3A_93 = arith.constant 0 : i32
      %add3A_94 = arith.addi %mul3A_92, %add3A_93 : i32
      "tpu.region"() ({
        %run_scoped3A = tpu.sem_alloc : memref<!tpu.dma_semaphore, #tpu.memory_space<semaphore_mem>>
        %dma_start3A = arith.constant 0 : i32
        %dma_start3A_95 = tpu.memref_slice %arg7[%add3A_94, %dma_start3A] : memref<10112x64xf32, #tpu.memory_space<hbm>> -> memref<158x64xf32, #tpu.memory_space<hbm>>
        %dma_start3A_96 = arith.constant 0 : i32
        %dma_start3A_97 = tpu.memref_slice %arg7[%add3A_94, %dma_start3A_96] : memref<10112x64xf32, #tpu.memory_space<hbm>> -> memref<158x64xf32, #tpu.memory_space<hbm>>
        tpu.enqueue_dma source(%arg12 : memref<158x64xf32, #tpu.memory_space<vmem>>) target(%dma_start3A_97 : memref<158x64xf32, #tpu.memory_space<hbm>>) target_semaphore(%run_scoped3A : memref<!tpu.dma_semaphore, #tpu.memory_space<semaphore_mem>>)
        %dma_wait3A = arith.constant 0 : i32
        %dma_wait3A_98 = tpu.memref_slice %arg7[%add3A_94, %dma_wait3A] : memref<10112x64xf32, #tpu.memory_space<hbm>> -> memref<158x64xf32, #tpu.memory_space<hbm>>
        %dma_wait3A_99 = arith.constant 0 : i32
        %dma_wait3A_100 = tpu.memref_slice %arg7[%add3A_94, %dma_wait3A_99] : memref<10112x64xf32, #tpu.memory_space<hbm>> -> memref<158x64xf32, #tpu.memory_space<hbm>>
        tpu.wait_dma2 semaphore(%run_scoped3A : memref<!tpu.dma_semaphore, #tpu.memory_space<semaphore_mem>>) src(%arg12 : memref<158x64xf32, #tpu.memory_space<vmem>>) dst(%dma_wait3A_100 : memref<158x64xf32, #tpu.memory_space<hbm>>)
        tpu.yield
      }) : () -> ()
    } else {
    }
    %mul3A_49 = arith.constant 632 : i32
    %mul3A_50 = arith.muli %arg1, %mul3A_49 : i32
    %add3A_51 = arith.constant 158 : i32
    %add3A_52 = arith.addi %mul3A_50, %add3A_51 : i32
    "tpu.region"() ({
      %run_scoped3A = tpu.sem_alloc : memref<!tpu.dma_semaphore, #tpu.memory_space<semaphore_mem>>
      %dma_start3A = arith.constant 0 : i32
      %dma_start3A_91 = tpu.memref_slice %arg13[%add3A_52, %dma_start3A] : memref<10112x64xf32, #tpu.memory_space<vmem_shared>> -> memref<158x64xf32, #tpu.memory_space<vmem_shared>>
      %dma_start3A_92 = arith.constant 0 : i32
      %dma_start3A_93 = tpu.memref_slice %arg13[%add3A_52, %dma_start3A_92] : memref<10112x64xf32, #tpu.memory_space<vmem_shared>> -> memref<158x64xf32, #tpu.memory_space<vmem_shared>>
      tpu.enqueue_dma source(%dma_start3A_93 : memref<158x64xf32, #tpu.memory_space<vmem_shared>>) target(%arg12 : memref<158x64xf32, #tpu.memory_space<vmem>>) target_semaphore(%run_scoped3A : memref<!tpu.dma_semaphore, #tpu.memory_space<semaphore_mem>>)
      %dma_wait3A = arith.constant 0 : i32
      %dma_wait3A_94 = tpu.memref_slice %arg13[%add3A_52, %dma_wait3A] : memref<10112x64xf32, #tpu.memory_space<vmem_shared>> -> memref<158x64xf32, #tpu.memory_space<vmem_shared>>
      %dma_wait3A_95 = arith.constant 0 : i32
      %dma_wait3A_96 = tpu.memref_slice %arg13[%add3A_52, %dma_wait3A_95] : memref<10112x64xf32, #tpu.memory_space<vmem_shared>> -> memref<158x64xf32, #tpu.memory_space<vmem_shared>>
      tpu.wait_dma2 semaphore(%run_scoped3A : memref<!tpu.dma_semaphore, #tpu.memory_space<semaphore_mem>>) src(%dma_wait3A_96 : memref<158x64xf32, #tpu.memory_space<vmem_shared>>) dst(%arg12 : memref<158x64xf32, #tpu.memory_space<vmem>>)
      tpu.yield
    }) : () -> ()
    %eq3A_53 = arith.constant 0 : i32
    %eq3A_54 = arith.cmpi eq, %arg0, %eq3A_53 : i32
    %convert_element_type3A_55 = arith.extui %eq3A_54 : i1 to i32
    %cond3A_56 = arith.constant 0 : i32
    %cond3A_57 = arith.cmpi ne, %convert_element_type3A_55, %cond3A_56 : i32
    scf.if %cond3A_57 {
      %mul3A_91 = arith.constant 632 : i32
      %mul3A_92 = arith.muli %arg1, %mul3A_91 : i32
      %add3A_93 = arith.constant 158 : i32
      %add3A_94 = arith.addi %mul3A_92, %add3A_93 : i32
      "tpu.region"() ({
        %run_scoped3A = tpu.sem_alloc : memref<!tpu.dma_semaphore, #tpu.memory_space<semaphore_mem>>
        %dma_start3A = arith.constant 0 : i32
        %dma_start3A_95 = tpu.memref_slice %arg6[%add3A_94, %dma_start3A] : memref<10112x64xf32, #tpu.memory_space<hbm>> -> memref<158x64xf32, #tpu.memory_space<hbm>>
        %dma_start3A_96 = arith.constant 0 : i32
        %dma_start3A_97 = tpu.memref_slice %arg6[%add3A_94, %dma_start3A_96] : memref<10112x64xf32, #tpu.memory_space<hbm>> -> memref<158x64xf32, #tpu.memory_space<hbm>>
        tpu.enqueue_dma source(%arg12 : memref<158x64xf32, #tpu.memory_space<vmem>>) target(%dma_start3A_97 : memref<158x64xf32, #tpu.memory_space<hbm>>) target_semaphore(%run_scoped3A : memref<!tpu.dma_semaphore, #tpu.memory_space<semaphore_mem>>)
        %dma_wait3A = arith.constant 0 : i32
        %dma_wait3A_98 = tpu.memref_slice %arg6[%add3A_94, %dma_wait3A] : memref<10112x64xf32, #tpu.memory_space<hbm>> -> memref<158x64xf32, #tpu.memory_space<hbm>>
        %dma_wait3A_99 = arith.constant 0 : i32
        %dma_wait3A_100 = tpu.memref_slice %arg6[%add3A_94, %dma_wait3A_99] : memref<10112x64xf32, #tpu.memory_space<hbm>> -> memref<158x64xf32, #tpu.memory_space<hbm>>
        tpu.wait_dma2 semaphore(%run_scoped3A : memref<!tpu.dma_semaphore, #tpu.memory_space<semaphore_mem>>) src(%arg12 : memref<158x64xf32, #tpu.memory_space<vmem>>) dst(%dma_wait3A_100 : memref<158x64xf32, #tpu.memory_space<hbm>>)
        tpu.yield
      }) : () -> ()
    } else {
    }
    %eq3A_58 = arith.constant 1 : i32
    %eq3A_59 = arith.cmpi eq, %arg0, %eq3A_58 : i32
    %convert_element_type3A_60 = arith.extui %eq3A_59 : i1 to i32
    %cond3A_61 = arith.constant 0 : i32
    %cond3A_62 = arith.cmpi ne, %convert_element_type3A_60, %cond3A_61 : i32
    scf.if %cond3A_62 {
      %mul3A_91 = arith.constant 632 : i32
      %mul3A_92 = arith.muli %arg1, %mul3A_91 : i32
      %add3A_93 = arith.constant 158 : i32
      %add3A_94 = arith.addi %mul3A_92, %add3A_93 : i32
      "tpu.region"() ({
        %run_scoped3A = tpu.sem_alloc : memref<!tpu.dma_semaphore, #tpu.memory_space<semaphore_mem>>
        %dma_start3A = arith.constant 0 : i32
        %dma_start3A_95 = tpu.memref_slice %arg7[%add3A_94, %dma_start3A] : memref<10112x64xf32, #tpu.memory_space<hbm>> -> memref<158x64xf32, #tpu.memory_space<hbm>>
        %dma_start3A_96 = arith.constant 0 : i32
        %dma_start3A_97 = tpu.memref_slice %arg7[%add3A_94, %dma_start3A_96] : memref<10112x64xf32, #tpu.memory_space<hbm>> -> memref<158x64xf32, #tpu.memory_space<hbm>>
        tpu.enqueue_dma source(%arg12 : memref<158x64xf32, #tpu.memory_space<vmem>>) target(%dma_start3A_97 : memref<158x64xf32, #tpu.memory_space<hbm>>) target_semaphore(%run_scoped3A : memref<!tpu.dma_semaphore, #tpu.memory_space<semaphore_mem>>)
        %dma_wait3A = arith.constant 0 : i32
        %dma_wait3A_98 = tpu.memref_slice %arg7[%add3A_94, %dma_wait3A] : memref<10112x64xf32, #tpu.memory_space<hbm>> -> memref<158x64xf32, #tpu.memory_space<hbm>>
        %dma_wait3A_99 = arith.constant 0 : i32
        %dma_wait3A_100 = tpu.memref_slice %arg7[%add3A_94, %dma_wait3A_99] : memref<10112x64xf32, #tpu.memory_space<hbm>> -> memref<158x64xf32, #tpu.memory_space<hbm>>
        tpu.wait_dma2 semaphore(%run_scoped3A : memref<!tpu.dma_semaphore, #tpu.memory_space<semaphore_mem>>) src(%arg12 : memref<158x64xf32, #tpu.memory_space<vmem>>) dst(%dma_wait3A_100 : memref<158x64xf32, #tpu.memory_space<hbm>>)
        tpu.yield
      }) : () -> ()
    } else {
    }
    %mul3A_63 = arith.constant 632 : i32
    %mul3A_64 = arith.muli %arg1, %mul3A_63 : i32
    %add3A_65 = arith.constant 316 : i32
    %add3A_66 = arith.addi %mul3A_64, %add3A_65 : i32
    "tpu.region"() ({
      %run_scoped3A = tpu.sem_alloc : memref<!tpu.dma_semaphore, #tpu.memory_space<semaphore_mem>>
      %dma_start3A = arith.constant 0 : i32
      %dma_start3A_91 = tpu.memref_slice %arg13[%add3A_66, %dma_start3A] : memref<10112x64xf32, #tpu.memory_space<vmem_shared>> -> memref<158x64xf32, #tpu.memory_space<vmem_shared>>
      %dma_start3A_92 = arith.constant 0 : i32
      %dma_start3A_93 = tpu.memref_slice %arg13[%add3A_66, %dma_start3A_92] : memref<10112x64xf32, #tpu.memory_space<vmem_shared>> -> memref<158x64xf32, #tpu.memory_space<vmem_shared>>
      tpu.enqueue_dma source(%dma_start3A_93 : memref<158x64xf32, #tpu.memory_space<vmem_shared>>) target(%arg12 : memref<158x64xf32, #tpu.memory_space<vmem>>) target_semaphore(%run_scoped3A : memref<!tpu.dma_semaphore, #tpu.memory_space<semaphore_mem>>)
      %dma_wait3A = arith.constant 0 : i32
      %dma_wait3A_94 = tpu.memref_slice %arg13[%add3A_66, %dma_wait3A] : memref<10112x64xf32, #tpu.memory_space<vmem_shared>> -> memref<158x64xf32, #tpu.memory_space<vmem_shared>>
      %dma_wait3A_95 = arith.constant 0 : i32
      %dma_wait3A_96 = tpu.memref_slice %arg13[%add3A_66, %dma_wait3A_95] : memref<10112x64xf32, #tpu.memory_space<vmem_shared>> -> memref<158x64xf32, #tpu.memory_space<vmem_shared>>
      tpu.wait_dma2 semaphore(%run_scoped3A : memref<!tpu.dma_semaphore, #tpu.memory_space<semaphore_mem>>) src(%dma_wait3A_96 : memref<158x64xf32, #tpu.memory_space<vmem_shared>>) dst(%arg12 : memref<158x64xf32, #tpu.memory_space<vmem>>)
      tpu.yield
    }) : () -> ()
    %eq3A_67 = arith.constant 0 : i32
    %eq3A_68 = arith.cmpi eq, %arg0, %eq3A_67 : i32
    %convert_element_type3A_69 = arith.extui %eq3A_68 : i1 to i32
    %cond3A_70 = arith.constant 0 : i32
    %cond3A_71 = arith.cmpi ne, %convert_element_type3A_69, %cond3A_70 : i32
    scf.if %cond3A_71 {
      %mul3A_91 = arith.constant 632 : i32
      %mul3A_92 = arith.muli %arg1, %mul3A_91 : i32
      %add3A_93 = arith.constant 316 : i32
      %add3A_94 = arith.addi %mul3A_92, %add3A_93 : i32
      "tpu.region"() ({
        %run_scoped3A = tpu.sem_alloc : memref<!tpu.dma_semaphore, #tpu.memory_space<semaphore_mem>>
        %dma_start3A = arith.constant 0 : i32
        %dma_start3A_95 = tpu.memref_slice %arg6[%add3A_94, %dma_start3A] : memref<10112x64xf32, #tpu.memory_space<hbm>> -> memref<158x64xf32, #tpu.memory_space<hbm>>
        %dma_start3A_96 = arith.constant 0 : i32
        %dma_start3A_97 = tpu.memref_slice %arg6[%add3A_94, %dma_start3A_96] : memref<10112x64xf32, #tpu.memory_space<hbm>> -> memref<158x64xf32, #tpu.memory_space<hbm>>
        tpu.enqueue_dma source(%arg12 : memref<158x64xf32, #tpu.memory_space<vmem>>) target(%dma_start3A_97 : memref<158x64xf32, #tpu.memory_space<hbm>>) target_semaphore(%run_scoped3A : memref<!tpu.dma_semaphore, #tpu.memory_space<semaphore_mem>>)
        %dma_wait3A = arith.constant 0 : i32
        %dma_wait3A_98 = tpu.memref_slice %arg6[%add3A_94, %dma_wait3A] : memref<10112x64xf32, #tpu.memory_space<hbm>> -> memref<158x64xf32, #tpu.memory_space<hbm>>
        %dma_wait3A_99 = arith.constant 0 : i32
        %dma_wait3A_100 = tpu.memref_slice %arg6[%add3A_94, %dma_wait3A_99] : memref<10112x64xf32, #tpu.memory_space<hbm>> -> memref<158x64xf32, #tpu.memory_space<hbm>>
        tpu.wait_dma2 semaphore(%run_scoped3A : memref<!tpu.dma_semaphore, #tpu.memory_space<semaphore_mem>>) src(%arg12 : memref<158x64xf32, #tpu.memory_space<vmem>>) dst(%dma_wait3A_100 : memref<158x64xf32, #tpu.memory_space<hbm>>)
        tpu.yield
      }) : () -> ()
    } else {
    }
    %eq3A_72 = arith.constant 1 : i32
    %eq3A_73 = arith.cmpi eq, %arg0, %eq3A_72 : i32
    %convert_element_type3A_74 = arith.extui %eq3A_73 : i1 to i32
    %cond3A_75 = arith.constant 0 : i32
    %cond3A_76 = arith.cmpi ne, %convert_element_type3A_74, %cond3A_75 : i32
    scf.if %cond3A_76 {
      %mul3A_91 = arith.constant 632 : i32
      %mul3A_92 = arith.muli %arg1, %mul3A_91 : i32
      %add3A_93 = arith.constant 316 : i32
      %add3A_94 = arith.addi %mul3A_92, %add3A_93 : i32
      "tpu.region"() ({
        %run_scoped3A = tpu.sem_alloc : memref<!tpu.dma_semaphore, #tpu.memory_space<semaphore_mem>>
        %dma_start3A = arith.constant 0 : i32
        %dma_start3A_95 = tpu.memref_slice %arg7[%add3A_94, %dma_start3A] : memref<10112x64xf32, #tpu.memory_space<hbm>> -> memref<158x64xf32, #tpu.memory_space<hbm>>
        %dma_start3A_96 = arith.constant 0 : i32
        %dma_start3A_97 = tpu.memref_slice %arg7[%add3A_94, %dma_start3A_96] : memref<10112x64xf32, #tpu.memory_space<hbm>> -> memref<158x64xf32, #tpu.memory_space<hbm>>
        tpu.enqueue_dma source(%arg12 : memref<158x64xf32, #tpu.memory_space<vmem>>) target(%dma_start3A_97 : memref<158x64xf32, #tpu.memory_space<hbm>>) target_semaphore(%run_scoped3A : memref<!tpu.dma_semaphore, #tpu.memory_space<semaphore_mem>>)
        %dma_wait3A = arith.constant 0 : i32
        %dma_wait3A_98 = tpu.memref_slice %arg7[%add3A_94, %dma_wait3A] : memref<10112x64xf32, #tpu.memory_space<hbm>> -> memref<158x64xf32, #tpu.memory_space<hbm>>
        %dma_wait3A_99 = arith.constant 0 : i32
        %dma_wait3A_100 = tpu.memref_slice %arg7[%add3A_94, %dma_wait3A_99] : memref<10112x64xf32, #tpu.memory_space<hbm>> -> memref<158x64xf32, #tpu.memory_space<hbm>>
        tpu.wait_dma2 semaphore(%run_scoped3A : memref<!tpu.dma_semaphore, #tpu.memory_space<semaphore_mem>>) src(%arg12 : memref<158x64xf32, #tpu.memory_space<vmem>>) dst(%dma_wait3A_100 : memref<158x64xf32, #tpu.memory_space<hbm>>)
        tpu.yield
      }) : () -> ()
    } else {
    }
    %mul3A_77 = arith.constant 632 : i32
    %mul3A_78 = arith.muli %arg1, %mul3A_77 : i32
    %add3A_79 = arith.constant 474 : i32
    %add3A_80 = arith.addi %mul3A_78, %add3A_79 : i32
    "tpu.region"() ({
      %run_scoped3A = tpu.sem_alloc : memref<!tpu.dma_semaphore, #tpu.memory_space<semaphore_mem>>
      %dma_start3A = arith.constant 0 : i32
      %dma_start3A_91 = tpu.memref_slice %arg13[%add3A_80, %dma_start3A] : memref<10112x64xf32, #tpu.memory_space<vmem_shared>> -> memref<158x64xf32, #tpu.memory_space<vmem_shared>>
      %dma_start3A_92 = arith.constant 0 : i32
      %dma_start3A_93 = tpu.memref_slice %arg13[%add3A_80, %dma_start3A_92] : memref<10112x64xf32, #tpu.memory_space<vmem_shared>> -> memref<158x64xf32, #tpu.memory_space<vmem_shared>>
      tpu.enqueue_dma source(%dma_start3A_93 : memref<158x64xf32, #tpu.memory_space<vmem_shared>>) target(%arg12 : memref<158x64xf32, #tpu.memory_space<vmem>>) target_semaphore(%run_scoped3A : memref<!tpu.dma_semaphore, #tpu.memory_space<semaphore_mem>>)
      %dma_wait3A = arith.constant 0 : i32
      %dma_wait3A_94 = tpu.memref_slice %arg13[%add3A_80, %dma_wait3A] : memref<10112x64xf32, #tpu.memory_space<vmem_shared>> -> memref<158x64xf32, #tpu.memory_space<vmem_shared>>
      %dma_wait3A_95 = arith.constant 0 : i32
      %dma_wait3A_96 = tpu.memref_slice %arg13[%add3A_80, %dma_wait3A_95] : memref<10112x64xf32, #tpu.memory_space<vmem_shared>> -> memref<158x64xf32, #tpu.memory_space<vmem_shared>>
      tpu.wait_dma2 semaphore(%run_scoped3A : memref<!tpu.dma_semaphore, #tpu.memory_space<semaphore_mem>>) src(%dma_wait3A_96 : memref<158x64xf32, #tpu.memory_space<vmem_shared>>) dst(%arg12 : memref<158x64xf32, #tpu.memory_space<vmem>>)
      tpu.yield
    }) : () -> ()
    %eq3A_81 = arith.constant 0 : i32
    %eq3A_82 = arith.cmpi eq, %arg0, %eq3A_81 : i32
    %convert_element_type3A_83 = arith.extui %eq3A_82 : i1 to i32
    %cond3A_84 = arith.constant 0 : i32
    %cond3A_85 = arith.cmpi ne, %convert_element_type3A_83, %cond3A_84 : i32
    scf.if %cond3A_85 {
      %mul3A_91 = arith.constant 632 : i32
      %mul3A_92 = arith.muli %arg1, %mul3A_91 : i32
      %add3A_93 = arith.constant 474 : i32
      %add3A_94 = arith.addi %mul3A_92, %add3A_93 : i32
      "tpu.region"() ({
        %run_scoped3A = tpu.sem_alloc : memref<!tpu.dma_semaphore, #tpu.memory_space<semaphore_mem>>
        %dma_start3A = arith.constant 0 : i32
        %dma_start3A_95 = tpu.memref_slice %arg6[%add3A_94, %dma_start3A] : memref<10112x64xf32, #tpu.memory_space<hbm>> -> memref<158x64xf32, #tpu.memory_space<hbm>>
        %dma_start3A_96 = arith.constant 0 : i32
        %dma_start3A_97 = tpu.memref_slice %arg6[%add3A_94, %dma_start3A_96] : memref<10112x64xf32, #tpu.memory_space<hbm>> -> memref<158x64xf32, #tpu.memory_space<hbm>>
        tpu.enqueue_dma source(%arg12 : memref<158x64xf32, #tpu.memory_space<vmem>>) target(%dma_start3A_97 : memref<158x64xf32, #tpu.memory_space<hbm>>) target_semaphore(%run_scoped3A : memref<!tpu.dma_semaphore, #tpu.memory_space<semaphore_mem>>)
        %dma_wait3A = arith.constant 0 : i32
        %dma_wait3A_98 = tpu.memref_slice %arg6[%add3A_94, %dma_wait3A] : memref<10112x64xf32, #tpu.memory_space<hbm>> -> memref<158x64xf32, #tpu.memory_space<hbm>>
        %dma_wait3A_99 = arith.constant 0 : i32
        %dma_wait3A_100 = tpu.memref_slice %arg6[%add3A_94, %dma_wait3A_99] : memref<10112x64xf32, #tpu.memory_space<hbm>> -> memref<158x64xf32, #tpu.memory_space<hbm>>
        tpu.wait_dma2 semaphore(%run_scoped3A : memref<!tpu.dma_semaphore, #tpu.memory_space<semaphore_mem>>) src(%arg12 : memref<158x64xf32, #tpu.memory_space<vmem>>) dst(%dma_wait3A_100 : memref<158x64xf32, #tpu.memory_space<hbm>>)
        tpu.yield
      }) : () -> ()
    } else {
    }
    %eq3A_86 = arith.constant 1 : i32
    %eq3A_87 = arith.cmpi eq, %arg0, %eq3A_86 : i32
    %convert_element_type3A_88 = arith.extui %eq3A_87 : i1 to i32
    %cond3A_89 = arith.constant 0 : i32
    %cond3A_90 = arith.cmpi ne, %convert_element_type3A_88, %cond3A_89 : i32
    scf.if %cond3A_90 {
      %mul3A_91 = arith.constant 632 : i32
      %mul3A_92 = arith.muli %arg1, %mul3A_91 : i32
      %add3A_93 = arith.constant 474 : i32
      %add3A_94 = arith.addi %mul3A_92, %add3A_93 : i32
      "tpu.region"() ({
        %run_scoped3A = tpu.sem_alloc : memref<!tpu.dma_semaphore, #tpu.memory_space<semaphore_mem>>
        %dma_start3A = arith.constant 0 : i32
        %dma_start3A_95 = tpu.memref_slice %arg7[%add3A_94, %dma_start3A] : memref<10112x64xf32, #tpu.memory_space<hbm>> -> memref<158x64xf32, #tpu.memory_space<hbm>>
        %dma_start3A_96 = arith.constant 0 : i32
        %dma_start3A_97 = tpu.memref_slice %arg7[%add3A_94, %dma_start3A_96] : memref<10112x64xf32, #tpu.memory_space<hbm>> -> memref<158x64xf32, #tpu.memory_space<hbm>>
        tpu.enqueue_dma source(%arg12 : memref<158x64xf32, #tpu.memory_space<vmem>>) target(%dma_start3A_97 : memref<158x64xf32, #tpu.memory_space<hbm>>) target_semaphore(%run_scoped3A : memref<!tpu.dma_semaphore, #tpu.memory_space<semaphore_mem>>)
        %dma_wait3A = arith.constant 0 : i32
        %dma_wait3A_98 = tpu.memref_slice %arg7[%add3A_94, %dma_wait3A] : memref<10112x64xf32, #tpu.memory_space<hbm>> -> memref<158x64xf32, #tpu.memory_space<hbm>>
        %dma_wait3A_99 = arith.constant 0 : i32
        %dma_wait3A_100 = tpu.memref_slice %arg7[%add3A_94, %dma_wait3A_99] : memref<10112x64xf32, #tpu.memory_space<hbm>> -> memref<158x64xf32, #tpu.memory_space<hbm>>
        tpu.wait_dma2 semaphore(%run_scoped3A : memref<!tpu.dma_semaphore, #tpu.memory_space<semaphore_mem>>) src(%arg12 : memref<158x64xf32, #tpu.memory_space<vmem>>) dst(%dma_wait3A_100 : memref<158x64xf32, #tpu.memory_space<hbm>>)
        tpu.yield
      }) : () -> ()
    } else {
    }
    return
  }
}

#map = affine_map<(d0, d1) -> (0, 0, 0)>
#map1 = affine_map<(d0, d1) -> (0)>
module attributes {stable_mosaic.version = 14 : i64} {
  func.func @body(%arg0: i32, %arg1: i32, %arg2: memref<32x79x128xi32, #tpu.memory_space<hbm>>, %arg3: memref<32x79x128xi32, #tpu.memory_space<hbm>>, %arg4: memref<32x79x128xi32, #tpu.memory_space<hbm>>, %arg5: memref<10112xf32, #tpu.memory_space<hbm>>, %arg6: memref<10112xf32, #tpu.memory_space<hbm>>, %arg7: memref<79x128xi32, #tpu.memory_space<vmem>>, %arg8: memref<79x128xi32, #tpu.memory_space<vmem>>, %arg9: memref<632xf32, #tpu.memory_space<vmem>>, %arg10: memref<128xf32, #tpu.memory_space<vmem>>, %arg11: memref<10112xf32, #tpu.memory_space<vmem_shared>>) attributes {dimension_semantics = [#tpu.dimension_semantics<core_parallel>, #tpu.dimension_semantics<subcore_parallel>], iteration_bounds = array<i64: 2, 16>, scalar_prefetch = 0 : i64, scratch_operands = 5 : i64, tpu.core_type = #tpu.core_type<sc_vector_subcore>, window_params = [{transform_indices = #map}, {transform_indices = #map}, {transform_indices = #map}, {transform_indices = #map1}, {transform_indices = #map1}]} {
    %mul3A = arith.constant 16 : i32
    %mul3A_0 = arith.muli %arg0, %mul3A : i32
    %add3A = arith.addi %mul3A_0, %arg1 : i32
    %scan3A = arith.constant 0 : i32
    %scan3A_1 = arith.constant 0 : i32
    %scan3A_2 = arith.constant 39 : i32
    %scan3A_3 = arith.addi %scan3A_1, %scan3A_2 : i32
    %scan3A_4 = arith.constant 1 : i32
    %scan3A_5 = scf.for %scan3A_79 = %scan3A_1 to %scan3A_3 step %scan3A_4 iter_args(%scan3A_80 = %scan3A) -> (i32)  : i32 {
      %broadcast_in_dim3A_81 = arith.constant 0.000000e+00 : f32
      %broadcast_in_dim3A_82 = vector.broadcast %broadcast_in_dim3A_81 : f32 to vector<16xf32>
      %mul3A_83 = arith.constant 16 : i32
      %mul3A_84 = arith.muli %scan3A_79, %mul3A_83 : i32
      %swap3A_85 = arith.index_cast %mul3A_84 : i32 to index
      %swap3A_86 = tpu.vector_load %arg9[%swap3A_85] {strides = array<i32>} : memref<632xf32, #tpu.memory_space<vmem>>, vector<16xf32>,
      %swap3A_87 = vector.shape_cast %swap3A_86 : vector<16xf32> to vector<16xf32>
      %swap3A_88 = vector.shape_cast %broadcast_in_dim3A_82 : vector<16xf32> to vector<16xf32>
      tpu.vector_store %arg9[%swap3A_85], %swap3A_88 {strides = array<i32>} : memref<632xf32, #tpu.memory_space<vmem>>, vector<16xf32>,
      %scan3A_89 = arith.constant 0 : i32
      scf.yield %scan3A_89 : i32
    }
    %scan3A_6 = arith.constant 39 : i32
    %broadcast_in_dim3A = arith.constant 1.000000e+00 : f32
    %broadcast_in_dim3A_7 = vector.broadcast %broadcast_in_dim3A : f32 to vector<16xf32>
    %swap3A = arith.constant 0 : index
    %swap3A_8 = tpu.vector_load %arg10[%swap3A] {strides = array<i32>} : memref<128xf32, #tpu.memory_space<vmem>>, vector<16xf32>,
    %swap3A_9 = vector.shape_cast %swap3A_8 : vector<16xf32> to vector<16xf32>
    %swap3A_10 = vector.shape_cast %broadcast_in_dim3A_7 : vector<16xf32> to vector<16xf32>
    tpu.vector_store %arg10[%swap3A], %swap3A_10 {strides = array<i32>} : memref<128xf32, #tpu.memory_space<vmem>>, vector<16xf32>,
    %broadcast_in_dim3A_11 = arith.constant 1.000000e+00 : f32
    %broadcast_in_dim3A_12 = vector.broadcast %broadcast_in_dim3A_11 : f32 to vector<16xf32>
    %swap3A_13 = arith.constant 16 : index
    %swap3A_14 = tpu.vector_load %arg10[%swap3A_13] {strides = array<i32>} : memref<128xf32, #tpu.memory_space<vmem>>, vector<16xf32>,
    %swap3A_15 = vector.shape_cast %swap3A_14 : vector<16xf32> to vector<16xf32>
    %swap3A_16 = vector.shape_cast %broadcast_in_dim3A_12 : vector<16xf32> to vector<16xf32>
    tpu.vector_store %arg10[%swap3A_13], %swap3A_16 {strides = array<i32>} : memref<128xf32, #tpu.memory_space<vmem>>, vector<16xf32>,
    %broadcast_in_dim3A_17 = arith.constant 1.000000e+00 : f32
    %broadcast_in_dim3A_18 = vector.broadcast %broadcast_in_dim3A_17 : f32 to vector<16xf32>
    %swap3A_19 = arith.constant 32 : index
    %swap3A_20 = tpu.vector_load %arg10[%swap3A_19] {strides = array<i32>} : memref<128xf32, #tpu.memory_space<vmem>>, vector<16xf32>,
    %swap3A_21 = vector.shape_cast %swap3A_20 : vector<16xf32> to vector<16xf32>
    %swap3A_22 = vector.shape_cast %broadcast_in_dim3A_18 : vector<16xf32> to vector<16xf32>
    tpu.vector_store %arg10[%swap3A_19], %swap3A_22 {strides = array<i32>} : memref<128xf32, #tpu.memory_space<vmem>>, vector<16xf32>,
    %broadcast_in_dim3A_23 = arith.constant 1.000000e+00 : f32
    %broadcast_in_dim3A_24 = vector.broadcast %broadcast_in_dim3A_23 : f32 to vector<16xf32>
    %swap3A_25 = arith.constant 48 : index
    %swap3A_26 = tpu.vector_load %arg10[%swap3A_25] {strides = array<i32>} : memref<128xf32, #tpu.memory_space<vmem>>, vector<16xf32>,
    %swap3A_27 = vector.shape_cast %swap3A_26 : vector<16xf32> to vector<16xf32>
    %swap3A_28 = vector.shape_cast %broadcast_in_dim3A_24 : vector<16xf32> to vector<16xf32>
    tpu.vector_store %arg10[%swap3A_25], %swap3A_28 {strides = array<i32>} : memref<128xf32, #tpu.memory_space<vmem>>, vector<16xf32>,
    %broadcast_in_dim3A_29 = arith.constant 1.000000e+00 : f32
    %broadcast_in_dim3A_30 = vector.broadcast %broadcast_in_dim3A_29 : f32 to vector<16xf32>
    %swap3A_31 = arith.constant 64 : index
    %swap3A_32 = tpu.vector_load %arg10[%swap3A_31] {strides = array<i32>} : memref<128xf32, #tpu.memory_space<vmem>>, vector<16xf32>,
    %swap3A_33 = vector.shape_cast %swap3A_32 : vector<16xf32> to vector<16xf32>
    %swap3A_34 = vector.shape_cast %broadcast_in_dim3A_30 : vector<16xf32> to vector<16xf32>
    tpu.vector_store %arg10[%swap3A_31], %swap3A_34 {strides = array<i32>} : memref<128xf32, #tpu.memory_space<vmem>>, vector<16xf32>,
    %broadcast_in_dim3A_35 = arith.constant 1.000000e+00 : f32
    %broadcast_in_dim3A_36 = vector.broadcast %broadcast_in_dim3A_35 : f32 to vector<16xf32>
    %swap3A_37 = arith.constant 80 : index
    %swap3A_38 = tpu.vector_load %arg10[%swap3A_37] {strides = array<i32>} : memref<128xf32, #tpu.memory_space<vmem>>, vector<16xf32>,
    %swap3A_39 = vector.shape_cast %swap3A_38 : vector<16xf32> to vector<16xf32>
    %swap3A_40 = vector.shape_cast %broadcast_in_dim3A_36 : vector<16xf32> to vector<16xf32>
    tpu.vector_store %arg10[%swap3A_37], %swap3A_40 {strides = array<i32>} : memref<128xf32, #tpu.memory_space<vmem>>, vector<16xf32>,
    %broadcast_in_dim3A_41 = arith.constant 1.000000e+00 : f32
    %broadcast_in_dim3A_42 = vector.broadcast %broadcast_in_dim3A_41 : f32 to vector<16xf32>
    %swap3A_43 = arith.constant 96 : index
    %swap3A_44 = tpu.vector_load %arg10[%swap3A_43] {strides = array<i32>} : memref<128xf32, #tpu.memory_space<vmem>>, vector<16xf32>,
    %swap3A_45 = vector.shape_cast %swap3A_44 : vector<16xf32> to vector<16xf32>
    %swap3A_46 = vector.shape_cast %broadcast_in_dim3A_42 : vector<16xf32> to vector<16xf32>
    tpu.vector_store %arg10[%swap3A_43], %swap3A_46 {strides = array<i32>} : memref<128xf32, #tpu.memory_space<vmem>>, vector<16xf32>,
    %broadcast_in_dim3A_47 = arith.constant 1.000000e+00 : f32
    %broadcast_in_dim3A_48 = vector.broadcast %broadcast_in_dim3A_47 : f32 to vector<16xf32>
    %swap3A_49 = arith.constant 112 : index
    %swap3A_50 = tpu.vector_load %arg10[%swap3A_49] {strides = array<i32>} : memref<128xf32, #tpu.memory_space<vmem>>, vector<16xf32>,
    %swap3A_51 = vector.shape_cast %swap3A_50 : vector<16xf32> to vector<16xf32>
    %swap3A_52 = vector.shape_cast %broadcast_in_dim3A_48 : vector<16xf32> to vector<16xf32>
    tpu.vector_store %arg10[%swap3A_49], %swap3A_52 {strides = array<i32>} : memref<128xf32, #tpu.memory_space<vmem>>, vector<16xf32>,
    %mul3A_53 = arith.constant 632 : i32
    %mul3A_54 = arith.muli %arg1, %mul3A_53 : i32
    "tpu.region"() ({
      %run_scoped3A = tpu.sem_alloc : memref<!tpu.dma_semaphore, #tpu.memory_space<semaphore_mem>>
      %dma_start3A = tpu.memref_slice %arg11[%mul3A_54] : memref<10112xf32, #tpu.memory_space<vmem_shared>> -> memref<632xf32, #tpu.memory_space<vmem_shared>>
      %dma_start3A_79 = tpu.memref_slice %arg11[%mul3A_54] : memref<10112xf32, #tpu.memory_space<vmem_shared>> -> memref<632xf32, #tpu.memory_space<vmem_shared>>
      tpu.enqueue_dma source(%arg9 : memref<632xf32, #tpu.memory_space<vmem>>) target(%dma_start3A_79 : memref<632xf32, #tpu.memory_space<vmem_shared>>) target_semaphore(%run_scoped3A : memref<!tpu.dma_semaphore, #tpu.memory_space<semaphore_mem>>)
      %dma_wait3A = tpu.memref_slice %arg11[%mul3A_54] : memref<10112xf32, #tpu.memory_space<vmem_shared>> -> memref<632xf32, #tpu.memory_space<vmem_shared>>
      %dma_wait3A_80 = tpu.memref_slice %arg11[%mul3A_54] : memref<10112xf32, #tpu.memory_space<vmem_shared>> -> memref<632xf32, #tpu.memory_space<vmem_shared>>
      tpu.wait_dma2 semaphore(%run_scoped3A : memref<!tpu.dma_semaphore, #tpu.memory_space<semaphore_mem>>) src(%arg9 : memref<632xf32, #tpu.memory_space<vmem>>) dst(%dma_wait3A_80 : memref<632xf32, #tpu.memory_space<vmem_shared>>)
      tpu.yield
    }) : () -> ()
    "tpu.region"() ({
      %run_scoped3A = tpu.sem_alloc : memref<!tpu.dma_semaphore, #tpu.memory_space<semaphore_mem>>
      %dma_start3A = arith.constant 0 : i32
      %dma_start3A_79 = arith.constant 0 : i32
      %dma_start3A_80 = tpu.memref_slice %arg2[%add3A, %dma_start3A, %dma_start3A_79] : memref<32x79x128xi32, #tpu.memory_space<hbm>> -> memref<1x79x128xi32, #tpu.memory_space<hbm>>
      %dma_start3A_81 = tpu.memref_squeeze %dma_start3A_80 : memref<1x79x128xi32, #tpu.memory_space<hbm>> -> memref<79x128xi32, #tpu.memory_space<hbm>>
      %dma_start3A_82 = arith.constant 0 : i32
      %dma_start3A_83 = arith.constant 0 : i32
      %dma_start3A_84 = tpu.memref_slice %arg2[%add3A, %dma_start3A_82, %dma_start3A_83] : memref<32x79x128xi32, #tpu.memory_space<hbm>> -> memref<1x79x128xi32, #tpu.memory_space<hbm>>
      %dma_start3A_85 = tpu.memref_squeeze %dma_start3A_84 : memref<1x79x128xi32, #tpu.memory_space<hbm>> -> memref<79x128xi32, #tpu.memory_space<hbm>>
      tpu.enqueue_dma source(%dma_start3A_85 : memref<79x128xi32, #tpu.memory_space<hbm>>) target(%arg7 : memref<79x128xi32, #tpu.memory_space<vmem>>) target_semaphore(%run_scoped3A : memref<!tpu.dma_semaphore, #tpu.memory_space<semaphore_mem>>)
      %dma_wait3A = arith.constant 0 : i32
      %dma_wait3A_86 = arith.constant 0 : i32
      %dma_wait3A_87 = tpu.memref_slice %arg2[%add3A, %dma_wait3A, %dma_wait3A_86] : memref<32x79x128xi32, #tpu.memory_space<hbm>> -> memref<1x79x128xi32, #tpu.memory_space<hbm>>
      %dma_wait3A_88 = tpu.memref_squeeze %dma_wait3A_87 : memref<1x79x128xi32, #tpu.memory_space<hbm>> -> memref<79x128xi32, #tpu.memory_space<hbm>>
      %dma_wait3A_89 = arith.constant 0 : i32
      %dma_wait3A_90 = arith.constant 0 : i32
      %dma_wait3A_91 = tpu.memref_slice %arg2[%add3A, %dma_wait3A_89, %dma_wait3A_90] : memref<32x79x128xi32, #tpu.memory_space<hbm>> -> memref<1x79x128xi32, #tpu.memory_space<hbm>>
      %dma_wait3A_92 = tpu.memref_squeeze %dma_wait3A_91 : memref<1x79x128xi32, #tpu.memory_space<hbm>> -> memref<79x128xi32, #tpu.memory_space<hbm>>
      tpu.wait_dma2 semaphore(%run_scoped3A : memref<!tpu.dma_semaphore, #tpu.memory_space<semaphore_mem>>) src(%dma_wait3A_92 : memref<79x128xi32, #tpu.memory_space<hbm>>) dst(%arg7 : memref<79x128xi32, #tpu.memory_space<vmem>>)
      tpu.yield
    }) : () -> ()
    "tpu.region"() ({
      %run_scoped3A = tpu.sem_alloc : memref<!tpu.dma_semaphore, #tpu.memory_space<semaphore_mem>>
      %dma_start3A = arith.constant 0 : i32
      %dma_start3A_79 = arith.constant 0 : i32
      %dma_start3A_80 = tpu.memref_slice %arg3[%add3A, %dma_start3A, %dma_start3A_79] : memref<32x79x128xi32, #tpu.memory_space<hbm>> -> memref<1x79x128xi32, #tpu.memory_space<hbm>>
      %dma_start3A_81 = tpu.memref_squeeze %dma_start3A_80 : memref<1x79x128xi32, #tpu.memory_space<hbm>> -> memref<79x128xi32, #tpu.memory_space<hbm>>
      %dma_start3A_82 = arith.constant 0 : i32
      %dma_start3A_83 = arith.constant 0 : i32
      %dma_start3A_84 = tpu.memref_slice %arg3[%add3A, %dma_start3A_82, %dma_start3A_83] : memref<32x79x128xi32, #tpu.memory_space<hbm>> -> memref<1x79x128xi32, #tpu.memory_space<hbm>>
      %dma_start3A_85 = tpu.memref_squeeze %dma_start3A_84 : memref<1x79x128xi32, #tpu.memory_space<hbm>> -> memref<79x128xi32, #tpu.memory_space<hbm>>
      tpu.enqueue_dma source(%dma_start3A_85 : memref<79x128xi32, #tpu.memory_space<hbm>>) target(%arg8 : memref<79x128xi32, #tpu.memory_space<vmem>>) target_semaphore(%run_scoped3A : memref<!tpu.dma_semaphore, #tpu.memory_space<semaphore_mem>>)
      %dma_wait3A = arith.constant 0 : i32
      %dma_wait3A_86 = arith.constant 0 : i32
      %dma_wait3A_87 = tpu.memref_slice %arg3[%add3A, %dma_wait3A, %dma_wait3A_86] : memref<32x79x128xi32, #tpu.memory_space<hbm>> -> memref<1x79x128xi32, #tpu.memory_space<hbm>>
      %dma_wait3A_88 = tpu.memref_squeeze %dma_wait3A_87 : memref<1x79x128xi32, #tpu.memory_space<hbm>> -> memref<79x128xi32, #tpu.memory_space<hbm>>
      %dma_wait3A_89 = arith.constant 0 : i32
      %dma_wait3A_90 = arith.constant 0 : i32
      %dma_wait3A_91 = tpu.memref_slice %arg3[%add3A, %dma_wait3A_89, %dma_wait3A_90] : memref<32x79x128xi32, #tpu.memory_space<hbm>> -> memref<1x79x128xi32, #tpu.memory_space<hbm>>
      %dma_wait3A_92 = tpu.memref_squeeze %dma_wait3A_91 : memref<1x79x128xi32, #tpu.memory_space<hbm>> -> memref<79x128xi32, #tpu.memory_space<hbm>>
      tpu.wait_dma2 semaphore(%run_scoped3A : memref<!tpu.dma_semaphore, #tpu.memory_space<semaphore_mem>>) src(%dma_wait3A_92 : memref<79x128xi32, #tpu.memory_space<hbm>>) dst(%arg8 : memref<79x128xi32, #tpu.memory_space<vmem>>)
      tpu.yield
    }) : () -> ()
    %scan3A_55 = arith.constant 0 : i32
    %scan3A_56 = arith.constant 0 : i32
    %scan3A_57 = arith.constant 79 : i32
    %scan3A_58 = arith.addi %scan3A_56, %scan3A_57 : i32
    %scan3A_59 = arith.constant 1 : i32
    %scan3A_60 = scf.for %scan3A_79 = %scan3A_56 to %scan3A_58 step %scan3A_59 iter_args(%scan3A_80 = %scan3A_55) -> (i32)  : i32 {
      %get3A = arith.index_cast %scan3A_79 : i32 to index
      %get3A_81 = arith.constant 0 : index
      %get3A_82 = tpu.vector_load %arg7[%get3A, %get3A_81] {strides = array<i32>} : memref<79x128xi32, #tpu.memory_space<vmem>>, vector<1x16xi32>,
      %get3A_83 = vector.shape_cast %get3A_82 : vector<1x16xi32> to vector<16xi32>
      %get3A_84 = arith.index_cast %scan3A_79 : i32 to index
      %get3A_85 = arith.constant 0 : index
      %get3A_86 = tpu.vector_load %arg8[%get3A_84, %get3A_85] {strides = array<i32>} : memref<79x128xi32, #tpu.memory_space<vmem>>, vector<1x16xi32>,
      %get3A_87 = vector.shape_cast %get3A_86 : vector<1x16xi32> to vector<16xi32>
      %eq3A_88 = arith.cmpi eq, %get3A_83, %get3A_87 : vector<16xi32>
      %broadcast_in_dim3A_89 = arith.constant 10000 : i32
      %broadcast_in_dim3A_90 = vector.broadcast %broadcast_in_dim3A_89 : i32 to vector<16xi32>
      %select_n3A = arith.select %eq3A_88, %broadcast_in_dim3A_90, %get3A_87 : vector<16xi1>, vector<16xi32>
      %swap3A_91 = arith.index_cast %scan3A_79 : i32 to index
      %swap3A_92 = arith.constant 0 : index
      %swap3A_93 = tpu.vector_load %arg8[%swap3A_91, %swap3A_92] {strides = array<i32>} : memref<79x128xi32, #tpu.memory_space<vmem>>, vector<1x16xi32>,
      %swap3A_94 = vector.shape_cast %swap3A_93 : vector<1x16xi32> to vector<16xi32>
      %swap3A_95 = vector.shape_cast %select_n3A : vector<16xi32> to vector<1x16xi32>
      tpu.vector_store %arg8[%swap3A_91, %swap3A_92], %swap3A_95 {strides = array<i32>} : memref<79x128xi32, #tpu.memory_space<vmem>>, vector<1x16xi32>,
      %get3A_96 = arith.index_cast %scan3A_79 : i32 to index
      %get3A_97 = arith.constant 16 : index
      %get3A_98 = tpu.vector_load %arg7[%get3A_96, %get3A_97] {strides = array<i32>} : memref<79x128xi32, #tpu.memory_space<vmem>>, vector<1x16xi32>,
      %get3A_99 = vector.shape_cast %get3A_98 : vector<1x16xi32> to vector<16xi32>
      %get3A_100 = arith.index_cast %scan3A_79 : i32 to index
      %get3A_101 = arith.constant 16 : index
      %get3A_102 = tpu.vector_load %arg8[%get3A_100, %get3A_101] {strides = array<i32>} : memref<79x128xi32, #tpu.memory_space<vmem>>, vector<1x16xi32>,
      %get3A_103 = vector.shape_cast %get3A_102 : vector<1x16xi32> to vector<16xi32>
      %eq3A_104 = arith.cmpi eq, %get3A_99, %get3A_103 : vector<16xi32>
      %broadcast_in_dim3A_105 = arith.constant 10000 : i32
      %broadcast_in_dim3A_106 = vector.broadcast %broadcast_in_dim3A_105 : i32 to vector<16xi32>
      %select_n3A_107 = arith.select %eq3A_104, %broadcast_in_dim3A_106, %get3A_103 : vector<16xi1>, vector<16xi32>
      %swap3A_108 = arith.index_cast %scan3A_79 : i32 to index
      %swap3A_109 = arith.constant 16 : index
      %swap3A_110 = tpu.vector_load %arg8[%swap3A_108, %swap3A_109] {strides = array<i32>} : memref<79x128xi32, #tpu.memory_space<vmem>>, vector<1x16xi32>,
      %swap3A_111 = vector.shape_cast %swap3A_110 : vector<1x16xi32> to vector<16xi32>
      %swap3A_112 = vector.shape_cast %select_n3A_107 : vector<16xi32> to vector<1x16xi32>
      tpu.vector_store %arg8[%swap3A_108, %swap3A_109], %swap3A_112 {strides = array<i32>} : memref<79x128xi32, #tpu.memory_space<vmem>>, vector<1x16xi32>,
      %get3A_113 = arith.index_cast %scan3A_79 : i32 to index
      %get3A_114 = arith.constant 32 : index
      %get3A_115 = tpu.vector_load %arg7[%get3A_113, %get3A_114] {strides = array<i32>} : memref<79x128xi32, #tpu.memory_space<vmem>>, vector<1x16xi32>,
      %get3A_116 = vector.shape_cast %get3A_115 : vector<1x16xi32> to vector<16xi32>
      %get3A_117 = arith.index_cast %scan3A_79 : i32 to index
      %get3A_118 = arith.constant 32 : index
      %get3A_119 = tpu.vector_load %arg8[%get3A_117, %get3A_118] {strides = array<i32>} : memref<79x128xi32, #tpu.memory_space<vmem>>, vector<1x16xi32>,
      %get3A_120 = vector.shape_cast %get3A_119 : vector<1x16xi32> to vector<16xi32>
      %eq3A_121 = arith.cmpi eq, %get3A_116, %get3A_120 : vector<16xi32>
      %broadcast_in_dim3A_122 = arith.constant 10000 : i32
      %broadcast_in_dim3A_123 = vector.broadcast %broadcast_in_dim3A_122 : i32 to vector<16xi32>
      %select_n3A_124 = arith.select %eq3A_121, %broadcast_in_dim3A_123, %get3A_120 : vector<16xi1>, vector<16xi32>
      %swap3A_125 = arith.index_cast %scan3A_79 : i32 to index
      %swap3A_126 = arith.constant 32 : index
      %swap3A_127 = tpu.vector_load %arg8[%swap3A_125, %swap3A_126] {strides = array<i32>} : memref<79x128xi32, #tpu.memory_space<vmem>>, vector<1x16xi32>,
      %swap3A_128 = vector.shape_cast %swap3A_127 : vector<1x16xi32> to vector<16xi32>
      %swap3A_129 = vector.shape_cast %select_n3A_124 : vector<16xi32> to vector<1x16xi32>
      tpu.vector_store %arg8[%swap3A_125, %swap3A_126], %swap3A_129 {strides = array<i32>} : memref<79x128xi32, #tpu.memory_space<vmem>>, vector<1x16xi32>,
      %get3A_130 = arith.index_cast %scan3A_79 : i32 to index
      %get3A_131 = arith.constant 48 : index
      %get3A_132 = tpu.vector_load %arg7[%get3A_130, %get3A_131] {strides = array<i32>} : memref<79x128xi32, #tpu.memory_space<vmem>>, vector<1x16xi32>,
      %get3A_133 = vector.shape_cast %get3A_132 : vector<1x16xi32> to vector<16xi32>
      %get3A_134 = arith.index_cast %scan3A_79 : i32 to index
      %get3A_135 = arith.constant 48 : index
      %get3A_136 = tpu.vector_load %arg8[%get3A_134, %get3A_135] {strides = array<i32>} : memref<79x128xi32, #tpu.memory_space<vmem>>, vector<1x16xi32>,
      %get3A_137 = vector.shape_cast %get3A_136 : vector<1x16xi32> to vector<16xi32>
      %eq3A_138 = arith.cmpi eq, %get3A_133, %get3A_137 : vector<16xi32>
      %broadcast_in_dim3A_139 = arith.constant 10000 : i32
      %broadcast_in_dim3A_140 = vector.broadcast %broadcast_in_dim3A_139 : i32 to vector<16xi32>
      %select_n3A_141 = arith.select %eq3A_138, %broadcast_in_dim3A_140, %get3A_137 : vector<16xi1>, vector<16xi32>
      %swap3A_142 = arith.index_cast %scan3A_79 : i32 to index
      %swap3A_143 = arith.constant 48 : index
      %swap3A_144 = tpu.vector_load %arg8[%swap3A_142, %swap3A_143] {strides = array<i32>} : memref<79x128xi32, #tpu.memory_space<vmem>>, vector<1x16xi32>,
      %swap3A_145 = vector.shape_cast %swap3A_144 : vector<1x16xi32> to vector<16xi32>
      %swap3A_146 = vector.shape_cast %select_n3A_141 : vector<16xi32> to vector<1x16xi32>
      tpu.vector_store %arg8[%swap3A_142, %swap3A_143], %swap3A_146 {strides = array<i32>} : memref<79x128xi32, #tpu.memory_space<vmem>>, vector<1x16xi32>,
      %get3A_147 = arith.index_cast %scan3A_79 : i32 to index
      %get3A_148 = arith.constant 64 : index
      %get3A_149 = tpu.vector_load %arg7[%get3A_147, %get3A_148] {strides = array<i32>} : memref<79x128xi32, #tpu.memory_space<vmem>>, vector<1x16xi32>,
      %get3A_150 = vector.shape_cast %get3A_149 : vector<1x16xi32> to vector<16xi32>
      %get3A_151 = arith.index_cast %scan3A_79 : i32 to index
      %get3A_152 = arith.constant 64 : index
      %get3A_153 = tpu.vector_load %arg8[%get3A_151, %get3A_152] {strides = array<i32>} : memref<79x128xi32, #tpu.memory_space<vmem>>, vector<1x16xi32>,
      %get3A_154 = vector.shape_cast %get3A_153 : vector<1x16xi32> to vector<16xi32>
      %eq3A_155 = arith.cmpi eq, %get3A_150, %get3A_154 : vector<16xi32>
      %broadcast_in_dim3A_156 = arith.constant 10000 : i32
      %broadcast_in_dim3A_157 = vector.broadcast %broadcast_in_dim3A_156 : i32 to vector<16xi32>
      %select_n3A_158 = arith.select %eq3A_155, %broadcast_in_dim3A_157, %get3A_154 : vector<16xi1>, vector<16xi32>
      %swap3A_159 = arith.index_cast %scan3A_79 : i32 to index
      %swap3A_160 = arith.constant 64 : index
      %swap3A_161 = tpu.vector_load %arg8[%swap3A_159, %swap3A_160] {strides = array<i32>} : memref<79x128xi32, #tpu.memory_space<vmem>>, vector<1x16xi32>,
      %swap3A_162 = vector.shape_cast %swap3A_161 : vector<1x16xi32> to vector<16xi32>
      %swap3A_163 = vector.shape_cast %select_n3A_158 : vector<16xi32> to vector<1x16xi32>
      tpu.vector_store %arg8[%swap3A_159, %swap3A_160], %swap3A_163 {strides = array<i32>} : memref<79x128xi32, #tpu.memory_space<vmem>>, vector<1x16xi32>,
      %get3A_164 = arith.index_cast %scan3A_79 : i32 to index
      %get3A_165 = arith.constant 80 : index
      %get3A_166 = tpu.vector_load %arg7[%get3A_164, %get3A_165] {strides = array<i32>} : memref<79x128xi32, #tpu.memory_space<vmem>>, vector<1x16xi32>,
      %get3A_167 = vector.shape_cast %get3A_166 : vector<1x16xi32> to vector<16xi32>
      %get3A_168 = arith.index_cast %scan3A_79 : i32 to index
      %get3A_169 = arith.constant 80 : index
      %get3A_170 = tpu.vector_load %arg8[%get3A_168, %get3A_169] {strides = array<i32>} : memref<79x128xi32, #tpu.memory_space<vmem>>, vector<1x16xi32>,
      %get3A_171 = vector.shape_cast %get3A_170 : vector<1x16xi32> to vector<16xi32>
      %eq3A_172 = arith.cmpi eq, %get3A_167, %get3A_171 : vector<16xi32>
      %broadcast_in_dim3A_173 = arith.constant 10000 : i32
      %broadcast_in_dim3A_174 = vector.broadcast %broadcast_in_dim3A_173 : i32 to vector<16xi32>
      %select_n3A_175 = arith.select %eq3A_172, %broadcast_in_dim3A_174, %get3A_171 : vector<16xi1>, vector<16xi32>
      %swap3A_176 = arith.index_cast %scan3A_79 : i32 to index
      %swap3A_177 = arith.constant 80 : index
      %swap3A_178 = tpu.vector_load %arg8[%swap3A_176, %swap3A_177] {strides = array<i32>} : memref<79x128xi32, #tpu.memory_space<vmem>>, vector<1x16xi32>,
      %swap3A_179 = vector.shape_cast %swap3A_178 : vector<1x16xi32> to vector<16xi32>
      %swap3A_180 = vector.shape_cast %select_n3A_175 : vector<16xi32> to vector<1x16xi32>
      tpu.vector_store %arg8[%swap3A_176, %swap3A_177], %swap3A_180 {strides = array<i32>} : memref<79x128xi32, #tpu.memory_space<vmem>>, vector<1x16xi32>,
      %get3A_181 = arith.index_cast %scan3A_79 : i32 to index
      %get3A_182 = arith.constant 96 : index
      %get3A_183 = tpu.vector_load %arg7[%get3A_181, %get3A_182] {strides = array<i32>} : memref<79x128xi32, #tpu.memory_space<vmem>>, vector<1x16xi32>,
      %get3A_184 = vector.shape_cast %get3A_183 : vector<1x16xi32> to vector<16xi32>
      %get3A_185 = arith.index_cast %scan3A_79 : i32 to index
      %get3A_186 = arith.constant 96 : index
      %get3A_187 = tpu.vector_load %arg8[%get3A_185, %get3A_186] {strides = array<i32>} : memref<79x128xi32, #tpu.memory_space<vmem>>, vector<1x16xi32>,
      %get3A_188 = vector.shape_cast %get3A_187 : vector<1x16xi32> to vector<16xi32>
      %eq3A_189 = arith.cmpi eq, %get3A_184, %get3A_188 : vector<16xi32>
      %broadcast_in_dim3A_190 = arith.constant 10000 : i32
      %broadcast_in_dim3A_191 = vector.broadcast %broadcast_in_dim3A_190 : i32 to vector<16xi32>
      %select_n3A_192 = arith.select %eq3A_189, %broadcast_in_dim3A_191, %get3A_188 : vector<16xi1>, vector<16xi32>
      %swap3A_193 = arith.index_cast %scan3A_79 : i32 to index
      %swap3A_194 = arith.constant 96 : index
      %swap3A_195 = tpu.vector_load %arg8[%swap3A_193, %swap3A_194] {strides = array<i32>} : memref<79x128xi32, #tpu.memory_space<vmem>>, vector<1x16xi32>,
      %swap3A_196 = vector.shape_cast %swap3A_195 : vector<1x16xi32> to vector<16xi32>
      %swap3A_197 = vector.shape_cast %select_n3A_192 : vector<16xi32> to vector<1x16xi32>
      tpu.vector_store %arg8[%swap3A_193, %swap3A_194], %swap3A_197 {strides = array<i32>} : memref<79x128xi32, #tpu.memory_space<vmem>>, vector<1x16xi32>,
      %get3A_198 = arith.index_cast %scan3A_79 : i32 to index
      %get3A_199 = arith.constant 112 : index
      %get3A_200 = tpu.vector_load %arg7[%get3A_198, %get3A_199] {strides = array<i32>} : memref<79x128xi32, #tpu.memory_space<vmem>>, vector<1x16xi32>,
      %get3A_201 = vector.shape_cast %get3A_200 : vector<1x16xi32> to vector<16xi32>
      %get3A_202 = arith.index_cast %scan3A_79 : i32 to index
      %get3A_203 = arith.constant 112 : index
      %get3A_204 = tpu.vector_load %arg8[%get3A_202, %get3A_203] {strides = array<i32>} : memref<79x128xi32, #tpu.memory_space<vmem>>, vector<1x16xi32>,
      %get3A_205 = vector.shape_cast %get3A_204 : vector<1x16xi32> to vector<16xi32>
      %eq3A_206 = arith.cmpi eq, %get3A_201, %get3A_205 : vector<16xi32>
      %broadcast_in_dim3A_207 = arith.constant 10000 : i32
      %broadcast_in_dim3A_208 = vector.broadcast %broadcast_in_dim3A_207 : i32 to vector<16xi32>
      %select_n3A_209 = arith.select %eq3A_206, %broadcast_in_dim3A_208, %get3A_205 : vector<16xi1>, vector<16xi32>
      %swap3A_210 = arith.index_cast %scan3A_79 : i32 to index
      %swap3A_211 = arith.constant 112 : index
      %swap3A_212 = tpu.vector_load %arg8[%swap3A_210, %swap3A_211] {strides = array<i32>} : memref<79x128xi32, #tpu.memory_space<vmem>>, vector<1x16xi32>,
      %swap3A_213 = vector.shape_cast %swap3A_212 : vector<1x16xi32> to vector<16xi32>
      %swap3A_214 = vector.shape_cast %select_n3A_209 : vector<16xi32> to vector<1x16xi32>
      tpu.vector_store %arg8[%swap3A_210, %swap3A_211], %swap3A_214 {strides = array<i32>} : memref<79x128xi32, #tpu.memory_space<vmem>>, vector<1x16xi32>,
      %scan3A_215 = arith.constant 0 : i32
      scf.yield %scan3A_215 : i32
    }
    %scan3A_61 = arith.constant 79 : i32
    "tpu.region"() ({
      %run_scoped3A = tpu.sem_alloc : memref<!tpu.dma_semaphore, #tpu.memory_space<semaphore_mem>>
      %dma_start3A = arith.constant 0 : i32
      %dma_start3A_79 = arith.constant 0 : i32
      %dma_start3A_80 = tpu.memref_slice %arg4[%add3A, %dma_start3A, %dma_start3A_79] : memref<32x79x128xi32, #tpu.memory_space<hbm>> -> memref<1x79x128xi32, #tpu.memory_space<hbm>>
      %dma_start3A_81 = tpu.memref_squeeze %dma_start3A_80 : memref<1x79x128xi32, #tpu.memory_space<hbm>> -> memref<79x128xi32, #tpu.memory_space<hbm>>
      %dma_start3A_82 = arith.constant 0 : i32
      %dma_start3A_83 = arith.constant 0 : i32
      %dma_start3A_84 = tpu.memref_slice %arg4[%add3A, %dma_start3A_82, %dma_start3A_83] : memref<32x79x128xi32, #tpu.memory_space<hbm>> -> memref<1x79x128xi32, #tpu.memory_space<hbm>>
      %dma_start3A_85 = tpu.memref_squeeze %dma_start3A_84 : memref<1x79x128xi32, #tpu.memory_space<hbm>> -> memref<79x128xi32, #tpu.memory_space<hbm>>
      tpu.enqueue_dma source(%arg8 : memref<79x128xi32, #tpu.memory_space<vmem>>) target(%dma_start3A_85 : memref<79x128xi32, #tpu.memory_space<hbm>>) target_semaphore(%run_scoped3A : memref<!tpu.dma_semaphore, #tpu.memory_space<semaphore_mem>>)
      %dma_wait3A = arith.constant 0 : i32
      %dma_wait3A_86 = arith.constant 0 : i32
      %dma_wait3A_87 = tpu.memref_slice %arg4[%add3A, %dma_wait3A, %dma_wait3A_86] : memref<32x79x128xi32, #tpu.memory_space<hbm>> -> memref<1x79x128xi32, #tpu.memory_space<hbm>>
      %dma_wait3A_88 = tpu.memref_squeeze %dma_wait3A_87 : memref<1x79x128xi32, #tpu.memory_space<hbm>> -> memref<79x128xi32, #tpu.memory_space<hbm>>
      %dma_wait3A_89 = arith.constant 0 : i32
      %dma_wait3A_90 = arith.constant 0 : i32
      %dma_wait3A_91 = tpu.memref_slice %arg4[%add3A, %dma_wait3A_89, %dma_wait3A_90] : memref<32x79x128xi32, #tpu.memory_space<hbm>> -> memref<1x79x128xi32, #tpu.memory_space<hbm>>
      %dma_wait3A_92 = tpu.memref_squeeze %dma_wait3A_91 : memref<1x79x128xi32, #tpu.memory_space<hbm>> -> memref<79x128xi32, #tpu.memory_space<hbm>>
      tpu.wait_dma2 semaphore(%run_scoped3A : memref<!tpu.dma_semaphore, #tpu.memory_space<semaphore_mem>>) src(%arg8 : memref<79x128xi32, #tpu.memory_space<vmem>>) dst(%dma_wait3A_92 : memref<79x128xi32, #tpu.memory_space<hbm>>)
      tpu.yield
    }) : () -> ()
    %barrier3A = arith.constant 0 : index
    tpu.barrier barrier_id(%barrier3A)
    %scan3A_62 = arith.constant 0 : i32
    %scan3A_63 = arith.constant 0 : i32
    %scan3A_64 = arith.constant 79 : i32
    %scan3A_65 = arith.addi %scan3A_63, %scan3A_64 : i32
    %scan3A_66 = arith.constant 1 : i32
    %scan3A_67 = scf.for %scan3A_79 = %scan3A_63 to %scan3A_65 step %scan3A_66 iter_args(%scan3A_80 = %scan3A_62) -> (i32)  : i32 {
      "tpu.region"() ({
        %run_scoped3A = tpu.sem_alloc : memref<!tpu.dma_semaphore, #tpu.memory_space<semaphore_mem>>
        %dma_start3A = arith.constant 0 : i32
        %dma_start3A_82 = tpu.memref_slice %arg8[%scan3A_79, %dma_start3A] : memref<79x128xi32, #tpu.memory_space<vmem>> -> memref<1x128xi32, #tpu.memory_space<vmem>>
        %dma_start3A_83 = tpu.memref_squeeze %dma_start3A_82 : memref<1x128xi32, #tpu.memory_space<vmem>> -> memref<128xi32, #tpu.memory_space<vmem>>
        %dma_start3A_84 = arith.constant 0 : i32
        %dma_start3A_85 = tpu.memref_slice %arg11[%dma_start3A_84] : memref<10112xf32, #tpu.memory_space<vmem_shared>> -> memref<10112xf32, #tpu.memory_space<vmem_shared>>
        tpu.enqueue_indirect_dma source(%arg10 : memref<128xf32, #tpu.memory_space<vmem>>) target(%dma_start3A_85 : memref<10112xf32, #tpu.memory_space<vmem_shared>>) offsets(%dma_start3A_83 : memref<128xi32, #tpu.memory_space<vmem>>) semaphore(%run_scoped3A : memref<!tpu.dma_semaphore, #tpu.memory_space<semaphore_mem>>) {add = true}
        %dma_wait3A = arith.constant 0 : i32
        %dma_wait3A_86 = tpu.memref_slice %arg8[%scan3A_79, %dma_wait3A] : memref<79x128xi32, #tpu.memory_space<vmem>> -> memref<1x128xi32, #tpu.memory_space<vmem>>
        %dma_wait3A_87 = tpu.memref_squeeze %dma_wait3A_86 : memref<1x128xi32, #tpu.memory_space<vmem>> -> memref<128xi32, #tpu.memory_space<vmem>>
        %dma_wait3A_88 = arith.constant 0 : i32
        %dma_wait3A_89 = tpu.memref_slice %arg11[%dma_wait3A_88] : memref<10112xf32, #tpu.memory_space<vmem_shared>> -> memref<10112xf32, #tpu.memory_space<vmem_shared>>
        tpu.wait_indirect_dma semaphore(%run_scoped3A : memref<!tpu.dma_semaphore, #tpu.memory_space<semaphore_mem>>) src(%arg10 : memref<128xf32, #tpu.memory_space<vmem>>) dst(%dma_wait3A_89 : memref<10112xf32, #tpu.memory_space<vmem_shared>>)
        tpu.yield
      }) : () -> ()
      %scan3A_81 = arith.constant 0 : i32
      scf.yield %scan3A_81 : i32
    }
    %scan3A_68 = arith.constant 79 : i32
    %barrier3A_69 = arith.constant 0 : index
    tpu.barrier barrier_id(%barrier3A_69)
    %mul3A_70 = arith.constant 632 : i32
    %mul3A_71 = arith.muli %arg1, %mul3A_70 : i32
    "tpu.region"() ({
      %run_scoped3A = tpu.sem_alloc : memref<!tpu.dma_semaphore, #tpu.memory_space<semaphore_mem>>
      %dma_start3A = tpu.memref_slice %arg11[%mul3A_71] : memref<10112xf32, #tpu.memory_space<vmem_shared>> -> memref<632xf32, #tpu.memory_space<vmem_shared>>
      %dma_start3A_79 = tpu.memref_slice %arg11[%mul3A_71] : memref<10112xf32, #tpu.memory_space<vmem_shared>> -> memref<632xf32, #tpu.memory_space<vmem_shared>>
      tpu.enqueue_dma source(%dma_start3A_79 : memref<632xf32, #tpu.memory_space<vmem_shared>>) target(%arg9 : memref<632xf32, #tpu.memory_space<vmem>>) target_semaphore(%run_scoped3A : memref<!tpu.dma_semaphore, #tpu.memory_space<semaphore_mem>>)
      %dma_wait3A = tpu.memref_slice %arg11[%mul3A_71] : memref<10112xf32, #tpu.memory_space<vmem_shared>> -> memref<632xf32, #tpu.memory_space<vmem_shared>>
      %dma_wait3A_80 = tpu.memref_slice %arg11[%mul3A_71] : memref<10112xf32, #tpu.memory_space<vmem_shared>> -> memref<632xf32, #tpu.memory_space<vmem_shared>>
      tpu.wait_dma2 semaphore(%run_scoped3A : memref<!tpu.dma_semaphore, #tpu.memory_space<semaphore_mem>>) src(%dma_wait3A_80 : memref<632xf32, #tpu.memory_space<vmem_shared>>) dst(%arg9 : memref<632xf32, #tpu.memory_space<vmem>>)
      tpu.yield
    }) : () -> ()
    %eq3A = arith.constant 0 : i32
    %eq3A_72 = arith.cmpi eq, %arg0, %eq3A : i32
    %convert_element_type3A = arith.extui %eq3A_72 : i1 to i32
    %cond3A = arith.constant 0 : i32
    %cond3A_73 = arith.cmpi ne, %convert_element_type3A, %cond3A : i32
    scf.if %cond3A_73 {
      %mul3A_79 = arith.constant 632 : i32
      %mul3A_80 = arith.muli %arg1, %mul3A_79 : i32
      "tpu.region"() ({
        %run_scoped3A = tpu.sem_alloc : memref<!tpu.dma_semaphore, #tpu.memory_space<semaphore_mem>>
        %dma_start3A = tpu.memref_slice %arg5[%mul3A_80] : memref<10112xf32, #tpu.memory_space<hbm>> -> memref<632xf32, #tpu.memory_space<hbm>>
        %dma_start3A_81 = tpu.memref_slice %arg5[%mul3A_80] : memref<10112xf32, #tpu.memory_space<hbm>> -> memref<632xf32, #tpu.memory_space<hbm>>
        tpu.enqueue_dma source(%arg9 : memref<632xf32, #tpu.memory_space<vmem>>) target(%dma_start3A_81 : memref<632xf32, #tpu.memory_space<hbm>>) target_semaphore(%run_scoped3A : memref<!tpu.dma_semaphore, #tpu.memory_space<semaphore_mem>>)
        %dma_wait3A = tpu.memref_slice %arg5[%mul3A_80] : memref<10112xf32, #tpu.memory_space<hbm>> -> memref<632xf32, #tpu.memory_space<hbm>>
        %dma_wait3A_82 = tpu.memref_slice %arg5[%mul3A_80] : memref<10112xf32, #tpu.memory_space<hbm>> -> memref<632xf32, #tpu.memory_space<hbm>>
        tpu.wait_dma2 semaphore(%run_scoped3A : memref<!tpu.dma_semaphore, #tpu.memory_space<semaphore_mem>>) src(%arg9 : memref<632xf32, #tpu.memory_space<vmem>>) dst(%dma_wait3A_82 : memref<632xf32, #tpu.memory_space<hbm>>)
        tpu.yield
      }) : () -> ()
    } else {
    }
    %eq3A_74 = arith.constant 1 : i32
    %eq3A_75 = arith.cmpi eq, %arg0, %eq3A_74 : i32
    %convert_element_type3A_76 = arith.extui %eq3A_75 : i1 to i32
    %cond3A_77 = arith.constant 0 : i32
    %cond3A_78 = arith.cmpi ne, %convert_element_type3A_76, %cond3A_77 : i32
    scf.if %cond3A_78 {
      %mul3A_79 = arith.constant 632 : i32
      %mul3A_80 = arith.muli %arg1, %mul3A_79 : i32
      "tpu.region"() ({
        %run_scoped3A = tpu.sem_alloc : memref<!tpu.dma_semaphore, #tpu.memory_space<semaphore_mem>>
        %dma_start3A = tpu.memref_slice %arg6[%mul3A_80] : memref<10112xf32, #tpu.memory_space<hbm>> -> memref<632xf32, #tpu.memory_space<hbm>>
        %dma_start3A_81 = tpu.memref_slice %arg6[%mul3A_80] : memref<10112xf32, #tpu.memory_space<hbm>> -> memref<632xf32, #tpu.memory_space<hbm>>
        tpu.enqueue_dma source(%arg9 : memref<632xf32, #tpu.memory_space<vmem>>) target(%dma_start3A_81 : memref<632xf32, #tpu.memory_space<hbm>>) target_semaphore(%run_scoped3A : memref<!tpu.dma_semaphore, #tpu.memory_space<semaphore_mem>>)
        %dma_wait3A = tpu.memref_slice %arg6[%mul3A_80] : memref<10112xf32, #tpu.memory_space<hbm>> -> memref<632xf32, #tpu.memory_space<hbm>>
        %dma_wait3A_82 = tpu.memref_slice %arg6[%mul3A_80] : memref<10112xf32, #tpu.memory_space<hbm>> -> memref<632xf32, #tpu.memory_space<hbm>>
        tpu.wait_dma2 semaphore(%run_scoped3A : memref<!tpu.dma_semaphore, #tpu.memory_space<semaphore_mem>>) src(%arg9 : memref<632xf32, #tpu.memory_space<vmem>>) dst(%dma_wait3A_82 : memref<632xf32, #tpu.memory_space<hbm>>)
        tpu.yield
      }) : () -> ()
    } else {
    }
    return
  }
}

#map = affine_map<(d0, d1) -> (0, 0, 0)>
#map1 = affine_map<(d0, d1) -> (0, 0)>
module attributes {stable_mosaic.version = 14 : i64} {
  func.func @body(%arg0: i32, %arg1: i32, %arg2: memref<16x158x128xi32, #tpu.memory_space<hbm>>, %arg3: memref<16x158x128xi32, #tpu.memory_space<hbm>>, %arg4: memref<10112x64xf32, #tpu.memory_space<hbm>>, %arg5: memref<10112x64xf32, #tpu.memory_space<hbm>>, %arg6: memref<10112x64xf32, #tpu.memory_space<hbm>>, %arg7: memref<10112x64xf32, #tpu.memory_space<hbm>>, %arg8: memref<158x128xi32, #tpu.memory_space<vmem>>, %arg9: memref<158x128xi32, #tpu.memory_space<vmem>>, %arg10: memref<128x64xf32, #tpu.memory_space<vmem>>, %arg11: memref<128x64xf32, #tpu.memory_space<vmem>>, %arg12: memref<158x64xf32, #tpu.memory_space<vmem>>, %arg13: memref<10112x64xf32, #tpu.memory_space<vmem_shared>>, %arg14: memref<!tpu.dma_semaphore, #tpu.memory_space<semaphore_mem>>, %arg15: memref<!tpu.dma_semaphore, #tpu.memory_space<semaphore_mem>>) attributes {dimension_semantics = [#tpu.dimension_semantics<core_parallel>, #tpu.dimension_semantics<subcore_parallel>], iteration_bounds = array<i64: 2, 16>, scalar_prefetch = 0 : i64, scratch_operands = 8 : i64, tpu.core_type = #tpu.core_type<sc_vector_subcore>, window_params = [{transform_indices = #map}, {transform_indices = #map}, {transform_indices = #map1}, {transform_indices = #map1}, {transform_indices = #map1}, {transform_indices = #map1}]} {
    %scan3A = arith.constant 0 : i32
    %scan3A_0 = arith.constant 0 : i32
    %scan3A_1 = arith.constant 158 : i32
    %scan3A_2 = arith.addi %scan3A_0, %scan3A_1 : i32
    %scan3A_3 = arith.constant 1 : i32
    %scan3A_4 = scf.for %scan3A_91 = %scan3A_0 to %scan3A_2 step %scan3A_3 iter_args(%scan3A_92 = %scan3A) -> (i32)  : i32 {
      %broadcast_in_dim3A = arith.constant 0.000000e+00 : f32
      %broadcast_in_dim3A_93 = vector.broadcast %broadcast_in_dim3A : f32 to vector<16xf32>
      %swap3A = arith.index_cast %scan3A_91 : i32 to index
      %swap3A_94 = arith.constant 0 : index
      %swap3A_95 = tpu.vector_load %arg12[%swap3A, %swap3A_94] {strides = array<i32>} : memref<158x64xf32, #tpu.memory_space<vmem>>, vector<1x16xf32>,
      %swap3A_96 = vector.shape_cast %swap3A_95 : vector<1x16xf32> to vector<16xf32>
      %swap3A_97 = vector.shape_cast %broadcast_in_dim3A_93 : vector<16xf32> to vector<1x16xf32>
      tpu.vector_store %arg12[%swap3A, %swap3A_94], %swap3A_97 {strides = array<i32>} : memref<158x64xf32, #tpu.memory_space<vmem>>, vector<1x16xf32>,
      %broadcast_in_dim3A_98 = arith.constant 0.000000e+00 : f32
      %broadcast_in_dim3A_99 = vector.broadcast %broadcast_in_dim3A_98 : f32 to vector<16xf32>
      %swap3A_100 = arith.index_cast %scan3A_91 : i32 to index
      %swap3A_101 = arith.constant 16 : index
      %swap3A_102 = tpu.vector_load %arg12[%swap3A_100, %swap3A_101] {strides = array<i32>} : memref<158x64xf32, #tpu.memory_space<vmem>>, vector<1x16xf32>,
      %swap3A_103 = vector.shape_cast %swap3A_102 : vector<1x16xf32> to vector<16xf32>
      %swap3A_104 = vector.shape_cast %broadcast_in_dim3A_99 : vector<16xf32> to vector<1x16xf32>
      tpu.vector_store %arg12[%swap3A_100, %swap3A_101], %swap3A_104 {strides = array<i32>} : memref<158x64xf32, #tpu.memory_space<vmem>>, vector<1x16xf32>,
      %broadcast_in_dim3A_105 = arith.constant 0.000000e+00 : f32
      %broadcast_in_dim3A_106 = vector.broadcast %broadcast_in_dim3A_105 : f32 to vector<16xf32>
      %swap3A_107 = arith.index_cast %scan3A_91 : i32 to index
      %swap3A_108 = arith.constant 32 : index
      %swap3A_109 = tpu.vector_load %arg12[%swap3A_107, %swap3A_108] {strides = array<i32>} : memref<158x64xf32, #tpu.memory_space<vmem>>, vector<1x16xf32>,
      %swap3A_110 = vector.shape_cast %swap3A_109 : vector<1x16xf32> to vector<16xf32>
      %swap3A_111 = vector.shape_cast %broadcast_in_dim3A_106 : vector<16xf32> to vector<1x16xf32>
      tpu.vector_store %arg12[%swap3A_107, %swap3A_108], %swap3A_111 {strides = array<i32>} : memref<158x64xf32, #tpu.memory_space<vmem>>, vector<1x16xf32>,
      %broadcast_in_dim3A_112 = arith.constant 0.000000e+00 : f32
      %broadcast_in_dim3A_113 = vector.broadcast %broadcast_in_dim3A_112 : f32 to vector<16xf32>
      %swap3A_114 = arith.index_cast %scan3A_91 : i32 to index
      %swap3A_115 = arith.constant 48 : index
      %swap3A_116 = tpu.vector_load %arg12[%swap3A_114, %swap3A_115] {strides = array<i32>} : memref<158x64xf32, #tpu.memory_space<vmem>>, vector<1x16xf32>,
      %swap3A_117 = vector.shape_cast %swap3A_116 : vector<1x16xf32> to vector<16xf32>
      %swap3A_118 = vector.shape_cast %broadcast_in_dim3A_113 : vector<16xf32> to vector<1x16xf32>
      tpu.vector_store %arg12[%swap3A_114, %swap3A_115], %swap3A_118 {strides = array<i32>} : memref<158x64xf32, #tpu.memory_space<vmem>>, vector<1x16xf32>,
      %scan3A_119 = arith.constant 0 : i32
      scf.yield %scan3A_119 : i32
    }
    %scan3A_5 = arith.constant 158 : i32
    %mul3A = arith.constant 632 : i32
    %mul3A_6 = arith.muli %arg1, %mul3A : i32
    %add3A = arith.constant 0 : i32
    %add3A_7 = arith.addi %mul3A_6, %add3A : i32
    "tpu.region"() ({
      %run_scoped3A = tpu.sem_alloc : memref<!tpu.dma_semaphore, #tpu.memory_space<semaphore_mem>>
      %dma_start3A = arith.constant 0 : i32
      %dma_start3A_91 = tpu.memref_slice %arg13[%add3A_7, %dma_start3A] : memref<10112x64xf32, #tpu.memory_space<vmem_shared>> -> memref<158x64xf32, #tpu.memory_space<vmem_shared>>
      %dma_start3A_92 = arith.constant 0 : i32
      %dma_start3A_93 = tpu.memref_slice %arg13[%add3A_7, %dma_start3A_92] : memref<10112x64xf32, #tpu.memory_space<vmem_shared>> -> memref<158x64xf32, #tpu.memory_space<vmem_shared>>
      tpu.enqueue_dma source(%arg12 : memref<158x64xf32, #tpu.memory_space<vmem>>) target(%dma_start3A_93 : memref<158x64xf32, #tpu.memory_space<vmem_shared>>) target_semaphore(%run_scoped3A : memref<!tpu.dma_semaphore, #tpu.memory_space<semaphore_mem>>)
      %dma_wait3A = arith.constant 0 : i32
      %dma_wait3A_94 = tpu.memref_slice %arg13[%add3A_7, %dma_wait3A] : memref<10112x64xf32, #tpu.memory_space<vmem_shared>> -> memref<158x64xf32, #tpu.memory_space<vmem_shared>>
      %dma_wait3A_95 = arith.constant 0 : i32
      %dma_wait3A_96 = tpu.memref_slice %arg13[%add3A_7, %dma_wait3A_95] : memref<10112x64xf32, #tpu.memory_space<vmem_shared>> -> memref<158x64xf32, #tpu.memory_space<vmem_shared>>
      tpu.wait_dma2 semaphore(%run_scoped3A : memref<!tpu.dma_semaphore, #tpu.memory_space<semaphore_mem>>) src(%arg12 : memref<158x64xf32, #tpu.memory_space<vmem>>) dst(%dma_wait3A_96 : memref<158x64xf32, #tpu.memory_space<vmem_shared>>)
      tpu.yield
    }) : () -> ()
    %mul3A_8 = arith.constant 632 : i32
    %mul3A_9 = arith.muli %arg1, %mul3A_8 : i32
    %add3A_10 = arith.constant 158 : i32
    %add3A_11 = arith.addi %mul3A_9, %add3A_10 : i32
    "tpu.region"() ({
      %run_scoped3A = tpu.sem_alloc : memref<!tpu.dma_semaphore, #tpu.memory_space<semaphore_mem>>
      %dma_start3A = arith.constant 0 : i32
      %dma_start3A_91 = tpu.memref_slice %arg13[%add3A_11, %dma_start3A] : memref<10112x64xf32, #tpu.memory_space<vmem_shared>> -> memref<158x64xf32, #tpu.memory_space<vmem_shared>>
      %dma_start3A_92 = arith.constant 0 : i32
      %dma_start3A_93 = tpu.memref_slice %arg13[%add3A_11, %dma_start3A_92] : memref<10112x64xf32, #tpu.memory_space<vmem_shared>> -> memref<158x64xf32, #tpu.memory_space<vmem_shared>>
      tpu.enqueue_dma source(%arg12 : memref<158x64xf32, #tpu.memory_space<vmem>>) target(%dma_start3A_93 : memref<158x64xf32, #tpu.memory_space<vmem_shared>>) target_semaphore(%run_scoped3A : memref<!tpu.dma_semaphore, #tpu.memory_space<semaphore_mem>>)
      %dma_wait3A = arith.constant 0 : i32
      %dma_wait3A_94 = tpu.memref_slice %arg13[%add3A_11, %dma_wait3A] : memref<10112x64xf32, #tpu.memory_space<vmem_shared>> -> memref<158x64xf32, #tpu.memory_space<vmem_shared>>
      %dma_wait3A_95 = arith.constant 0 : i32
      %dma_wait3A_96 = tpu.memref_slice %arg13[%add3A_11, %dma_wait3A_95] : memref<10112x64xf32, #tpu.memory_space<vmem_shared>> -> memref<158x64xf32, #tpu.memory_space<vmem_shared>>
      tpu.wait_dma2 semaphore(%run_scoped3A : memref<!tpu.dma_semaphore, #tpu.memory_space<semaphore_mem>>) src(%arg12 : memref<158x64xf32, #tpu.memory_space<vmem>>) dst(%dma_wait3A_96 : memref<158x64xf32, #tpu.memory_space<vmem_shared>>)
      tpu.yield
    }) : () -> ()
    %mul3A_12 = arith.constant 632 : i32
    %mul3A_13 = arith.muli %arg1, %mul3A_12 : i32
    %add3A_14 = arith.constant 316 : i32
    %add3A_15 = arith.addi %mul3A_13, %add3A_14 : i32
    "tpu.region"() ({
      %run_scoped3A = tpu.sem_alloc : memref<!tpu.dma_semaphore, #tpu.memory_space<semaphore_mem>>
      %dma_start3A = arith.constant 0 : i32
      %dma_start3A_91 = tpu.memref_slice %arg13[%add3A_15, %dma_start3A] : memref<10112x64xf32, #tpu.memory_space<vmem_shared>> -> memref<158x64xf32, #tpu.memory_space<vmem_shared>>
      %dma_start3A_92 = arith.constant 0 : i32
      %dma_start3A_93 = tpu.memref_slice %arg13[%add3A_15, %dma_start3A_92] : memref<10112x64xf32, #tpu.memory_space<vmem_shared>> -> memref<158x64xf32, #tpu.memory_space<vmem_shared>>
      tpu.enqueue_dma source(%arg12 : memref<158x64xf32, #tpu.memory_space<vmem>>) target(%dma_start3A_93 : memref<158x64xf32, #tpu.memory_space<vmem_shared>>) target_semaphore(%run_scoped3A : memref<!tpu.dma_semaphore, #tpu.memory_space<semaphore_mem>>)
      %dma_wait3A = arith.constant 0 : i32
      %dma_wait3A_94 = tpu.memref_slice %arg13[%add3A_15, %dma_wait3A] : memref<10112x64xf32, #tpu.memory_space<vmem_shared>> -> memref<158x64xf32, #tpu.memory_space<vmem_shared>>
      %dma_wait3A_95 = arith.constant 0 : i32
      %dma_wait3A_96 = tpu.memref_slice %arg13[%add3A_15, %dma_wait3A_95] : memref<10112x64xf32, #tpu.memory_space<vmem_shared>> -> memref<158x64xf32, #tpu.memory_space<vmem_shared>>
      tpu.wait_dma2 semaphore(%run_scoped3A : memref<!tpu.dma_semaphore, #tpu.memory_space<semaphore_mem>>) src(%arg12 : memref<158x64xf32, #tpu.memory_space<vmem>>) dst(%dma_wait3A_96 : memref<158x64xf32, #tpu.memory_space<vmem_shared>>)
      tpu.yield
    }) : () -> ()
    %mul3A_16 = arith.constant 632 : i32
    %mul3A_17 = arith.muli %arg1, %mul3A_16 : i32
    %add3A_18 = arith.constant 474 : i32
    %add3A_19 = arith.addi %mul3A_17, %add3A_18 : i32
    "tpu.region"() ({
      %run_scoped3A = tpu.sem_alloc : memref<!tpu.dma_semaphore, #tpu.memory_space<semaphore_mem>>
      %dma_start3A = arith.constant 0 : i32
      %dma_start3A_91 = tpu.memref_slice %arg13[%add3A_19, %dma_start3A] : memref<10112x64xf32, #tpu.memory_space<vmem_shared>> -> memref<158x64xf32, #tpu.memory_space<vmem_shared>>
      %dma_start3A_92 = arith.constant 0 : i32
      %dma_start3A_93 = tpu.memref_slice %arg13[%add3A_19, %dma_start3A_92] : memref<10112x64xf32, #tpu.memory_space<vmem_shared>> -> memref<158x64xf32, #tpu.memory_space<vmem_shared>>
      tpu.enqueue_dma source(%arg12 : memref<158x64xf32, #tpu.memory_space<vmem>>) target(%dma_start3A_93 : memref<158x64xf32, #tpu.memory_space<vmem_shared>>) target_semaphore(%run_scoped3A : memref<!tpu.dma_semaphore, #tpu.memory_space<semaphore_mem>>)
      %dma_wait3A = arith.constant 0 : i32
      %dma_wait3A_94 = tpu.memref_slice %arg13[%add3A_19, %dma_wait3A] : memref<10112x64xf32, #tpu.memory_space<vmem_shared>> -> memref<158x64xf32, #tpu.memory_space<vmem_shared>>
      %dma_wait3A_95 = arith.constant 0 : i32
      %dma_wait3A_96 = tpu.memref_slice %arg13[%add3A_19, %dma_wait3A_95] : memref<10112x64xf32, #tpu.memory_space<vmem_shared>> -> memref<158x64xf32, #tpu.memory_space<vmem_shared>>
      tpu.wait_dma2 semaphore(%run_scoped3A : memref<!tpu.dma_semaphore, #tpu.memory_space<semaphore_mem>>) src(%arg12 : memref<158x64xf32, #tpu.memory_space<vmem>>) dst(%dma_wait3A_96 : memref<158x64xf32, #tpu.memory_space<vmem_shared>>)
      tpu.yield
    }) : () -> ()
    "tpu.region"() ({
      %run_scoped3A = tpu.sem_alloc : memref<!tpu.dma_semaphore, #tpu.memory_space<semaphore_mem>>
      %dma_start3A = arith.constant 0 : i32
      %dma_start3A_91 = arith.constant 0 : i32
      %dma_start3A_92 = tpu.memref_slice %arg2[%arg1, %dma_start3A, %dma_start3A_91] : memref<16x158x128xi32, #tpu.memory_space<hbm>> -> memref<1x158x128xi32, #tpu.memory_space<hbm>>
      %dma_start3A_93 = tpu.memref_squeeze %dma_start3A_92 : memref<1x158x128xi32, #tpu.memory_space<hbm>> -> memref<158x128xi32, #tpu.memory_space<hbm>>
      %dma_start3A_94 = arith.constant 0 : i32
      %dma_start3A_95 = arith.constant 0 : i32
      %dma_start3A_96 = tpu.memref_slice %arg2[%arg1, %dma_start3A_94, %dma_start3A_95] : memref<16x158x128xi32, #tpu.memory_space<hbm>> -> memref<1x158x128xi32, #tpu.memory_space<hbm>>
      %dma_start3A_97 = tpu.memref_squeeze %dma_start3A_96 : memref<1x158x128xi32, #tpu.memory_space<hbm>> -> memref<158x128xi32, #tpu.memory_space<hbm>>
      tpu.enqueue_dma source(%dma_start3A_97 : memref<158x128xi32, #tpu.memory_space<hbm>>) target(%arg8 : memref<158x128xi32, #tpu.memory_space<vmem>>) target_semaphore(%run_scoped3A : memref<!tpu.dma_semaphore, #tpu.memory_space<semaphore_mem>>)
      %dma_wait3A = arith.constant 0 : i32
      %dma_wait3A_98 = arith.constant 0 : i32
      %dma_wait3A_99 = tpu.memref_slice %arg2[%arg1, %dma_wait3A, %dma_wait3A_98] : memref<16x158x128xi32, #tpu.memory_space<hbm>> -> memref<1x158x128xi32, #tpu.memory_space<hbm>>
      %dma_wait3A_100 = tpu.memref_squeeze %dma_wait3A_99 : memref<1x158x128xi32, #tpu.memory_space<hbm>> -> memref<158x128xi32, #tpu.memory_space<hbm>>
      %dma_wait3A_101 = arith.constant 0 : i32
      %dma_wait3A_102 = arith.constant 0 : i32
      %dma_wait3A_103 = tpu.memref_slice %arg2[%arg1, %dma_wait3A_101, %dma_wait3A_102] : memref<16x158x128xi32, #tpu.memory_space<hbm>> -> memref<1x158x128xi32, #tpu.memory_space<hbm>>
      %dma_wait3A_104 = tpu.memref_squeeze %dma_wait3A_103 : memref<1x158x128xi32, #tpu.memory_space<hbm>> -> memref<158x128xi32, #tpu.memory_space<hbm>>
      tpu.wait_dma2 semaphore(%run_scoped3A : memref<!tpu.dma_semaphore, #tpu.memory_space<semaphore_mem>>) src(%dma_wait3A_104 : memref<158x128xi32, #tpu.memory_space<hbm>>) dst(%arg8 : memref<158x128xi32, #tpu.memory_space<vmem>>)
      tpu.yield
    }) : () -> ()
    "tpu.region"() ({
      %run_scoped3A = tpu.sem_alloc : memref<!tpu.dma_semaphore, #tpu.memory_space<semaphore_mem>>
      %dma_start3A = arith.constant 0 : i32
      %dma_start3A_91 = arith.constant 0 : i32
      %dma_start3A_92 = tpu.memref_slice %arg3[%arg1, %dma_start3A, %dma_start3A_91] : memref<16x158x128xi32, #tpu.memory_space<hbm>> -> memref<1x158x128xi32, #tpu.memory_space<hbm>>
      %dma_start3A_93 = tpu.memref_squeeze %dma_start3A_92 : memref<1x158x128xi32, #tpu.memory_space<hbm>> -> memref<158x128xi32, #tpu.memory_space<hbm>>
      %dma_start3A_94 = arith.constant 0 : i32
      %dma_start3A_95 = arith.constant 0 : i32
      %dma_start3A_96 = tpu.memref_slice %arg3[%arg1, %dma_start3A_94, %dma_start3A_95] : memref<16x158x128xi32, #tpu.memory_space<hbm>> -> memref<1x158x128xi32, #tpu.memory_space<hbm>>
      %dma_start3A_97 = tpu.memref_squeeze %dma_start3A_96 : memref<1x158x128xi32, #tpu.memory_space<hbm>> -> memref<158x128xi32, #tpu.memory_space<hbm>>
      tpu.enqueue_dma source(%dma_start3A_97 : memref<158x128xi32, #tpu.memory_space<hbm>>) target(%arg9 : memref<158x128xi32, #tpu.memory_space<vmem>>) target_semaphore(%run_scoped3A : memref<!tpu.dma_semaphore, #tpu.memory_space<semaphore_mem>>)
      %dma_wait3A = arith.constant 0 : i32
      %dma_wait3A_98 = arith.constant 0 : i32
      %dma_wait3A_99 = tpu.memref_slice %arg3[%arg1, %dma_wait3A, %dma_wait3A_98] : memref<16x158x128xi32, #tpu.memory_space<hbm>> -> memref<1x158x128xi32, #tpu.memory_space<hbm>>
      %dma_wait3A_100 = tpu.memref_squeeze %dma_wait3A_99 : memref<1x158x128xi32, #tpu.memory_space<hbm>> -> memref<158x128xi32, #tpu.memory_space<hbm>>
      %dma_wait3A_101 = arith.constant 0 : i32
      %dma_wait3A_102 = arith.constant 0 : i32
      %dma_wait3A_103 = tpu.memref_slice %arg3[%arg1, %dma_wait3A_101, %dma_wait3A_102] : memref<16x158x128xi32, #tpu.memory_space<hbm>> -> memref<1x158x128xi32, #tpu.memory_space<hbm>>
      %dma_wait3A_104 = tpu.memref_squeeze %dma_wait3A_103 : memref<1x158x128xi32, #tpu.memory_space<hbm>> -> memref<158x128xi32, #tpu.memory_space<hbm>>
      tpu.wait_dma2 semaphore(%run_scoped3A : memref<!tpu.dma_semaphore, #tpu.memory_space<semaphore_mem>>) src(%dma_wait3A_104 : memref<158x128xi32, #tpu.memory_space<hbm>>) dst(%arg9 : memref<158x128xi32, #tpu.memory_space<vmem>>)
      tpu.yield
    }) : () -> ()
    %barrier3A = arith.constant 0 : index
    tpu.barrier barrier_id(%barrier3A)
    %eq3A = arith.constant 0 : i32
    %eq3A_20 = arith.cmpi eq, %arg0, %eq3A : i32
    %convert_element_type3A = arith.extui %eq3A_20 : i1 to i32
    %cond3A = arith.constant 0 : i32
    %cond3A_21 = arith.cmpi ne, %convert_element_type3A, %cond3A : i32
    scf.if %cond3A_21 {
      %dma_start3A = arith.constant 0 : i32
      %dma_start3A_91 = arith.constant 0 : i32
      %dma_start3A_92 = tpu.memref_slice %arg8[%dma_start3A, %dma_start3A_91] : memref<158x128xi32, #tpu.memory_space<vmem>> -> memref<1x128xi32, #tpu.memory_space<vmem>>
      %dma_start3A_93 = tpu.memref_squeeze %dma_start3A_92 : memref<1x128xi32, #tpu.memory_space<vmem>> -> memref<128xi32, #tpu.memory_space<vmem>>
      %dma_start3A_94 = arith.constant 0 : i32
      %dma_start3A_95 = arith.constant 0 : i32
      %dma_start3A_96 = tpu.memref_slice %arg4[%dma_start3A_94, %dma_start3A_95] : memref<10112x64xf32, #tpu.memory_space<hbm>> -> memref<10112x64xf32, #tpu.memory_space<hbm>>
      tpu.enqueue_indirect_dma source(%dma_start3A_96 : memref<10112x64xf32, #tpu.memory_space<hbm>>) target(%arg10 : memref<128x64xf32, #tpu.memory_space<vmem>>) offsets(%dma_start3A_93 : memref<128xi32, #tpu.memory_space<vmem>>) semaphore(%arg14 : memref<!tpu.dma_semaphore, #tpu.memory_space<semaphore_mem>>)
    } else {
    }
    %eq3A_22 = arith.constant 1 : i32
    %eq3A_23 = arith.cmpi eq, %arg0, %eq3A_22 : i32
    %convert_element_type3A_24 = arith.extui %eq3A_23 : i1 to i32
    %cond3A_25 = arith.constant 0 : i32
    %cond3A_26 = arith.cmpi ne, %convert_element_type3A_24, %cond3A_25 : i32
    scf.if %cond3A_26 {
      %dma_start3A = arith.constant 0 : i32
      %dma_start3A_91 = arith.constant 0 : i32
      %dma_start3A_92 = tpu.memref_slice %arg8[%dma_start3A, %dma_start3A_91] : memref<158x128xi32, #tpu.memory_space<vmem>> -> memref<1x128xi32, #tpu.memory_space<vmem>>
      %dma_start3A_93 = tpu.memref_squeeze %dma_start3A_92 : memref<1x128xi32, #tpu.memory_space<vmem>> -> memref<128xi32, #tpu.memory_space<vmem>>
      %dma_start3A_94 = arith.constant 0 : i32
      %dma_start3A_95 = arith.constant 0 : i32
      %dma_start3A_96 = tpu.memref_slice %arg5[%dma_start3A_94, %dma_start3A_95] : memref<10112x64xf32, #tpu.memory_space<hbm>> -> memref<10112x64xf32, #tpu.memory_space<hbm>>
      tpu.enqueue_indirect_dma source(%dma_start3A_96 : memref<10112x64xf32, #tpu.memory_space<hbm>>) target(%arg10 : memref<128x64xf32, #tpu.memory_space<vmem>>) offsets(%dma_start3A_93 : memref<128xi32, #tpu.memory_space<vmem>>) semaphore(%arg14 : memref<!tpu.dma_semaphore, #tpu.memory_space<semaphore_mem>>)
    } else {
    }
    %scan3A_27 = arith.constant 0 : i32
    %scan3A_28 = arith.constant 0 : i32
    %scan3A_29 = arith.constant 79 : i32
    %scan3A_30 = arith.addi %scan3A_28, %scan3A_29 : i32
    %scan3A_31 = arith.constant 1 : i32
    %scan3A_32 = scf.for %scan3A_91 = %scan3A_28 to %scan3A_30 step %scan3A_31 iter_args(%scan3A_92 = %scan3A_27) -> (i32)  : i32 {
      %mul3A_93 = arith.constant 2 : i32
      %mul3A_94 = arith.muli %mul3A_93, %scan3A_91 : i32
      %add3A_95 = arith.constant 1 : i32
      %add3A_96 = arith.addi %mul3A_94, %add3A_95 : i32
      %lt3A = arith.constant 158 : i32
      %lt3A_97 = arith.cmpi slt, %add3A_96, %lt3A : i32
      %convert_element_type3A_98 = arith.extui %lt3A_97 : i1 to i32
      %cond3A_99 = arith.constant 0 : i32
      %cond3A_100 = arith.cmpi ne, %convert_element_type3A_98, %cond3A_99 : i32
      scf.if %cond3A_100 {
        %add3A_124 = arith.constant 1 : i32
        %add3A_125 = arith.addi %mul3A_94, %add3A_124 : i32
        %eq3A_126 = arith.constant 0 : i32
        %eq3A_127 = arith.cmpi eq, %arg0, %eq3A_126 : i32
        %convert_element_type3A_128 = arith.extui %eq3A_127 : i1 to i32
        %cond3A_129 = arith.constant 0 : i32
        %cond3A_130 = arith.cmpi ne, %convert_element_type3A_128, %cond3A_129 : i32
        scf.if %cond3A_130 {
          %dma_start3A = arith.constant 0 : i32
          %dma_start3A_136 = tpu.memref_slice %arg8[%add3A_125, %dma_start3A] : memref<158x128xi32, #tpu.memory_space<vmem>> -> memref<1x128xi32, #tpu.memory_space<vmem>>
          %dma_start3A_137 = tpu.memref_squeeze %dma_start3A_136 : memref<1x128xi32, #tpu.memory_space<vmem>> -> memref<128xi32, #tpu.memory_space<vmem>>
          %dma_start3A_138 = arith.constant 0 : i32
          %dma_start3A_139 = arith.constant 0 : i32
          %dma_start3A_140 = tpu.memref_slice %arg4[%dma_start3A_138, %dma_start3A_139] : memref<10112x64xf32, #tpu.memory_space<hbm>> -> memref<10112x64xf32, #tpu.memory_space<hbm>>
          tpu.enqueue_indirect_dma source(%dma_start3A_140 : memref<10112x64xf32, #tpu.memory_space<hbm>>) target(%arg11 : memref<128x64xf32, #tpu.memory_space<vmem>>) offsets(%dma_start3A_137 : memref<128xi32, #tpu.memory_space<vmem>>) semaphore(%arg15 : memref<!tpu.dma_semaphore, #tpu.memory_space<semaphore_mem>>)
        } else {
        }
        %eq3A_131 = arith.constant 1 : i32
        %eq3A_132 = arith.cmpi eq, %arg0, %eq3A_131 : i32
        %convert_element_type3A_133 = arith.extui %eq3A_132 : i1 to i32
        %cond3A_134 = arith.constant 0 : i32
        %cond3A_135 = arith.cmpi ne, %convert_element_type3A_133, %cond3A_134 : i32
        scf.if %cond3A_135 {
          %dma_start3A = arith.constant 0 : i32
          %dma_start3A_136 = tpu.memref_slice %arg8[%add3A_125, %dma_start3A] : memref<158x128xi32, #tpu.memory_space<vmem>> -> memref<1x128xi32, #tpu.memory_space<vmem>>
          %dma_start3A_137 = tpu.memref_squeeze %dma_start3A_136 : memref<1x128xi32, #tpu.memory_space<vmem>> -> memref<128xi32, #tpu.memory_space<vmem>>
          %dma_start3A_138 = arith.constant 0 : i32
          %dma_start3A_139 = arith.constant 0 : i32
          %dma_start3A_140 = tpu.memref_slice %arg5[%dma_start3A_138, %dma_start3A_139] : memref<10112x64xf32, #tpu.memory_space<hbm>> -> memref<10112x64xf32, #tpu.memory_space<hbm>>
          tpu.enqueue_indirect_dma source(%dma_start3A_140 : memref<10112x64xf32, #tpu.memory_space<hbm>>) target(%arg11 : memref<128x64xf32, #tpu.memory_space<vmem>>) offsets(%dma_start3A_137 : memref<128xi32, #tpu.memory_space<vmem>>) semaphore(%arg15 : memref<!tpu.dma_semaphore, #tpu.memory_space<semaphore_mem>>)
        } else {
        }
      } else {
      }
      %dma_wait3A = arith.constant 0 : i32
      %dma_wait3A_101 = arith.constant 0 : i32
      %dma_wait3A_102 = tpu.memref_slice %arg4[%dma_wait3A, %dma_wait3A_101] : memref<10112x64xf32, #tpu.memory_space<hbm>> -> memref<128x64xf32, #tpu.memory_space<hbm>>
      %dma_wait3A_103 = arith.constant 0 : i32
      %dma_wait3A_104 = arith.constant 0 : i32
      %dma_wait3A_105 = tpu.memref_slice %arg4[%dma_wait3A_103, %dma_wait3A_104] : memref<10112x64xf32, #tpu.memory_space<hbm>> -> memref<128x64xf32, #tpu.memory_space<hbm>>
      tpu.wait_dma2 semaphore(%arg14 : memref<!tpu.dma_semaphore, #tpu.memory_space<semaphore_mem>>) src(%dma_wait3A_105 : memref<128x64xf32, #tpu.memory_space<hbm>>) dst(%arg10 : memref<128x64xf32, #tpu.memory_space<vmem>>)
      "tpu.region"() ({
        %run_scoped3A = tpu.sem_alloc : memref<!tpu.dma_semaphore, #tpu.memory_space<semaphore_mem>>
        %dma_start3A = arith.constant 0 : i32
        %dma_start3A_124 = tpu.memref_slice %arg9[%mul3A_94, %dma_start3A] : memref<158x128xi32, #tpu.memory_space<vmem>> -> memref<1x128xi32, #tpu.memory_space<vmem>>
        %dma_start3A_125 = tpu.memref_squeeze %dma_start3A_124 : memref<1x128xi32, #tpu.memory_space<vmem>> -> memref<128xi32, #tpu.memory_space<vmem>>
        %dma_start3A_126 = arith.constant 0 : i32
        %dma_start3A_127 = arith.constant 0 : i32
        %dma_start3A_128 = tpu.memref_slice %arg13[%dma_start3A_126, %dma_start3A_127] : memref<10112x64xf32, #tpu.memory_space<vmem_shared>> -> memref<10112x64xf32, #tpu.memory_space<vmem_shared>>
        tpu.enqueue_indirect_dma source(%arg10 : memref<128x64xf32, #tpu.memory_space<vmem>>) target(%dma_start3A_128 : memref<10112x64xf32, #tpu.memory_space<vmem_shared>>) offsets(%dma_start3A_125 : memref<128xi32, #tpu.memory_space<vmem>>) semaphore(%run_scoped3A : memref<!tpu.dma_semaphore, #tpu.memory_space<semaphore_mem>>) {add = true}
        %dma_wait3A_129 = arith.constant 0 : i32
        %dma_wait3A_130 = tpu.memref_slice %arg9[%mul3A_94, %dma_wait3A_129] : memref<158x128xi32, #tpu.memory_space<vmem>> -> memref<1x128xi32, #tpu.memory_space<vmem>>
        %dma_wait3A_131 = tpu.memref_squeeze %dma_wait3A_130 : memref<1x128xi32, #tpu.memory_space<vmem>> -> memref<128xi32, #tpu.memory_space<vmem>>
        %dma_wait3A_132 = arith.constant 0 : i32
        %dma_wait3A_133 = arith.constant 0 : i32
        %dma_wait3A_134 = tpu.memref_slice %arg13[%dma_wait3A_132, %dma_wait3A_133] : memref<10112x64xf32, #tpu.memory_space<vmem_shared>> -> memref<10112x64xf32, #tpu.memory_space<vmem_shared>>
        tpu.wait_indirect_dma semaphore(%run_scoped3A : memref<!tpu.dma_semaphore, #tpu.memory_space<semaphore_mem>>) src(%arg10 : memref<128x64xf32, #tpu.memory_space<vmem>>) dst(%dma_wait3A_134 : memref<10112x64xf32, #tpu.memory_space<vmem_shared>>)
        tpu.yield
      }) : () -> ()
      %mul3A_106 = arith.constant 2 : i32
      %mul3A_107 = arith.muli %mul3A_106, %scan3A_91 : i32
      %add3A_108 = arith.constant 1 : i32
      %add3A_109 = arith.addi %mul3A_107, %add3A_108 : i32
      %add3A_110 = arith.constant 1 : i32
      %add3A_111 = arith.addi %add3A_109, %add3A_110 : i32
      %lt3A_112 = arith.constant 158 : i32
      %lt3A_113 = arith.cmpi slt, %add3A_111, %lt3A_112 : i32
      %convert_element_type3A_114 = arith.extui %lt3A_113 : i1 to i32
      %cond3A_115 = arith.constant 0 : i32
      %cond3A_116 = arith.cmpi ne, %convert_element_type3A_114, %cond3A_115 : i32
      scf.if %cond3A_116 {
        %add3A_124 = arith.constant 1 : i32
        %add3A_125 = arith.addi %add3A_109, %add3A_124 : i32
        %eq3A_126 = arith.constant 0 : i32
        %eq3A_127 = arith.cmpi eq, %arg0, %eq3A_126 : i32
        %convert_element_type3A_128 = arith.extui %eq3A_127 : i1 to i32
        %cond3A_129 = arith.constant 0 : i32
        %cond3A_130 = arith.cmpi ne, %convert_element_type3A_128, %cond3A_129 : i32
        scf.if %cond3A_130 {
          %dma_start3A = arith.constant 0 : i32
          %dma_start3A_136 = tpu.memref_slice %arg8[%add3A_125, %dma_start3A] : memref<158x128xi32, #tpu.memory_space<vmem>> -> memref<1x128xi32, #tpu.memory_space<vmem>>
          %dma_start3A_137 = tpu.memref_squeeze %dma_start3A_136 : memref<1x128xi32, #tpu.memory_space<vmem>> -> memref<128xi32, #tpu.memory_space<vmem>>
          %dma_start3A_138 = arith.constant 0 : i32
          %dma_start3A_139 = arith.constant 0 : i32
          %dma_start3A_140 = tpu.memref_slice %arg4[%dma_start3A_138, %dma_start3A_139] : memref<10112x64xf32, #tpu.memory_space<hbm>> -> memref<10112x64xf32, #tpu.memory_space<hbm>>
          tpu.enqueue_indirect_dma source(%dma_start3A_140 : memref<10112x64xf32, #tpu.memory_space<hbm>>) target(%arg10 : memref<128x64xf32, #tpu.memory_space<vmem>>) offsets(%dma_start3A_137 : memref<128xi32, #tpu.memory_space<vmem>>) semaphore(%arg14 : memref<!tpu.dma_semaphore, #tpu.memory_space<semaphore_mem>>)
        } else {
        }
        %eq3A_131 = arith.constant 1 : i32
        %eq3A_132 = arith.cmpi eq, %arg0, %eq3A_131 : i32
        %convert_element_type3A_133 = arith.extui %eq3A_132 : i1 to i32
        %cond3A_134 = arith.constant 0 : i32
        %cond3A_135 = arith.cmpi ne, %convert_element_type3A_133, %cond3A_134 : i32
        scf.if %cond3A_135 {
          %dma_start3A = arith.constant 0 : i32
          %dma_start3A_136 = tpu.memref_slice %arg8[%add3A_125, %dma_start3A] : memref<158x128xi32, #tpu.memory_space<vmem>> -> memref<1x128xi32, #tpu.memory_space<vmem>>
          %dma_start3A_137 = tpu.memref_squeeze %dma_start3A_136 : memref<1x128xi32, #tpu.memory_space<vmem>> -> memref<128xi32, #tpu.memory_space<vmem>>
          %dma_start3A_138 = arith.constant 0 : i32
          %dma_start3A_139 = arith.constant 0 : i32
          %dma_start3A_140 = tpu.memref_slice %arg5[%dma_start3A_138, %dma_start3A_139] : memref<10112x64xf32, #tpu.memory_space<hbm>> -> memref<10112x64xf32, #tpu.memory_space<hbm>>
          tpu.enqueue_indirect_dma source(%dma_start3A_140 : memref<10112x64xf32, #tpu.memory_space<hbm>>) target(%arg10 : memref<128x64xf32, #tpu.memory_space<vmem>>) offsets(%dma_start3A_137 : memref<128xi32, #tpu.memory_space<vmem>>) semaphore(%arg14 : memref<!tpu.dma_semaphore, #tpu.memory_space<semaphore_mem>>)
        } else {
        }
      } else {
      }
      %dma_wait3A_117 = arith.constant 0 : i32
      %dma_wait3A_118 = arith.constant 0 : i32
      %dma_wait3A_119 = tpu.memref_slice %arg4[%dma_wait3A_117, %dma_wait3A_118] : memref<10112x64xf32, #tpu.memory_space<hbm>> -> memref<128x64xf32, #tpu.memory_space<hbm>>
      %dma_wait3A_120 = arith.constant 0 : i32
      %dma_wait3A_121 = arith.constant 0 : i32
      %dma_wait3A_122 = tpu.memref_slice %arg4[%dma_wait3A_120, %dma_wait3A_121] : memref<10112x64xf32, #tpu.memory_space<hbm>> -> memref<128x64xf32, #tpu.memory_space<hbm>>
      tpu.wait_dma2 semaphore(%arg15 : memref<!tpu.dma_semaphore, #tpu.memory_space<semaphore_mem>>) src(%dma_wait3A_122 : memref<128x64xf32, #tpu.memory_space<hbm>>) dst(%arg10 : memref<128x64xf32, #tpu.memory_space<vmem>>)
      "tpu.region"() ({
        %run_scoped3A = tpu.sem_alloc : memref<!tpu.dma_semaphore, #tpu.memory_space<semaphore_mem>>
        %dma_start3A = arith.constant 0 : i32
        %dma_start3A_124 = tpu.memref_slice %arg9[%add3A_109, %dma_start3A] : memref<158x128xi32, #tpu.memory_space<vmem>> -> memref<1x128xi32, #tpu.memory_space<vmem>>
        %dma_start3A_125 = tpu.memref_squeeze %dma_start3A_124 : memref<1x128xi32, #tpu.memory_space<vmem>> -> memref<128xi32, #tpu.memory_space<vmem>>
        %dma_start3A_126 = arith.constant 0 : i32
        %dma_start3A_127 = arith.constant 0 : i32
        %dma_start3A_128 = tpu.memref_slice %arg13[%dma_start3A_126, %dma_start3A_127] : memref<10112x64xf32, #tpu.memory_space<vmem_shared>> -> memref<10112x64xf32, #tpu.memory_space<vmem_shared>>
        tpu.enqueue_indirect_dma source(%arg11 : memref<128x64xf32, #tpu.memory_space<vmem>>) target(%dma_start3A_128 : memref<10112x64xf32, #tpu.memory_space<vmem_shared>>) offsets(%dma_start3A_125 : memref<128xi32, #tpu.memory_space<vmem>>) semaphore(%run_scoped3A : memref<!tpu.dma_semaphore, #tpu.memory_space<semaphore_mem>>) {add = true}
        %dma_wait3A_129 = arith.constant 0 : i32
        %dma_wait3A_130 = tpu.memref_slice %arg9[%add3A_109, %dma_wait3A_129] : memref<158x128xi32, #tpu.memory_space<vmem>> -> memref<1x128xi32, #tpu.memory_space<vmem>>
        %dma_wait3A_131 = tpu.memref_squeeze %dma_wait3A_130 : memref<1x128xi32, #tpu.memory_space<vmem>> -> memref<128xi32, #tpu.memory_space<vmem>>
        %dma_wait3A_132 = arith.constant 0 : i32
        %dma_wait3A_133 = arith.constant 0 : i32
        %dma_wait3A_134 = tpu.memref_slice %arg13[%dma_wait3A_132, %dma_wait3A_133] : memref<10112x64xf32, #tpu.memory_space<vmem_shared>> -> memref<10112x64xf32, #tpu.memory_space<vmem_shared>>
        tpu.wait_indirect_dma semaphore(%run_scoped3A : memref<!tpu.dma_semaphore, #tpu.memory_space<semaphore_mem>>) src(%arg11 : memref<128x64xf32, #tpu.memory_space<vmem>>) dst(%dma_wait3A_134 : memref<10112x64xf32, #tpu.memory_space<vmem_shared>>)
        tpu.yield
      }) : () -> ()
      %scan3A_123 = arith.constant 0 : i32
      scf.yield %scan3A_123 : i32
    }
    %scan3A_33 = arith.constant 79 : i32
    %barrier3A_34 = arith.constant 0 : index
    tpu.barrier barrier_id(%barrier3A_34)
    %mul3A_35 = arith.constant 632 : i32
    %mul3A_36 = arith.muli %arg1, %mul3A_35 : i32
    %add3A_37 = arith.constant 0 : i32
    %add3A_38 = arith.addi %mul3A_36, %add3A_37 : i32
    "tpu.region"() ({
      %run_scoped3A = tpu.sem_alloc : memref<!tpu.dma_semaphore, #tpu.memory_space<semaphore_mem>>
      %dma_start3A = arith.constant 0 : i32
      %dma_start3A_91 = tpu.memref_slice %arg13[%add3A_38, %dma_start3A] : memref<10112x64xf32, #tpu.memory_space<vmem_shared>> -> memref<158x64xf32, #tpu.memory_space<vmem_shared>>
      %dma_start3A_92 = arith.constant 0 : i32
      %dma_start3A_93 = tpu.memref_slice %arg13[%add3A_38, %dma_start3A_92] : memref<10112x64xf32, #tpu.memory_space<vmem_shared>> -> memref<158x64xf32, #tpu.memory_space<vmem_shared>>
      tpu.enqueue_dma source(%dma_start3A_93 : memref<158x64xf32, #tpu.memory_space<vmem_shared>>) target(%arg12 : memref<158x64xf32, #tpu.memory_space<vmem>>) target_semaphore(%run_scoped3A : memref<!tpu.dma_semaphore, #tpu.memory_space<semaphore_mem>>)
      %dma_wait3A = arith.constant 0 : i32
      %dma_wait3A_94 = tpu.memref_slice %arg13[%add3A_38, %dma_wait3A] : memref<10112x64xf32, #tpu.memory_space<vmem_shared>> -> memref<158x64xf32, #tpu.memory_space<vmem_shared>>
      %dma_wait3A_95 = arith.constant 0 : i32
      %dma_wait3A_96 = tpu.memref_slice %arg13[%add3A_38, %dma_wait3A_95] : memref<10112x64xf32, #tpu.memory_space<vmem_shared>> -> memref<158x64xf32, #tpu.memory_space<vmem_shared>>
      tpu.wait_dma2 semaphore(%run_scoped3A : memref<!tpu.dma_semaphore, #tpu.memory_space<semaphore_mem>>) src(%dma_wait3A_96 : memref<158x64xf32, #tpu.memory_space<vmem_shared>>) dst(%arg12 : memref<158x64xf32, #tpu.memory_space<vmem>>)
      tpu.yield
    }) : () -> ()
    %eq3A_39 = arith.constant 0 : i32
    %eq3A_40 = arith.cmpi eq, %arg0, %eq3A_39 : i32
    %convert_element_type3A_41 = arith.extui %eq3A_40 : i1 to i32
    %cond3A_42 = arith.constant 0 : i32
    %cond3A_43 = arith.cmpi ne, %convert_element_type3A_41, %cond3A_42 : i32
    scf.if %cond3A_43 {
      %mul3A_91 = arith.constant 632 : i32
      %mul3A_92 = arith.muli %arg1, %mul3A_91 : i32
      %add3A_93 = arith.constant 0 : i32
      %add3A_94 = arith.addi %mul3A_92, %add3A_93 : i32
      "tpu.region"() ({
        %run_scoped3A = tpu.sem_alloc : memref<!tpu.dma_semaphore, #tpu.memory_space<semaphore_mem>>
        %dma_start3A = arith.constant 0 : i32
        %dma_start3A_95 = tpu.memref_slice %arg6[%add3A_94, %dma_start3A] : memref<10112x64xf32, #tpu.memory_space<hbm>> -> memref<158x64xf32, #tpu.memory_space<hbm>>
        %dma_start3A_96 = arith.constant 0 : i32
        %dma_start3A_97 = tpu.memref_slice %arg6[%add3A_94, %dma_start3A_96] : memref<10112x64xf32, #tpu.memory_space<hbm>> -> memref<158x64xf32, #tpu.memory_space<hbm>>
        tpu.enqueue_dma source(%arg12 : memref<158x64xf32, #tpu.memory_space<vmem>>) target(%dma_start3A_97 : memref<158x64xf32, #tpu.memory_space<hbm>>) target_semaphore(%run_scoped3A : memref<!tpu.dma_semaphore, #tpu.memory_space<semaphore_mem>>)
        %dma_wait3A = arith.constant 0 : i32
        %dma_wait3A_98 = tpu.memref_slice %arg6[%add3A_94, %dma_wait3A] : memref<10112x64xf32, #tpu.memory_space<hbm>> -> memref<158x64xf32, #tpu.memory_space<hbm>>
        %dma_wait3A_99 = arith.constant 0 : i32
        %dma_wait3A_100 = tpu.memref_slice %arg6[%add3A_94, %dma_wait3A_99] : memref<10112x64xf32, #tpu.memory_space<hbm>> -> memref<158x64xf32, #tpu.memory_space<hbm>>
        tpu.wait_dma2 semaphore(%run_scoped3A : memref<!tpu.dma_semaphore, #tpu.memory_space<semaphore_mem>>) src(%arg12 : memref<158x64xf32, #tpu.memory_space<vmem>>) dst(%dma_wait3A_100 : memref<158x64xf32, #tpu.memory_space<hbm>>)
        tpu.yield
      }) : () -> ()
    } else {
    }
    %eq3A_44 = arith.constant 1 : i32
    %eq3A_45 = arith.cmpi eq, %arg0, %eq3A_44 : i32
    %convert_element_type3A_46 = arith.extui %eq3A_45 : i1 to i32
    %cond3A_47 = arith.constant 0 : i32
    %cond3A_48 = arith.cmpi ne, %convert_element_type3A_46, %cond3A_47 : i32
    scf.if %cond3A_48 {
      %mul3A_91 = arith.constant 632 : i32
      %mul3A_92 = arith.muli %arg1, %mul3A_91 : i32
      %add3A_93 = arith.constant 0 : i32
      %add3A_94 = arith.addi %mul3A_92, %add3A_93 : i32
      "tpu.region"() ({
        %run_scoped3A = tpu.sem_alloc : memref<!tpu.dma_semaphore, #tpu.memory_space<semaphore_mem>>
        %dma_start3A = arith.constant 0 : i32
        %dma_start3A_95 = tpu.memref_slice %arg7[%add3A_94, %dma_start3A] : memref<10112x64xf32, #tpu.memory_space<hbm>> -> memref<158x64xf32, #tpu.memory_space<hbm>>
        %dma_start3A_96 = arith.constant 0 : i32
        %dma_start3A_97 = tpu.memref_slice %arg7[%add3A_94, %dma_start3A_96] : memref<10112x64xf32, #tpu.memory_space<hbm>> -> memref<158x64xf32, #tpu.memory_space<hbm>>
        tpu.enqueue_dma source(%arg12 : memref<158x64xf32, #tpu.memory_space<vmem>>) target(%dma_start3A_97 : memref<158x64xf32, #tpu.memory_space<hbm>>) target_semaphore(%run_scoped3A : memref<!tpu.dma_semaphore, #tpu.memory_space<semaphore_mem>>)
        %dma_wait3A = arith.constant 0 : i32
        %dma_wait3A_98 = tpu.memref_slice %arg7[%add3A_94, %dma_wait3A] : memref<10112x64xf32, #tpu.memory_space<hbm>> -> memref<158x64xf32, #tpu.memory_space<hbm>>
        %dma_wait3A_99 = arith.constant 0 : i32
        %dma_wait3A_100 = tpu.memref_slice %arg7[%add3A_94, %dma_wait3A_99] : memref<10112x64xf32, #tpu.memory_space<hbm>> -> memref<158x64xf32, #tpu.memory_space<hbm>>
        tpu.wait_dma2 semaphore(%run_scoped3A : memref<!tpu.dma_semaphore, #tpu.memory_space<semaphore_mem>>) src(%arg12 : memref<158x64xf32, #tpu.memory_space<vmem>>) dst(%dma_wait3A_100 : memref<158x64xf32, #tpu.memory_space<hbm>>)
        tpu.yield
      }) : () -> ()
    } else {
    }
    %mul3A_49 = arith.constant 632 : i32
    %mul3A_50 = arith.muli %arg1, %mul3A_49 : i32
    %add3A_51 = arith.constant 158 : i32
    %add3A_52 = arith.addi %mul3A_50, %add3A_51 : i32
    "tpu.region"() ({
      %run_scoped3A = tpu.sem_alloc : memref<!tpu.dma_semaphore, #tpu.memory_space<semaphore_mem>>
      %dma_start3A = arith.constant 0 : i32
      %dma_start3A_91 = tpu.memref_slice %arg13[%add3A_52, %dma_start3A] : memref<10112x64xf32, #tpu.memory_space<vmem_shared>> -> memref<158x64xf32, #tpu.memory_space<vmem_shared>>
      %dma_start3A_92 = arith.constant 0 : i32
      %dma_start3A_93 = tpu.memref_slice %arg13[%add3A_52, %dma_start3A_92] : memref<10112x64xf32, #tpu.memory_space<vmem_shared>> -> memref<158x64xf32, #tpu.memory_space<vmem_shared>>
      tpu.enqueue_dma source(%dma_start3A_93 : memref<158x64xf32, #tpu.memory_space<vmem_shared>>) target(%arg12 : memref<158x64xf32, #tpu.memory_space<vmem>>) target_semaphore(%run_scoped3A : memref<!tpu.dma_semaphore, #tpu.memory_space<semaphore_mem>>)
      %dma_wait3A = arith.constant 0 : i32
      %dma_wait3A_94 = tpu.memref_slice %arg13[%add3A_52, %dma_wait3A] : memref<10112x64xf32, #tpu.memory_space<vmem_shared>> -> memref<158x64xf32, #tpu.memory_space<vmem_shared>>
      %dma_wait3A_95 = arith.constant 0 : i32
      %dma_wait3A_96 = tpu.memref_slice %arg13[%add3A_52, %dma_wait3A_95] : memref<10112x64xf32, #tpu.memory_space<vmem_shared>> -> memref<158x64xf32, #tpu.memory_space<vmem_shared>>
      tpu.wait_dma2 semaphore(%run_scoped3A : memref<!tpu.dma_semaphore, #tpu.memory_space<semaphore_mem>>) src(%dma_wait3A_96 : memref<158x64xf32, #tpu.memory_space<vmem_shared>>) dst(%arg12 : memref<158x64xf32, #tpu.memory_space<vmem>>)
      tpu.yield
    }) : () -> ()
    %eq3A_53 = arith.constant 0 : i32
    %eq3A_54 = arith.cmpi eq, %arg0, %eq3A_53 : i32
    %convert_element_type3A_55 = arith.extui %eq3A_54 : i1 to i32
    %cond3A_56 = arith.constant 0 : i32
    %cond3A_57 = arith.cmpi ne, %convert_element_type3A_55, %cond3A_56 : i32
    scf.if %cond3A_57 {
      %mul3A_91 = arith.constant 632 : i32
      %mul3A_92 = arith.muli %arg1, %mul3A_91 : i32
      %add3A_93 = arith.constant 158 : i32
      %add3A_94 = arith.addi %mul3A_92, %add3A_93 : i32
      "tpu.region"() ({
        %run_scoped3A = tpu.sem_alloc : memref<!tpu.dma_semaphore, #tpu.memory_space<semaphore_mem>>
        %dma_start3A = arith.constant 0 : i32
        %dma_start3A_95 = tpu.memref_slice %arg6[%add3A_94, %dma_start3A] : memref<10112x64xf32, #tpu.memory_space<hbm>> -> memref<158x64xf32, #tpu.memory_space<hbm>>
        %dma_start3A_96 = arith.constant 0 : i32
        %dma_start3A_97 = tpu.memref_slice %arg6[%add3A_94, %dma_start3A_96] : memref<10112x64xf32, #tpu.memory_space<hbm>> -> memref<158x64xf32, #tpu.memory_space<hbm>>
        tpu.enqueue_dma source(%arg12 : memref<158x64xf32, #tpu.memory_space<vmem>>) target(%dma_start3A_97 : memref<158x64xf32, #tpu.memory_space<hbm>>) target_semaphore(%run_scoped3A : memref<!tpu.dma_semaphore, #tpu.memory_space<semaphore_mem>>)
        %dma_wait3A = arith.constant 0 : i32
        %dma_wait3A_98 = tpu.memref_slice %arg6[%add3A_94, %dma_wait3A] : memref<10112x64xf32, #tpu.memory_space<hbm>> -> memref<158x64xf32, #tpu.memory_space<hbm>>
        %dma_wait3A_99 = arith.constant 0 : i32
        %dma_wait3A_100 = tpu.memref_slice %arg6[%add3A_94, %dma_wait3A_99] : memref<10112x64xf32, #tpu.memory_space<hbm>> -> memref<158x64xf32, #tpu.memory_space<hbm>>
        tpu.wait_dma2 semaphore(%run_scoped3A : memref<!tpu.dma_semaphore, #tpu.memory_space<semaphore_mem>>) src(%arg12 : memref<158x64xf32, #tpu.memory_space<vmem>>) dst(%dma_wait3A_100 : memref<158x64xf32, #tpu.memory_space<hbm>>)
        tpu.yield
      }) : () -> ()
    } else {
    }
    %eq3A_58 = arith.constant 1 : i32
    %eq3A_59 = arith.cmpi eq, %arg0, %eq3A_58 : i32
    %convert_element_type3A_60 = arith.extui %eq3A_59 : i1 to i32
    %cond3A_61 = arith.constant 0 : i32
    %cond3A_62 = arith.cmpi ne, %convert_element_type3A_60, %cond3A_61 : i32
    scf.if %cond3A_62 {
      %mul3A_91 = arith.constant 632 : i32
      %mul3A_92 = arith.muli %arg1, %mul3A_91 : i32
      %add3A_93 = arith.constant 158 : i32
      %add3A_94 = arith.addi %mul3A_92, %add3A_93 : i32
      "tpu.region"() ({
        %run_scoped3A = tpu.sem_alloc : memref<!tpu.dma_semaphore, #tpu.memory_space<semaphore_mem>>
        %dma_start3A = arith.constant 0 : i32
        %dma_start3A_95 = tpu.memref_slice %arg7[%add3A_94, %dma_start3A] : memref<10112x64xf32, #tpu.memory_space<hbm>> -> memref<158x64xf32, #tpu.memory_space<hbm>>
        %dma_start3A_96 = arith.constant 0 : i32
        %dma_start3A_97 = tpu.memref_slice %arg7[%add3A_94, %dma_start3A_96] : memref<10112x64xf32, #tpu.memory_space<hbm>> -> memref<158x64xf32, #tpu.memory_space<hbm>>
        tpu.enqueue_dma source(%arg12 : memref<158x64xf32, #tpu.memory_space<vmem>>) target(%dma_start3A_97 : memref<158x64xf32, #tpu.memory_space<hbm>>) target_semaphore(%run_scoped3A : memref<!tpu.dma_semaphore, #tpu.memory_space<semaphore_mem>>)
        %dma_wait3A = arith.constant 0 : i32
        %dma_wait3A_98 = tpu.memref_slice %arg7[%add3A_94, %dma_wait3A] : memref<10112x64xf32, #tpu.memory_space<hbm>> -> memref<158x64xf32, #tpu.memory_space<hbm>>
        %dma_wait3A_99 = arith.constant 0 : i32
        %dma_wait3A_100 = tpu.memref_slice %arg7[%add3A_94, %dma_wait3A_99] : memref<10112x64xf32, #tpu.memory_space<hbm>> -> memref<158x64xf32, #tpu.memory_space<hbm>>
        tpu.wait_dma2 semaphore(%run_scoped3A : memref<!tpu.dma_semaphore, #tpu.memory_space<semaphore_mem>>) src(%arg12 : memref<158x64xf32, #tpu.memory_space<vmem>>) dst(%dma_wait3A_100 : memref<158x64xf32, #tpu.memory_space<hbm>>)
        tpu.yield
      }) : () -> ()
    } else {
    }
    %mul3A_63 = arith.constant 632 : i32
    %mul3A_64 = arith.muli %arg1, %mul3A_63 : i32
    %add3A_65 = arith.constant 316 : i32
    %add3A_66 = arith.addi %mul3A_64, %add3A_65 : i32
    "tpu.region"() ({
      %run_scoped3A = tpu.sem_alloc : memref<!tpu.dma_semaphore, #tpu.memory_space<semaphore_mem>>
      %dma_start3A = arith.constant 0 : i32
      %dma_start3A_91 = tpu.memref_slice %arg13[%add3A_66, %dma_start3A] : memref<10112x64xf32, #tpu.memory_space<vmem_shared>> -> memref<158x64xf32, #tpu.memory_space<vmem_shared>>
      %dma_start3A_92 = arith.constant 0 : i32
      %dma_start3A_93 = tpu.memref_slice %arg13[%add3A_66, %dma_start3A_92] : memref<10112x64xf32, #tpu.memory_space<vmem_shared>> -> memref<158x64xf32, #tpu.memory_space<vmem_shared>>
      tpu.enqueue_dma source(%dma_start3A_93 : memref<158x64xf32, #tpu.memory_space<vmem_shared>>) target(%arg12 : memref<158x64xf32, #tpu.memory_space<vmem>>) target_semaphore(%run_scoped3A : memref<!tpu.dma_semaphore, #tpu.memory_space<semaphore_mem>>)
      %dma_wait3A = arith.constant 0 : i32
      %dma_wait3A_94 = tpu.memref_slice %arg13[%add3A_66, %dma_wait3A] : memref<10112x64xf32, #tpu.memory_space<vmem_shared>> -> memref<158x64xf32, #tpu.memory_space<vmem_shared>>
      %dma_wait3A_95 = arith.constant 0 : i32
      %dma_wait3A_96 = tpu.memref_slice %arg13[%add3A_66, %dma_wait3A_95] : memref<10112x64xf32, #tpu.memory_space<vmem_shared>> -> memref<158x64xf32, #tpu.memory_space<vmem_shared>>
      tpu.wait_dma2 semaphore(%run_scoped3A : memref<!tpu.dma_semaphore, #tpu.memory_space<semaphore_mem>>) src(%dma_wait3A_96 : memref<158x64xf32, #tpu.memory_space<vmem_shared>>) dst(%arg12 : memref<158x64xf32, #tpu.memory_space<vmem>>)
      tpu.yield
    }) : () -> ()
    %eq3A_67 = arith.constant 0 : i32
    %eq3A_68 = arith.cmpi eq, %arg0, %eq3A_67 : i32
    %convert_element_type3A_69 = arith.extui %eq3A_68 : i1 to i32
    %cond3A_70 = arith.constant 0 : i32
    %cond3A_71 = arith.cmpi ne, %convert_element_type3A_69, %cond3A_70 : i32
    scf.if %cond3A_71 {
      %mul3A_91 = arith.constant 632 : i32
      %mul3A_92 = arith.muli %arg1, %mul3A_91 : i32
      %add3A_93 = arith.constant 316 : i32
      %add3A_94 = arith.addi %mul3A_92, %add3A_93 : i32
      "tpu.region"() ({
        %run_scoped3A = tpu.sem_alloc : memref<!tpu.dma_semaphore, #tpu.memory_space<semaphore_mem>>
        %dma_start3A = arith.constant 0 : i32
        %dma_start3A_95 = tpu.memref_slice %arg6[%add3A_94, %dma_start3A] : memref<10112x64xf32, #tpu.memory_space<hbm>> -> memref<158x64xf32, #tpu.memory_space<hbm>>
        %dma_start3A_96 = arith.constant 0 : i32
        %dma_start3A_97 = tpu.memref_slice %arg6[%add3A_94, %dma_start3A_96] : memref<10112x64xf32, #tpu.memory_space<hbm>> -> memref<158x64xf32, #tpu.memory_space<hbm>>
        tpu.enqueue_dma source(%arg12 : memref<158x64xf32, #tpu.memory_space<vmem>>) target(%dma_start3A_97 : memref<158x64xf32, #tpu.memory_space<hbm>>) target_semaphore(%run_scoped3A : memref<!tpu.dma_semaphore, #tpu.memory_space<semaphore_mem>>)
        %dma_wait3A = arith.constant 0 : i32
        %dma_wait3A_98 = tpu.memref_slice %arg6[%add3A_94, %dma_wait3A] : memref<10112x64xf32, #tpu.memory_space<hbm>> -> memref<158x64xf32, #tpu.memory_space<hbm>>
        %dma_wait3A_99 = arith.constant 0 : i32
        %dma_wait3A_100 = tpu.memref_slice %arg6[%add3A_94, %dma_wait3A_99] : memref<10112x64xf32, #tpu.memory_space<hbm>> -> memref<158x64xf32, #tpu.memory_space<hbm>>
        tpu.wait_dma2 semaphore(%run_scoped3A : memref<!tpu.dma_semaphore, #tpu.memory_space<semaphore_mem>>) src(%arg12 : memref<158x64xf32, #tpu.memory_space<vmem>>) dst(%dma_wait3A_100 : memref<158x64xf32, #tpu.memory_space<hbm>>)
        tpu.yield
      }) : () -> ()
    } else {
    }
    %eq3A_72 = arith.constant 1 : i32
    %eq3A_73 = arith.cmpi eq, %arg0, %eq3A_72 : i32
    %convert_element_type3A_74 = arith.extui %eq3A_73 : i1 to i32
    %cond3A_75 = arith.constant 0 : i32
    %cond3A_76 = arith.cmpi ne, %convert_element_type3A_74, %cond3A_75 : i32
    scf.if %cond3A_76 {
      %mul3A_91 = arith.constant 632 : i32
      %mul3A_92 = arith.muli %arg1, %mul3A_91 : i32
      %add3A_93 = arith.constant 316 : i32
      %add3A_94 = arith.addi %mul3A_92, %add3A_93 : i32
      "tpu.region"() ({
        %run_scoped3A = tpu.sem_alloc : memref<!tpu.dma_semaphore, #tpu.memory_space<semaphore_mem>>
        %dma_start3A = arith.constant 0 : i32
        %dma_start3A_95 = tpu.memref_slice %arg7[%add3A_94, %dma_start3A] : memref<10112x64xf32, #tpu.memory_space<hbm>> -> memref<158x64xf32, #tpu.memory_space<hbm>>
        %dma_start3A_96 = arith.constant 0 : i32
        %dma_start3A_97 = tpu.memref_slice %arg7[%add3A_94, %dma_start3A_96] : memref<10112x64xf32, #tpu.memory_space<hbm>> -> memref<158x64xf32, #tpu.memory_space<hbm>>
        tpu.enqueue_dma source(%arg12 : memref<158x64xf32, #tpu.memory_space<vmem>>) target(%dma_start3A_97 : memref<158x64xf32, #tpu.memory_space<hbm>>) target_semaphore(%run_scoped3A : memref<!tpu.dma_semaphore, #tpu.memory_space<semaphore_mem>>)
        %dma_wait3A = arith.constant 0 : i32
        %dma_wait3A_98 = tpu.memref_slice %arg7[%add3A_94, %dma_wait3A] : memref<10112x64xf32, #tpu.memory_space<hbm>> -> memref<158x64xf32, #tpu.memory_space<hbm>>
        %dma_wait3A_99 = arith.constant 0 : i32
        %dma_wait3A_100 = tpu.memref_slice %arg7[%add3A_94, %dma_wait3A_99] : memref<10112x64xf32, #tpu.memory_space<hbm>> -> memref<158x64xf32, #tpu.memory_space<hbm>>
        tpu.wait_dma2 semaphore(%run_scoped3A : memref<!tpu.dma_semaphore, #tpu.memory_space<semaphore_mem>>) src(%arg12 : memref<158x64xf32, #tpu.memory_space<vmem>>) dst(%dma_wait3A_100 : memref<158x64xf32, #tpu.memory_space<hbm>>)
        tpu.yield
      }) : () -> ()
    } else {
    }
    %mul3A_77 = arith.constant 632 : i32
    %mul3A_78 = arith.muli %arg1, %mul3A_77 : i32
    %add3A_79 = arith.constant 474 : i32
    %add3A_80 = arith.addi %mul3A_78, %add3A_79 : i32
    "tpu.region"() ({
      %run_scoped3A = tpu.sem_alloc : memref<!tpu.dma_semaphore, #tpu.memory_space<semaphore_mem>>
      %dma_start3A = arith.constant 0 : i32
      %dma_start3A_91 = tpu.memref_slice %arg13[%add3A_80, %dma_start3A] : memref<10112x64xf32, #tpu.memory_space<vmem_shared>> -> memref<158x64xf32, #tpu.memory_space<vmem_shared>>
      %dma_start3A_92 = arith.constant 0 : i32
      %dma_start3A_93 = tpu.memref_slice %arg13[%add3A_80, %dma_start3A_92] : memref<10112x64xf32, #tpu.memory_space<vmem_shared>> -> memref<158x64xf32, #tpu.memory_space<vmem_shared>>
      tpu.enqueue_dma source(%dma_start3A_93 : memref<158x64xf32, #tpu.memory_space<vmem_shared>>) target(%arg12 : memref<158x64xf32, #tpu.memory_space<vmem>>) target_semaphore(%run_scoped3A : memref<!tpu.dma_semaphore, #tpu.memory_space<semaphore_mem>>)
      %dma_wait3A = arith.constant 0 : i32
      %dma_wait3A_94 = tpu.memref_slice %arg13[%add3A_80, %dma_wait3A] : memref<10112x64xf32, #tpu.memory_space<vmem_shared>> -> memref<158x64xf32, #tpu.memory_space<vmem_shared>>
      %dma_wait3A_95 = arith.constant 0 : i32
      %dma_wait3A_96 = tpu.memref_slice %arg13[%add3A_80, %dma_wait3A_95] : memref<10112x64xf32, #tpu.memory_space<vmem_shared>> -> memref<158x64xf32, #tpu.memory_space<vmem_shared>>
      tpu.wait_dma2 semaphore(%run_scoped3A : memref<!tpu.dma_semaphore, #tpu.memory_space<semaphore_mem>>) src(%dma_wait3A_96 : memref<158x64xf32, #tpu.memory_space<vmem_shared>>) dst(%arg12 : memref<158x64xf32, #tpu.memory_space<vmem>>)
      tpu.yield
    }) : () -> ()
    %eq3A_81 = arith.constant 0 : i32
    %eq3A_82 = arith.cmpi eq, %arg0, %eq3A_81 : i32
    %convert_element_type3A_83 = arith.extui %eq3A_82 : i1 to i32
    %cond3A_84 = arith.constant 0 : i32
    %cond3A_85 = arith.cmpi ne, %convert_element_type3A_83, %cond3A_84 : i32
    scf.if %cond3A_85 {
      %mul3A_91 = arith.constant 632 : i32
      %mul3A_92 = arith.muli %arg1, %mul3A_91 : i32
      %add3A_93 = arith.constant 474 : i32
      %add3A_94 = arith.addi %mul3A_92, %add3A_93 : i32
      "tpu.region"() ({
        %run_scoped3A = tpu.sem_alloc : memref<!tpu.dma_semaphore, #tpu.memory_space<semaphore_mem>>
        %dma_start3A = arith.constant 0 : i32
        %dma_start3A_95 = tpu.memref_slice %arg6[%add3A_94, %dma_start3A] : memref<10112x64xf32, #tpu.memory_space<hbm>> -> memref<158x64xf32, #tpu.memory_space<hbm>>
        %dma_start3A_96 = arith.constant 0 : i32
        %dma_start3A_97 = tpu.memref_slice %arg6[%add3A_94, %dma_start3A_96] : memref<10112x64xf32, #tpu.memory_space<hbm>> -> memref<158x64xf32, #tpu.memory_space<hbm>>
        tpu.enqueue_dma source(%arg12 : memref<158x64xf32, #tpu.memory_space<vmem>>) target(%dma_start3A_97 : memref<158x64xf32, #tpu.memory_space<hbm>>) target_semaphore(%run_scoped3A : memref<!tpu.dma_semaphore, #tpu.memory_space<semaphore_mem>>)
        %dma_wait3A = arith.constant 0 : i32
        %dma_wait3A_98 = tpu.memref_slice %arg6[%add3A_94, %dma_wait3A] : memref<10112x64xf32, #tpu.memory_space<hbm>> -> memref<158x64xf32, #tpu.memory_space<hbm>>
        %dma_wait3A_99 = arith.constant 0 : i32
        %dma_wait3A_100 = tpu.memref_slice %arg6[%add3A_94, %dma_wait3A_99] : memref<10112x64xf32, #tpu.memory_space<hbm>> -> memref<158x64xf32, #tpu.memory_space<hbm>>
        tpu.wait_dma2 semaphore(%run_scoped3A : memref<!tpu.dma_semaphore, #tpu.memory_space<semaphore_mem>>) src(%arg12 : memref<158x64xf32, #tpu.memory_space<vmem>>) dst(%dma_wait3A_100 : memref<158x64xf32, #tpu.memory_space<hbm>>)
        tpu.yield
      }) : () -> ()
    } else {
    }
    %eq3A_86 = arith.constant 1 : i32
    %eq3A_87 = arith.cmpi eq, %arg0, %eq3A_86 : i32
    %convert_element_type3A_88 = arith.extui %eq3A_87 : i1 to i32
    %cond3A_89 = arith.constant 0 : i32
    %cond3A_90 = arith.cmpi ne, %convert_element_type3A_88, %cond3A_89 : i32
    scf.if %cond3A_90 {
      %mul3A_91 = arith.constant 632 : i32
      %mul3A_92 = arith.muli %arg1, %mul3A_91 : i32
      %add3A_93 = arith.constant 474 : i32
      %add3A_94 = arith.addi %mul3A_92, %add3A_93 : i32
      "tpu.region"() ({
        %run_scoped3A = tpu.sem_alloc : memref<!tpu.dma_semaphore, #tpu.memory_space<semaphore_mem>>
        %dma_start3A = arith.constant 0 : i32
        %dma_start3A_95 = tpu.memref_slice %arg7[%add3A_94, %dma_start3A] : memref<10112x64xf32, #tpu.memory_space<hbm>> -> memref<158x64xf32, #tpu.memory_space<hbm>>
        %dma_start3A_96 = arith.constant 0 : i32
        %dma_start3A_97 = tpu.memref_slice %arg7[%add3A_94, %dma_start3A_96] : memref<10112x64xf32, #tpu.memory_space<hbm>> -> memref<158x64xf32, #tpu.memory_space<hbm>>
        tpu.enqueue_dma source(%arg12 : memref<158x64xf32, #tpu.memory_space<vmem>>) target(%dma_start3A_97 : memref<158x64xf32, #tpu.memory_space<hbm>>) target_semaphore(%run_scoped3A : memref<!tpu.dma_semaphore, #tpu.memory_space<semaphore_mem>>)
        %dma_wait3A = arith.constant 0 : i32
        %dma_wait3A_98 = tpu.memref_slice %arg7[%add3A_94, %dma_wait3A] : memref<10112x64xf32, #tpu.memory_space<hbm>> -> memref<158x64xf32, #tpu.memory_space<hbm>>
        %dma_wait3A_99 = arith.constant 0 : i32
        %dma_wait3A_100 = tpu.memref_slice %arg7[%add3A_94, %dma_wait3A_99] : memref<10112x64xf32, #tpu.memory_space<hbm>> -> memref<158x64xf32, #tpu.memory_space<hbm>>
        tpu.wait_dma2 semaphore(%run_scoped3A : memref<!tpu.dma_semaphore, #tpu.memory_space<semaphore_mem>>) src(%arg12 : memref<158x64xf32, #tpu.memory_space<vmem>>) dst(%dma_wait3A_100 : memref<158x64xf32, #tpu.memory_space<hbm>>)
        tpu.yield
      }) : () -> ()
    } else {
    }
    return
  }
}

#map = affine_map<(d0, d1) -> (0, 0, 0)>
#map1 = affine_map<(d0, d1) -> (0, 0)>
module attributes {stable_mosaic.version = 14 : i64} {
  func.func @body(%arg0: i32, %arg1: i32, %arg2: memref<16x158x128xi32, #tpu.memory_space<hbm>>, %arg3: memref<16x158x128xi32, #tpu.memory_space<hbm>>, %arg4: memref<10112x64xf32, #tpu.memory_space<hbm>>, %arg5: memref<10112x64xf32, #tpu.memory_space<hbm>>, %arg6: memref<10112x64xf32, #tpu.memory_space<hbm>>, %arg7: memref<10112x64xf32, #tpu.memory_space<hbm>>, %arg8: memref<158x128xi32, #tpu.memory_space<vmem>>, %arg9: memref<158x128xi32, #tpu.memory_space<vmem>>, %arg10: memref<128x64xf32, #tpu.memory_space<vmem>>, %arg11: memref<128x64xf32, #tpu.memory_space<vmem>>, %arg12: memref<158x64xf32, #tpu.memory_space<vmem>>, %arg13: memref<10112x64xf32, #tpu.memory_space<vmem_shared>>, %arg14: memref<!tpu.dma_semaphore, #tpu.memory_space<semaphore_mem>>, %arg15: memref<!tpu.dma_semaphore, #tpu.memory_space<semaphore_mem>>) attributes {dimension_semantics = [#tpu.dimension_semantics<core_parallel>, #tpu.dimension_semantics<subcore_parallel>], iteration_bounds = array<i64: 2, 16>, scalar_prefetch = 0 : i64, scratch_operands = 8 : i64, tpu.core_type = #tpu.core_type<sc_vector_subcore>, window_params = [{transform_indices = #map}, {transform_indices = #map}, {transform_indices = #map1}, {transform_indices = #map1}, {transform_indices = #map1}, {transform_indices = #map1}]} {
    %scan3A = arith.constant 0 : i32
    %scan3A_0 = arith.constant 0 : i32
    %scan3A_1 = arith.constant 158 : i32
    %scan3A_2 = arith.addi %scan3A_0, %scan3A_1 : i32
    %scan3A_3 = arith.constant 1 : i32
    %scan3A_4 = scf.for %scan3A_91 = %scan3A_0 to %scan3A_2 step %scan3A_3 iter_args(%scan3A_92 = %scan3A) -> (i32)  : i32 {
      %broadcast_in_dim3A = arith.constant 0.000000e+00 : f32
      %broadcast_in_dim3A_93 = vector.broadcast %broadcast_in_dim3A : f32 to vector<16xf32>
      %swap3A = arith.index_cast %scan3A_91 : i32 to index
      %swap3A_94 = arith.constant 0 : index
      %swap3A_95 = tpu.vector_load %arg12[%swap3A, %swap3A_94] {strides = array<i32>} : memref<158x64xf32, #tpu.memory_space<vmem>>, vector<1x16xf32>,
      %swap3A_96 = vector.shape_cast %swap3A_95 : vector<1x16xf32> to vector<16xf32>
      %swap3A_97 = vector.shape_cast %broadcast_in_dim3A_93 : vector<16xf32> to vector<1x16xf32>
      tpu.vector_store %arg12[%swap3A, %swap3A_94], %swap3A_97 {strides = array<i32>} : memref<158x64xf32, #tpu.memory_space<vmem>>, vector<1x16xf32>,
      %broadcast_in_dim3A_98 = arith.constant 0.000000e+00 : f32
      %broadcast_in_dim3A_99 = vector.broadcast %broadcast_in_dim3A_98 : f32 to vector<16xf32>
      %swap3A_100 = arith.index_cast %scan3A_91 : i32 to index
      %swap3A_101 = arith.constant 16 : index
      %swap3A_102 = tpu.vector_load %arg12[%swap3A_100, %swap3A_101] {strides = array<i32>} : memref<158x64xf32, #tpu.memory_space<vmem>>, vector<1x16xf32>,
      %swap3A_103 = vector.shape_cast %swap3A_102 : vector<1x16xf32> to vector<16xf32>
      %swap3A_104 = vector.shape_cast %broadcast_in_dim3A_99 : vector<16xf32> to vector<1x16xf32>
      tpu.vector_store %arg12[%swap3A_100, %swap3A_101], %swap3A_104 {strides = array<i32>} : memref<158x64xf32, #tpu.memory_space<vmem>>, vector<1x16xf32>,
      %broadcast_in_dim3A_105 = arith.constant 0.000000e+00 : f32
      %broadcast_in_dim3A_106 = vector.broadcast %broadcast_in_dim3A_105 : f32 to vector<16xf32>
      %swap3A_107 = arith.index_cast %scan3A_91 : i32 to index
      %swap3A_108 = arith.constant 32 : index
      %swap3A_109 = tpu.vector_load %arg12[%swap3A_107, %swap3A_108] {strides = array<i32>} : memref<158x64xf32, #tpu.memory_space<vmem>>, vector<1x16xf32>,
      %swap3A_110 = vector.shape_cast %swap3A_109 : vector<1x16xf32> to vector<16xf32>
      %swap3A_111 = vector.shape_cast %broadcast_in_dim3A_106 : vector<16xf32> to vector<1x16xf32>
      tpu.vector_store %arg12[%swap3A_107, %swap3A_108], %swap3A_111 {strides = array<i32>} : memref<158x64xf32, #tpu.memory_space<vmem>>, vector<1x16xf32>,
      %broadcast_in_dim3A_112 = arith.constant 0.000000e+00 : f32
      %broadcast_in_dim3A_113 = vector.broadcast %broadcast_in_dim3A_112 : f32 to vector<16xf32>
      %swap3A_114 = arith.index_cast %scan3A_91 : i32 to index
      %swap3A_115 = arith.constant 48 : index
      %swap3A_116 = tpu.vector_load %arg12[%swap3A_114, %swap3A_115] {strides = array<i32>} : memref<158x64xf32, #tpu.memory_space<vmem>>, vector<1x16xf32>,
      %swap3A_117 = vector.shape_cast %swap3A_116 : vector<1x16xf32> to vector<16xf32>
      %swap3A_118 = vector.shape_cast %broadcast_in_dim3A_113 : vector<16xf32> to vector<1x16xf32>
      tpu.vector_store %arg12[%swap3A_114, %swap3A_115], %swap3A_118 {strides = array<i32>} : memref<158x64xf32, #tpu.memory_space<vmem>>, vector<1x16xf32>,
      %scan3A_119 = arith.constant 0 : i32
      scf.yield %scan3A_119 : i32
    }
    %scan3A_5 = arith.constant 158 : i32
    %mul3A = arith.constant 632 : i32
    %mul3A_6 = arith.muli %arg1, %mul3A : i32
    %add3A = arith.constant 0 : i32
    %add3A_7 = arith.addi %mul3A_6, %add3A : i32
    "tpu.region"() ({
      %run_scoped3A = tpu.sem_alloc : memref<!tpu.dma_semaphore, #tpu.memory_space<semaphore_mem>>
      %dma_start3A = arith.constant 0 : i32
      %dma_start3A_91 = tpu.memref_slice %arg13[%add3A_7, %dma_start3A] : memref<10112x64xf32, #tpu.memory_space<vmem_shared>> -> memref<158x64xf32, #tpu.memory_space<vmem_shared>>
      %dma_start3A_92 = arith.constant 0 : i32
      %dma_start3A_93 = tpu.memref_slice %arg13[%add3A_7, %dma_start3A_92] : memref<10112x64xf32, #tpu.memory_space<vmem_shared>> -> memref<158x64xf32, #tpu.memory_space<vmem_shared>>
      tpu.enqueue_dma source(%arg12 : memref<158x64xf32, #tpu.memory_space<vmem>>) target(%dma_start3A_93 : memref<158x64xf32, #tpu.memory_space<vmem_shared>>) target_semaphore(%run_scoped3A : memref<!tpu.dma_semaphore, #tpu.memory_space<semaphore_mem>>)
      %dma_wait3A = arith.constant 0 : i32
      %dma_wait3A_94 = tpu.memref_slice %arg13[%add3A_7, %dma_wait3A] : memref<10112x64xf32, #tpu.memory_space<vmem_shared>> -> memref<158x64xf32, #tpu.memory_space<vmem_shared>>
      %dma_wait3A_95 = arith.constant 0 : i32
      %dma_wait3A_96 = tpu.memref_slice %arg13[%add3A_7, %dma_wait3A_95] : memref<10112x64xf32, #tpu.memory_space<vmem_shared>> -> memref<158x64xf32, #tpu.memory_space<vmem_shared>>
      tpu.wait_dma2 semaphore(%run_scoped3A : memref<!tpu.dma_semaphore, #tpu.memory_space<semaphore_mem>>) src(%arg12 : memref<158x64xf32, #tpu.memory_space<vmem>>) dst(%dma_wait3A_96 : memref<158x64xf32, #tpu.memory_space<vmem_shared>>)
      tpu.yield
    }) : () -> ()
    %mul3A_8 = arith.constant 632 : i32
    %mul3A_9 = arith.muli %arg1, %mul3A_8 : i32
    %add3A_10 = arith.constant 158 : i32
    %add3A_11 = arith.addi %mul3A_9, %add3A_10 : i32
    "tpu.region"() ({
      %run_scoped3A = tpu.sem_alloc : memref<!tpu.dma_semaphore, #tpu.memory_space<semaphore_mem>>
      %dma_start3A = arith.constant 0 : i32
      %dma_start3A_91 = tpu.memref_slice %arg13[%add3A_11, %dma_start3A] : memref<10112x64xf32, #tpu.memory_space<vmem_shared>> -> memref<158x64xf32, #tpu.memory_space<vmem_shared>>
      %dma_start3A_92 = arith.constant 0 : i32
      %dma_start3A_93 = tpu.memref_slice %arg13[%add3A_11, %dma_start3A_92] : memref<10112x64xf32, #tpu.memory_space<vmem_shared>> -> memref<158x64xf32, #tpu.memory_space<vmem_shared>>
      tpu.enqueue_dma source(%arg12 : memref<158x64xf32, #tpu.memory_space<vmem>>) target(%dma_start3A_93 : memref<158x64xf32, #tpu.memory_space<vmem_shared>>) target_semaphore(%run_scoped3A : memref<!tpu.dma_semaphore, #tpu.memory_space<semaphore_mem>>)
      %dma_wait3A = arith.constant 0 : i32
      %dma_wait3A_94 = tpu.memref_slice %arg13[%add3A_11, %dma_wait3A] : memref<10112x64xf32, #tpu.memory_space<vmem_shared>> -> memref<158x64xf32, #tpu.memory_space<vmem_shared>>
      %dma_wait3A_95 = arith.constant 0 : i32
      %dma_wait3A_96 = tpu.memref_slice %arg13[%add3A_11, %dma_wait3A_95] : memref<10112x64xf32, #tpu.memory_space<vmem_shared>> -> memref<158x64xf32, #tpu.memory_space<vmem_shared>>
      tpu.wait_dma2 semaphore(%run_scoped3A : memref<!tpu.dma_semaphore, #tpu.memory_space<semaphore_mem>>) src(%arg12 : memref<158x64xf32, #tpu.memory_space<vmem>>) dst(%dma_wait3A_96 : memref<158x64xf32, #tpu.memory_space<vmem_shared>>)
      tpu.yield
    }) : () -> ()
    %mul3A_12 = arith.constant 632 : i32
    %mul3A_13 = arith.muli %arg1, %mul3A_12 : i32
    %add3A_14 = arith.constant 316 : i32
    %add3A_15 = arith.addi %mul3A_13, %add3A_14 : i32
    "tpu.region"() ({
      %run_scoped3A = tpu.sem_alloc : memref<!tpu.dma_semaphore, #tpu.memory_space<semaphore_mem>>
      %dma_start3A = arith.constant 0 : i32
      %dma_start3A_91 = tpu.memref_slice %arg13[%add3A_15, %dma_start3A] : memref<10112x64xf32, #tpu.memory_space<vmem_shared>> -> memref<158x64xf32, #tpu.memory_space<vmem_shared>>
      %dma_start3A_92 = arith.constant 0 : i32
      %dma_start3A_93 = tpu.memref_slice %arg13[%add3A_15, %dma_start3A_92] : memref<10112x64xf32, #tpu.memory_space<vmem_shared>> -> memref<158x64xf32, #tpu.memory_space<vmem_shared>>
      tpu.enqueue_dma source(%arg12 : memref<158x64xf32, #tpu.memory_space<vmem>>) target(%dma_start3A_93 : memref<158x64xf32, #tpu.memory_space<vmem_shared>>) target_semaphore(%run_scoped3A : memref<!tpu.dma_semaphore, #tpu.memory_space<semaphore_mem>>)
      %dma_wait3A = arith.constant 0 : i32
      %dma_wait3A_94 = tpu.memref_slice %arg13[%add3A_15, %dma_wait3A] : memref<10112x64xf32, #tpu.memory_space<vmem_shared>> -> memref<158x64xf32, #tpu.memory_space<vmem_shared>>
      %dma_wait3A_95 = arith.constant 0 : i32
      %dma_wait3A_96 = tpu.memref_slice %arg13[%add3A_15, %dma_wait3A_95] : memref<10112x64xf32, #tpu.memory_space<vmem_shared>> -> memref<158x64xf32, #tpu.memory_space<vmem_shared>>
      tpu.wait_dma2 semaphore(%run_scoped3A : memref<!tpu.dma_semaphore, #tpu.memory_space<semaphore_mem>>) src(%arg12 : memref<158x64xf32, #tpu.memory_space<vmem>>) dst(%dma_wait3A_96 : memref<158x64xf32, #tpu.memory_space<vmem_shared>>)
      tpu.yield
    }) : () -> ()
    %mul3A_16 = arith.constant 632 : i32
    %mul3A_17 = arith.muli %arg1, %mul3A_16 : i32
    %add3A_18 = arith.constant 474 : i32
    %add3A_19 = arith.addi %mul3A_17, %add3A_18 : i32
    "tpu.region"() ({
      %run_scoped3A = tpu.sem_alloc : memref<!tpu.dma_semaphore, #tpu.memory_space<semaphore_mem>>
      %dma_start3A = arith.constant 0 : i32
      %dma_start3A_91 = tpu.memref_slice %arg13[%add3A_19, %dma_start3A] : memref<10112x64xf32, #tpu.memory_space<vmem_shared>> -> memref<158x64xf32, #tpu.memory_space<vmem_shared>>
      %dma_start3A_92 = arith.constant 0 : i32
      %dma_start3A_93 = tpu.memref_slice %arg13[%add3A_19, %dma_start3A_92] : memref<10112x64xf32, #tpu.memory_space<vmem_shared>> -> memref<158x64xf32, #tpu.memory_space<vmem_shared>>
      tpu.enqueue_dma source(%arg12 : memref<158x64xf32, #tpu.memory_space<vmem>>) target(%dma_start3A_93 : memref<158x64xf32, #tpu.memory_space<vmem_shared>>) target_semaphore(%run_scoped3A : memref<!tpu.dma_semaphore, #tpu.memory_space<semaphore_mem>>)
      %dma_wait3A = arith.constant 0 : i32
      %dma_wait3A_94 = tpu.memref_slice %arg13[%add3A_19, %dma_wait3A] : memref<10112x64xf32, #tpu.memory_space<vmem_shared>> -> memref<158x64xf32, #tpu.memory_space<vmem_shared>>
      %dma_wait3A_95 = arith.constant 0 : i32
      %dma_wait3A_96 = tpu.memref_slice %arg13[%add3A_19, %dma_wait3A_95] : memref<10112x64xf32, #tpu.memory_space<vmem_shared>> -> memref<158x64xf32, #tpu.memory_space<vmem_shared>>
      tpu.wait_dma2 semaphore(%run_scoped3A : memref<!tpu.dma_semaphore, #tpu.memory_space<semaphore_mem>>) src(%arg12 : memref<158x64xf32, #tpu.memory_space<vmem>>) dst(%dma_wait3A_96 : memref<158x64xf32, #tpu.memory_space<vmem_shared>>)
      tpu.yield
    }) : () -> ()
    "tpu.region"() ({
      %run_scoped3A = tpu.sem_alloc : memref<!tpu.dma_semaphore, #tpu.memory_space<semaphore_mem>>
      %dma_start3A = arith.constant 0 : i32
      %dma_start3A_91 = arith.constant 0 : i32
      %dma_start3A_92 = tpu.memref_slice %arg2[%arg1, %dma_start3A, %dma_start3A_91] : memref<16x158x128xi32, #tpu.memory_space<hbm>> -> memref<1x158x128xi32, #tpu.memory_space<hbm>>
      %dma_start3A_93 = tpu.memref_squeeze %dma_start3A_92 : memref<1x158x128xi32, #tpu.memory_space<hbm>> -> memref<158x128xi32, #tpu.memory_space<hbm>>
      %dma_start3A_94 = arith.constant 0 : i32
      %dma_start3A_95 = arith.constant 0 : i32
      %dma_start3A_96 = tpu.memref_slice %arg2[%arg1, %dma_start3A_94, %dma_start3A_95] : memref<16x158x128xi32, #tpu.memory_space<hbm>> -> memref<1x158x128xi32, #tpu.memory_space<hbm>>
      %dma_start3A_97 = tpu.memref_squeeze %dma_start3A_96 : memref<1x158x128xi32, #tpu.memory_space<hbm>> -> memref<158x128xi32, #tpu.memory_space<hbm>>
      tpu.enqueue_dma source(%dma_start3A_97 : memref<158x128xi32, #tpu.memory_space<hbm>>) target(%arg8 : memref<158x128xi32, #tpu.memory_space<vmem>>) target_semaphore(%run_scoped3A : memref<!tpu.dma_semaphore, #tpu.memory_space<semaphore_mem>>)
      %dma_wait3A = arith.constant 0 : i32
      %dma_wait3A_98 = arith.constant 0 : i32
      %dma_wait3A_99 = tpu.memref_slice %arg2[%arg1, %dma_wait3A, %dma_wait3A_98] : memref<16x158x128xi32, #tpu.memory_space<hbm>> -> memref<1x158x128xi32, #tpu.memory_space<hbm>>
      %dma_wait3A_100 = tpu.memref_squeeze %dma_wait3A_99 : memref<1x158x128xi32, #tpu.memory_space<hbm>> -> memref<158x128xi32, #tpu.memory_space<hbm>>
      %dma_wait3A_101 = arith.constant 0 : i32
      %dma_wait3A_102 = arith.constant 0 : i32
      %dma_wait3A_103 = tpu.memref_slice %arg2[%arg1, %dma_wait3A_101, %dma_wait3A_102] : memref<16x158x128xi32, #tpu.memory_space<hbm>> -> memref<1x158x128xi32, #tpu.memory_space<hbm>>
      %dma_wait3A_104 = tpu.memref_squeeze %dma_wait3A_103 : memref<1x158x128xi32, #tpu.memory_space<hbm>> -> memref<158x128xi32, #tpu.memory_space<hbm>>
      tpu.wait_dma2 semaphore(%run_scoped3A : memref<!tpu.dma_semaphore, #tpu.memory_space<semaphore_mem>>) src(%dma_wait3A_104 : memref<158x128xi32, #tpu.memory_space<hbm>>) dst(%arg8 : memref<158x128xi32, #tpu.memory_space<vmem>>)
      tpu.yield
    }) : () -> ()
    "tpu.region"() ({
      %run_scoped3A = tpu.sem_alloc : memref<!tpu.dma_semaphore, #tpu.memory_space<semaphore_mem>>
      %dma_start3A = arith.constant 0 : i32
      %dma_start3A_91 = arith.constant 0 : i32
      %dma_start3A_92 = tpu.memref_slice %arg3[%arg1, %dma_start3A, %dma_start3A_91] : memref<16x158x128xi32, #tpu.memory_space<hbm>> -> memref<1x158x128xi32, #tpu.memory_space<hbm>>
      %dma_start3A_93 = tpu.memref_squeeze %dma_start3A_92 : memref<1x158x128xi32, #tpu.memory_space<hbm>> -> memref<158x128xi32, #tpu.memory_space<hbm>>
      %dma_start3A_94 = arith.constant 0 : i32
      %dma_start3A_95 = arith.constant 0 : i32
      %dma_start3A_96 = tpu.memref_slice %arg3[%arg1, %dma_start3A_94, %dma_start3A_95] : memref<16x158x128xi32, #tpu.memory_space<hbm>> -> memref<1x158x128xi32, #tpu.memory_space<hbm>>
      %dma_start3A_97 = tpu.memref_squeeze %dma_start3A_96 : memref<1x158x128xi32, #tpu.memory_space<hbm>> -> memref<158x128xi32, #tpu.memory_space<hbm>>
      tpu.enqueue_dma source(%dma_start3A_97 : memref<158x128xi32, #tpu.memory_space<hbm>>) target(%arg9 : memref<158x128xi32, #tpu.memory_space<vmem>>) target_semaphore(%run_scoped3A : memref<!tpu.dma_semaphore, #tpu.memory_space<semaphore_mem>>)
      %dma_wait3A = arith.constant 0 : i32
      %dma_wait3A_98 = arith.constant 0 : i32
      %dma_wait3A_99 = tpu.memref_slice %arg3[%arg1, %dma_wait3A, %dma_wait3A_98] : memref<16x158x128xi32, #tpu.memory_space<hbm>> -> memref<1x158x128xi32, #tpu.memory_space<hbm>>
      %dma_wait3A_100 = tpu.memref_squeeze %dma_wait3A_99 : memref<1x158x128xi32, #tpu.memory_space<hbm>> -> memref<158x128xi32, #tpu.memory_space<hbm>>
      %dma_wait3A_101 = arith.constant 0 : i32
      %dma_wait3A_102 = arith.constant 0 : i32
      %dma_wait3A_103 = tpu.memref_slice %arg3[%arg1, %dma_wait3A_101, %dma_wait3A_102] : memref<16x158x128xi32, #tpu.memory_space<hbm>> -> memref<1x158x128xi32, #tpu.memory_space<hbm>>
      %dma_wait3A_104 = tpu.memref_squeeze %dma_wait3A_103 : memref<1x158x128xi32, #tpu.memory_space<hbm>> -> memref<158x128xi32, #tpu.memory_space<hbm>>
      tpu.wait_dma2 semaphore(%run_scoped3A : memref<!tpu.dma_semaphore, #tpu.memory_space<semaphore_mem>>) src(%dma_wait3A_104 : memref<158x128xi32, #tpu.memory_space<hbm>>) dst(%arg9 : memref<158x128xi32, #tpu.memory_space<vmem>>)
      tpu.yield
    }) : () -> ()
    %barrier3A = arith.constant 0 : index
    tpu.barrier barrier_id(%barrier3A)
    %eq3A = arith.constant 0 : i32
    %eq3A_20 = arith.cmpi eq, %arg0, %eq3A : i32
    %convert_element_type3A = arith.extui %eq3A_20 : i1 to i32
    %cond3A = arith.constant 0 : i32
    %cond3A_21 = arith.cmpi ne, %convert_element_type3A, %cond3A : i32
    scf.if %cond3A_21 {
      %dma_start3A = arith.constant 0 : i32
      %dma_start3A_91 = arith.constant 0 : i32
      %dma_start3A_92 = tpu.memref_slice %arg8[%dma_start3A, %dma_start3A_91] : memref<158x128xi32, #tpu.memory_space<vmem>> -> memref<1x128xi32, #tpu.memory_space<vmem>>
      %dma_start3A_93 = tpu.memref_squeeze %dma_start3A_92 : memref<1x128xi32, #tpu.memory_space<vmem>> -> memref<128xi32, #tpu.memory_space<vmem>>
      %dma_start3A_94 = arith.constant 0 : i32
      %dma_start3A_95 = arith.constant 0 : i32
      %dma_start3A_96 = tpu.memref_slice %arg4[%dma_start3A_94, %dma_start3A_95] : memref<10112x64xf32, #tpu.memory_space<hbm>> -> memref<10112x64xf32, #tpu.memory_space<hbm>>
      tpu.enqueue_indirect_dma source(%dma_start3A_96 : memref<10112x64xf32, #tpu.memory_space<hbm>>) target(%arg10 : memref<128x64xf32, #tpu.memory_space<vmem>>) offsets(%dma_start3A_93 : memref<128xi32, #tpu.memory_space<vmem>>) semaphore(%arg14 : memref<!tpu.dma_semaphore, #tpu.memory_space<semaphore_mem>>)
    } else {
    }
    %eq3A_22 = arith.constant 1 : i32
    %eq3A_23 = arith.cmpi eq, %arg0, %eq3A_22 : i32
    %convert_element_type3A_24 = arith.extui %eq3A_23 : i1 to i32
    %cond3A_25 = arith.constant 0 : i32
    %cond3A_26 = arith.cmpi ne, %convert_element_type3A_24, %cond3A_25 : i32
    scf.if %cond3A_26 {
      %dma_start3A = arith.constant 0 : i32
      %dma_start3A_91 = arith.constant 0 : i32
      %dma_start3A_92 = tpu.memref_slice %arg8[%dma_start3A, %dma_start3A_91] : memref<158x128xi32, #tpu.memory_space<vmem>> -> memref<1x128xi32, #tpu.memory_space<vmem>>
      %dma_start3A_93 = tpu.memref_squeeze %dma_start3A_92 : memref<1x128xi32, #tpu.memory_space<vmem>> -> memref<128xi32, #tpu.memory_space<vmem>>
      %dma_start3A_94 = arith.constant 0 : i32
      %dma_start3A_95 = arith.constant 0 : i32
      %dma_start3A_96 = tpu.memref_slice %arg5[%dma_start3A_94, %dma_start3A_95] : memref<10112x64xf32, #tpu.memory_space<hbm>> -> memref<10112x64xf32, #tpu.memory_space<hbm>>
      tpu.enqueue_indirect_dma source(%dma_start3A_96 : memref<10112x64xf32, #tpu.memory_space<hbm>>) target(%arg10 : memref<128x64xf32, #tpu.memory_space<vmem>>) offsets(%dma_start3A_93 : memref<128xi32, #tpu.memory_space<vmem>>) semaphore(%arg14 : memref<!tpu.dma_semaphore, #tpu.memory_space<semaphore_mem>>)
    } else {
    }
    %scan3A_27 = arith.constant 0 : i32
    %scan3A_28 = arith.constant 0 : i32
    %scan3A_29 = arith.constant 79 : i32
    %scan3A_30 = arith.addi %scan3A_28, %scan3A_29 : i32
    %scan3A_31 = arith.constant 1 : i32
    %scan3A_32 = scf.for %scan3A_91 = %scan3A_28 to %scan3A_30 step %scan3A_31 iter_args(%scan3A_92 = %scan3A_27) -> (i32)  : i32 {
      %mul3A_93 = arith.constant 2 : i32
      %mul3A_94 = arith.muli %mul3A_93, %scan3A_91 : i32
      %add3A_95 = arith.constant 1 : i32
      %add3A_96 = arith.addi %mul3A_94, %add3A_95 : i32
      %lt3A = arith.constant 158 : i32
      %lt3A_97 = arith.cmpi slt, %add3A_96, %lt3A : i32
      %convert_element_type3A_98 = arith.extui %lt3A_97 : i1 to i32
      %cond3A_99 = arith.constant 0 : i32
      %cond3A_100 = arith.cmpi ne, %convert_element_type3A_98, %cond3A_99 : i32
      scf.if %cond3A_100 {
        %add3A_124 = arith.constant 1 : i32
        %add3A_125 = arith.addi %mul3A_94, %add3A_124 : i32
        %eq3A_126 = arith.constant 0 : i32
        %eq3A_127 = arith.cmpi eq, %arg0, %eq3A_126 : i32
        %convert_element_type3A_128 = arith.extui %eq3A_127 : i1 to i32
        %cond3A_129 = arith.constant 0 : i32
        %cond3A_130 = arith.cmpi ne, %convert_element_type3A_128, %cond3A_129 : i32
        scf.if %cond3A_130 {
          %dma_start3A = arith.constant 0 : i32
          %dma_start3A_136 = tpu.memref_slice %arg8[%add3A_125, %dma_start3A] : memref<158x128xi32, #tpu.memory_space<vmem>> -> memref<1x128xi32, #tpu.memory_space<vmem>>
          %dma_start3A_137 = tpu.memref_squeeze %dma_start3A_136 : memref<1x128xi32, #tpu.memory_space<vmem>> -> memref<128xi32, #tpu.memory_space<vmem>>
          %dma_start3A_138 = arith.constant 0 : i32
          %dma_start3A_139 = arith.constant 0 : i32
          %dma_start3A_140 = tpu.memref_slice %arg4[%dma_start3A_138, %dma_start3A_139] : memref<10112x64xf32, #tpu.memory_space<hbm>> -> memref<10112x64xf32, #tpu.memory_space<hbm>>
          tpu.enqueue_indirect_dma source(%dma_start3A_140 : memref<10112x64xf32, #tpu.memory_space<hbm>>) target(%arg11 : memref<128x64xf32, #tpu.memory_space<vmem>>) offsets(%dma_start3A_137 : memref<128xi32, #tpu.memory_space<vmem>>) semaphore(%arg15 : memref<!tpu.dma_semaphore, #tpu.memory_space<semaphore_mem>>)
        } else {
        }
        %eq3A_131 = arith.constant 1 : i32
        %eq3A_132 = arith.cmpi eq, %arg0, %eq3A_131 : i32
        %convert_element_type3A_133 = arith.extui %eq3A_132 : i1 to i32
        %cond3A_134 = arith.constant 0 : i32
        %cond3A_135 = arith.cmpi ne, %convert_element_type3A_133, %cond3A_134 : i32
        scf.if %cond3A_135 {
          %dma_start3A = arith.constant 0 : i32
          %dma_start3A_136 = tpu.memref_slice %arg8[%add3A_125, %dma_start3A] : memref<158x128xi32, #tpu.memory_space<vmem>> -> memref<1x128xi32, #tpu.memory_space<vmem>>
          %dma_start3A_137 = tpu.memref_squeeze %dma_start3A_136 : memref<1x128xi32, #tpu.memory_space<vmem>> -> memref<128xi32, #tpu.memory_space<vmem>>
          %dma_start3A_138 = arith.constant 0 : i32
          %dma_start3A_139 = arith.constant 0 : i32
          %dma_start3A_140 = tpu.memref_slice %arg5[%dma_start3A_138, %dma_start3A_139] : memref<10112x64xf32, #tpu.memory_space<hbm>> -> memref<10112x64xf32, #tpu.memory_space<hbm>>
          tpu.enqueue_indirect_dma source(%dma_start3A_140 : memref<10112x64xf32, #tpu.memory_space<hbm>>) target(%arg11 : memref<128x64xf32, #tpu.memory_space<vmem>>) offsets(%dma_start3A_137 : memref<128xi32, #tpu.memory_space<vmem>>) semaphore(%arg15 : memref<!tpu.dma_semaphore, #tpu.memory_space<semaphore_mem>>)
        } else {
        }
      } else {
      }
      %dma_wait3A = arith.constant 0 : i32
      %dma_wait3A_101 = arith.constant 0 : i32
      %dma_wait3A_102 = tpu.memref_slice %arg4[%dma_wait3A, %dma_wait3A_101] : memref<10112x64xf32, #tpu.memory_space<hbm>> -> memref<128x64xf32, #tpu.memory_space<hbm>>
      %dma_wait3A_103 = arith.constant 0 : i32
      %dma_wait3A_104 = arith.constant 0 : i32
      %dma_wait3A_105 = tpu.memref_slice %arg4[%dma_wait3A_103, %dma_wait3A_104] : memref<10112x64xf32, #tpu.memory_space<hbm>> -> memref<128x64xf32, #tpu.memory_space<hbm>>
      tpu.wait_dma2 semaphore(%arg14 : memref<!tpu.dma_semaphore, #tpu.memory_space<semaphore_mem>>) src(%dma_wait3A_105 : memref<128x64xf32, #tpu.memory_space<hbm>>) dst(%arg10 : memref<128x64xf32, #tpu.memory_space<vmem>>)
      "tpu.region"() ({
        %run_scoped3A = tpu.sem_alloc : memref<!tpu.dma_semaphore, #tpu.memory_space<semaphore_mem>>
        %dma_start3A = arith.constant 0 : i32
        %dma_start3A_124 = tpu.memref_slice %arg9[%mul3A_94, %dma_start3A] : memref<158x128xi32, #tpu.memory_space<vmem>> -> memref<1x128xi32, #tpu.memory_space<vmem>>
        %dma_start3A_125 = tpu.memref_squeeze %dma_start3A_124 : memref<1x128xi32, #tpu.memory_space<vmem>> -> memref<128xi32, #tpu.memory_space<vmem>>
        %dma_start3A_126 = arith.constant 0 : i32
        %dma_start3A_127 = arith.constant 0 : i32
        %dma_start3A_128 = tpu.memref_slice %arg13[%dma_start3A_126, %dma_start3A_127] : memref<10112x64xf32, #tpu.memory_space<vmem_shared>> -> memref<10112x64xf32, #tpu.memory_space<vmem_shared>>
        tpu.enqueue_indirect_dma source(%arg10 : memref<128x64xf32, #tpu.memory_space<vmem>>) target(%dma_start3A_128 : memref<10112x64xf32, #tpu.memory_space<vmem_shared>>) offsets(%dma_start3A_125 : memref<128xi32, #tpu.memory_space<vmem>>) semaphore(%run_scoped3A : memref<!tpu.dma_semaphore, #tpu.memory_space<semaphore_mem>>) {add = true}
        %dma_wait3A_129 = arith.constant 0 : i32
        %dma_wait3A_130 = tpu.memref_slice %arg9[%mul3A_94, %dma_wait3A_129] : memref<158x128xi32, #tpu.memory_space<vmem>> -> memref<1x128xi32, #tpu.memory_space<vmem>>
        %dma_wait3A_131 = tpu.memref_squeeze %dma_wait3A_130 : memref<1x128xi32, #tpu.memory_space<vmem>> -> memref<128xi32, #tpu.memory_space<vmem>>
        %dma_wait3A_132 = arith.constant 0 : i32
        %dma_wait3A_133 = arith.constant 0 : i32
        %dma_wait3A_134 = tpu.memref_slice %arg13[%dma_wait3A_132, %dma_wait3A_133] : memref<10112x64xf32, #tpu.memory_space<vmem_shared>> -> memref<10112x64xf32, #tpu.memory_space<vmem_shared>>
        tpu.wait_indirect_dma semaphore(%run_scoped3A : memref<!tpu.dma_semaphore, #tpu.memory_space<semaphore_mem>>) src(%arg10 : memref<128x64xf32, #tpu.memory_space<vmem>>) dst(%dma_wait3A_134 : memref<10112x64xf32, #tpu.memory_space<vmem_shared>>)
        tpu.yield
      }) : () -> ()
      %mul3A_106 = arith.constant 2 : i32
      %mul3A_107 = arith.muli %mul3A_106, %scan3A_91 : i32
      %add3A_108 = arith.constant 1 : i32
      %add3A_109 = arith.addi %mul3A_107, %add3A_108 : i32
      %add3A_110 = arith.constant 1 : i32
      %add3A_111 = arith.addi %add3A_109, %add3A_110 : i32
      %lt3A_112 = arith.constant 158 : i32
      %lt3A_113 = arith.cmpi slt, %add3A_111, %lt3A_112 : i32
      %convert_element_type3A_114 = arith.extui %lt3A_113 : i1 to i32
      %cond3A_115 = arith.constant 0 : i32
      %cond3A_116 = arith.cmpi ne, %convert_element_type3A_114, %cond3A_115 : i32
      scf.if %cond3A_116 {
        %add3A_124 = arith.constant 1 : i32
        %add3A_125 = arith.addi %add3A_109, %add3A_124 : i32
        %eq3A_126 = arith.constant 0 : i32
        %eq3A_127 = arith.cmpi eq, %arg0, %eq3A_126 : i32
        %convert_element_type3A_128 = arith.extui %eq3A_127 : i1 to i32
        %cond3A_129 = arith.constant 0 : i32
        %cond3A_130 = arith.cmpi ne, %convert_element_type3A_128, %cond3A_129 : i32
        scf.if %cond3A_130 {
          %dma_start3A = arith.constant 0 : i32
          %dma_start3A_136 = tpu.memref_slice %arg8[%add3A_125, %dma_start3A] : memref<158x128xi32, #tpu.memory_space<vmem>> -> memref<1x128xi32, #tpu.memory_space<vmem>>
          %dma_start3A_137 = tpu.memref_squeeze %dma_start3A_136 : memref<1x128xi32, #tpu.memory_space<vmem>> -> memref<128xi32, #tpu.memory_space<vmem>>
          %dma_start3A_138 = arith.constant 0 : i32
          %dma_start3A_139 = arith.constant 0 : i32
          %dma_start3A_140 = tpu.memref_slice %arg4[%dma_start3A_138, %dma_start3A_139] : memref<10112x64xf32, #tpu.memory_space<hbm>> -> memref<10112x64xf32, #tpu.memory_space<hbm>>
          tpu.enqueue_indirect_dma source(%dma_start3A_140 : memref<10112x64xf32, #tpu.memory_space<hbm>>) target(%arg10 : memref<128x64xf32, #tpu.memory_space<vmem>>) offsets(%dma_start3A_137 : memref<128xi32, #tpu.memory_space<vmem>>) semaphore(%arg14 : memref<!tpu.dma_semaphore, #tpu.memory_space<semaphore_mem>>)
        } else {
        }
        %eq3A_131 = arith.constant 1 : i32
        %eq3A_132 = arith.cmpi eq, %arg0, %eq3A_131 : i32
        %convert_element_type3A_133 = arith.extui %eq3A_132 : i1 to i32
        %cond3A_134 = arith.constant 0 : i32
        %cond3A_135 = arith.cmpi ne, %convert_element_type3A_133, %cond3A_134 : i32
        scf.if %cond3A_135 {
          %dma_start3A = arith.constant 0 : i32
          %dma_start3A_136 = tpu.memref_slice %arg8[%add3A_125, %dma_start3A] : memref<158x128xi32, #tpu.memory_space<vmem>> -> memref<1x128xi32, #tpu.memory_space<vmem>>
          %dma_start3A_137 = tpu.memref_squeeze %dma_start3A_136 : memref<1x128xi32, #tpu.memory_space<vmem>> -> memref<128xi32, #tpu.memory_space<vmem>>
          %dma_start3A_138 = arith.constant 0 : i32
          %dma_start3A_139 = arith.constant 0 : i32
          %dma_start3A_140 = tpu.memref_slice %arg5[%dma_start3A_138, %dma_start3A_139] : memref<10112x64xf32, #tpu.memory_space<hbm>> -> memref<10112x64xf32, #tpu.memory_space<hbm>>
          tpu.enqueue_indirect_dma source(%dma_start3A_140 : memref<10112x64xf32, #tpu.memory_space<hbm>>) target(%arg10 : memref<128x64xf32, #tpu.memory_space<vmem>>) offsets(%dma_start3A_137 : memref<128xi32, #tpu.memory_space<vmem>>) semaphore(%arg14 : memref<!tpu.dma_semaphore, #tpu.memory_space<semaphore_mem>>)
        } else {
        }
      } else {
      }
      %dma_wait3A_117 = arith.constant 0 : i32
      %dma_wait3A_118 = arith.constant 0 : i32
      %dma_wait3A_119 = tpu.memref_slice %arg4[%dma_wait3A_117, %dma_wait3A_118] : memref<10112x64xf32, #tpu.memory_space<hbm>> -> memref<128x64xf32, #tpu.memory_space<hbm>>
      %dma_wait3A_120 = arith.constant 0 : i32
      %dma_wait3A_121 = arith.constant 0 : i32
      %dma_wait3A_122 = tpu.memref_slice %arg4[%dma_wait3A_120, %dma_wait3A_121] : memref<10112x64xf32, #tpu.memory_space<hbm>> -> memref<128x64xf32, #tpu.memory_space<hbm>>
      tpu.wait_dma2 semaphore(%arg15 : memref<!tpu.dma_semaphore, #tpu.memory_space<semaphore_mem>>) src(%dma_wait3A_122 : memref<128x64xf32, #tpu.memory_space<hbm>>) dst(%arg10 : memref<128x64xf32, #tpu.memory_space<vmem>>)
      "tpu.region"() ({
        %run_scoped3A = tpu.sem_alloc : memref<!tpu.dma_semaphore, #tpu.memory_space<semaphore_mem>>
        %dma_start3A = arith.constant 0 : i32
        %dma_start3A_124 = tpu.memref_slice %arg9[%add3A_109, %dma_start3A] : memref<158x128xi32, #tpu.memory_space<vmem>> -> memref<1x128xi32, #tpu.memory_space<vmem>>
        %dma_start3A_125 = tpu.memref_squeeze %dma_start3A_124 : memref<1x128xi32, #tpu.memory_space<vmem>> -> memref<128xi32, #tpu.memory_space<vmem>>
        %dma_start3A_126 = arith.constant 0 : i32
        %dma_start3A_127 = arith.constant 0 : i32
        %dma_start3A_128 = tpu.memref_slice %arg13[%dma_start3A_126, %dma_start3A_127] : memref<10112x64xf32, #tpu.memory_space<vmem_shared>> -> memref<10112x64xf32, #tpu.memory_space<vmem_shared>>
        tpu.enqueue_indirect_dma source(%arg11 : memref<128x64xf32, #tpu.memory_space<vmem>>) target(%dma_start3A_128 : memref<10112x64xf32, #tpu.memory_space<vmem_shared>>) offsets(%dma_start3A_125 : memref<128xi32, #tpu.memory_space<vmem>>) semaphore(%run_scoped3A : memref<!tpu.dma_semaphore, #tpu.memory_space<semaphore_mem>>) {add = true}
        %dma_wait3A_129 = arith.constant 0 : i32
        %dma_wait3A_130 = tpu.memref_slice %arg9[%add3A_109, %dma_wait3A_129] : memref<158x128xi32, #tpu.memory_space<vmem>> -> memref<1x128xi32, #tpu.memory_space<vmem>>
        %dma_wait3A_131 = tpu.memref_squeeze %dma_wait3A_130 : memref<1x128xi32, #tpu.memory_space<vmem>> -> memref<128xi32, #tpu.memory_space<vmem>>
        %dma_wait3A_132 = arith.constant 0 : i32
        %dma_wait3A_133 = arith.constant 0 : i32
        %dma_wait3A_134 = tpu.memref_slice %arg13[%dma_wait3A_132, %dma_wait3A_133] : memref<10112x64xf32, #tpu.memory_space<vmem_shared>> -> memref<10112x64xf32, #tpu.memory_space<vmem_shared>>
        tpu.wait_indirect_dma semaphore(%run_scoped3A : memref<!tpu.dma_semaphore, #tpu.memory_space<semaphore_mem>>) src(%arg11 : memref<128x64xf32, #tpu.memory_space<vmem>>) dst(%dma_wait3A_134 : memref<10112x64xf32, #tpu.memory_space<vmem_shared>>)
        tpu.yield
      }) : () -> ()
      %scan3A_123 = arith.constant 0 : i32
      scf.yield %scan3A_123 : i32
    }
    %scan3A_33 = arith.constant 79 : i32
    %barrier3A_34 = arith.constant 0 : index
    tpu.barrier barrier_id(%barrier3A_34)
    %mul3A_35 = arith.constant 632 : i32
    %mul3A_36 = arith.muli %arg1, %mul3A_35 : i32
    %add3A_37 = arith.constant 0 : i32
    %add3A_38 = arith.addi %mul3A_36, %add3A_37 : i32
    "tpu.region"() ({
      %run_scoped3A = tpu.sem_alloc : memref<!tpu.dma_semaphore, #tpu.memory_space<semaphore_mem>>
      %dma_start3A = arith.constant 0 : i32
      %dma_start3A_91 = tpu.memref_slice %arg13[%add3A_38, %dma_start3A] : memref<10112x64xf32, #tpu.memory_space<vmem_shared>> -> memref<158x64xf32, #tpu.memory_space<vmem_shared>>
      %dma_start3A_92 = arith.constant 0 : i32
      %dma_start3A_93 = tpu.memref_slice %arg13[%add3A_38, %dma_start3A_92] : memref<10112x64xf32, #tpu.memory_space<vmem_shared>> -> memref<158x64xf32, #tpu.memory_space<vmem_shared>>
      tpu.enqueue_dma source(%dma_start3A_93 : memref<158x64xf32, #tpu.memory_space<vmem_shared>>) target(%arg12 : memref<158x64xf32, #tpu.memory_space<vmem>>) target_semaphore(%run_scoped3A : memref<!tpu.dma_semaphore, #tpu.memory_space<semaphore_mem>>)
      %dma_wait3A = arith.constant 0 : i32
      %dma_wait3A_94 = tpu.memref_slice %arg13[%add3A_38, %dma_wait3A] : memref<10112x64xf32, #tpu.memory_space<vmem_shared>> -> memref<158x64xf32, #tpu.memory_space<vmem_shared>>
      %dma_wait3A_95 = arith.constant 0 : i32
      %dma_wait3A_96 = tpu.memref_slice %arg13[%add3A_38, %dma_wait3A_95] : memref<10112x64xf32, #tpu.memory_space<vmem_shared>> -> memref<158x64xf32, #tpu.memory_space<vmem_shared>>
      tpu.wait_dma2 semaphore(%run_scoped3A : memref<!tpu.dma_semaphore, #tpu.memory_space<semaphore_mem>>) src(%dma_wait3A_96 : memref<158x64xf32, #tpu.memory_space<vmem_shared>>) dst(%arg12 : memref<158x64xf32, #tpu.memory_space<vmem>>)
      tpu.yield
    }) : () -> ()
    %eq3A_39 = arith.constant 0 : i32
    %eq3A_40 = arith.cmpi eq, %arg0, %eq3A_39 : i32
    %convert_element_type3A_41 = arith.extui %eq3A_40 : i1 to i32
    %cond3A_42 = arith.constant 0 : i32
    %cond3A_43 = arith.cmpi ne, %convert_element_type3A_41, %cond3A_42 : i32
    scf.if %cond3A_43 {
      %mul3A_91 = arith.constant 632 : i32
      %mul3A_92 = arith.muli %arg1, %mul3A_91 : i32
      %add3A_93 = arith.constant 0 : i32
      %add3A_94 = arith.addi %mul3A_92, %add3A_93 : i32
      "tpu.region"() ({
        %run_scoped3A = tpu.sem_alloc : memref<!tpu.dma_semaphore, #tpu.memory_space<semaphore_mem>>
        %dma_start3A = arith.constant 0 : i32
        %dma_start3A_95 = tpu.memref_slice %arg6[%add3A_94, %dma_start3A] : memref<10112x64xf32, #tpu.memory_space<hbm>> -> memref<158x64xf32, #tpu.memory_space<hbm>>
        %dma_start3A_96 = arith.constant 0 : i32
        %dma_start3A_97 = tpu.memref_slice %arg6[%add3A_94, %dma_start3A_96] : memref<10112x64xf32, #tpu.memory_space<hbm>> -> memref<158x64xf32, #tpu.memory_space<hbm>>
        tpu.enqueue_dma source(%arg12 : memref<158x64xf32, #tpu.memory_space<vmem>>) target(%dma_start3A_97 : memref<158x64xf32, #tpu.memory_space<hbm>>) target_semaphore(%run_scoped3A : memref<!tpu.dma_semaphore, #tpu.memory_space<semaphore_mem>>)
        %dma_wait3A = arith.constant 0 : i32
        %dma_wait3A_98 = tpu.memref_slice %arg6[%add3A_94, %dma_wait3A] : memref<10112x64xf32, #tpu.memory_space<hbm>> -> memref<158x64xf32, #tpu.memory_space<hbm>>
        %dma_wait3A_99 = arith.constant 0 : i32
        %dma_wait3A_100 = tpu.memref_slice %arg6[%add3A_94, %dma_wait3A_99] : memref<10112x64xf32, #tpu.memory_space<hbm>> -> memref<158x64xf32, #tpu.memory_space<hbm>>
        tpu.wait_dma2 semaphore(%run_scoped3A : memref<!tpu.dma_semaphore, #tpu.memory_space<semaphore_mem>>) src(%arg12 : memref<158x64xf32, #tpu.memory_space<vmem>>) dst(%dma_wait3A_100 : memref<158x64xf32, #tpu.memory_space<hbm>>)
        tpu.yield
      }) : () -> ()
    } else {
    }
    %eq3A_44 = arith.constant 1 : i32
    %eq3A_45 = arith.cmpi eq, %arg0, %eq3A_44 : i32
    %convert_element_type3A_46 = arith.extui %eq3A_45 : i1 to i32
    %cond3A_47 = arith.constant 0 : i32
    %cond3A_48 = arith.cmpi ne, %convert_element_type3A_46, %cond3A_47 : i32
    scf.if %cond3A_48 {
      %mul3A_91 = arith.constant 632 : i32
      %mul3A_92 = arith.muli %arg1, %mul3A_91 : i32
      %add3A_93 = arith.constant 0 : i32
      %add3A_94 = arith.addi %mul3A_92, %add3A_93 : i32
      "tpu.region"() ({
        %run_scoped3A = tpu.sem_alloc : memref<!tpu.dma_semaphore, #tpu.memory_space<semaphore_mem>>
        %dma_start3A = arith.constant 0 : i32
        %dma_start3A_95 = tpu.memref_slice %arg7[%add3A_94, %dma_start3A] : memref<10112x64xf32, #tpu.memory_space<hbm>> -> memref<158x64xf32, #tpu.memory_space<hbm>>
        %dma_start3A_96 = arith.constant 0 : i32
        %dma_start3A_97 = tpu.memref_slice %arg7[%add3A_94, %dma_start3A_96] : memref<10112x64xf32, #tpu.memory_space<hbm>> -> memref<158x64xf32, #tpu.memory_space<hbm>>
        tpu.enqueue_dma source(%arg12 : memref<158x64xf32, #tpu.memory_space<vmem>>) target(%dma_start3A_97 : memref<158x64xf32, #tpu.memory_space<hbm>>) target_semaphore(%run_scoped3A : memref<!tpu.dma_semaphore, #tpu.memory_space<semaphore_mem>>)
        %dma_wait3A = arith.constant 0 : i32
        %dma_wait3A_98 = tpu.memref_slice %arg7[%add3A_94, %dma_wait3A] : memref<10112x64xf32, #tpu.memory_space<hbm>> -> memref<158x64xf32, #tpu.memory_space<hbm>>
        %dma_wait3A_99 = arith.constant 0 : i32
        %dma_wait3A_100 = tpu.memref_slice %arg7[%add3A_94, %dma_wait3A_99] : memref<10112x64xf32, #tpu.memory_space<hbm>> -> memref<158x64xf32, #tpu.memory_space<hbm>>
        tpu.wait_dma2 semaphore(%run_scoped3A : memref<!tpu.dma_semaphore, #tpu.memory_space<semaphore_mem>>) src(%arg12 : memref<158x64xf32, #tpu.memory_space<vmem>>) dst(%dma_wait3A_100 : memref<158x64xf32, #tpu.memory_space<hbm>>)
        tpu.yield
      }) : () -> ()
    } else {
    }
    %mul3A_49 = arith.constant 632 : i32
    %mul3A_50 = arith.muli %arg1, %mul3A_49 : i32
    %add3A_51 = arith.constant 158 : i32
    %add3A_52 = arith.addi %mul3A_50, %add3A_51 : i32
    "tpu.region"() ({
      %run_scoped3A = tpu.sem_alloc : memref<!tpu.dma_semaphore, #tpu.memory_space<semaphore_mem>>
      %dma_start3A = arith.constant 0 : i32
      %dma_start3A_91 = tpu.memref_slice %arg13[%add3A_52, %dma_start3A] : memref<10112x64xf32, #tpu.memory_space<vmem_shared>> -> memref<158x64xf32, #tpu.memory_space<vmem_shared>>
      %dma_start3A_92 = arith.constant 0 : i32
      %dma_start3A_93 = tpu.memref_slice %arg13[%add3A_52, %dma_start3A_92] : memref<10112x64xf32, #tpu.memory_space<vmem_shared>> -> memref<158x64xf32, #tpu.memory_space<vmem_shared>>
      tpu.enqueue_dma source(%dma_start3A_93 : memref<158x64xf32, #tpu.memory_space<vmem_shared>>) target(%arg12 : memref<158x64xf32, #tpu.memory_space<vmem>>) target_semaphore(%run_scoped3A : memref<!tpu.dma_semaphore, #tpu.memory_space<semaphore_mem>>)
      %dma_wait3A = arith.constant 0 : i32
      %dma_wait3A_94 = tpu.memref_slice %arg13[%add3A_52, %dma_wait3A] : memref<10112x64xf32, #tpu.memory_space<vmem_shared>> -> memref<158x64xf32, #tpu.memory_space<vmem_shared>>
      %dma_wait3A_95 = arith.constant 0 : i32
      %dma_wait3A_96 = tpu.memref_slice %arg13[%add3A_52, %dma_wait3A_95] : memref<10112x64xf32, #tpu.memory_space<vmem_shared>> -> memref<158x64xf32, #tpu.memory_space<vmem_shared>>
      tpu.wait_dma2 semaphore(%run_scoped3A : memref<!tpu.dma_semaphore, #tpu.memory_space<semaphore_mem>>) src(%dma_wait3A_96 : memref<158x64xf32, #tpu.memory_space<vmem_shared>>) dst(%arg12 : memref<158x64xf32, #tpu.memory_space<vmem>>)
      tpu.yield
    }) : () -> ()
    %eq3A_53 = arith.constant 0 : i32
    %eq3A_54 = arith.cmpi eq, %arg0, %eq3A_53 : i32
    %convert_element_type3A_55 = arith.extui %eq3A_54 : i1 to i32
    %cond3A_56 = arith.constant 0 : i32
    %cond3A_57 = arith.cmpi ne, %convert_element_type3A_55, %cond3A_56 : i32
    scf.if %cond3A_57 {
      %mul3A_91 = arith.constant 632 : i32
      %mul3A_92 = arith.muli %arg1, %mul3A_91 : i32
      %add3A_93 = arith.constant 158 : i32
      %add3A_94 = arith.addi %mul3A_92, %add3A_93 : i32
      "tpu.region"() ({
        %run_scoped3A = tpu.sem_alloc : memref<!tpu.dma_semaphore, #tpu.memory_space<semaphore_mem>>
        %dma_start3A = arith.constant 0 : i32
        %dma_start3A_95 = tpu.memref_slice %arg6[%add3A_94, %dma_start3A] : memref<10112x64xf32, #tpu.memory_space<hbm>> -> memref<158x64xf32, #tpu.memory_space<hbm>>
        %dma_start3A_96 = arith.constant 0 : i32
        %dma_start3A_97 = tpu.memref_slice %arg6[%add3A_94, %dma_start3A_96] : memref<10112x64xf32, #tpu.memory_space<hbm>> -> memref<158x64xf32, #tpu.memory_space<hbm>>
        tpu.enqueue_dma source(%arg12 : memref<158x64xf32, #tpu.memory_space<vmem>>) target(%dma_start3A_97 : memref<158x64xf32, #tpu.memory_space<hbm>>) target_semaphore(%run_scoped3A : memref<!tpu.dma_semaphore, #tpu.memory_space<semaphore_mem>>)
        %dma_wait3A = arith.constant 0 : i32
        %dma_wait3A_98 = tpu.memref_slice %arg6[%add3A_94, %dma_wait3A] : memref<10112x64xf32, #tpu.memory_space<hbm>> -> memref<158x64xf32, #tpu.memory_space<hbm>>
        %dma_wait3A_99 = arith.constant 0 : i32
        %dma_wait3A_100 = tpu.memref_slice %arg6[%add3A_94, %dma_wait3A_99] : memref<10112x64xf32, #tpu.memory_space<hbm>> -> memref<158x64xf32, #tpu.memory_space<hbm>>
        tpu.wait_dma2 semaphore(%run_scoped3A : memref<!tpu.dma_semaphore, #tpu.memory_space<semaphore_mem>>) src(%arg12 : memref<158x64xf32, #tpu.memory_space<vmem>>) dst(%dma_wait3A_100 : memref<158x64xf32, #tpu.memory_space<hbm>>)
        tpu.yield
      }) : () -> ()
    } else {
    }
    %eq3A_58 = arith.constant 1 : i32
    %eq3A_59 = arith.cmpi eq, %arg0, %eq3A_58 : i32
    %convert_element_type3A_60 = arith.extui %eq3A_59 : i1 to i32
    %cond3A_61 = arith.constant 0 : i32
    %cond3A_62 = arith.cmpi ne, %convert_element_type3A_60, %cond3A_61 : i32
    scf.if %cond3A_62 {
      %mul3A_91 = arith.constant 632 : i32
      %mul3A_92 = arith.muli %arg1, %mul3A_91 : i32
      %add3A_93 = arith.constant 158 : i32
      %add3A_94 = arith.addi %mul3A_92, %add3A_93 : i32
      "tpu.region"() ({
        %run_scoped3A = tpu.sem_alloc : memref<!tpu.dma_semaphore, #tpu.memory_space<semaphore_mem>>
        %dma_start3A = arith.constant 0 : i32
        %dma_start3A_95 = tpu.memref_slice %arg7[%add3A_94, %dma_start3A] : memref<10112x64xf32, #tpu.memory_space<hbm>> -> memref<158x64xf32, #tpu.memory_space<hbm>>
        %dma_start3A_96 = arith.constant 0 : i32
        %dma_start3A_97 = tpu.memref_slice %arg7[%add3A_94, %dma_start3A_96] : memref<10112x64xf32, #tpu.memory_space<hbm>> -> memref<158x64xf32, #tpu.memory_space<hbm>>
        tpu.enqueue_dma source(%arg12 : memref<158x64xf32, #tpu.memory_space<vmem>>) target(%dma_start3A_97 : memref<158x64xf32, #tpu.memory_space<hbm>>) target_semaphore(%run_scoped3A : memref<!tpu.dma_semaphore, #tpu.memory_space<semaphore_mem>>)
        %dma_wait3A = arith.constant 0 : i32
        %dma_wait3A_98 = tpu.memref_slice %arg7[%add3A_94, %dma_wait3A] : memref<10112x64xf32, #tpu.memory_space<hbm>> -> memref<158x64xf32, #tpu.memory_space<hbm>>
        %dma_wait3A_99 = arith.constant 0 : i32
        %dma_wait3A_100 = tpu.memref_slice %arg7[%add3A_94, %dma_wait3A_99] : memref<10112x64xf32, #tpu.memory_space<hbm>> -> memref<158x64xf32, #tpu.memory_space<hbm>>
        tpu.wait_dma2 semaphore(%run_scoped3A : memref<!tpu.dma_semaphore, #tpu.memory_space<semaphore_mem>>) src(%arg12 : memref<158x64xf32, #tpu.memory_space<vmem>>) dst(%dma_wait3A_100 : memref<158x64xf32, #tpu.memory_space<hbm>>)
        tpu.yield
      }) : () -> ()
    } else {
    }
    %mul3A_63 = arith.constant 632 : i32
    %mul3A_64 = arith.muli %arg1, %mul3A_63 : i32
    %add3A_65 = arith.constant 316 : i32
    %add3A_66 = arith.addi %mul3A_64, %add3A_65 : i32
    "tpu.region"() ({
      %run_scoped3A = tpu.sem_alloc : memref<!tpu.dma_semaphore, #tpu.memory_space<semaphore_mem>>
      %dma_start3A = arith.constant 0 : i32
      %dma_start3A_91 = tpu.memref_slice %arg13[%add3A_66, %dma_start3A] : memref<10112x64xf32, #tpu.memory_space<vmem_shared>> -> memref<158x64xf32, #tpu.memory_space<vmem_shared>>
      %dma_start3A_92 = arith.constant 0 : i32
      %dma_start3A_93 = tpu.memref_slice %arg13[%add3A_66, %dma_start3A_92] : memref<10112x64xf32, #tpu.memory_space<vmem_shared>> -> memref<158x64xf32, #tpu.memory_space<vmem_shared>>
      tpu.enqueue_dma source(%dma_start3A_93 : memref<158x64xf32, #tpu.memory_space<vmem_shared>>) target(%arg12 : memref<158x64xf32, #tpu.memory_space<vmem>>) target_semaphore(%run_scoped3A : memref<!tpu.dma_semaphore, #tpu.memory_space<semaphore_mem>>)
      %dma_wait3A = arith.constant 0 : i32
      %dma_wait3A_94 = tpu.memref_slice %arg13[%add3A_66, %dma_wait3A] : memref<10112x64xf32, #tpu.memory_space<vmem_shared>> -> memref<158x64xf32, #tpu.memory_space<vmem_shared>>
      %dma_wait3A_95 = arith.constant 0 : i32
      %dma_wait3A_96 = tpu.memref_slice %arg13[%add3A_66, %dma_wait3A_95] : memref<10112x64xf32, #tpu.memory_space<vmem_shared>> -> memref<158x64xf32, #tpu.memory_space<vmem_shared>>
      tpu.wait_dma2 semaphore(%run_scoped3A : memref<!tpu.dma_semaphore, #tpu.memory_space<semaphore_mem>>) src(%dma_wait3A_96 : memref<158x64xf32, #tpu.memory_space<vmem_shared>>) dst(%arg12 : memref<158x64xf32, #tpu.memory_space<vmem>>)
      tpu.yield
    }) : () -> ()
    %eq3A_67 = arith.constant 0 : i32
    %eq3A_68 = arith.cmpi eq, %arg0, %eq3A_67 : i32
    %convert_element_type3A_69 = arith.extui %eq3A_68 : i1 to i32
    %cond3A_70 = arith.constant 0 : i32
    %cond3A_71 = arith.cmpi ne, %convert_element_type3A_69, %cond3A_70 : i32
    scf.if %cond3A_71 {
      %mul3A_91 = arith.constant 632 : i32
      %mul3A_92 = arith.muli %arg1, %mul3A_91 : i32
      %add3A_93 = arith.constant 316 : i32
      %add3A_94 = arith.addi %mul3A_92, %add3A_93 : i32
      "tpu.region"() ({
        %run_scoped3A = tpu.sem_alloc : memref<!tpu.dma_semaphore, #tpu.memory_space<semaphore_mem>>
        %dma_start3A = arith.constant 0 : i32
        %dma_start3A_95 = tpu.memref_slice %arg6[%add3A_94, %dma_start3A] : memref<10112x64xf32, #tpu.memory_space<hbm>> -> memref<158x64xf32, #tpu.memory_space<hbm>>
        %dma_start3A_96 = arith.constant 0 : i32
        %dma_start3A_97 = tpu.memref_slice %arg6[%add3A_94, %dma_start3A_96] : memref<10112x64xf32, #tpu.memory_space<hbm>> -> memref<158x64xf32, #tpu.memory_space<hbm>>
        tpu.enqueue_dma source(%arg12 : memref<158x64xf32, #tpu.memory_space<vmem>>) target(%dma_start3A_97 : memref<158x64xf32, #tpu.memory_space<hbm>>) target_semaphore(%run_scoped3A : memref<!tpu.dma_semaphore, #tpu.memory_space<semaphore_mem>>)
        %dma_wait3A = arith.constant 0 : i32
        %dma_wait3A_98 = tpu.memref_slice %arg6[%add3A_94, %dma_wait3A] : memref<10112x64xf32, #tpu.memory_space<hbm>> -> memref<158x64xf32, #tpu.memory_space<hbm>>
        %dma_wait3A_99 = arith.constant 0 : i32
        %dma_wait3A_100 = tpu.memref_slice %arg6[%add3A_94, %dma_wait3A_99] : memref<10112x64xf32, #tpu.memory_space<hbm>> -> memref<158x64xf32, #tpu.memory_space<hbm>>
        tpu.wait_dma2 semaphore(%run_scoped3A : memref<!tpu.dma_semaphore, #tpu.memory_space<semaphore_mem>>) src(%arg12 : memref<158x64xf32, #tpu.memory_space<vmem>>) dst(%dma_wait3A_100 : memref<158x64xf32, #tpu.memory_space<hbm>>)
        tpu.yield
      }) : () -> ()
    } else {
    }
    %eq3A_72 = arith.constant 1 : i32
    %eq3A_73 = arith.cmpi eq, %arg0, %eq3A_72 : i32
    %convert_element_type3A_74 = arith.extui %eq3A_73 : i1 to i32
    %cond3A_75 = arith.constant 0 : i32
    %cond3A_76 = arith.cmpi ne, %convert_element_type3A_74, %cond3A_75 : i32
    scf.if %cond3A_76 {
      %mul3A_91 = arith.constant 632 : i32
      %mul3A_92 = arith.muli %arg1, %mul3A_91 : i32
      %add3A_93 = arith.constant 316 : i32
      %add3A_94 = arith.addi %mul3A_92, %add3A_93 : i32
      "tpu.region"() ({
        %run_scoped3A = tpu.sem_alloc : memref<!tpu.dma_semaphore, #tpu.memory_space<semaphore_mem>>
        %dma_start3A = arith.constant 0 : i32
        %dma_start3A_95 = tpu.memref_slice %arg7[%add3A_94, %dma_start3A] : memref<10112x64xf32, #tpu.memory_space<hbm>> -> memref<158x64xf32, #tpu.memory_space<hbm>>
        %dma_start3A_96 = arith.constant 0 : i32
        %dma_start3A_97 = tpu.memref_slice %arg7[%add3A_94, %dma_start3A_96] : memref<10112x64xf32, #tpu.memory_space<hbm>> -> memref<158x64xf32, #tpu.memory_space<hbm>>
        tpu.enqueue_dma source(%arg12 : memref<158x64xf32, #tpu.memory_space<vmem>>) target(%dma_start3A_97 : memref<158x64xf32, #tpu.memory_space<hbm>>) target_semaphore(%run_scoped3A : memref<!tpu.dma_semaphore, #tpu.memory_space<semaphore_mem>>)
        %dma_wait3A = arith.constant 0 : i32
        %dma_wait3A_98 = tpu.memref_slice %arg7[%add3A_94, %dma_wait3A] : memref<10112x64xf32, #tpu.memory_space<hbm>> -> memref<158x64xf32, #tpu.memory_space<hbm>>
        %dma_wait3A_99 = arith.constant 0 : i32
        %dma_wait3A_100 = tpu.memref_slice %arg7[%add3A_94, %dma_wait3A_99] : memref<10112x64xf32, #tpu.memory_space<hbm>> -> memref<158x64xf32, #tpu.memory_space<hbm>>
        tpu.wait_dma2 semaphore(%run_scoped3A : memref<!tpu.dma_semaphore, #tpu.memory_space<semaphore_mem>>) src(%arg12 : memref<158x64xf32, #tpu.memory_space<vmem>>) dst(%dma_wait3A_100 : memref<158x64xf32, #tpu.memory_space<hbm>>)
        tpu.yield
      }) : () -> ()
    } else {
    }
    %mul3A_77 = arith.constant 632 : i32
    %mul3A_78 = arith.muli %arg1, %mul3A_77 : i32
    %add3A_79 = arith.constant 474 : i32
    %add3A_80 = arith.addi %mul3A_78, %add3A_79 : i32
    "tpu.region"() ({
      %run_scoped3A = tpu.sem_alloc : memref<!tpu.dma_semaphore, #tpu.memory_space<semaphore_mem>>
      %dma_start3A = arith.constant 0 : i32
      %dma_start3A_91 = tpu.memref_slice %arg13[%add3A_80, %dma_start3A] : memref<10112x64xf32, #tpu.memory_space<vmem_shared>> -> memref<158x64xf32, #tpu.memory_space<vmem_shared>>
      %dma_start3A_92 = arith.constant 0 : i32
      %dma_start3A_93 = tpu.memref_slice %arg13[%add3A_80, %dma_start3A_92] : memref<10112x64xf32, #tpu.memory_space<vmem_shared>> -> memref<158x64xf32, #tpu.memory_space<vmem_shared>>
      tpu.enqueue_dma source(%dma_start3A_93 : memref<158x64xf32, #tpu.memory_space<vmem_shared>>) target(%arg12 : memref<158x64xf32, #tpu.memory_space<vmem>>) target_semaphore(%run_scoped3A : memref<!tpu.dma_semaphore, #tpu.memory_space<semaphore_mem>>)
      %dma_wait3A = arith.constant 0 : i32
      %dma_wait3A_94 = tpu.memref_slice %arg13[%add3A_80, %dma_wait3A] : memref<10112x64xf32, #tpu.memory_space<vmem_shared>> -> memref<158x64xf32, #tpu.memory_space<vmem_shared>>
      %dma_wait3A_95 = arith.constant 0 : i32
      %dma_wait3A_96 = tpu.memref_slice %arg13[%add3A_80, %dma_wait3A_95] : memref<10112x64xf32, #tpu.memory_space<vmem_shared>> -> memref<158x64xf32, #tpu.memory_space<vmem_shared>>
      tpu.wait_dma2 semaphore(%run_scoped3A : memref<!tpu.dma_semaphore, #tpu.memory_space<semaphore_mem>>) src(%dma_wait3A_96 : memref<158x64xf32, #tpu.memory_space<vmem_shared>>) dst(%arg12 : memref<158x64xf32, #tpu.memory_space<vmem>>)
      tpu.yield
    }) : () -> ()
    %eq3A_81 = arith.constant 0 : i32
    %eq3A_82 = arith.cmpi eq, %arg0, %eq3A_81 : i32
    %convert_element_type3A_83 = arith.extui %eq3A_82 : i1 to i32
    %cond3A_84 = arith.constant 0 : i32
    %cond3A_85 = arith.cmpi ne, %convert_element_type3A_83, %cond3A_84 : i32
    scf.if %cond3A_85 {
      %mul3A_91 = arith.constant 632 : i32
      %mul3A_92 = arith.muli %arg1, %mul3A_91 : i32
      %add3A_93 = arith.constant 474 : i32
      %add3A_94 = arith.addi %mul3A_92, %add3A_93 : i32
      "tpu.region"() ({
        %run_scoped3A = tpu.sem_alloc : memref<!tpu.dma_semaphore, #tpu.memory_space<semaphore_mem>>
        %dma_start3A = arith.constant 0 : i32
        %dma_start3A_95 = tpu.memref_slice %arg6[%add3A_94, %dma_start3A] : memref<10112x64xf32, #tpu.memory_space<hbm>> -> memref<158x64xf32, #tpu.memory_space<hbm>>
        %dma_start3A_96 = arith.constant 0 : i32
        %dma_start3A_97 = tpu.memref_slice %arg6[%add3A_94, %dma_start3A_96] : memref<10112x64xf32, #tpu.memory_space<hbm>> -> memref<158x64xf32, #tpu.memory_space<hbm>>
        tpu.enqueue_dma source(%arg12 : memref<158x64xf32, #tpu.memory_space<vmem>>) target(%dma_start3A_97 : memref<158x64xf32, #tpu.memory_space<hbm>>) target_semaphore(%run_scoped3A : memref<!tpu.dma_semaphore, #tpu.memory_space<semaphore_mem>>)
        %dma_wait3A = arith.constant 0 : i32
        %dma_wait3A_98 = tpu.memref_slice %arg6[%add3A_94, %dma_wait3A] : memref<10112x64xf32, #tpu.memory_space<hbm>> -> memref<158x64xf32, #tpu.memory_space<hbm>>
        %dma_wait3A_99 = arith.constant 0 : i32
        %dma_wait3A_100 = tpu.memref_slice %arg6[%add3A_94, %dma_wait3A_99] : memref<10112x64xf32, #tpu.memory_space<hbm>> -> memref<158x64xf32, #tpu.memory_space<hbm>>
        tpu.wait_dma2 semaphore(%run_scoped3A : memref<!tpu.dma_semaphore, #tpu.memory_space<semaphore_mem>>) src(%arg12 : memref<158x64xf32, #tpu.memory_space<vmem>>) dst(%dma_wait3A_100 : memref<158x64xf32, #tpu.memory_space<hbm>>)
        tpu.yield
      }) : () -> ()
    } else {
    }
    %eq3A_86 = arith.constant 1 : i32
    %eq3A_87 = arith.cmpi eq, %arg0, %eq3A_86 : i32
    %convert_element_type3A_88 = arith.extui %eq3A_87 : i1 to i32
    %cond3A_89 = arith.constant 0 : i32
    %cond3A_90 = arith.cmpi ne, %convert_element_type3A_88, %cond3A_89 : i32
    scf.if %cond3A_90 {
      %mul3A_91 = arith.constant 632 : i32
      %mul3A_92 = arith.muli %arg1, %mul3A_91 : i32
      %add3A_93 = arith.constant 474 : i32
      %add3A_94 = arith.addi %mul3A_92, %add3A_93 : i32
      "tpu.region"() ({
        %run_scoped3A = tpu.sem_alloc : memref<!tpu.dma_semaphore, #tpu.memory_space<semaphore_mem>>
        %dma_start3A = arith.constant 0 : i32
        %dma_start3A_95 = tpu.memref_slice %arg7[%add3A_94, %dma_start3A] : memref<10112x64xf32, #tpu.memory_space<hbm>> -> memref<158x64xf32, #tpu.memory_space<hbm>>
        %dma_start3A_96 = arith.constant 0 : i32
        %dma_start3A_97 = tpu.memref_slice %arg7[%add3A_94, %dma_start3A_96] : memref<10112x64xf32, #tpu.memory_space<hbm>> -> memref<158x64xf32, #tpu.memory_space<hbm>>
        tpu.enqueue_dma source(%arg12 : memref<158x64xf32, #tpu.memory_space<vmem>>) target(%dma_start3A_97 : memref<158x64xf32, #tpu.memory_space<hbm>>) target_semaphore(%run_scoped3A : memref<!tpu.dma_semaphore, #tpu.memory_space<semaphore_mem>>)
        %dma_wait3A = arith.constant 0 : i32
        %dma_wait3A_98 = tpu.memref_slice %arg7[%add3A_94, %dma_wait3A] : memref<10112x64xf32, #tpu.memory_space<hbm>> -> memref<158x64xf32, #tpu.memory_space<hbm>>
        %dma_wait3A_99 = arith.constant 0 : i32
        %dma_wait3A_100 = tpu.memref_slice %arg7[%add3A_94, %dma_wait3A_99] : memref<10112x64xf32, #tpu.memory_space<hbm>> -> memref<158x64xf32, #tpu.memory_space<hbm>>
        tpu.wait_dma2 semaphore(%run_scoped3A : memref<!tpu.dma_semaphore, #tpu.memory_space<semaphore_mem>>) src(%arg12 : memref<158x64xf32, #tpu.memory_space<vmem>>) dst(%dma_wait3A_100 : memref<158x64xf32, #tpu.memory_space<hbm>>)
        tpu.yield
      }) : () -> ()
    } else {
    }
    return
  }
}

module attributes {stable_mosaic.version = 14 : i64} {
  func.func @_tc_dense_body(%arg0: memref<10112x64xf32, #tpu.memory_space<vmem>>, %arg1: memref<10112x64xf32, #tpu.memory_space<vmem>>, %arg2: memref<10112x64xf32, #tpu.memory_space<vmem>>, %arg3: memref<10112x64xf32, #tpu.memory_space<vmem>>, %arg4: memref<10112xf32, #tpu.memory_space<vmem>>, %arg5: memref<10112xf32, #tpu.memory_space<vmem>>, %arg6: memref<128x128xf32, #tpu.memory_space<vmem>>, %arg7: memref<128x128xf32, #tpu.memory_space<vmem>>, %arg8: memref<128xf32, #tpu.memory_space<vmem>>, %arg9: memref<10112x64xf32, #tpu.memory_space<vmem>>, %arg10: memref<10112x64xf32, #tpu.memory_space<vmem>>, %arg11: memref<10112xf32, #tpu.memory_space<vmem>>) attributes {dimension_semantics = [], scalar_prefetch = 0 : i64, scratch_operands = 0 : i64, tpu.core_type = #tpu.core_type<tc>} {
    %get3A = arith.constant 0 : index
    %get3A_0 = vector.load %arg4[%get3A] : memref<10112xf32, #tpu.memory_space<vmem>>, vector<10112xf32>
    %get3A_1 = arith.constant 0 : index
    %get3A_2 = vector.load %arg5[%get3A_1] : memref<10112xf32, #tpu.memory_space<vmem>>, vector<10112xf32>
    %add3A = arith.addf %get3A_0, %get3A_2 : vector<10112xf32>
    %add3A_3 = arith.constant 1.000000e+00 : f32
    %add3A_4 = vector.broadcast %add3A_3 : f32 to vector<10112xf32>
    %add3A_5 = arith.addf %add3A, %add3A_4 : vector<10112xf32>
    %div3A = arith.constant 1.000000e+00 : f32
    %div3A_6 = vector.broadcast %div3A : f32 to vector<10112xf32>
    %div3A_7 = arith.divf %div3A_6, %add3A_5 : vector<10112xf32>
    %get3A_8 = arith.constant 0 : index
    %get3A_9 = arith.constant 0 : index
    %get3A_10 = vector.load %arg2[%get3A_8, %get3A_9] : memref<10112x64xf32, #tpu.memory_space<vmem>>, vector<10112x64xf32>
    %get3A_11 = arith.constant 0 : index
    %get3A_12 = arith.constant 0 : index
    %get3A_13 = vector.load %arg3[%get3A_11, %get3A_12] : memref<10112x64xf32, #tpu.memory_space<vmem>>, vector<10112x64xf32>
    %concatenate3A = tpu.concatenate %get3A_10, %get3A_13 in 1 : vector<10112x64xf32>, vector<10112x64xf32> -> vector<10112x128xf32>
    %get3A_14 = arith.constant 0 : index
    %get3A_15 = arith.constant 0 : index
    %get3A_16 = vector.load %arg0[%get3A_14, %get3A_15] : memref<10112x64xf32, #tpu.memory_space<vmem>>, vector<10112x64xf32>
    %get3A_17 = arith.constant 0 : index
    %get3A_18 = arith.constant 0 : index
    %get3A_19 = vector.load %arg2[%get3A_17, %get3A_18] : memref<10112x64xf32, #tpu.memory_space<vmem>>, vector<10112x64xf32>
    %add3A_20 = arith.addf %get3A_16, %get3A_19 : vector<10112x64xf32>
    %get3A_21 = arith.constant 0 : index
    %get3A_22 = arith.constant 0 : index
    %get3A_23 = vector.load %arg1[%get3A_21, %get3A_22] : memref<10112x64xf32, #tpu.memory_space<vmem>>, vector<10112x64xf32>
    %get3A_24 = arith.constant 0 : index
    %get3A_25 = arith.constant 0 : index
    %get3A_26 = vector.load %arg3[%get3A_24, %get3A_25] : memref<10112x64xf32, #tpu.memory_space<vmem>>, vector<10112x64xf32>
    %add3A_27 = arith.addf %get3A_23, %get3A_26 : vector<10112x64xf32>
    %concatenate3A_28 = tpu.concatenate %add3A_20, %add3A_27 in 1 : vector<10112x64xf32>, vector<10112x64xf32> -> vector<10112x128xf32>
    %broadcast_in_dim3A = vector.shape_cast %div3A_7 : vector<10112xf32> to vector<10112x1xf32>
    %mul3A = vector.broadcast %broadcast_in_dim3A : vector<10112x1xf32> to vector<10112x128xf32>
    %mul3A_29 = arith.mulf %concatenate3A_28, %mul3A : vector<10112x128xf32>
    %get3A_30 = arith.constant 0 : index
    %get3A_31 = arith.constant 0 : index
    %get3A_32 = vector.load %arg6[%get3A_30, %get3A_31] : memref<128x128xf32, #tpu.memory_space<vmem>>, vector<128x128xf32>
    %dot_general3A = arith.constant dense<0.000000e+00> : vector<10112x128xf32>
    %dot_general3A_33 = tpu.matmul %mul3A_29, %get3A_32, %dot_general3A {dimension_numbers = #tpu.dot_dimension_numbers<[1], [0], [0], [1], [0, 0, 1, 1], [], []>, transpose_lhs_hint = false} : vector<10112x128xf32>, vector<128x128xf32>, vector<10112x128xf32> -> vector<10112x128xf32>
    %get3A_34 = arith.constant 0 : index
    %get3A_35 = arith.constant 0 : index
    %get3A_36 = vector.load %arg7[%get3A_34, %get3A_35] : memref<128x128xf32, #tpu.memory_space<vmem>>, vector<128x128xf32>
    %dot_general3A_37 = arith.constant dense<0.000000e+00> : vector<10112x128xf32>
    %dot_general3A_38 = tpu.matmul %concatenate3A, %get3A_36, %dot_general3A_37 {dimension_numbers = #tpu.dot_dimension_numbers<[1], [0], [0], [1], [0, 0, 1, 1], [], []>, transpose_lhs_hint = false} : vector<10112x128xf32>, vector<128x128xf32>, vector<10112x128xf32> -> vector<10112x128xf32>
    %add3A_39 = arith.addf %dot_general3A_33, %dot_general3A_38 : vector<10112x128xf32>
    %get3A_40 = arith.constant 0 : index
    %get3A_41 = vector.load %arg8[%get3A_40] : memref<128xf32, #tpu.memory_space<vmem>>, vector<128xf32>
    %broadcast_in_dim3A_42 = vector.shape_cast %get3A_41 : vector<128xf32> to vector<1x128xf32>
    %add3A_43 = vector.broadcast %broadcast_in_dim3A_42 : vector<1x128xf32> to vector<10112x128xf32>
    %add3A_44 = arith.addf %add3A_39, %add3A_43 : vector<10112x128xf32>
    %max3A = arith.constant 0.000000e+00 : f32
    %max3A_45 = vector.broadcast %max3A : f32 to vector<10112x128xf32>
    %max3A_46 = arith.maximumf %add3A_44, %max3A_45 : vector<10112x128xf32>
    %slice3A = vector.extract_strided_slice %max3A_46 {offsets = [0, 0], sizes = [10112, 64], strides = [1, 1]} : vector<10112x128xf32> to vector<10112x64xf32>
    %swap3A = arith.constant 0 : index
    %swap3A_47 = arith.constant 0 : index
    %swap3A_48 = vector.load %arg9[%swap3A, %swap3A_47] : memref<10112x64xf32, #tpu.memory_space<vmem>>, vector<10112x64xf32>
    tpu.vector_store %arg9[%swap3A, %swap3A_47], %slice3A {strides = array<i32>} : memref<10112x64xf32, #tpu.memory_space<vmem>>, vector<10112x64xf32>,
    %slice3A_49 = vector.extract_strided_slice %max3A_46 {offsets = [0, 64], sizes = [10112, 64], strides = [1, 1]} : vector<10112x128xf32> to vector<10112x64xf32>
    %swap3A_50 = arith.constant 0 : index
    %swap3A_51 = arith.constant 0 : index
    %swap3A_52 = vector.load %arg10[%swap3A_50, %swap3A_51] : memref<10112x64xf32, #tpu.memory_space<vmem>>, vector<10112x64xf32>
    tpu.vector_store %arg10[%swap3A_50, %swap3A_51], %slice3A_49 {strides = array<i32>} : memref<10112x64xf32, #tpu.memory_space<vmem>>, vector<10112x64xf32>,
    %swap3A_53 = arith.constant 0 : index
    %swap3A_54 = vector.load %arg11[%swap3A_53] : memref<10112xf32, #tpu.memory_space<vmem>>, vector<10112xf32>
    tpu.vector_store %arg11[%swap3A_53], %div3A_7 {strides = array<i32>} : memref<10112xf32, #tpu.memory_space<vmem>>, vector<10112xf32>,
    return
  }
}

module attributes {stable_mosaic.version = 14 : i64} {
  func.func @_tc_dense_body(%arg0: memref<10112x64xf32, #tpu.memory_space<vmem>>, %arg1: memref<10112x64xf32, #tpu.memory_space<vmem>>, %arg2: memref<10112x64xf32, #tpu.memory_space<vmem>>, %arg3: memref<10112x64xf32, #tpu.memory_space<vmem>>, %arg4: memref<10112xf32, #tpu.memory_space<vmem>>, %arg5: memref<10112xf32, #tpu.memory_space<vmem>>, %arg6: memref<128x128xf32, #tpu.memory_space<vmem>>, %arg7: memref<128x128xf32, #tpu.memory_space<vmem>>, %arg8: memref<128xf32, #tpu.memory_space<vmem>>, %arg9: memref<10112x64xf32, #tpu.memory_space<vmem>>, %arg10: memref<10112x64xf32, #tpu.memory_space<vmem>>) attributes {dimension_semantics = [], scalar_prefetch = 0 : i64, scratch_operands = 0 : i64, tpu.core_type = #tpu.core_type<tc>} {
    %get3A = arith.constant 0 : index
    %get3A_0 = vector.load %arg4[%get3A] : memref<10112xf32, #tpu.memory_space<vmem>>, vector<10112xf32>
    %get3A_1 = arith.constant 0 : index
    %get3A_2 = arith.constant 0 : index
    %get3A_3 = vector.load %arg2[%get3A_1, %get3A_2] : memref<10112x64xf32, #tpu.memory_space<vmem>>, vector<10112x64xf32>
    %get3A_4 = arith.constant 0 : index
    %get3A_5 = arith.constant 0 : index
    %get3A_6 = vector.load %arg3[%get3A_4, %get3A_5] : memref<10112x64xf32, #tpu.memory_space<vmem>>, vector<10112x64xf32>
    %concatenate3A = tpu.concatenate %get3A_3, %get3A_6 in 1 : vector<10112x64xf32>, vector<10112x64xf32> -> vector<10112x128xf32>
    %get3A_7 = arith.constant 0 : index
    %get3A_8 = arith.constant 0 : index
    %get3A_9 = vector.load %arg0[%get3A_7, %get3A_8] : memref<10112x64xf32, #tpu.memory_space<vmem>>, vector<10112x64xf32>
    %get3A_10 = arith.constant 0 : index
    %get3A_11 = arith.constant 0 : index
    %get3A_12 = vector.load %arg2[%get3A_10, %get3A_11] : memref<10112x64xf32, #tpu.memory_space<vmem>>, vector<10112x64xf32>
    %add3A = arith.addf %get3A_9, %get3A_12 : vector<10112x64xf32>
    %get3A_13 = arith.constant 0 : index
    %get3A_14 = arith.constant 0 : index
    %get3A_15 = vector.load %arg1[%get3A_13, %get3A_14] : memref<10112x64xf32, #tpu.memory_space<vmem>>, vector<10112x64xf32>
    %get3A_16 = arith.constant 0 : index
    %get3A_17 = arith.constant 0 : index
    %get3A_18 = vector.load %arg3[%get3A_16, %get3A_17] : memref<10112x64xf32, #tpu.memory_space<vmem>>, vector<10112x64xf32>
    %add3A_19 = arith.addf %get3A_15, %get3A_18 : vector<10112x64xf32>
    %concatenate3A_20 = tpu.concatenate %add3A, %add3A_19 in 1 : vector<10112x64xf32>, vector<10112x64xf32> -> vector<10112x128xf32>
    %broadcast_in_dim3A = vector.shape_cast %get3A_0 : vector<10112xf32> to vector<10112x1xf32>
    %mul3A = vector.broadcast %broadcast_in_dim3A : vector<10112x1xf32> to vector<10112x128xf32>
    %mul3A_21 = arith.mulf %concatenate3A_20, %mul3A : vector<10112x128xf32>
    %get3A_22 = arith.constant 0 : index
    %get3A_23 = arith.constant 0 : index
    %get3A_24 = vector.load %arg6[%get3A_22, %get3A_23] : memref<128x128xf32, #tpu.memory_space<vmem>>, vector<128x128xf32>
    %dot_general3A = arith.constant dense<0.000000e+00> : vector<10112x128xf32>
    %dot_general3A_25 = tpu.matmul %mul3A_21, %get3A_24, %dot_general3A {dimension_numbers = #tpu.dot_dimension_numbers<[1], [0], [0], [1], [0, 0, 1, 1], [], []>, transpose_lhs_hint = false} : vector<10112x128xf32>, vector<128x128xf32>, vector<10112x128xf32> -> vector<10112x128xf32>
    %get3A_26 = arith.constant 0 : index
    %get3A_27 = arith.constant 0 : index
    %get3A_28 = vector.load %arg7[%get3A_26, %get3A_27] : memref<128x128xf32, #tpu.memory_space<vmem>>, vector<128x128xf32>
    %dot_general3A_29 = arith.constant dense<0.000000e+00> : vector<10112x128xf32>
    %dot_general3A_30 = tpu.matmul %concatenate3A, %get3A_28, %dot_general3A_29 {dimension_numbers = #tpu.dot_dimension_numbers<[1], [0], [0], [1], [0, 0, 1, 1], [], []>, transpose_lhs_hint = false} : vector<10112x128xf32>, vector<128x128xf32>, vector<10112x128xf32> -> vector<10112x128xf32>
    %add3A_31 = arith.addf %dot_general3A_25, %dot_general3A_30 : vector<10112x128xf32>
    %get3A_32 = arith.constant 0 : index
    %get3A_33 = vector.load %arg8[%get3A_32] : memref<128xf32, #tpu.memory_space<vmem>>, vector<128xf32>
    %broadcast_in_dim3A_34 = vector.shape_cast %get3A_33 : vector<128xf32> to vector<1x128xf32>
    %add3A_35 = vector.broadcast %broadcast_in_dim3A_34 : vector<1x128xf32> to vector<10112x128xf32>
    %add3A_36 = arith.addf %add3A_31, %add3A_35 : vector<10112x128xf32>
    %max3A = arith.constant 0.000000e+00 : f32
    %max3A_37 = vector.broadcast %max3A : f32 to vector<10112x128xf32>
    %max3A_38 = arith.maximumf %add3A_36, %max3A_37 : vector<10112x128xf32>
    %slice3A = vector.extract_strided_slice %max3A_38 {offsets = [0, 0], sizes = [10112, 64], strides = [1, 1]} : vector<10112x128xf32> to vector<10112x64xf32>
    %swap3A = arith.constant 0 : index
    %swap3A_39 = arith.constant 0 : index
    %swap3A_40 = vector.load %arg9[%swap3A, %swap3A_39] : memref<10112x64xf32, #tpu.memory_space<vmem>>, vector<10112x64xf32>
    tpu.vector_store %arg9[%swap3A, %swap3A_39], %slice3A {strides = array<i32>} : memref<10112x64xf32, #tpu.memory_space<vmem>>, vector<10112x64xf32>,
    %slice3A_41 = vector.extract_strided_slice %max3A_38 {offsets = [0, 64], sizes = [10112, 64], strides = [1, 1]} : vector<10112x128xf32> to vector<10112x64xf32>
    %swap3A_42 = arith.constant 0 : index
    %swap3A_43 = arith.constant 0 : index
    %swap3A_44 = vector.load %arg10[%swap3A_42, %swap3A_43] : memref<10112x64xf32, #tpu.memory_space<vmem>>, vector<10112x64xf32>
    tpu.vector_store %arg10[%swap3A_42, %swap3A_43], %slice3A_41 {strides = array<i32>} : memref<10112x64xf32, #tpu.memory_space<vmem>>, vector<10112x64xf32>,
    return
  }
}

module attributes {stable_mosaic.version = 14 : i64} {
  func.func @_tc_dense_body(%arg0: memref<10112x64xf32, #tpu.memory_space<vmem>>, %arg1: memref<10112x64xf32, #tpu.memory_space<vmem>>, %arg2: memref<10112x64xf32, #tpu.memory_space<vmem>>, %arg3: memref<10112x64xf32, #tpu.memory_space<vmem>>, %arg4: memref<10112xf32, #tpu.memory_space<vmem>>, %arg5: memref<10112xf32, #tpu.memory_space<vmem>>, %arg6: memref<128x128xf32, #tpu.memory_space<vmem>>, %arg7: memref<128x128xf32, #tpu.memory_space<vmem>>, %arg8: memref<128xf32, #tpu.memory_space<vmem>>, %arg9: memref<10112x128xf32, #tpu.memory_space<vmem>>) attributes {dimension_semantics = [], scalar_prefetch = 0 : i64, scratch_operands = 0 : i64, tpu.core_type = #tpu.core_type<tc>} {
    %get3A = arith.constant 0 : index
    %get3A_0 = vector.load %arg4[%get3A] : memref<10112xf32, #tpu.memory_space<vmem>>, vector<10112xf32>
    %get3A_1 = arith.constant 0 : index
    %get3A_2 = arith.constant 0 : index
    %get3A_3 = vector.load %arg2[%get3A_1, %get3A_2] : memref<10112x64xf32, #tpu.memory_space<vmem>>, vector<10112x64xf32>
    %get3A_4 = arith.constant 0 : index
    %get3A_5 = arith.constant 0 : index
    %get3A_6 = vector.load %arg3[%get3A_4, %get3A_5] : memref<10112x64xf32, #tpu.memory_space<vmem>>, vector<10112x64xf32>
    %concatenate3A = tpu.concatenate %get3A_3, %get3A_6 in 1 : vector<10112x64xf32>, vector<10112x64xf32> -> vector<10112x128xf32>
    %get3A_7 = arith.constant 0 : index
    %get3A_8 = arith.constant 0 : index
    %get3A_9 = vector.load %arg0[%get3A_7, %get3A_8] : memref<10112x64xf32, #tpu.memory_space<vmem>>, vector<10112x64xf32>
    %get3A_10 = arith.constant 0 : index
    %get3A_11 = arith.constant 0 : index
    %get3A_12 = vector.load %arg2[%get3A_10, %get3A_11] : memref<10112x64xf32, #tpu.memory_space<vmem>>, vector<10112x64xf32>
    %add3A = arith.addf %get3A_9, %get3A_12 : vector<10112x64xf32>
    %get3A_13 = arith.constant 0 : index
    %get3A_14 = arith.constant 0 : index
    %get3A_15 = vector.load %arg1[%get3A_13, %get3A_14] : memref<10112x64xf32, #tpu.memory_space<vmem>>, vector<10112x64xf32>
    %get3A_16 = arith.constant 0 : index
    %get3A_17 = arith.constant 0 : index
    %get3A_18 = vector.load %arg3[%get3A_16, %get3A_17] : memref<10112x64xf32, #tpu.memory_space<vmem>>, vector<10112x64xf32>
    %add3A_19 = arith.addf %get3A_15, %get3A_18 : vector<10112x64xf32>
    %concatenate3A_20 = tpu.concatenate %add3A, %add3A_19 in 1 : vector<10112x64xf32>, vector<10112x64xf32> -> vector<10112x128xf32>
    %broadcast_in_dim3A = vector.shape_cast %get3A_0 : vector<10112xf32> to vector<10112x1xf32>
    %mul3A = vector.broadcast %broadcast_in_dim3A : vector<10112x1xf32> to vector<10112x128xf32>
    %mul3A_21 = arith.mulf %concatenate3A_20, %mul3A : vector<10112x128xf32>
    %get3A_22 = arith.constant 0 : index
    %get3A_23 = arith.constant 0 : index
    %get3A_24 = vector.load %arg6[%get3A_22, %get3A_23] : memref<128x128xf32, #tpu.memory_space<vmem>>, vector<128x128xf32>
    %dot_general3A = arith.constant dense<0.000000e+00> : vector<10112x128xf32>
    %dot_general3A_25 = tpu.matmul %mul3A_21, %get3A_24, %dot_general3A {dimension_numbers = #tpu.dot_dimension_numbers<[1], [0], [0], [1], [0, 0, 1, 1], [], []>, transpose_lhs_hint = false} : vector<10112x128xf32>, vector<128x128xf32>, vector<10112x128xf32> -> vector<10112x128xf32>
    %get3A_26 = arith.constant 0 : index
    %get3A_27 = arith.constant 0 : index
    %get3A_28 = vector.load %arg7[%get3A_26, %get3A_27] : memref<128x128xf32, #tpu.memory_space<vmem>>, vector<128x128xf32>
    %dot_general3A_29 = arith.constant dense<0.000000e+00> : vector<10112x128xf32>
    %dot_general3A_30 = tpu.matmul %concatenate3A, %get3A_28, %dot_general3A_29 {dimension_numbers = #tpu.dot_dimension_numbers<[1], [0], [0], [1], [0, 0, 1, 1], [], []>, transpose_lhs_hint = false} : vector<10112x128xf32>, vector<128x128xf32>, vector<10112x128xf32> -> vector<10112x128xf32>
    %add3A_31 = arith.addf %dot_general3A_25, %dot_general3A_30 : vector<10112x128xf32>
    %get3A_32 = arith.constant 0 : index
    %get3A_33 = vector.load %arg8[%get3A_32] : memref<128xf32, #tpu.memory_space<vmem>>, vector<128xf32>
    %broadcast_in_dim3A_34 = vector.shape_cast %get3A_33 : vector<128xf32> to vector<1x128xf32>
    %add3A_35 = vector.broadcast %broadcast_in_dim3A_34 : vector<1x128xf32> to vector<10112x128xf32>
    %add3A_36 = arith.addf %add3A_31, %add3A_35 : vector<10112x128xf32>
    %swap3A = arith.constant 0 : index
    %swap3A_37 = arith.constant 0 : index
    %swap3A_38 = vector.load %arg9[%swap3A, %swap3A_37] : memref<10112x128xf32, #tpu.memory_space<vmem>>, vector<10112x128xf32>
    tpu.vector_store %arg9[%swap3A, %swap3A_37], %add3A_36 {strides = array<i32>} : memref<10112x128xf32, #tpu.memory_space<vmem>>, vector<10112x128xf32>,
    return
  }
}

</mosaic_0001>

<sc_bundles>
// kernel: kernel.12.cloned.1.call-start
scs
__scs_entry_jumppad:
0x0: {  	(pc) =	sbr.rel $0x88, $3  }
0x1: {  	(tag) =	ssettag $0x0;
	lr =	simm.s32 $0x1  }
0x2: {  	[smem:$0x3F96] =	sst lr;
	_ =	strace $0xD0000000  }
0x3: {  	_ = 	snop  }
0x4: {  	_ = 	snop  }
0x5: {  	_ = 	snop  }
0x6: {  	_ = 	snop  }
0x7: {  	_ = 	snop  }
__scs_overlays_trampoline_lowered:
0x8: {  	[smem:$0x3FA5] =	sst s0  }
0x9: {  	[smem:$0x3FA6] =	sst s1  }
0xa: {  	[smem:$0x3FA7] =	sst s2  }
0xb: {  	[smem:$0x3FA8] =	sst s3  }
0xc: {  	[smem:$0x3FA9] =	sst s4  }
0xd: {  	[smem:$0x3FAA] =	sst s5  }
0xe: {  	[smem:$0x3FAB] =	sst s6  }
0xf: {  	[smem:$0x3FAC] =	sst s7  }
0x10: {  	[smem:$0x3FAD] =	sst s8  }
0x11: {  	[smem:$0x3FAE] =	sst s9;
	s0 =	simm.s32 @!p0 $0x0  }
0x12: {  	s1 =	sld [smem:$0x3F94];
	s0 =	simm.s32 @p0 $0x1  }
0x13: {  	[smem:$0x3FAF] =	sst s0;
	s0 =	simm.s32 @!p1 $0x0  }
0x14: {  	s2 =	sld [smem:$0x3F93];
	s0 =	simm.s32 @p1 $0x1  }
0x15: {  	[smem:$0x3FB0] =	sst s0;
	s0 =	simm.s32 @!p2 $0x0  }
0x16: {  	s3 =	sld [smem:$0x3FDB];
	s0 =	simm.s32 @p2 $0x1  }
0x17: {  	s4 =	simm.s32 $0x1BF5;
	[smem:$0x3FB2] =	sst s0  }
0x18: {  	s0 =	sld [smem:$0x3F95];
	_ =	swait.ge [sflag:s4], $0x0  }
0x19: {  	s7 =	sld [smem:$0x3F96]  }
0x1a: {  	s8 =	sadd.s32 $0xFFFFE003, lr  }
0x1b: {  	s9 =	sadd.s32 $0xFFFFFEF7, lr;
	s5 =	simm.s32 $0xFFFFFFFF;
	p2 =	slt.u32 s8, $0xFFFFF086  }
0x1c: {  	p1 =	slt.u32 s9, $0xF7A;
	s5 =	simm.s32 @!p2 $0x0  }
0x1d: {  	s5 =	simm.s32 @p1 $0x1;
	p0 =	seq.s32 s7, s2  }
0x1e: {  	s7 =	smul.u32 @!p0 $0xF7A, s2;
	p2 =	seq.s32 @!p0 s5, $0x0  }
0x1f: {  	s9 =	smul.u32 $0xF7A, s1;
	s8 =	simm.s32 @!p0 $0x1BF5;
	p2 =	por !p2, p0  }
0x20: {  	[sflag:s8] =	ssyncset.s32 @!p0 $0xFFFFF086;
	s6 =	sadd.s32 @!p0 s3, s7;
	s7 =	simm.s32 @!p0 $0x108  }
0x21: {  	s3 =	sadd.s32 s3, s9;
	s6 =	sadd.s32 @!p0 $0x88, s6;
	s7 =	simm.s32 @p2 $0x1082  }
0x22: {  	[simem:s7], [sflag:s8] =	dma.local @!p0 [hbm:s6], $0xF7A  }
0x23: {  	s9 =	sor.u32 $0xD0000000, s2;
	s6 =	simm.s32 $0x108;
	_ =	swait.ge @!p0 [sflag:s8], $0x0  }
0x24: {  	s3 =	sadd.s32 $0x88, s3;
	s6 =	simm.s32 @!p1 $0x1082;
	[sflag:s4] =	ssyncset.s32 $0xFFFFF086  }
0x25: {  	[simem:s6], [sflag:s4] =	dma.local [hbm:s3], $0xF7A  }
0x26: {  	[smem:$0x3F96] =	sst s1;
	(tag) =	ssettag s2;
	_ =	strace s9  }
0x27: {  	s1 =	sld [smem:$0x3FA6]  }
0x28: {  	s2 =	sld [smem:$0x3FA7]  }
0x29: {  	s4 =	sld [smem:$0x3FA9]  }
0x2a: {  	p0 =	seq.s32 s5, $0x0;
	s5 =	sld [smem:$0x3FAA]  }
0x2b: {  	s6 =	sld [smem:$0x3FAB]  }
0x2c: {  	s7 =	sld [smem:$0x3FAC]  }
0x2d: {  	s3 =	simm.s32 $0x108;
	s8 =	sld [smem:$0x3FAD]  }
0x2e: {  	s3 =	simm.s32 @!p0 $0x1082;
	s9 =	sld [smem:$0x3FAE]  }
0x2f: {  	lr =	sadd.s32 s0, s3;
	s0 =	sld [smem:$0x3FA5]  }
0x30: {  	s3 =	sld [smem:$0x3FA8]  }
0x31: {  	[smem:$0x3FB1] =	sst s10  }
0x32: {  	s10 =	sld [smem:$0x3FAF];
	_ =	sdelay $0x3  }
0x33: {  	p0 =	seq.s32 s10, $0x1;
	s10 =	sld [smem:$0x3FB1];
	_ =	sdelay $0x3  }
0x34: {  	[smem:$0x3FB1] =	sst s10  }
0x35: {  	s10 =	sld [smem:$0x3FB0];
	_ =	sdelay $0x3  }
0x36: {  	p1 =	seq.s32 s10, $0x1;
	s10 =	sld [smem:$0x3FB1];
	_ =	sdelay $0x3  }
0x37: {  	[smem:$0x3FB1] =	sst s10  }
0x38: {  	s10 =	sld [smem:$0x3FB2]  }
0x39: {  	_ = 	snop;
	(pc) =	sbr.ind lr, $3  }
0x3a: {  	_ = 	snop  }
0x3b: {  	_ = 	snop  }
0x3c: {  	p2 =	seq.s32 s10, $0x1;
	s10 =	sld [smem:$0x3FB1]  }
0x3d: {  	_ =	shalt  }
0x3e: {  	_ =	shalt  }
0x3f: {  	_ =	shalt  }
0x40: {  	_ =	shalt  }
0x41: {  	_ =	shalt  }
0x42: {  	_ =	shalt  }
0x43: {  	_ =	shalt  }
0x44: {  	_ =	shalt  }
0x45: {  	_ =	shalt  }
0x46: {  	_ =	shalt  }
0x47: {  	_ =	shalt  }
0x48: {  	_ =	shalt  }
0x49: {  	_ =	shalt  }
0x4a: {  	_ =	shalt  }
0x4b: {  	_ =	shalt  }
0x4c: {  	_ =	shalt  }
0x4d: {  	_ =	shalt  }
0x4e: {  	_ =	shalt  }
0x4f: {  	_ =	shalt  }
0x50: {  	_ =	shalt  }
0x51: {  	_ =	shalt  }
0x52: {  	_ =	shalt  }
0x53: {  	_ =	shalt  }
0x54: {  	_ =	shalt  }
0x55: {  	_ =	shalt  }
0x56: {  	_ =	shalt  }
0x57: {  	_ =	shalt  }
0x58: {  	_ =	shalt  }
0x59: {  	_ =	shalt  }
0x5a: {  	_ =	shalt  }
0x5b: {  	_ =	shalt  }
0x5c: {  	_ =	shalt  }
0x5d: {  	_ =	shalt  }
0x5e: {  	_ =	shalt  }
0x5f: {  	_ =	shalt  }
0x60: {  	_ =	shalt  }
0x61: {  	_ =	shalt  }
0x62: {  	_ =	shalt  }
0x63: {  	_ =	shalt  }
0x64: {  	_ =	shalt  }
0x65: {  	_ =	shalt  }
0x66: {  	_ =	shalt  }
0x67: {  	_ =	shalt  }
0x68: {  	_ =	shalt  }
0x69: {  	_ =	shalt  }
0x6a: {  	_ =	shalt  }
0x6b: {  	_ =	shalt  }
0x6c: {  	_ =	shalt  }
0x6d: {  	_ =	shalt  }
0x6e: {  	_ =	shalt  }
0x6f: {  	_ =	shalt  }
0x70: {  	_ =	shalt  }
0x71: {  	_ =	shalt  }
0x72: {  	_ =	shalt  }
0x73: {  	_ =	shalt  }
0x74: {  	_ =	shalt  }
0x75: {  	_ =	shalt  }
0x76: {  	_ =	shalt  }
0x77: {  	_ =	shalt  }
0x78: {  	_ =	shalt  }
0x79: {  	_ =	shalt  }
0x7a: {  	_ =	shalt  }
0x7b: {  	_ =	shalt  }
0x7c: {  	_ =	shalt  }
0x7d: {  	_ =	shalt  }
0x7e: {  	_ =	shalt  }
0x7f: {  	_ =	shalt  }
0x80: {  	_ =	shalt  }
0x81: {  	_ =	shalt  }
0x82: {  	_ =	shalt  }
0x83: {  	_ =	shalt  }
0x84: {  	_ =	shalt  }
0x85: {  	_ =	shalt  }
0x86: {  	_ =	shalt  }
0x87: {  	_ =	shalt  }
.Lfunc_end0:
.L_simem_size_0:
called_computation.1_lowered:
.L_overlay_start_0:
0x88: {  	s2 =	sld [smem:$0x3FD9]  }
0x89: {  	s3 =	sld [smem:$0x3FFE];
	_ =	sdelay $0x1  }
0x8a: {  	s1 =	srdreg.scid  }
0x8b: {  	s0 =	sand.u32 $0x1, s1  }
0x8c: {  	s17 =	sshll.u32 s0, $0xA;
	s2 =	sadd.s32 s3, s2  }
0x8d: {  	s2 =	sadd.s32 s2, s17  }
0x8e: {  	[smem:$0x3FBD] =	sst s2  }
0x8f: {  	_ = 	snop  }
0x90: {  	s2 =	sld [smem:$0x3FD0];
	(tm) =	ssettm $0x1  }
0x91: {  	s18 =	sld [smem:$0x3FFB];
	_ =	sdelay $0x3  }
0x92: {  	_ =	strace s18  }
0x93: {  	s3 =	sld [smem:$0x3FFC];
	_ =	sdelay $0x3  }
0x94: {  	_ =	strace s3  }
0x95: {  	s3 =	sld [smem:$0x3FFD];
	_ =	sdelay $0x3  }
0x96: {  	_ =	strace s3  }
0x97: {  	_ =	strace $0x8FFFFFFF  }
0x98: {  	s19 =	sld [smem:$0x3FDB];
	_ =	sdelay $0x1  }
0x99: {  	s4 =	simm.s32 $_scs_section_size  }
0x9a: {  	s5 =	simm.s32 $_size__tile_overlayer_lowered;
	s6 =	simm.s32 $_tile_overlayer_lowered  }
0x9b: {  	s22 =	simm.s32 $0x1BFF;
	s21 =	sshll.u32 s6, $0x1;
	s3 =	sadd.s32 s4, s19  }
0x9c: {  	s7 =	simm.s32 $0x0;
	s20 =	sshll.u32 s5, $0x1;
	s5 =	sadd.s32 s21, s3  }
0x9d: {  	[timem:s7], [sflag:s22] =	dma.local [hbm:s5], s20  }
0x9e: {  	_ =	swait.ge [sflag:s22], s20  }
0x9f: {  	s4 =	ssub.s32 $0x0, s20;
	[sflag:s22] =	ssyncset.done $0x0  }
0xa0: {  	[sflag:s22] =	ssyncadd.s32 s4;
	_ =	sdelay $0x1  }
0xa1: {  	s23 =	simm.s32 $0x1B8B  }
0xa2: {  	_ =	swait.ge [sflag:s23], $0x1  }
0xa3: {  	[sflag:s23] =	ssyncset.done $0x0  }
0xa4: {  	s25 =	simm.s32 $0x1B8E;
	s24 =	sld [smem:$0x3FFE];
	[sflag:s23] =	ssyncadd.s32 $0xFFFFFFFF  }
0xa5: {  	s26 =	simm.s32 $execute0_lowered;
	[smem:$0x3FD2] =	sst s25  }
0xa6: {  	s5 =	sshll.u32 s26, $0x1;
	_ =	strace $0x80000049;
	[dreg:$0x1] =	wrdreg $0xFFFFFFFF  }
0xa7: {  	s28 =	simm.s32 $_size_execute0_lowered;
	s3 =	sadd.s32 s3, s5;
	[dreg:$0x0] =	wrdreg $0x0  }
0xa8: {  	s5 =	sshll.u32 s28, $0x1;
	[dreg:$0x2] =	wrdreg s3  }
0xa9: {  	[dreg:$0x3] =	wrdreg s5  }
0xaa: {  	[dreg:$0x4] =	wrdreg $0xC0  }
0xab: {  	_ =	task [dreg:s7], $0x5FFFF  }
0xac: {  	[dreg:$0x1] =	wrdreg $0xFFFFFFFF  }
0xad: {  	[dreg:$0x0] =	wrdreg $0x60  }
0xae: {  	[dreg:$0x2] =	wrdreg s24  }
0xaf: {  	[dreg:$0x3] =	wrdreg s2  }
0xb0: {  	[dreg:$0x4] =	wrdreg $0x105800  }
0xb1: {  	[dreg:$0x5] =	wrdreg $0x9  }
0xb2: {  	_ =	task.clear_ibuf [dreg:s7], $0x6FFFF;
	_ =	strace $0x90000049  }
0xb3: {  	s29 =	simm.s32 $0x9;
	_ =	strace $0x8000004B  }
0xb4: {  	_ =	swait.ge [sflag:s29], $0x1  }
0xb5: {  	[sflag:s29] =	ssyncadd.s32 $0xFFFFFFFF  }
0xb6: {  	_ =	strace $0x9000004B  }
0xb7: {  	_ =	sfence  }
0xb8: {  	s30 =	sld [smem:$0x0];
	_ =	sdelay $0x2  }
0xb9: {  	s31 =	sshll.u32 s1, $0xD;
	s1 =	sshrl.u32 s1, $0x2  }
0xba: {  	s3 =	sand.u32 $0x4000, s31;
	s1 =	sadd.s32 s1, s30  }
0xbb: {  	s0 =	sor.u32 s3, s0;
	s1 =	sshll.u32 s1, $0x11  }
0xbc: {  	s0 =	sor.u32 s1, s0  }
0xbd: {  	s0 =	sadd.s32 $0x8F2B, s0  }
0xbe: {  	[sflag:s0] =	ssyncadd.remote.s32 $0x1  }
0xbf: {  	_ =	sfence.sel $0xFFFF  }
0xc0: {  	[dreg:$0x0] =	wrdreg $0xFFFFFFFF;
	(pc) =	sbr.abs _section_cstart, $3  }
0xc1: {  	[dreg:$0x1] =	wrdreg $0xFFFFFFFF  }
0xc2: {  	_ =	task.clear_ibuf [dreg:s7], $0x2FFFF;
	_ =	strace $0x9FFFFFFF  }
0xc3: {  	(tm) =	ssettm $0x7FFFFFFF  }
tec
execute0_lowered:
.L_overlay_start_1:
0x0: {  	(tag) =	ssettag $0x1  }
0x1: {  	s6 =	rddreg [dreg:$0x0]  }
0x2: {  	s1 =	rddreg [dreg:$0x1]  }
0x3: {  	s3 =	rddreg [dreg:$0x2]  }
0x4: {  	s0 =	stileid.u32;
	s4 =	simm.s32 $0x0;
	s7 =	srdreg.scid  }
0x5: {  	s18 =	simm.s32 $0x9E00;
	s19 =	simm.s32 $0xBE00;
	s26 =	simm.s32 $0x9D00  }
0x6: {  	s28 =	simm.s32 $0x9D80;
	s29 =	simm.s32 $0x0;
	s5 =	smul.u32 $0x9E0, s0  }
0x7: {  	[smem:$0x7FF] =	sst s4;
	s12 =	sand.u32 $0x1, s7;
	s13 =	smul.u32 $0x9E00, s0  }
0x8: {  	s20 =	sadd.s32 $0x99A00, s6;
	s24 =	sadd.s32 $0x85E00, s6;
	_ =	strace $0x8000004A  }
0x9: {  	s7 =	ssub.s32 $0x2, s12;
	p0 =	seq.s32 s12, $0x0;
	s11 =	sadd.s32 s5, s6  }
0xa: {  	s5 =	sadd.s32 $0x72200, s6;
	s31 =	sshrl.u32 s7, $0x1;
	s6 =	sadd.s32 s13, s3  }
0xb: {  	s15 =	sadd.s32 $0x2780, s13;
	s16 =	sadd.s32 $0x4F00, s13;
	s17 =	sadd.s32 $0x7680, s13  }
0xc: {  	s21 =	sshrl.u32 s13, $0x3;
	s24 =	smov.u32 @p0 s20;
	s20 =	simm.s32 $0x1  }
0xd: {  	s14 =	ssub.s32 s7, s31;
	s7 =	sadd.s32 s15, s3;
	s8 =	sadd.s32 s16, s3  }
0xe: {  	s9 =	sadd.s32 s17, s3;
	s10 =	sadd.s32 $0x4C00, s11;
	s11 =	sadd.s32 $0x19400, s11  }
0xf: {  	s22 =	sshrl.u32 s15, $0x3;
	s23 =	sshrl.u32 s16, $0x3;
	s25 =	sshrl.u32 s17, $0x3  }
0x10: {  	s12 =	smov.u32 s5;
	s15 =	simm.s32 $0x3;
	s16 =	simm.s32 $0x4F00  }
0x11: {  	s17 =	simm.s32 $0x80;
	s21 =	sadd.s32 s24, s21;
	s13 =	smax.u32 s14, $0x1  }
0x12: {  	s12 =	smov.u32 @p0 s1;
	s14 =	simm.s32 $0xDE00;
	s22 =	sadd.s32 s24, s22  }
0x13: {  	v0 =	vimm.f32 $0.0e+00;
	s23 =	sadd.s32 s24, s23;
	s24 =	sadd.s32 s24, s25;
	s25 =	simm.s32 $0x2  }
.LBB2_1:
0x14: {  	s31 =	simm.s32 $0x100;
	s30 =	simm.s32 $0x0  }
.LBB2_2:
0x15: {  	p1 =	sne.s32 s31, $0x9D00;
	[tilespmem:s30+$0xDE30] =	vst v0;
	s0 =	smov.u32 s31;
	s31 =	sadd.s32 $0x100, s31  }
.Ltmp0:
0x16: {  	[tilespmem:s30+$0xDE20] =	vst v0;
	(pc) =	sbr.rel @p1 .LBB2_2-.Ltmp0, $3  }
0x17: {  	[tilespmem:s30+$0xDE00] =	vst v0  }
0x18: {  	[tilespmem:s30+$0xDE10] =	vst v0;
	_ =	sdelay $0x1  }
0x19: {  	s30 =	sshra.s32 s0, $0x2  }
0x1a: {  	[tilespmem:s30+$0xDE30] =	vst v0  }
0x1b: {  	[tilespmem:s30+$0xDE20] =	vst v0  }
0x1c: {  	[tilespmem:s30+$0xDE00] =	vst v0  }
0x1d: {  	[tilespmem:s30+$0xDE10] =	vst v0  }
0x1e: {  	[spmem:s6] =	stream.linear.scatter [tilespmem:s14], [sflag:$0x3], $0x2780, $0x38;
	[tilespmem:$0x1A380] =	vst v63  }
0x1f: {  	_ =	swait.ge [sflag:s15], $0x2780  }
0x20: {  	[sflag:s15] =	ssyncset.done $0x0  }
0x21: {  	[sflag:s15] =	ssyncadd.s32 $0xFFFFD880  }
0x22: {  	[spmem:s7] =	stream.linear.scatter [tilespmem:s14], [sflag:$0x3], $0x2780, $0x38;
	[tilespmem:$0x1A380] =	vst v63  }
0x23: {  	_ =	swait.ge [sflag:s15], $0x2780  }
0x24: {  	[sflag:s15] =	ssyncset.done $0x0  }
0x25: {  	[sflag:s15] =	ssyncadd.s32 $0xFFFFD880  }
0x26: {  	[spmem:s8] =	stream.linear.scatter [tilespmem:s14], [sflag:$0x3], $0x2780, $0x38;
	[tilespmem:$0x1A380] =	vst v63  }
0x27: {  	_ =	swait.ge [sflag:s15], $0x2780  }
0x28: {  	[sflag:s15] =	ssyncset.done $0x0  }
0x29: {  	[sflag:s15] =	ssyncadd.s32 $0xFFFFD880  }
0x2a: {  	[spmem:s9] =	stream.linear.scatter [tilespmem:s14], [sflag:$0x3], $0x2780, $0x38;
	[tilespmem:$0x1A380] =	vst v63  }
0x2b: {  	_ =	swait.ge [sflag:s15], $0x2780  }
0x2c: {  	[sflag:s15] =	ssyncset.done $0x0  }
0x2d: {  	s0 =	simm.s32 $0x0;
	[sflag:s15] =	ssyncadd.s32 $0xFFFFD880  }
0x2e: {  	[tilespmem:s0], [sflag:$0x3] =	stream.linear.gather [hbm4b:s10+s0], $0x4F00, $0x38;
	[tilespmem:$0x1A380] =	vst v63  }
0x2f: {  	_ =	swait.ge [sflag:s15], $0x4F00  }
0x30: {  	[sflag:s15] =	ssyncset.done $0x0  }
0x31: {  	[sflag:s15] =	ssyncadd.s32 $0xFFFFB100  }
0x32: {  	[tilespmem:s16], [sflag:$0x3] =	stream.linear.gather [hbm4b:s11+s0], $0x4F00, $0x38;
	[tilespmem:$0x1A380] =	vst v63  }
0x33: {  	_ =	swait.ge [sflag:s15], $0x4F00  }
0x34: {  	[sflag:s15] =	ssyncset.done $0x0  }
0x35: {  	[sflag:s15] =	ssyncadd.s32 $0xFFFFB100  }
0x36: {  	[bflag:$0x0] =	sbarrier.arrive $0xFFFF  }
0x37: {  	[tilespmem:s18], [sflag:$0x1] =	stream.indirect.gather [hbm4b:s12+s17], $0x40, s0, s17, $0xb8;
	[tilespmem:$0x1A380] =	vst v63  }
0x38: {  	s1 =	simm.s32 $0x80  }
0x39: {  	[tilespmem:s19], [sflag:$0x2] =	stream.indirect.gather [hbm4b:s12+s17], $0x40, s1, s17, $0xb8;
	[tilespmem:$0x1A380] =	vst v63  }
0x3a: {  	_ =	swait.ge [sflag:s20], $0x2000  }
0x3b: {  	[sflag:s20] =	ssyncset.done $0x0  }
0x3c: {  	s2 =	simm.s32 $0x4F00;
	[sflag:s20] =	ssyncadd.s32 $0xFFFFE000  }
0x3d: {  	[spmem:s3] =	stream.indirect.scatter.add.f32 [tilespmem:s18], [sflag:$0x3], $0x40, s2, s17, $0xb8;
	[tilespmem:$0x1A380] =	vst v63  }
0x3e: {  	_ =	swait.ge [sflag:s15], $0x2000  }
0x3f: {  	[sflag:s15] =	ssyncset.done $0x0  }
0x40: {  	s1 =	simm.s32 $0x100;
	[sflag:s15] =	ssyncadd.s32 $0xFFFFE000  }
0x41: {  	[tilespmem:s18], [sflag:$0x1] =	stream.indirect.gather [hbm4b:s12+s17], $0x40, s1, s17, $0xb8;
	[tilespmem:$0x1A380] =	vst v63  }
0x42: {  	_ =	swait.ge [sflag:s25], $0x2000  }
0x43: {  	[sflag:s25] =	ssyncset.done $0x0  }
0x44: {  	s2 =	simm.s32 $0x4F80;
	[sflag:s25] =	ssyncadd.s32 $0xFFFFE000  }
0x45: {  	[spmem:s3] =	stream.indirect.scatter.add.f32 [tilespmem:s19], [sflag:$0x3], $0x40, s2, s17, $0xb8;
	[tilespmem:$0x1A380] =	vst v63  }
0x46: {  	_ =	swait.ge [sflag:s15], $0x2000  }
0x47: {  	s31 =	simm.s32 $0x800;
	s30 =	simm.s32 $0x100;
	[sflag:s15] =	ssyncset.done $0x0  }
.LBB2_4:
0x48: {  	s0 =	sadd.s32 $0x80, s30  }
0x49: {  	[sflag:s15] =	ssyncadd.s32 $0xFFFFE000;
	s1 =	smov.u32 s31;
	s2 =	sadd.s32 $0x400, s31  }
0x4a: {  	[tilespmem:s19], [sflag:$0x2] =	stream.indirect.gather [hbm4b:s12+s17], $0x40, s0, s17, $0xb8;
	[tilespmem:$0x1A380] =	vst v63  }
0x4b: {  	p1 =	sne.s32 s31, $0x13400;
	_ =	swait.ge [sflag:s20], $0x2000  }
0x4c: {  	[sflag:s20] =	ssyncset.done $0x0  }
0x4d: {  	s0 =	sadd.s32 $0x4F00, s30;
	[sflag:s20] =	ssyncadd.s32 $0xFFFFE000  }
0x4e: {  	[spmem:s3] =	stream.indirect.scatter.add.f32 [tilespmem:s18], [sflag:$0x3], $0x40, s0, s17, $0xb8;
	[tilespmem:$0x1A380] =	vst v63  }
0x4f: {  	_ =	swait.ge [sflag:s15], $0x2000  }
0x50: {  	[sflag:s15] =	ssyncset.done $0x0  }
0x51: {  	s0 =	sadd.s32 $0x100, s30;
	[sflag:s15] =	ssyncadd.s32 $0xFFFFE000  }
0x52: {  	[tilespmem:s18], [sflag:$0x1] =	stream.indirect.gather [hbm4b:s12+s17], $0x40, s0, s17, $0xb8;
	[tilespmem:$0x1A380] =	vst v63  }
0x53: {  	_ =	swait.ge [sflag:s25], $0x2000  }
.Ltmp1:
0x54: {  	[sflag:s25] =	ssyncset.done $0x0;
	(pc) =	sbr.rel @p1 .LBB2_4-.Ltmp1, $4  }
0x55: {  	s0 =	sadd.s32 $0x4F80, s30;
	[sflag:s25] =	ssyncadd.s32 $0xFFFFE000  }
0x56: {  	[spmem:s3] =	stream.indirect.scatter.add.f32 [tilespmem:s19], [sflag:$0x3], $0x40, s0, s17, $0xb8;
	[tilespmem:$0x1A380] =	vst v63  }
0x57: {  	_ =	swait.ge [sflag:s15], $0x2000  }
0x58: {  	s31 =	smov.u32 s2;
	s30 =	sshra.s32 s1, $0x2;
	[sflag:s15] =	ssyncset.done $0x0  }
0x59: {  	s0 =	sadd.s32 $0x80, s30;
	[sflag:s15] =	ssyncadd.s32 $0xFFFFE000  }
0x5a: {  	[tilespmem:s19], [sflag:$0x2] =	stream.indirect.gather [hbm4b:s12+s17], $0x40, s0, s17, $0xb8;
	[tilespmem:$0x1A380] =	vst v63  }
0x5b: {  	_ =	swait.ge [sflag:s20], $0x2000  }
0x5c: {  	[sflag:s20] =	ssyncset.done $0x0  }
0x5d: {  	s1 =	sadd.s32 $0x4F00, s30;
	[sflag:s20] =	ssyncadd.s32 $0xFFFFE000  }
0x5e: {  	[spmem:s3] =	stream.indirect.scatter.add.f32 [tilespmem:s18], [sflag:$0x3], $0x40, s1, s17, $0xb8;
	[tilespmem:$0x1A380] =	vst v63  }
0x5f: {  	_ =	swait.ge [sflag:s15], $0x2000  }
0x60: {  	[sflag:s15] =	ssyncset.done $0x0  }
0x61: {  	s2 =	sadd.s32 $0x100, s30;
	[sflag:s15] =	ssyncadd.s32 $0xFFFFE000  }
0x62: {  	[tilespmem:s18], [sflag:$0x1] =	stream.indirect.gather [hbm4b:s12+s17], $0x40, s2, s17, $0xb8;
	[tilespmem:$0x1A380] =	vst v63  }
0x63: {  	_ =	swait.ge [sflag:s25], $0x2000  }
0x64: {  	[sflag:s25] =	ssyncset.done $0x0  }
0x65: {  	s31 =	sadd.s32 $0x4F80, s30;
	[sflag:s25] =	ssyncadd.s32 $0xFFFFE000  }
0x66: {  	[spmem:s3] =	stream.indirect.scatter.add.f32 [tilespmem:s19], [sflag:$0x3], $0x40, s31, s17, $0xb8;
	[tilespmem:$0x1A380] =	vst v63  }
0x67: {  	_ =	swait.ge [sflag:s15], $0x2000  }
0x68: {  	[sflag:s15] =	ssyncset.done $0x0  }
0x69: {  	s0 =	simm.s32 @p0 $0x80;
	[sflag:s15] =	ssyncadd.s32 $0xFFFFE000  }
0x6a: {  	s1 =	simm.s32 @p0 $0x4E80;
	s2 =	simm.s32 @p0 $0xBE00;
	s30 =	rddreg [dreg:$0x1]  }
0x6b: {  	[tilespmem:s2], [sflag:$0x2] =	stream.indirect.gather @p0 [hbm4b:s30+s0], $0x40, s1, s0, $0xb8;
	[tilespmem:$0x1A380] =	vst v63  }
0x6c: {  	s0 =	simm.s32 @!p0 $0x80;
	s1 =	simm.s32 @!p0 $0x4E80;
	s2 =	simm.s32 @!p0 $0xBE00  }
0x6d: {  	[tilespmem:s2], [sflag:$0x2] =	stream.indirect.gather @!p0 [hbm4b:s5+s0], $0x40, s1, s0, $0xb8;
	[tilespmem:$0x1A380] =	vst v63  }
0x6e: {  	_ =	swait.ge [sflag:s20], $0x2000  }
0x6f: {  	[sflag:s20] =	ssyncset.done $0x0  }
0x70: {  	[sflag:s20] =	ssyncadd.s32 $0xFFFFE000  }
0x71: {  	[spmem:s3] =	stream.indirect.scatter.add.f32 [tilespmem:s18], [sflag:$0x3], $0x40, s26, s17, $0xb8;
	[tilespmem:$0x1A380] =	vst v63  }
0x72: {  	_ =	swait.ge [sflag:s15], $0x2000  }
0x73: {  	[sflag:s15] =	ssyncset.done $0x0  }
0x74: {  	[sflag:s15] =	ssyncadd.s32 $0xFFFFE000  }
0x75: {  	_ =	swait.ge [sflag:s25], $0x2000  }
0x76: {  	[sflag:s25] =	ssyncset.done $0x0  }
0x77: {  	[sflag:s25] =	ssyncadd.s32 $0xFFFFE000  }
0x78: {  	[spmem:s3] =	stream.indirect.scatter.add.f32 [tilespmem:s19], [sflag:$0x3], $0x40, s28, s17, $0xb8;
	[tilespmem:$0x1A380] =	vst v63  }
0x79: {  	_ =	swait.ge [sflag:s15], $0x2000  }
0x7a: {  	[sflag:s15] =	ssyncset.done $0x0  }
0x7b: {  	[sflag:s15] =	ssyncadd.s32 $0xFFFFE000  }
0x7c: {  	[bflag:$0x0] =	sbarrier.arrive $0xFFFF  }
0x7d: {  	[tilespmem:s14], [sflag:$0x3] =	stream.linear.gather [spmem:s6], $0x2780, $0x38;
	[tilespmem:$0x1A380] =	vst v63  }
0x7e: {  	_ =	swait.ge [sflag:s15], $0x2780  }
0x7f: {  	[sflag:s15] =	ssyncset.done $0x0  }
0x80: {  	[sflag:s15] =	ssyncadd.s32 $0xFFFFD880  }
0x81: {  	[hbm4b:s21+s4] =	stream.linear.scatter [tilespmem:s14], [sflag:$0x3], $0x2780, $0x38;
	[tilespmem:$0x1A380] =	vst v63  }
0x82: {  	_ =	swait.ge [sflag:s15], $0x2780  }
0x83: {  	[sflag:s15] =	ssyncset.done $0x0  }
0x84: {  	[sflag:s15] =	ssyncadd.s32 $0xFFFFD880  }
0x85: {  	[tilespmem:s14], [sflag:$0x3] =	stream.linear.gather [spmem:s7], $0x2780, $0x38;
	[tilespmem:$0x1A380] =	vst v63  }
0x86: {  	_ =	swait.ge [sflag:s15], $0x2780  }
0x87: {  	[sflag:s15] =	ssyncset.done $0x0  }
0x88: {  	[sflag:s15] =	ssyncadd.s32 $0xFFFFD880  }
0x89: {  	[hbm4b:s22+s4] =	stream.linear.scatter [tilespmem:s14], [sflag:$0x3], $0x2780, $0x38;
	[tilespmem:$0x1A380] =	vst v63  }
0x8a: {  	_ =	swait.ge [sflag:s15], $0x2780  }
0x8b: {  	[sflag:s15] =	ssyncset.done $0x0  }
0x8c: {  	[sflag:s15] =	ssyncadd.s32 $0xFFFFD880  }
0x8d: {  	[tilespmem:s14], [sflag:$0x3] =	stream.linear.gather [spmem:s8], $0x2780, $0x38;
	[tilespmem:$0x1A380] =	vst v63  }
0x8e: {  	_ =	swait.ge [sflag:s15], $0x2780  }
0x8f: {  	[sflag:s15] =	ssyncset.done $0x0  }
0x90: {  	[sflag:s15] =	ssyncadd.s32 $0xFFFFD880  }
0x91: {  	[hbm4b:s23+s4] =	stream.linear.scatter [tilespmem:s14], [sflag:$0x3], $0x2780, $0x38;
	[tilespmem:$0x1A380] =	vst v63  }
0x92: {  	_ =	swait.ge [sflag:s15], $0x2780  }
0x93: {  	[sflag:s15] =	ssyncset.done $0x0  }
0x94: {  	[sflag:s15] =	ssyncadd.s32 $0xFFFFD880  }
0x95: {  	[tilespmem:s14], [sflag:$0x3] =	stream.linear.gather [spmem:s9], $0x2780, $0x38;
	[tilespmem:$0x1A380] =	vst v63  }
0x96: {  	s29 =	sadd.s32 $0x1, s29;
	_ =	swait.ge [sflag:s15], $0x2780  }
0x97: {  	p1 =	sne.s32 s29, s13;
	[sflag:s15] =	ssyncset.done $0x0  }
.Ltmp2:
0x98: {  	[sflag:s15] =	ssyncadd.s32 $0xFFFFD880;
	(pc) =	sbr.rel @p1 .LBB2_1-.Ltmp2, $4  }
0x99: {  	[hbm4b:s24+s4] =	stream.linear.scatter [tilespmem:s14], [sflag:$0x3], $0x2780, $0x38;
	[tilespmem:$0x1A380] =	vst v63  }
0x9a: {  	_ =	swait.ge [sflag:s15], $0x2780  }
0x9b: {  	[sflag:s15] =	ssyncset.done $0x0  }
0x9c: {  	[sflag:s15] =	ssyncadd.s32 $0xFFFFD880  }
0x9d: {  	_ =	sfence.sel $0x180000  }
0x9e: {  	[bflag:$0x0] =	sbarrier.arrive $0xFFFF  }
0x9f: {  	_ =	strace $0x9000004A  }
0xa0: {  	s0 =	stileid.u32;
	[bflag:$0x2] =	sbarrier.arrive $0xFFFF  }
0xa1: {  	p0 =	sne.s32 s0, $0x0;
	s0 =	rddreg [dreg:$0x3]  }
0xa2: {  	s0 =	sadd.s32 @!p0 $0x100000, s0  }
0xa3: {  	[sflag:s0] =	ssyncadd.tile.s32 @!p0 $0x1;
	_ =	shalt  }
.Lfunc_end2:
_tile_overlayer_lowered:
.L_overlay_start_2:
0xa4: {  	(tag) =	ssettag $0x2  }
0xa5: {  	s0 =	rddreg [dreg:$0x0];
	s2 =	stileid.u32  }
0xa6: {  	s1 =	rddreg [dreg:$0x1];
	p0 =	sne.s32 s2, $0x0  }
0xa7: {  	s3 =	rddreg [dreg:$0x2];
	[bflag:$0x3] =	sbarrier.arrive $0xFFFF;
	s2 =	simm.s32 @!p0 $0x1C03  }
0xa8: {  	[timem:s3], [sflag:s2] =	dma.local @!p0 [hbm:s0], s1  }
0xa9: {  	s0 =	simm.s32 @!p0 $0x3  }
0xaa: {  	_ =	swait.ge @!p0 [sflag:s0], s1  }
0xab: {  	s1 =	ssub.s32 @!p0 $0x0, s1;
	[sflag:s0] =	ssyncset.done @!p0 $0x0  }
0xac: {  	[sflag:s0] =	ssyncadd.s32 @!p0 s1  }
0xad: {  	[bflag:$0x3] =	sbarrier.arrive $0xFFFF  }
0xae: {  	_ =	shalt  }

// kernel: kernel.15.cloned.1.call-start
scs
__scs_entry_jumppad:
0x0: {  	(pc) =	sbr.rel $0x88, $3  }
0x1: {  	(tag) =	ssettag $0x0;
	lr =	simm.s32 $0x1  }
0x2: {  	[smem:$0x3F96] =	sst lr;
	_ =	strace $0xD0000000  }
0x3: {  	_ = 	snop  }
0x4: {  	_ = 	snop  }
0x5: {  	_ = 	snop  }
0x6: {  	_ = 	snop  }
0x7: {  	_ = 	snop  }
__scs_overlays_trampoline_lowered:
0x8: {  	[smem:$0x3FA5] =	sst s0  }
0x9: {  	[smem:$0x3FA6] =	sst s1  }
0xa: {  	[smem:$0x3FA7] =	sst s2  }
0xb: {  	[smem:$0x3FA8] =	sst s3  }
0xc: {  	[smem:$0x3FA9] =	sst s4  }
0xd: {  	[smem:$0x3FAA] =	sst s5  }
0xe: {  	[smem:$0x3FAB] =	sst s6  }
0xf: {  	[smem:$0x3FAC] =	sst s7  }
0x10: {  	[smem:$0x3FAD] =	sst s8  }
0x11: {  	[smem:$0x3FAE] =	sst s9;
	s0 =	simm.s32 @!p0 $0x0  }
0x12: {  	s1 =	sld [smem:$0x3F94];
	s0 =	simm.s32 @p0 $0x1  }
0x13: {  	[smem:$0x3FAF] =	sst s0;
	s0 =	simm.s32 @!p1 $0x0  }
0x14: {  	s2 =	sld [smem:$0x3F93];
	s0 =	simm.s32 @p1 $0x1  }
0x15: {  	[smem:$0x3FB0] =	sst s0;
	s0 =	simm.s32 @!p2 $0x0  }
0x16: {  	s3 =	sld [smem:$0x3FDB];
	s0 =	simm.s32 @p2 $0x1  }
0x17: {  	s4 =	simm.s32 $0x1BF5;
	[smem:$0x3FB2] =	sst s0  }
0x18: {  	s0 =	sld [smem:$0x3F95];
	_ =	swait.ge [sflag:s4], $0x0  }
0x19: {  	s7 =	sld [smem:$0x3F96]  }
0x1a: {  	s8 =	sadd.s32 $0xFFFFE003, lr  }
0x1b: {  	s9 =	sadd.s32 $0xFFFFFEF7, lr;
	s5 =	simm.s32 $0xFFFFFFFF;
	p2 =	slt.u32 s8, $0xFFFFF086  }
0x1c: {  	p1 =	slt.u32 s9, $0xF7A;
	s5 =	simm.s32 @!p2 $0x0  }
0x1d: {  	s5 =	simm.s32 @p1 $0x1;
	p0 =	seq.s32 s7, s2  }
0x1e: {  	s7 =	smul.u32 @!p0 $0xF7A, s2;
	p2 =	seq.s32 @!p0 s5, $0x0  }
0x1f: {  	s9 =	smul.u32 $0xF7A, s1;
	s8 =	simm.s32 @!p0 $0x1BF5;
	p2 =	por !p2, p0  }
0x20: {  	[sflag:s8] =	ssyncset.s32 @!p0 $0xFFFFF086;
	s6 =	sadd.s32 @!p0 s3, s7;
	s7 =	simm.s32 @!p0 $0x108  }
0x21: {  	s3 =	sadd.s32 s3, s9;
	s6 =	sadd.s32 @!p0 $0x88, s6;
	s7 =	simm.s32 @p2 $0x1082  }
0x22: {  	[simem:s7], [sflag:s8] =	dma.local @!p0 [hbm:s6], $0xF7A  }
0x23: {  	s9 =	sor.u32 $0xD0000000, s2;
	s6 =	simm.s32 $0x108;
	_ =	swait.ge @!p0 [sflag:s8], $0x0  }
0x24: {  	s3 =	sadd.s32 $0x88, s3;
	s6 =	simm.s32 @!p1 $0x1082;
	[sflag:s4] =	ssyncset.s32 $0xFFFFF086  }
0x25: {  	[simem:s6], [sflag:s4] =	dma.local [hbm:s3], $0xF7A  }
0x26: {  	[smem:$0x3F96] =	sst s1;
	(tag) =	ssettag s2;
	_ =	strace s9  }
0x27: {  	s1 =	sld [smem:$0x3FA6]  }
0x28: {  	s2 =	sld [smem:$0x3FA7]  }
0x29: {  	s4 =	sld [smem:$0x3FA9]  }
0x2a: {  	p0 =	seq.s32 s5, $0x0;
	s5 =	sld [smem:$0x3FAA]  }
0x2b: {  	s6 =	sld [smem:$0x3FAB]  }
0x2c: {  	s7 =	sld [smem:$0x3FAC]  }
0x2d: {  	s3 =	simm.s32 $0x108;
	s8 =	sld [smem:$0x3FAD]  }
0x2e: {  	s3 =	simm.s32 @!p0 $0x1082;
	s9 =	sld [smem:$0x3FAE]  }
0x2f: {  	lr =	sadd.s32 s0, s3;
	s0 =	sld [smem:$0x3FA5]  }
0x30: {  	s3 =	sld [smem:$0x3FA8]  }
0x31: {  	[smem:$0x3FB1] =	sst s10  }
0x32: {  	s10 =	sld [smem:$0x3FAF];
	_ =	sdelay $0x3  }
0x33: {  	p0 =	seq.s32 s10, $0x1;
	s10 =	sld [smem:$0x3FB1];
	_ =	sdelay $0x3  }
0x34: {  	[smem:$0x3FB1] =	sst s10  }
0x35: {  	s10 =	sld [smem:$0x3FB0];
	_ =	sdelay $0x3  }
0x36: {  	p1 =	seq.s32 s10, $0x1;
	s10 =	sld [smem:$0x3FB1];
	_ =	sdelay $0x3  }
0x37: {  	[smem:$0x3FB1] =	sst s10  }
0x38: {  	s10 =	sld [smem:$0x3FB2]  }
0x39: {  	_ = 	snop;
	(pc) =	sbr.ind lr, $3  }
0x3a: {  	_ = 	snop  }
0x3b: {  	_ = 	snop  }
0x3c: {  	p2 =	seq.s32 s10, $0x1;
	s10 =	sld [smem:$0x3FB1]  }
0x3d: {  	_ =	shalt  }
0x3e: {  	_ =	shalt  }
0x3f: {  	_ =	shalt  }
0x40: {  	_ =	shalt  }
0x41: {  	_ =	shalt  }
0x42: {  	_ =	shalt  }
0x43: {  	_ =	shalt  }
0x44: {  	_ =	shalt  }
0x45: {  	_ =	shalt  }
0x46: {  	_ =	shalt  }
0x47: {  	_ =	shalt  }
0x48: {  	_ =	shalt  }
0x49: {  	_ =	shalt  }
0x4a: {  	_ =	shalt  }
0x4b: {  	_ =	shalt  }
0x4c: {  	_ =	shalt  }
0x4d: {  	_ =	shalt  }
0x4e: {  	_ =	shalt  }
0x4f: {  	_ =	shalt  }
0x50: {  	_ =	shalt  }
0x51: {  	_ =	shalt  }
0x52: {  	_ =	shalt  }
0x53: {  	_ =	shalt  }
0x54: {  	_ =	shalt  }
0x55: {  	_ =	shalt  }
0x56: {  	_ =	shalt  }
0x57: {  	_ =	shalt  }
0x58: {  	_ =	shalt  }
0x59: {  	_ =	shalt  }
0x5a: {  	_ =	shalt  }
0x5b: {  	_ =	shalt  }
0x5c: {  	_ =	shalt  }
0x5d: {  	_ =	shalt  }
0x5e: {  	_ =	shalt  }
0x5f: {  	_ =	shalt  }
0x60: {  	_ =	shalt  }
0x61: {  	_ =	shalt  }
0x62: {  	_ =	shalt  }
0x63: {  	_ =	shalt  }
0x64: {  	_ =	shalt  }
0x65: {  	_ =	shalt  }
0x66: {  	_ =	shalt  }
0x67: {  	_ =	shalt  }
0x68: {  	_ =	shalt  }
0x69: {  	_ =	shalt  }
0x6a: {  	_ =	shalt  }
0x6b: {  	_ =	shalt  }
0x6c: {  	_ =	shalt  }
0x6d: {  	_ =	shalt  }
0x6e: {  	_ =	shalt  }
0x6f: {  	_ =	shalt  }
0x70: {  	_ =	shalt  }
0x71: {  	_ =	shalt  }
0x72: {  	_ =	shalt  }
0x73: {  	_ =	shalt  }
0x74: {  	_ =	shalt  }
0x75: {  	_ =	shalt  }
0x76: {  	_ =	shalt  }
0x77: {  	_ =	shalt  }
0x78: {  	_ =	shalt  }
0x79: {  	_ =	shalt  }
0x7a: {  	_ =	shalt  }
0x7b: {  	_ =	shalt  }
0x7c: {  	_ =	shalt  }
0x7d: {  	_ =	shalt  }
0x7e: {  	_ =	shalt  }
0x7f: {  	_ =	shalt  }
0x80: {  	_ =	shalt  }
0x81: {  	_ =	shalt  }
0x82: {  	_ =	shalt  }
0x83: {  	_ =	shalt  }
0x84: {  	_ =	shalt  }
0x85: {  	_ =	shalt  }
0x86: {  	_ =	shalt  }
0x87: {  	_ =	shalt  }
.Lfunc_end0:
.L_simem_size_0:
called_computation.2_lowered:
.L_overlay_start_0:
0x88: {  	s2 =	sld [smem:$0x3FD9]  }
0x89: {  	s3 =	sld [smem:$0x3FFE];
	_ =	sdelay $0x1  }
0x8a: {  	s1 =	srdreg.scid  }
0x8b: {  	s0 =	sand.u32 $0x1, s1  }
0x8c: {  	s17 =	sshll.u32 s0, $0xA;
	s2 =	sadd.s32 s3, s2  }
0x8d: {  	s2 =	sadd.s32 s2, s17  }
0x8e: {  	[smem:$0x3FBD] =	sst s2  }
0x8f: {  	_ = 	snop  }
0x90: {  	s2 =	sld [smem:$0x3FD0];
	(tm) =	ssettm $0x1  }
0x91: {  	s18 =	sld [smem:$0x3FFB];
	_ =	sdelay $0x3  }
0x92: {  	_ =	strace s18  }
0x93: {  	s3 =	sld [smem:$0x3FFC];
	_ =	sdelay $0x3  }
0x94: {  	_ =	strace s3  }
0x95: {  	s3 =	sld [smem:$0x3FFD];
	_ =	sdelay $0x3  }
0x96: {  	_ =	strace s3  }
0x97: {  	_ =	strace $0x8FFFFFFF  }
0x98: {  	s19 =	sld [smem:$0x3FDB];
	_ =	sdelay $0x1  }
0x99: {  	s4 =	simm.s32 $_scs_section_size  }
0x9a: {  	s5 =	simm.s32 $_size__tile_overlayer_lowered;
	s6 =	simm.s32 $_tile_overlayer_lowered  }
0x9b: {  	s22 =	simm.s32 $0x1BFF;
	s21 =	sshll.u32 s6, $0x1;
	s3 =	sadd.s32 s4, s19  }
0x9c: {  	s7 =	simm.s32 $0x0;
	s20 =	sshll.u32 s5, $0x1;
	s5 =	sadd.s32 s21, s3  }
0x9d: {  	[timem:s7], [sflag:s22] =	dma.local [hbm:s5], s20  }
0x9e: {  	_ =	swait.ge [sflag:s22], s20  }
0x9f: {  	s4 =	ssub.s32 $0x0, s20;
	[sflag:s22] =	ssyncset.done $0x0  }
0xa0: {  	[sflag:s22] =	ssyncadd.s32 s4;
	_ =	sdelay $0x1  }
0xa1: {  	s23 =	simm.s32 $0x1B8B  }
0xa2: {  	_ =	swait.ge [sflag:s23], $0x1  }
0xa3: {  	[sflag:s23] =	ssyncset.done $0x0  }
0xa4: {  	s25 =	simm.s32 $0x1B8E;
	s24 =	sld [smem:$0x3FFE];
	[sflag:s23] =	ssyncadd.s32 $0xFFFFFFFF  }
0xa5: {  	s26 =	simm.s32 $execute0_lowered;
	[smem:$0x3FD2] =	sst s25  }
0xa6: {  	s5 =	sshll.u32 s26, $0x1;
	_ =	strace $0x8000004C;
	[dreg:$0x1] =	wrdreg $0xFFFFFFFF  }
0xa7: {  	s28 =	simm.s32 $_size_execute0_lowered;
	s3 =	sadd.s32 s3, s5;
	[dreg:$0x0] =	wrdreg $0x0  }
0xa8: {  	s5 =	sshll.u32 s28, $0x1;
	[dreg:$0x2] =	wrdreg s3  }
0xa9: {  	[dreg:$0x3] =	wrdreg s5  }
0xaa: {  	[dreg:$0x4] =	wrdreg $0xC0  }
0xab: {  	_ =	task [dreg:s7], $0x5FFFF  }
0xac: {  	[dreg:$0x1] =	wrdreg $0xFFFFFFFF  }
0xad: {  	[dreg:$0x0] =	wrdreg $0x60  }
0xae: {  	[dreg:$0x2] =	wrdreg s24  }
0xaf: {  	[dreg:$0x3] =	wrdreg s2  }
0xb0: {  	[dreg:$0x4] =	wrdreg $0x105800  }
0xb1: {  	[dreg:$0x5] =	wrdreg $0x9  }
0xb2: {  	_ =	task.clear_ibuf [dreg:s7], $0x6FFFF;
	_ =	strace $0x9000004C  }
0xb3: {  	s29 =	simm.s32 $0x9;
	_ =	strace $0x8000004E  }
0xb4: {  	_ =	swait.ge [sflag:s29], $0x1  }
0xb5: {  	[sflag:s29] =	ssyncadd.s32 $0xFFFFFFFF  }
0xb6: {  	_ =	strace $0x9000004E  }
0xb7: {  	_ =	sfence  }
0xb8: {  	s30 =	sld [smem:$0x0];
	_ =	sdelay $0x2  }
0xb9: {  	s31 =	sshll.u32 s1, $0xD;
	s1 =	sshrl.u32 s1, $0x2  }
0xba: {  	s3 =	sand.u32 $0x4000, s31;
	s1 =	sadd.s32 s1, s30  }
0xbb: {  	s0 =	sor.u32 s3, s0;
	s1 =	sshll.u32 s1, $0x11  }
0xbc: {  	s0 =	sor.u32 s1, s0  }
0xbd: {  	s0 =	sadd.s32 $0x8F2B, s0  }
0xbe: {  	[sflag:s0] =	ssyncadd.remote.s32 $0x1  }
0xbf: {  	_ =	sfence.sel $0xFFFF  }
0xc0: {  	[dreg:$0x0] =	wrdreg $0xFFFFFFFF;
	(pc) =	sbr.abs _section_cstart, $3  }
0xc1: {  	[dreg:$0x1] =	wrdreg $0xFFFFFFFF  }
0xc2: {  	_ =	task.clear_ibuf [dreg:s7], $0x2FFFF;
	_ =	strace $0x9FFFFFFF  }
0xc3: {  	(tm) =	ssettm $0x7FFFFFFF  }
tec
execute0_lowered:
.L_overlay_start_1:
0x0: {  	(tag) =	ssettag $0x1  }
0x1: {  	s6 =	rddreg [dreg:$0x0]  }
0x2: {  	s1 =	rddreg [dreg:$0x1]  }
0x3: {  	s3 =	rddreg [dreg:$0x2]  }
0x4: {  	s0 =	stileid.u32;
	s4 =	simm.s32 $0x0;
	s7 =	srdreg.scid  }
0x5: {  	s18 =	simm.s32 $0x9E00;
	s19 =	simm.s32 $0xBE00;
	s26 =	simm.s32 $0x9D00  }
0x6: {  	s28 =	simm.s32 $0x9D80;
	s29 =	simm.s32 $0x0;
	s5 =	smul.u32 $0x9E0, s0  }
0x7: {  	[smem:$0x7FF] =	sst s4;
	s12 =	sand.u32 $0x1, s7;
	s13 =	smul.u32 $0x9E00, s0  }
0x8: {  	s20 =	sadd.s32 $0x99A00, s6;
	s24 =	sadd.s32 $0x85E00, s6;
	_ =	strace $0x8000004D  }
0x9: {  	s7 =	ssub.s32 $0x2, s12;
	p0 =	seq.s32 s12, $0x0;
	s11 =	sadd.s32 s5, s6  }
0xa: {  	s5 =	sadd.s32 $0x72200, s6;
	s31 =	sshrl.u32 s7, $0x1;
	s6 =	sadd.s32 s13, s3  }
0xb: {  	s15 =	sadd.s32 $0x2780, s13;
	s16 =	sadd.s32 $0x4F00, s13;
	s17 =	sadd.s32 $0x7680, s13  }
0xc: {  	s21 =	sshrl.u32 s13, $0x3;
	s24 =	smov.u32 @p0 s20;
	s20 =	simm.s32 $0x1  }
0xd: {  	s14 =	ssub.s32 s7, s31;
	s7 =	sadd.s32 s15, s3;
	s8 =	sadd.s32 s16, s3  }
0xe: {  	s9 =	sadd.s32 s17, s3;
	s10 =	sadd.s32 $0x4C00, s11;
	s11 =	sadd.s32 $0x19400, s11  }
0xf: {  	s22 =	sshrl.u32 s15, $0x3;
	s23 =	sshrl.u32 s16, $0x3;
	s25 =	sshrl.u32 s17, $0x3  }
0x10: {  	s12 =	smov.u32 s5;
	s15 =	simm.s32 $0x3;
	s16 =	simm.s32 $0x4F00  }
0x11: {  	s17 =	simm.s32 $0x80;
	s21 =	sadd.s32 s24, s21;
	s13 =	smax.u32 s14, $0x1  }
0x12: {  	s12 =	smov.u32 @p0 s1;
	s14 =	simm.s32 $0xDE00;
	s22 =	sadd.s32 s24, s22  }
0x13: {  	v0 =	vimm.f32 $0.0e+00;
	s23 =	sadd.s32 s24, s23;
	s24 =	sadd.s32 s24, s25;
	s25 =	simm.s32 $0x2  }
.LBB2_1:
0x14: {  	s31 =	simm.s32 $0x100;
	s30 =	simm.s32 $0x0  }
.LBB2_2:
0x15: {  	p1 =	sne.s32 s31, $0x9D00;
	[tilespmem:s30+$0xDE30] =	vst v0;
	s0 =	smov.u32 s31;
	s31 =	sadd.s32 $0x100, s31  }
.Ltmp0:
0x16: {  	[tilespmem:s30+$0xDE20] =	vst v0;
	(pc) =	sbr.rel @p1 .LBB2_2-.Ltmp0, $3  }
0x17: {  	[tilespmem:s30+$0xDE00] =	vst v0  }
0x18: {  	[tilespmem:s30+$0xDE10] =	vst v0;
	_ =	sdelay $0x1  }
0x19: {  	s30 =	sshra.s32 s0, $0x2  }
0x1a: {  	[tilespmem:s30+$0xDE30] =	vst v0  }
0x1b: {  	[tilespmem:s30+$0xDE20] =	vst v0  }
0x1c: {  	[tilespmem:s30+$0xDE00] =	vst v0  }
0x1d: {  	[tilespmem:s30+$0xDE10] =	vst v0  }
0x1e: {  	[spmem:s6] =	stream.linear.scatter [tilespmem:s14], [sflag:$0x3], $0x2780, $0x38;
	[tilespmem:$0x1A380] =	vst v63  }
0x1f: {  	_ =	swait.ge [sflag:s15], $0x2780  }
0x20: {  	[sflag:s15] =	ssyncset.done $0x0  }
0x21: {  	[sflag:s15] =	ssyncadd.s32 $0xFFFFD880  }
0x22: {  	[spmem:s7] =	stream.linear.scatter [tilespmem:s14], [sflag:$0x3], $0x2780, $0x38;
	[tilespmem:$0x1A380] =	vst v63  }
0x23: {  	_ =	swait.ge [sflag:s15], $0x2780  }
0x24: {  	[sflag:s15] =	ssyncset.done $0x0  }
0x25: {  	[sflag:s15] =	ssyncadd.s32 $0xFFFFD880  }
0x26: {  	[spmem:s8] =	stream.linear.scatter [tilespmem:s14], [sflag:$0x3], $0x2780, $0x38;
	[tilespmem:$0x1A380] =	vst v63  }
0x27: {  	_ =	swait.ge [sflag:s15], $0x2780  }
0x28: {  	[sflag:s15] =	ssyncset.done $0x0  }
0x29: {  	[sflag:s15] =	ssyncadd.s32 $0xFFFFD880  }
0x2a: {  	[spmem:s9] =	stream.linear.scatter [tilespmem:s14], [sflag:$0x3], $0x2780, $0x38;
	[tilespmem:$0x1A380] =	vst v63  }
0x2b: {  	_ =	swait.ge [sflag:s15], $0x2780  }
0x2c: {  	[sflag:s15] =	ssyncset.done $0x0  }
0x2d: {  	s0 =	simm.s32 $0x0;
	[sflag:s15] =	ssyncadd.s32 $0xFFFFD880  }
0x2e: {  	[tilespmem:s0], [sflag:$0x3] =	stream.linear.gather [hbm4b:s10+s0], $0x4F00, $0x38;
	[tilespmem:$0x1A380] =	vst v63  }
0x2f: {  	_ =	swait.ge [sflag:s15], $0x4F00  }
0x30: {  	[sflag:s15] =	ssyncset.done $0x0  }
0x31: {  	[sflag:s15] =	ssyncadd.s32 $0xFFFFB100  }
0x32: {  	[tilespmem:s16], [sflag:$0x3] =	stream.linear.gather [hbm4b:s11+s0], $0x4F00, $0x38;
	[tilespmem:$0x1A380] =	vst v63  }
0x33: {  	_ =	swait.ge [sflag:s15], $0x4F00  }
0x34: {  	[sflag:s15] =	ssyncset.done $0x0  }
0x35: {  	[sflag:s15] =	ssyncadd.s32 $0xFFFFB100  }
0x36: {  	[bflag:$0x0] =	sbarrier.arrive $0xFFFF  }
0x37: {  	[tilespmem:s18], [sflag:$0x1] =	stream.indirect.gather [hbm4b:s12+s17], $0x40, s0, s17, $0xb8;
	[tilespmem:$0x1A380] =	vst v63  }
0x38: {  	s1 =	simm.s32 $0x80  }
0x39: {  	[tilespmem:s19], [sflag:$0x2] =	stream.indirect.gather [hbm4b:s12+s17], $0x40, s1, s17, $0xb8;
	[tilespmem:$0x1A380] =	vst v63  }
0x3a: {  	_ =	swait.ge [sflag:s20], $0x2000  }
0x3b: {  	[sflag:s20] =	ssyncset.done $0x0  }
0x3c: {  	s2 =	simm.s32 $0x4F00;
	[sflag:s20] =	ssyncadd.s32 $0xFFFFE000  }
0x3d: {  	[spmem:s3] =	stream.indirect.scatter.add.f32 [tilespmem:s18], [sflag:$0x3], $0x40, s2, s17, $0xb8;
	[tilespmem:$0x1A380] =	vst v63  }
0x3e: {  	_ =	swait.ge [sflag:s15], $0x2000  }
0x3f: {  	[sflag:s15] =	ssyncset.done $0x0  }
0x40: {  	s1 =	simm.s32 $0x100;
	[sflag:s15] =	ssyncadd.s32 $0xFFFFE000  }
0x41: {  	[tilespmem:s18], [sflag:$0x1] =	stream.indirect.gather [hbm4b:s12+s17], $0x40, s1, s17, $0xb8;
	[tilespmem:$0x1A380] =	vst v63  }
0x42: {  	_ =	swait.ge [sflag:s25], $0x2000  }
0x43: {  	[sflag:s25] =	ssyncset.done $0x0  }
0x44: {  	s2 =	simm.s32 $0x4F80;
	[sflag:s25] =	ssyncadd.s32 $0xFFFFE000  }
0x45: {  	[spmem:s3] =	stream.indirect.scatter.add.f32 [tilespmem:s19], [sflag:$0x3], $0x40, s2, s17, $0xb8;
	[tilespmem:$0x1A380] =	vst v63  }
0x46: {  	_ =	swait.ge [sflag:s15], $0x2000  }
0x47: {  	s31 =	simm.s32 $0x800;
	s30 =	simm.s32 $0x100;
	[sflag:s15] =	ssyncset.done $0x0  }
.LBB2_4:
0x48: {  	s0 =	sadd.s32 $0x80, s30  }
0x49: {  	[sflag:s15] =	ssyncadd.s32 $0xFFFFE000;
	s1 =	smov.u32 s31;
	s2 =	sadd.s32 $0x400, s31  }
0x4a: {  	[tilespmem:s19], [sflag:$0x2] =	stream.indirect.gather [hbm4b:s12+s17], $0x40, s0, s17, $0xb8;
	[tilespmem:$0x1A380] =	vst v63  }
0x4b: {  	p1 =	sne.s32 s31, $0x13400;
	_ =	swait.ge [sflag:s20], $0x2000  }
0x4c: {  	[sflag:s20] =	ssyncset.done $0x0  }
0x4d: {  	s0 =	sadd.s32 $0x4F00, s30;
	[sflag:s20] =	ssyncadd.s32 $0xFFFFE000  }
0x4e: {  	[spmem:s3] =	stream.indirect.scatter.add.f32 [tilespmem:s18], [sflag:$0x3], $0x40, s0, s17, $0xb8;
	[tilespmem:$0x1A380] =	vst v63  }
0x4f: {  	_ =	swait.ge [sflag:s15], $0x2000  }
0x50: {  	[sflag:s15] =	ssyncset.done $0x0  }
0x51: {  	s0 =	sadd.s32 $0x100, s30;
	[sflag:s15] =	ssyncadd.s32 $0xFFFFE000  }
0x52: {  	[tilespmem:s18], [sflag:$0x1] =	stream.indirect.gather [hbm4b:s12+s17], $0x40, s0, s17, $0xb8;
	[tilespmem:$0x1A380] =	vst v63  }
0x53: {  	_ =	swait.ge [sflag:s25], $0x2000  }
.Ltmp1:
0x54: {  	[sflag:s25] =	ssyncset.done $0x0;
	(pc) =	sbr.rel @p1 .LBB2_4-.Ltmp1, $4  }
0x55: {  	s0 =	sadd.s32 $0x4F80, s30;
	[sflag:s25] =	ssyncadd.s32 $0xFFFFE000  }
0x56: {  	[spmem:s3] =	stream.indirect.scatter.add.f32 [tilespmem:s19], [sflag:$0x3], $0x40, s0, s17, $0xb8;
	[tilespmem:$0x1A380] =	vst v63  }
0x57: {  	_ =	swait.ge [sflag:s15], $0x2000  }
0x58: {  	s31 =	smov.u32 s2;
	s30 =	sshra.s32 s1, $0x2;
	[sflag:s15] =	ssyncset.done $0x0  }
0x59: {  	s0 =	sadd.s32 $0x80, s30;
	[sflag:s15] =	ssyncadd.s32 $0xFFFFE000  }
0x5a: {  	[tilespmem:s19], [sflag:$0x2] =	stream.indirect.gather [hbm4b:s12+s17], $0x40, s0, s17, $0xb8;
	[tilespmem:$0x1A380] =	vst v63  }
0x5b: {  	_ =	swait.ge [sflag:s20], $0x2000  }
0x5c: {  	[sflag:s20] =	ssyncset.done $0x0  }
0x5d: {  	s1 =	sadd.s32 $0x4F00, s30;
	[sflag:s20] =	ssyncadd.s32 $0xFFFFE000  }
0x5e: {  	[spmem:s3] =	stream.indirect.scatter.add.f32 [tilespmem:s18], [sflag:$0x3], $0x40, s1, s17, $0xb8;
	[tilespmem:$0x1A380] =	vst v63  }
0x5f: {  	_ =	swait.ge [sflag:s15], $0x2000  }
0x60: {  	[sflag:s15] =	ssyncset.done $0x0  }
0x61: {  	s2 =	sadd.s32 $0x100, s30;
	[sflag:s15] =	ssyncadd.s32 $0xFFFFE000  }
0x62: {  	[tilespmem:s18], [sflag:$0x1] =	stream.indirect.gather [hbm4b:s12+s17], $0x40, s2, s17, $0xb8;
	[tilespmem:$0x1A380] =	vst v63  }
0x63: {  	_ =	swait.ge [sflag:s25], $0x2000  }
0x64: {  	[sflag:s25] =	ssyncset.done $0x0  }
0x65: {  	s31 =	sadd.s32 $0x4F80, s30;
	[sflag:s25] =	ssyncadd.s32 $0xFFFFE000  }
0x66: {  	[spmem:s3] =	stream.indirect.scatter.add.f32 [tilespmem:s19], [sflag:$0x3], $0x40, s31, s17, $0xb8;
	[tilespmem:$0x1A380] =	vst v63  }
0x67: {  	_ =	swait.ge [sflag:s15], $0x2000  }
0x68: {  	[sflag:s15] =	ssyncset.done $0x0  }
0x69: {  	s0 =	simm.s32 @p0 $0x80;
	[sflag:s15] =	ssyncadd.s32 $0xFFFFE000  }
0x6a: {  	s1 =	simm.s32 @p0 $0x4E80;
	s2 =	simm.s32 @p0 $0xBE00;
	s30 =	rddreg [dreg:$0x1]  }
0x6b: {  	[tilespmem:s2], [sflag:$0x2] =	stream.indirect.gather @p0 [hbm4b:s30+s0], $0x40, s1, s0, $0xb8;
	[tilespmem:$0x1A380] =	vst v63  }
0x6c: {  	s0 =	simm.s32 @!p0 $0x80;
	s1 =	simm.s32 @!p0 $0x4E80;
	s2 =	simm.s32 @!p0 $0xBE00  }
0x6d: {  	[tilespmem:s2], [sflag:$0x2] =	stream.indirect.gather @!p0 [hbm4b:s5+s0], $0x40, s1, s0, $0xb8;
	[tilespmem:$0x1A380] =	vst v63  }
0x6e: {  	_ =	swait.ge [sflag:s20], $0x2000  }
0x6f: {  	[sflag:s20] =	ssyncset.done $0x0  }
0x70: {  	[sflag:s20] =	ssyncadd.s32 $0xFFFFE000  }
0x71: {  	[spmem:s3] =	stream.indirect.scatter.add.f32 [tilespmem:s18], [sflag:$0x3], $0x40, s26, s17, $0xb8;
	[tilespmem:$0x1A380] =	vst v63  }
0x72: {  	_ =	swait.ge [sflag:s15], $0x2000  }
0x73: {  	[sflag:s15] =	ssyncset.done $0x0  }
0x74: {  	[sflag:s15] =	ssyncadd.s32 $0xFFFFE000  }
0x75: {  	_ =	swait.ge [sflag:s25], $0x2000  }
0x76: {  	[sflag:s25] =	ssyncset.done $0x0  }
0x77: {  	[sflag:s25] =	ssyncadd.s32 $0xFFFFE000  }
0x78: {  	[spmem:s3] =	stream.indirect.scatter.add.f32 [tilespmem:s19], [sflag:$0x3], $0x40, s28, s17, $0xb8;
	[tilespmem:$0x1A380] =	vst v63  }
0x79: {  	_ =	swait.ge [sflag:s15], $0x2000  }
0x7a: {  	[sflag:s15] =	ssyncset.done $0x0  }
0x7b: {  	[sflag:s15] =	ssyncadd.s32 $0xFFFFE000  }
0x7c: {  	[bflag:$0x0] =	sbarrier.arrive $0xFFFF  }
0x7d: {  	[tilespmem:s14], [sflag:$0x3] =	stream.linear.gather [spmem:s6], $0x2780, $0x38;
	[tilespmem:$0x1A380] =	vst v63  }
0x7e: {  	_ =	swait.ge [sflag:s15], $0x2780  }
0x7f: {  	[sflag:s15] =	ssyncset.done $0x0  }
0x80: {  	[sflag:s15] =	ssyncadd.s32 $0xFFFFD880  }
0x81: {  	[hbm4b:s21+s4] =	stream.linear.scatter [tilespmem:s14], [sflag:$0x3], $0x2780, $0x38;
	[tilespmem:$0x1A380] =	vst v63  }
0x82: {  	_ =	swait.ge [sflag:s15], $0x2780  }
0x83: {  	[sflag:s15] =	ssyncset.done $0x0  }
0x84: {  	[sflag:s15] =	ssyncadd.s32 $0xFFFFD880  }
0x85: {  	[tilespmem:s14], [sflag:$0x3] =	stream.linear.gather [spmem:s7], $0x2780, $0x38;
	[tilespmem:$0x1A380] =	vst v63  }
0x86: {  	_ =	swait.ge [sflag:s15], $0x2780  }
0x87: {  	[sflag:s15] =	ssyncset.done $0x0  }
0x88: {  	[sflag:s15] =	ssyncadd.s32 $0xFFFFD880  }
0x89: {  	[hbm4b:s22+s4] =	stream.linear.scatter [tilespmem:s14], [sflag:$0x3], $0x2780, $0x38;
	[tilespmem:$0x1A380] =	vst v63  }
0x8a: {  	_ =	swait.ge [sflag:s15], $0x2780  }
0x8b: {  	[sflag:s15] =	ssyncset.done $0x0  }
0x8c: {  	[sflag:s15] =	ssyncadd.s32 $0xFFFFD880  }
0x8d: {  	[tilespmem:s14], [sflag:$0x3] =	stream.linear.gather [spmem:s8], $0x2780, $0x38;
	[tilespmem:$0x1A380] =	vst v63  }
0x8e: {  	_ =	swait.ge [sflag:s15], $0x2780  }
0x8f: {  	[sflag:s15] =	ssyncset.done $0x0  }
0x90: {  	[sflag:s15] =	ssyncadd.s32 $0xFFFFD880  }
0x91: {  	[hbm4b:s23+s4] =	stream.linear.scatter [tilespmem:s14], [sflag:$0x3], $0x2780, $0x38;
	[tilespmem:$0x1A380] =	vst v63  }
0x92: {  	_ =	swait.ge [sflag:s15], $0x2780  }
0x93: {  	[sflag:s15] =	ssyncset.done $0x0  }
0x94: {  	[sflag:s15] =	ssyncadd.s32 $0xFFFFD880  }
0x95: {  	[tilespmem:s14], [sflag:$0x3] =	stream.linear.gather [spmem:s9], $0x2780, $0x38;
	[tilespmem:$0x1A380] =	vst v63  }
0x96: {  	s29 =	sadd.s32 $0x1, s29;
	_ =	swait.ge [sflag:s15], $0x2780  }
0x97: {  	p1 =	sne.s32 s29, s13;
	[sflag:s15] =	ssyncset.done $0x0  }
.Ltmp2:
0x98: {  	[sflag:s15] =	ssyncadd.s32 $0xFFFFD880;
	(pc) =	sbr.rel @p1 .LBB2_1-.Ltmp2, $4  }
0x99: {  	[hbm4b:s24+s4] =	stream.linear.scatter [tilespmem:s14], [sflag:$0x3], $0x2780, $0x38;
	[tilespmem:$0x1A380] =	vst v63  }
0x9a: {  	_ =	swait.ge [sflag:s15], $0x2780  }
0x9b: {  	[sflag:s15] =	ssyncset.done $0x0  }
0x9c: {  	[sflag:s15] =	ssyncadd.s32 $0xFFFFD880  }
0x9d: {  	_ =	sfence.sel $0x180000  }
0x9e: {  	[bflag:$0x0] =	sbarrier.arrive $0xFFFF  }
0x9f: {  	_ =	strace $0x9000004D  }
0xa0: {  	s0 =	stileid.u32;
	[bflag:$0x2] =	sbarrier.arrive $0xFFFF  }
0xa1: {  	p0 =	sne.s32 s0, $0x0;
	s0 =	rddreg [dreg:$0x3]  }
0xa2: {  	s0 =	sadd.s32 @!p0 $0x100000, s0  }
0xa3: {  	[sflag:s0] =	ssyncadd.tile.s32 @!p0 $0x1;
	_ =	shalt  }
.Lfunc_end2:
_tile_overlayer_lowered:
.L_overlay_start_2:
0xa4: {  	(tag) =	ssettag $0x2  }
0xa5: {  	s0 =	rddreg [dreg:$0x0];
	s2 =	stileid.u32  }
0xa6: {  	s1 =	rddreg [dreg:$0x1];
	p0 =	sne.s32 s2, $0x0  }
0xa7: {  	s3 =	rddreg [dreg:$0x2];
	[bflag:$0x3] =	sbarrier.arrive $0xFFFF;
	s2 =	simm.s32 @!p0 $0x1C03  }
0xa8: {  	[timem:s3], [sflag:s2] =	dma.local @!p0 [hbm:s0], s1  }
0xa9: {  	s0 =	simm.s32 @!p0 $0x3  }
0xaa: {  	_ =	swait.ge @!p0 [sflag:s0], s1  }
0xab: {  	s1 =	ssub.s32 @!p0 $0x0, s1;
	[sflag:s0] =	ssyncset.done @!p0 $0x0  }
0xac: {  	[sflag:s0] =	ssyncadd.s32 @!p0 s1  }
0xad: {  	[bflag:$0x3] =	sbarrier.arrive $0xFFFF  }
0xae: {  	_ =	shalt  }

// kernel: kernel.18.cloned.1.call-start
scs
__scs_entry_jumppad:
0x0: {  	(pc) =	sbr.rel $0x88, $3  }
0x1: {  	(tag) =	ssettag $0x0;
	lr =	simm.s32 $0x1  }
0x2: {  	[smem:$0x3F96] =	sst lr;
	_ =	strace $0xD0000000  }
0x3: {  	_ = 	snop  }
0x4: {  	_ = 	snop  }
0x5: {  	_ = 	snop  }
0x6: {  	_ = 	snop  }
0x7: {  	_ = 	snop  }
__scs_overlays_trampoline_lowered:
0x8: {  	[smem:$0x3FA5] =	sst s0  }
0x9: {  	[smem:$0x3FA6] =	sst s1  }
0xa: {  	[smem:$0x3FA7] =	sst s2  }
0xb: {  	[smem:$0x3FA8] =	sst s3  }
0xc: {  	[smem:$0x3FA9] =	sst s4  }
0xd: {  	[smem:$0x3FAA] =	sst s5  }
0xe: {  	[smem:$0x3FAB] =	sst s6  }
0xf: {  	[smem:$0x3FAC] =	sst s7  }
0x10: {  	[smem:$0x3FAD] =	sst s8  }
0x11: {  	[smem:$0x3FAE] =	sst s9;
	s0 =	simm.s32 @!p0 $0x0  }
0x12: {  	s1 =	sld [smem:$0x3F94];
	s0 =	simm.s32 @p0 $0x1  }
0x13: {  	[smem:$0x3FAF] =	sst s0;
	s0 =	simm.s32 @!p1 $0x0  }
0x14: {  	s2 =	sld [smem:$0x3F93];
	s0 =	simm.s32 @p1 $0x1  }
0x15: {  	[smem:$0x3FB0] =	sst s0;
	s0 =	simm.s32 @!p2 $0x0  }
0x16: {  	s3 =	sld [smem:$0x3FDB];
	s0 =	simm.s32 @p2 $0x1  }
0x17: {  	s4 =	simm.s32 $0x1BF5;
	[smem:$0x3FB2] =	sst s0  }
0x18: {  	s0 =	sld [smem:$0x3F95];
	_ =	swait.ge [sflag:s4], $0x0  }
0x19: {  	s7 =	sld [smem:$0x3F96]  }
0x1a: {  	s8 =	sadd.s32 $0xFFFFE003, lr  }
0x1b: {  	s9 =	sadd.s32 $0xFFFFFEF7, lr;
	s5 =	simm.s32 $0xFFFFFFFF;
	p2 =	slt.u32 s8, $0xFFFFF086  }
0x1c: {  	p1 =	slt.u32 s9, $0xF7A;
	s5 =	simm.s32 @!p2 $0x0  }
0x1d: {  	s5 =	simm.s32 @p1 $0x1;
	p0 =	seq.s32 s7, s2  }
0x1e: {  	s7 =	smul.u32 @!p0 $0xF7A, s2;
	p2 =	seq.s32 @!p0 s5, $0x0  }
0x1f: {  	s9 =	smul.u32 $0xF7A, s1;
	s8 =	simm.s32 @!p0 $0x1BF5;
	p2 =	por !p2, p0  }
0x20: {  	[sflag:s8] =	ssyncset.s32 @!p0 $0xFFFFF086;
	s6 =	sadd.s32 @!p0 s3, s7;
	s7 =	simm.s32 @!p0 $0x108  }
0x21: {  	s3 =	sadd.s32 s3, s9;
	s6 =	sadd.s32 @!p0 $0x88, s6;
	s7 =	simm.s32 @p2 $0x1082  }
0x22: {  	[simem:s7], [sflag:s8] =	dma.local @!p0 [hbm:s6], $0xF7A  }
0x23: {  	s9 =	sor.u32 $0xD0000000, s2;
	s6 =	simm.s32 $0x108;
	_ =	swait.ge @!p0 [sflag:s8], $0x0  }
0x24: {  	s3 =	sadd.s32 $0x88, s3;
	s6 =	simm.s32 @!p1 $0x1082;
	[sflag:s4] =	ssyncset.s32 $0xFFFFF086  }
0x25: {  	[simem:s6], [sflag:s4] =	dma.local [hbm:s3], $0xF7A  }
0x26: {  	[smem:$0x3F96] =	sst s1;
	(tag) =	ssettag s2;
	_ =	strace s9  }
0x27: {  	s1 =	sld [smem:$0x3FA6]  }
0x28: {  	s2 =	sld [smem:$0x3FA7]  }
0x29: {  	s4 =	sld [smem:$0x3FA9]  }
0x2a: {  	p0 =	seq.s32 s5, $0x0;
	s5 =	sld [smem:$0x3FAA]  }
0x2b: {  	s6 =	sld [smem:$0x3FAB]  }
0x2c: {  	s7 =	sld [smem:$0x3FAC]  }
0x2d: {  	s3 =	simm.s32 $0x108;
	s8 =	sld [smem:$0x3FAD]  }
0x2e: {  	s3 =	simm.s32 @!p0 $0x1082;
	s9 =	sld [smem:$0x3FAE]  }
0x2f: {  	lr =	sadd.s32 s0, s3;
	s0 =	sld [smem:$0x3FA5]  }
0x30: {  	s3 =	sld [smem:$0x3FA8]  }
0x31: {  	[smem:$0x3FB1] =	sst s10  }
0x32: {  	s10 =	sld [smem:$0x3FAF];
	_ =	sdelay $0x3  }
0x33: {  	p0 =	seq.s32 s10, $0x1;
	s10 =	sld [smem:$0x3FB1];
	_ =	sdelay $0x3  }
0x34: {  	[smem:$0x3FB1] =	sst s10  }
0x35: {  	s10 =	sld [smem:$0x3FB0];
	_ =	sdelay $0x3  }
0x36: {  	p1 =	seq.s32 s10, $0x1;
	s10 =	sld [smem:$0x3FB1];
	_ =	sdelay $0x3  }
0x37: {  	[smem:$0x3FB1] =	sst s10  }
0x38: {  	s10 =	sld [smem:$0x3FB2]  }
0x39: {  	_ = 	snop;
	(pc) =	sbr.ind lr, $3  }
0x3a: {  	_ = 	snop  }
0x3b: {  	_ = 	snop  }
0x3c: {  	p2 =	seq.s32 s10, $0x1;
	s10 =	sld [smem:$0x3FB1]  }
0x3d: {  	_ =	shalt  }
0x3e: {  	_ =	shalt  }
0x3f: {  	_ =	shalt  }
0x40: {  	_ =	shalt  }
0x41: {  	_ =	shalt  }
0x42: {  	_ =	shalt  }
0x43: {  	_ =	shalt  }
0x44: {  	_ =	shalt  }
0x45: {  	_ =	shalt  }
0x46: {  	_ =	shalt  }
0x47: {  	_ =	shalt  }
0x48: {  	_ =	shalt  }
0x49: {  	_ =	shalt  }
0x4a: {  	_ =	shalt  }
0x4b: {  	_ =	shalt  }
0x4c: {  	_ =	shalt  }
0x4d: {  	_ =	shalt  }
0x4e: {  	_ =	shalt  }
0x4f: {  	_ =	shalt  }
0x50: {  	_ =	shalt  }
0x51: {  	_ =	shalt  }
0x52: {  	_ =	shalt  }
0x53: {  	_ =	shalt  }
0x54: {  	_ =	shalt  }
0x55: {  	_ =	shalt  }
0x56: {  	_ =	shalt  }
0x57: {  	_ =	shalt  }
0x58: {  	_ =	shalt  }
0x59: {  	_ =	shalt  }
0x5a: {  	_ =	shalt  }
0x5b: {  	_ =	shalt  }
0x5c: {  	_ =	shalt  }
0x5d: {  	_ =	shalt  }
0x5e: {  	_ =	shalt  }
0x5f: {  	_ =	shalt  }
0x60: {  	_ =	shalt  }
0x61: {  	_ =	shalt  }
0x62: {  	_ =	shalt  }
0x63: {  	_ =	shalt  }
0x64: {  	_ =	shalt  }
0x65: {  	_ =	shalt  }
0x66: {  	_ =	shalt  }
0x67: {  	_ =	shalt  }
0x68: {  	_ =	shalt  }
0x69: {  	_ =	shalt  }
0x6a: {  	_ =	shalt  }
0x6b: {  	_ =	shalt  }
0x6c: {  	_ =	shalt  }
0x6d: {  	_ =	shalt  }
0x6e: {  	_ =	shalt  }
0x6f: {  	_ =	shalt  }
0x70: {  	_ =	shalt  }
0x71: {  	_ =	shalt  }
0x72: {  	_ =	shalt  }
0x73: {  	_ =	shalt  }
0x74: {  	_ =	shalt  }
0x75: {  	_ =	shalt  }
0x76: {  	_ =	shalt  }
0x77: {  	_ =	shalt  }
0x78: {  	_ =	shalt  }
0x79: {  	_ =	shalt  }
0x7a: {  	_ =	shalt  }
0x7b: {  	_ =	shalt  }
0x7c: {  	_ =	shalt  }
0x7d: {  	_ =	shalt  }
0x7e: {  	_ =	shalt  }
0x7f: {  	_ =	shalt  }
0x80: {  	_ =	shalt  }
0x81: {  	_ =	shalt  }
0x82: {  	_ =	shalt  }
0x83: {  	_ =	shalt  }
0x84: {  	_ =	shalt  }
0x85: {  	_ =	shalt  }
0x86: {  	_ =	shalt  }
0x87: {  	_ =	shalt  }
.Lfunc_end0:
.L_simem_size_0:
called_computation.3_lowered:
.L_overlay_start_0:
0x88: {  	s2 =	sld [smem:$0x3FD9]  }
0x89: {  	s3 =	sld [smem:$0x3FFE];
	_ =	sdelay $0x1  }
0x8a: {  	s1 =	srdreg.scid  }
0x8b: {  	s0 =	sand.u32 $0x1, s1  }
0x8c: {  	s17 =	sshll.u32 s0, $0xA;
	s2 =	sadd.s32 s3, s2  }
0x8d: {  	s2 =	sadd.s32 s2, s17  }
0x8e: {  	[smem:$0x3FBD] =	sst s2  }
0x8f: {  	_ = 	snop  }
0x90: {  	s2 =	sld [smem:$0x3FD0];
	(tm) =	ssettm $0x1  }
0x91: {  	s18 =	sld [smem:$0x3FFB];
	_ =	sdelay $0x3  }
0x92: {  	_ =	strace s18  }
0x93: {  	s3 =	sld [smem:$0x3FFC];
	_ =	sdelay $0x3  }
0x94: {  	_ =	strace s3  }
0x95: {  	s3 =	sld [smem:$0x3FFD];
	_ =	sdelay $0x3  }
0x96: {  	_ =	strace s3  }
0x97: {  	_ =	strace $0x8FFFFFFF  }
0x98: {  	s19 =	sld [smem:$0x3FDB];
	_ =	sdelay $0x1  }
0x99: {  	s4 =	simm.s32 $_scs_section_size  }
0x9a: {  	s5 =	simm.s32 $_size__tile_overlayer_lowered;
	s6 =	simm.s32 $_tile_overlayer_lowered  }
0x9b: {  	s22 =	simm.s32 $0x1BFF;
	s21 =	sshll.u32 s6, $0x1;
	s3 =	sadd.s32 s4, s19  }
0x9c: {  	s7 =	simm.s32 $0x0;
	s20 =	sshll.u32 s5, $0x1;
	s5 =	sadd.s32 s21, s3  }
0x9d: {  	[timem:s7], [sflag:s22] =	dma.local [hbm:s5], s20  }
0x9e: {  	_ =	swait.ge [sflag:s22], s20  }
0x9f: {  	s4 =	ssub.s32 $0x0, s20;
	[sflag:s22] =	ssyncset.done $0x0  }
0xa0: {  	[sflag:s22] =	ssyncadd.s32 s4;
	_ =	sdelay $0x1  }
0xa1: {  	s23 =	simm.s32 $0x1B8B  }
0xa2: {  	_ =	swait.ge [sflag:s23], $0x1  }
0xa3: {  	[sflag:s23] =	ssyncset.done $0x0  }
0xa4: {  	s25 =	simm.s32 $0x1B8E;
	s24 =	sld [smem:$0x3FFE];
	[sflag:s23] =	ssyncadd.s32 $0xFFFFFFFF  }
0xa5: {  	s26 =	simm.s32 $execute0_lowered;
	[smem:$0x3FD2] =	sst s25  }
0xa6: {  	s5 =	sshll.u32 s26, $0x1;
	_ =	strace $0x8000004F;
	[dreg:$0x1] =	wrdreg $0xFFFFFFFF  }
0xa7: {  	s28 =	simm.s32 $_size_execute0_lowered;
	s3 =	sadd.s32 s3, s5;
	[dreg:$0x0] =	wrdreg $0x0  }
0xa8: {  	s5 =	sshll.u32 s28, $0x1;
	[dreg:$0x2] =	wrdreg s3  }
0xa9: {  	[dreg:$0x3] =	wrdreg s5  }
0xaa: {  	[dreg:$0x4] =	wrdreg $0xC0  }
0xab: {  	_ =	task [dreg:s7], $0x5FFFF  }
0xac: {  	[dreg:$0x1] =	wrdreg $0xFFFFFFFF  }
0xad: {  	[dreg:$0x0] =	wrdreg $0x60  }
0xae: {  	[dreg:$0x2] =	wrdreg s24  }
0xaf: {  	[dreg:$0x3] =	wrdreg s2  }
0xb0: {  	[dreg:$0x4] =	wrdreg $0x105800  }
0xb1: {  	[dreg:$0x5] =	wrdreg $0x9  }
0xb2: {  	_ =	task.clear_ibuf [dreg:s7], $0x6FFFF;
	_ =	strace $0x9000004F  }
0xb3: {  	s29 =	simm.s32 $0x9;
	_ =	strace $0x80000051  }
0xb4: {  	_ =	swait.ge [sflag:s29], $0x1  }
0xb5: {  	[sflag:s29] =	ssyncadd.s32 $0xFFFFFFFF  }
0xb6: {  	_ =	strace $0x90000051  }
0xb7: {  	_ =	sfence  }
0xb8: {  	s30 =	sld [smem:$0x0];
	_ =	sdelay $0x2  }
0xb9: {  	s31 =	sshll.u32 s1, $0xD;
	s1 =	sshrl.u32 s1, $0x2  }
0xba: {  	s3 =	sand.u32 $0x4000, s31;
	s1 =	sadd.s32 s1, s30  }
0xbb: {  	s0 =	sor.u32 s3, s0;
	s1 =	sshll.u32 s1, $0x11  }
0xbc: {  	s0 =	sor.u32 s1, s0  }
0xbd: {  	s0 =	sadd.s32 $0x8F2B, s0  }
0xbe: {  	[sflag:s0] =	ssyncadd.remote.s32 $0x1  }
0xbf: {  	_ =	sfence.sel $0xFFFF  }
0xc0: {  	[dreg:$0x0] =	wrdreg $0xFFFFFFFF;
	(pc) =	sbr.abs _section_cstart, $3  }
0xc1: {  	[dreg:$0x1] =	wrdreg $0xFFFFFFFF  }
0xc2: {  	_ =	task.clear_ibuf [dreg:s7], $0x2FFFF;
	_ =	strace $0x9FFFFFFF  }
0xc3: {  	(tm) =	ssettm $0x7FFFFFFF  }
tec
execute0_lowered:
.L_overlay_start_1:
0x0: {  	(tag) =	ssettag $0x1  }
0x1: {  	s6 =	rddreg [dreg:$0x0]  }
0x2: {  	s1 =	rddreg [dreg:$0x1]  }
0x3: {  	s3 =	rddreg [dreg:$0x2]  }
0x4: {  	s0 =	stileid.u32;
	s4 =	simm.s32 $0x0;
	s7 =	srdreg.scid  }
0x5: {  	s18 =	simm.s32 $0x9E00;
	s19 =	simm.s32 $0xBE00;
	s26 =	simm.s32 $0x9D00  }
0x6: {  	s28 =	simm.s32 $0x9D80;
	s29 =	simm.s32 $0x0;
	s5 =	smul.u32 $0x9E0, s0  }
0x7: {  	[smem:$0x7FF] =	sst s4;
	s12 =	sand.u32 $0x1, s7;
	s13 =	smul.u32 $0x9E00, s0  }
0x8: {  	s20 =	sadd.s32 $0x72200, s6;
	s24 =	sadd.s32 $0x5E600, s6;
	_ =	strace $0x80000050  }
0x9: {  	s7 =	ssub.s32 $0x2, s12;
	p0 =	seq.s32 s12, $0x0;
	s11 =	sadd.s32 s5, s6  }
0xa: {  	s5 =	sadd.s32 $0x4AA00, s6;
	s31 =	sshrl.u32 s7, $0x1;
	s6 =	sadd.s32 s13, s3  }
0xb: {  	s15 =	sadd.s32 $0x2780, s13;
	s16 =	sadd.s32 $0x4F00, s13;
	s17 =	sadd.s32 $0x7680, s13  }
0xc: {  	s21 =	sshrl.u32 s13, $0x3;
	s24 =	smov.u32 @p0 s20;
	s20 =	simm.s32 $0x1  }
0xd: {  	s14 =	ssub.s32 s7, s31;
	s7 =	sadd.s32 s15, s3;
	s8 =	sadd.s32 s16, s3  }
0xe: {  	s9 =	sadd.s32 s17, s3;
	s10 =	sadd.s32 $0x4C00, s11;
	s11 =	sadd.s32 $0x19400, s11  }
0xf: {  	s22 =	sshrl.u32 s15, $0x3;
	s23 =	sshrl.u32 s16, $0x3;
	s25 =	sshrl.u32 s17, $0x3  }
0x10: {  	s12 =	smov.u32 s5;
	s15 =	simm.s32 $0x3;
	s16 =	simm.s32 $0x4F00  }
0x11: {  	s17 =	simm.s32 $0x80;
	s21 =	sadd.s32 s24, s21;
	s13 =	smax.u32 s14, $0x1  }
0x12: {  	s12 =	smov.u32 @p0 s1;
	s14 =	simm.s32 $0xDE00;
	s22 =	sadd.s32 s24, s22  }
0x13: {  	v0 =	vimm.f32 $0.0e+00;
	s23 =	sadd.s32 s24, s23;
	s24 =	sadd.s32 s24, s25;
	s25 =	simm.s32 $0x2  }
.LBB2_1:
0x14: {  	s31 =	simm.s32 $0x100;
	s30 =	simm.s32 $0x0  }
.LBB2_2:
0x15: {  	p1 =	sne.s32 s31, $0x9D00;
	[tilespmem:s30+$0xDE30] =	vst v0;
	s0 =	smov.u32 s31;
	s31 =	sadd.s32 $0x100, s31  }
.Ltmp0:
0x16: {  	[tilespmem:s30+$0xDE20] =	vst v0;
	(pc) =	sbr.rel @p1 .LBB2_2-.Ltmp0, $3  }
0x17: {  	[tilespmem:s30+$0xDE00] =	vst v0  }
0x18: {  	[tilespmem:s30+$0xDE10] =	vst v0;
	_ =	sdelay $0x1  }
0x19: {  	s30 =	sshra.s32 s0, $0x2  }
0x1a: {  	[tilespmem:s30+$0xDE30] =	vst v0  }
0x1b: {  	[tilespmem:s30+$0xDE20] =	vst v0  }
0x1c: {  	[tilespmem:s30+$0xDE00] =	vst v0  }
0x1d: {  	[tilespmem:s30+$0xDE10] =	vst v0  }
0x1e: {  	[spmem:s6] =	stream.linear.scatter [tilespmem:s14], [sflag:$0x3], $0x2780, $0x38;
	[tilespmem:$0x1A380] =	vst v63  }
0x1f: {  	_ =	swait.ge [sflag:s15], $0x2780  }
0x20: {  	[sflag:s15] =	ssyncset.done $0x0  }
0x21: {  	[sflag:s15] =	ssyncadd.s32 $0xFFFFD880  }
0x22: {  	[spmem:s7] =	stream.linear.scatter [tilespmem:s14], [sflag:$0x3], $0x2780, $0x38;
	[tilespmem:$0x1A380] =	vst v63  }
0x23: {  	_ =	swait.ge [sflag:s15], $0x2780  }
0x24: {  	[sflag:s15] =	ssyncset.done $0x0  }
0x25: {  	[sflag:s15] =	ssyncadd.s32 $0xFFFFD880  }
0x26: {  	[spmem:s8] =	stream.linear.scatter [tilespmem:s14], [sflag:$0x3], $0x2780, $0x38;
	[tilespmem:$0x1A380] =	vst v63  }
0x27: {  	_ =	swait.ge [sflag:s15], $0x2780  }
0x28: {  	[sflag:s15] =	ssyncset.done $0x0  }
0x29: {  	[sflag:s15] =	ssyncadd.s32 $0xFFFFD880  }
0x2a: {  	[spmem:s9] =	stream.linear.scatter [tilespmem:s14], [sflag:$0x3], $0x2780, $0x38;
	[tilespmem:$0x1A380] =	vst v63  }
0x2b: {  	_ =	swait.ge [sflag:s15], $0x2780  }
0x2c: {  	[sflag:s15] =	ssyncset.done $0x0  }
0x2d: {  	s0 =	simm.s32 $0x0;
	[sflag:s15] =	ssyncadd.s32 $0xFFFFD880  }
0x2e: {  	[tilespmem:s0], [sflag:$0x3] =	stream.linear.gather [hbm4b:s10+s0], $0x4F00, $0x38;
	[tilespmem:$0x1A380] =	vst v63  }
0x2f: {  	_ =	swait.ge [sflag:s15], $0x4F00  }
0x30: {  	[sflag:s15] =	ssyncset.done $0x0  }
0x31: {  	[sflag:s15] =	ssyncadd.s32 $0xFFFFB100  }
0x32: {  	[tilespmem:s16], [sflag:$0x3] =	stream.linear.gather [hbm4b:s11+s0], $0x4F00, $0x38;
	[tilespmem:$0x1A380] =	vst v63  }
0x33: {  	_ =	swait.ge [sflag:s15], $0x4F00  }
0x34: {  	[sflag:s15] =	ssyncset.done $0x0  }
0x35: {  	[sflag:s15] =	ssyncadd.s32 $0xFFFFB100  }
0x36: {  	[bflag:$0x0] =	sbarrier.arrive $0xFFFF  }
0x37: {  	[tilespmem:s18], [sflag:$0x1] =	stream.indirect.gather [hbm4b:s12+s17], $0x40, s0, s17, $0xb8;
	[tilespmem:$0x1A380] =	vst v63  }
0x38: {  	s1 =	simm.s32 $0x80  }
0x39: {  	[tilespmem:s19], [sflag:$0x2] =	stream.indirect.gather [hbm4b:s12+s17], $0x40, s1, s17, $0xb8;
	[tilespmem:$0x1A380] =	vst v63  }
0x3a: {  	_ =	swait.ge [sflag:s20], $0x2000  }
0x3b: {  	[sflag:s20] =	ssyncset.done $0x0  }
0x3c: {  	s2 =	simm.s32 $0x4F00;
	[sflag:s20] =	ssyncadd.s32 $0xFFFFE000  }
0x3d: {  	[spmem:s3] =	stream.indirect.scatter.add.f32 [tilespmem:s18], [sflag:$0x3], $0x40, s2, s17, $0xb8;
	[tilespmem:$0x1A380] =	vst v63  }
0x3e: {  	_ =	swait.ge [sflag:s15], $0x2000  }
0x3f: {  	[sflag:s15] =	ssyncset.done $0x0  }
0x40: {  	s1 =	simm.s32 $0x100;
	[sflag:s15] =	ssyncadd.s32 $0xFFFFE000  }
0x41: {  	[tilespmem:s18], [sflag:$0x1] =	stream.indirect.gather [hbm4b:s12+s17], $0x40, s1, s17, $0xb8;
	[tilespmem:$0x1A380] =	vst v63  }
0x42: {  	_ =	swait.ge [sflag:s25], $0x2000  }
0x43: {  	[sflag:s25] =	ssyncset.done $0x0  }
0x44: {  	s2 =	simm.s32 $0x4F80;
	[sflag:s25] =	ssyncadd.s32 $0xFFFFE000  }
0x45: {  	[spmem:s3] =	stream.indirect.scatter.add.f32 [tilespmem:s19], [sflag:$0x3], $0x40, s2, s17, $0xb8;
	[tilespmem:$0x1A380] =	vst v63  }
0x46: {  	_ =	swait.ge [sflag:s15], $0x2000  }
0x47: {  	s31 =	simm.s32 $0x800;
	s30 =	simm.s32 $0x100;
	[sflag:s15] =	ssyncset.done $0x0  }
.LBB2_4:
0x48: {  	s0 =	sadd.s32 $0x80, s30  }
0x49: {  	[sflag:s15] =	ssyncadd.s32 $0xFFFFE000;
	s1 =	smov.u32 s31;
	s2 =	sadd.s32 $0x400, s31  }
0x4a: {  	[tilespmem:s19], [sflag:$0x2] =	stream.indirect.gather [hbm4b:s12+s17], $0x40, s0, s17, $0xb8;
	[tilespmem:$0x1A380] =	vst v63  }
0x4b: {  	p1 =	sne.s32 s31, $0x13400;
	_ =	swait.ge [sflag:s20], $0x2000  }
0x4c: {  	[sflag:s20] =	ssyncset.done $0x0  }
0x4d: {  	s0 =	sadd.s32 $0x4F00, s30;
	[sflag:s20] =	ssyncadd.s32 $0xFFFFE000  }
0x4e: {  	[spmem:s3] =	stream.indirect.scatter.add.f32 [tilespmem:s18], [sflag:$0x3], $0x40, s0, s17, $0xb8;
	[tilespmem:$0x1A380] =	vst v63  }
0x4f: {  	_ =	swait.ge [sflag:s15], $0x2000  }
0x50: {  	[sflag:s15] =	ssyncset.done $0x0  }
0x51: {  	s0 =	sadd.s32 $0x100, s30;
	[sflag:s15] =	ssyncadd.s32 $0xFFFFE000  }
0x52: {  	[tilespmem:s18], [sflag:$0x1] =	stream.indirect.gather [hbm4b:s12+s17], $0x40, s0, s17, $0xb8;
	[tilespmem:$0x1A380] =	vst v63  }
0x53: {  	_ =	swait.ge [sflag:s25], $0x2000  }
.Ltmp1:
0x54: {  	[sflag:s25] =	ssyncset.done $0x0;
	(pc) =	sbr.rel @p1 .LBB2_4-.Ltmp1, $4  }
0x55: {  	s0 =	sadd.s32 $0x4F80, s30;
	[sflag:s25] =	ssyncadd.s32 $0xFFFFE000  }
0x56: {  	[spmem:s3] =	stream.indirect.scatter.add.f32 [tilespmem:s19], [sflag:$0x3], $0x40, s0, s17, $0xb8;
	[tilespmem:$0x1A380] =	vst v63  }
0x57: {  	_ =	swait.ge [sflag:s15], $0x2000  }
0x58: {  	s31 =	smov.u32 s2;
	s30 =	sshra.s32 s1, $0x2;
	[sflag:s15] =	ssyncset.done $0x0  }
0x59: {  	s0 =	sadd.s32 $0x80, s30;
	[sflag:s15] =	ssyncadd.s32 $0xFFFFE000  }
0x5a: {  	[tilespmem:s19], [sflag:$0x2] =	stream.indirect.gather [hbm4b:s12+s17], $0x40, s0, s17, $0xb8;
	[tilespmem:$0x1A380] =	vst v63  }
0x5b: {  	_ =	swait.ge [sflag:s20], $0x2000  }
0x5c: {  	[sflag:s20] =	ssyncset.done $0x0  }
0x5d: {  	s1 =	sadd.s32 $0x4F00, s30;
	[sflag:s20] =	ssyncadd.s32 $0xFFFFE000  }
0x5e: {  	[spmem:s3] =	stream.indirect.scatter.add.f32 [tilespmem:s18], [sflag:$0x3], $0x40, s1, s17, $0xb8;
	[tilespmem:$0x1A380] =	vst v63  }
0x5f: {  	_ =	swait.ge [sflag:s15], $0x2000  }
0x60: {  	[sflag:s15] =	ssyncset.done $0x0  }
0x61: {  	s2 =	sadd.s32 $0x100, s30;
	[sflag:s15] =	ssyncadd.s32 $0xFFFFE000  }
0x62: {  	[tilespmem:s18], [sflag:$0x1] =	stream.indirect.gather [hbm4b:s12+s17], $0x40, s2, s17, $0xb8;
	[tilespmem:$0x1A380] =	vst v63  }
0x63: {  	_ =	swait.ge [sflag:s25], $0x2000  }
0x64: {  	[sflag:s25] =	ssyncset.done $0x0  }
0x65: {  	s31 =	sadd.s32 $0x4F80, s30;
	[sflag:s25] =	ssyncadd.s32 $0xFFFFE000  }
0x66: {  	[spmem:s3] =	stream.indirect.scatter.add.f32 [tilespmem:s19], [sflag:$0x3], $0x40, s31, s17, $0xb8;
	[tilespmem:$0x1A380] =	vst v63  }
0x67: {  	_ =	swait.ge [sflag:s15], $0x2000  }
0x68: {  	[sflag:s15] =	ssyncset.done $0x0  }
0x69: {  	s0 =	simm.s32 @p0 $0x80;
	[sflag:s15] =	ssyncadd.s32 $0xFFFFE000  }
0x6a: {  	s1 =	simm.s32 @p0 $0x4E80;
	s2 =	simm.s32 @p0 $0xBE00;
	s30 =	rddreg [dreg:$0x1]  }
0x6b: {  	[tilespmem:s2], [sflag:$0x2] =	stream.indirect.gather @p0 [hbm4b:s30+s0], $0x40, s1, s0, $0xb8;
	[tilespmem:$0x1A380] =	vst v63  }
0x6c: {  	s0 =	simm.s32 @!p0 $0x80;
	s1 =	simm.s32 @!p0 $0x4E80;
	s2 =	simm.s32 @!p0 $0xBE00  }
0x6d: {  	[tilespmem:s2], [sflag:$0x2] =	stream.indirect.gather @!p0 [hbm4b:s5+s0], $0x40, s1, s0, $0xb8;
	[tilespmem:$0x1A380] =	vst v63  }
0x6e: {  	_ =	swait.ge [sflag:s20], $0x2000  }
0x6f: {  	[sflag:s20] =	ssyncset.done $0x0  }
0x70: {  	[sflag:s20] =	ssyncadd.s32 $0xFFFFE000  }
0x71: {  	[spmem:s3] =	stream.indirect.scatter.add.f32 [tilespmem:s18], [sflag:$0x3], $0x40, s26, s17, $0xb8;
	[tilespmem:$0x1A380] =	vst v63  }
0x72: {  	_ =	swait.ge [sflag:s15], $0x2000  }
0x73: {  	[sflag:s15] =	ssyncset.done $0x0  }
0x74: {  	[sflag:s15] =	ssyncadd.s32 $0xFFFFE000  }
0x75: {  	_ =	swait.ge [sflag:s25], $0x2000  }
0x76: {  	[sflag:s25] =	ssyncset.done $0x0  }
0x77: {  	[sflag:s25] =	ssyncadd.s32 $0xFFFFE000  }
0x78: {  	[spmem:s3] =	stream.indirect.scatter.add.f32 [tilespmem:s19], [sflag:$0x3], $0x40, s28, s17, $0xb8;
	[tilespmem:$0x1A380] =	vst v63  }
0x79: {  	_ =	swait.ge [sflag:s15], $0x2000  }
0x7a: {  	[sflag:s15] =	ssyncset.done $0x0  }
0x7b: {  	[sflag:s15] =	ssyncadd.s32 $0xFFFFE000  }
0x7c: {  	[bflag:$0x0] =	sbarrier.arrive $0xFFFF  }
0x7d: {  	[tilespmem:s14], [sflag:$0x3] =	stream.linear.gather [spmem:s6], $0x2780, $0x38;
	[tilespmem:$0x1A380] =	vst v63  }
0x7e: {  	_ =	swait.ge [sflag:s15], $0x2780  }
0x7f: {  	[sflag:s15] =	ssyncset.done $0x0  }
0x80: {  	[sflag:s15] =	ssyncadd.s32 $0xFFFFD880  }
0x81: {  	[hbm4b:s21+s4] =	stream.linear.scatter [tilespmem:s14], [sflag:$0x3], $0x2780, $0x38;
	[tilespmem:$0x1A380] =	vst v63  }
0x82: {  	_ =	swait.ge [sflag:s15], $0x2780  }
0x83: {  	[sflag:s15] =	ssyncset.done $0x0  }
0x84: {  	[sflag:s15] =	ssyncadd.s32 $0xFFFFD880  }
0x85: {  	[tilespmem:s14], [sflag:$0x3] =	stream.linear.gather [spmem:s7], $0x2780, $0x38;
	[tilespmem:$0x1A380] =	vst v63  }
0x86: {  	_ =	swait.ge [sflag:s15], $0x2780  }
0x87: {  	[sflag:s15] =	ssyncset.done $0x0  }
0x88: {  	[sflag:s15] =	ssyncadd.s32 $0xFFFFD880  }
0x89: {  	[hbm4b:s22+s4] =	stream.linear.scatter [tilespmem:s14], [sflag:$0x3], $0x2780, $0x38;
	[tilespmem:$0x1A380] =	vst v63  }
0x8a: {  	_ =	swait.ge [sflag:s15], $0x2780  }
0x8b: {  	[sflag:s15] =	ssyncset.done $0x0  }
0x8c: {  	[sflag:s15] =	ssyncadd.s32 $0xFFFFD880  }
0x8d: {  	[tilespmem:s14], [sflag:$0x3] =	stream.linear.gather [spmem:s8], $0x2780, $0x38;
	[tilespmem:$0x1A380] =	vst v63  }
0x8e: {  	_ =	swait.ge [sflag:s15], $0x2780  }
0x8f: {  	[sflag:s15] =	ssyncset.done $0x0  }
0x90: {  	[sflag:s15] =	ssyncadd.s32 $0xFFFFD880  }
0x91: {  	[hbm4b:s23+s4] =	stream.linear.scatter [tilespmem:s14], [sflag:$0x3], $0x2780, $0x38;
	[tilespmem:$0x1A380] =	vst v63  }
0x92: {  	_ =	swait.ge [sflag:s15], $0x2780  }
0x93: {  	[sflag:s15] =	ssyncset.done $0x0  }
0x94: {  	[sflag:s15] =	ssyncadd.s32 $0xFFFFD880  }
0x95: {  	[tilespmem:s14], [sflag:$0x3] =	stream.linear.gather [spmem:s9], $0x2780, $0x38;
	[tilespmem:$0x1A380] =	vst v63  }
0x96: {  	s29 =	sadd.s32 $0x1, s29;
	_ =	swait.ge [sflag:s15], $0x2780  }
0x97: {  	p1 =	sne.s32 s29, s13;
	[sflag:s15] =	ssyncset.done $0x0  }
.Ltmp2:
0x98: {  	[sflag:s15] =	ssyncadd.s32 $0xFFFFD880;
	(pc) =	sbr.rel @p1 .LBB2_1-.Ltmp2, $4  }
0x99: {  	[hbm4b:s24+s4] =	stream.linear.scatter [tilespmem:s14], [sflag:$0x3], $0x2780, $0x38;
	[tilespmem:$0x1A380] =	vst v63  }
0x9a: {  	_ =	swait.ge [sflag:s15], $0x2780  }
0x9b: {  	[sflag:s15] =	ssyncset.done $0x0  }
0x9c: {  	[sflag:s15] =	ssyncadd.s32 $0xFFFFD880  }
0x9d: {  	_ =	sfence.sel $0x180000  }
0x9e: {  	[bflag:$0x0] =	sbarrier.arrive $0xFFFF  }
0x9f: {  	_ =	strace $0x90000050  }
0xa0: {  	s0 =	stileid.u32;
	[bflag:$0x2] =	sbarrier.arrive $0xFFFF  }
0xa1: {  	p0 =	sne.s32 s0, $0x0;
	s0 =	rddreg [dreg:$0x3]  }
0xa2: {  	s0 =	sadd.s32 @!p0 $0x100000, s0  }
0xa3: {  	[sflag:s0] =	ssyncadd.tile.s32 @!p0 $0x1;
	_ =	shalt  }
.Lfunc_end2:
_tile_overlayer_lowered:
.L_overlay_start_2:
0xa4: {  	(tag) =	ssettag $0x2  }
0xa5: {  	s0 =	rddreg [dreg:$0x0];
	s2 =	stileid.u32  }
0xa6: {  	s1 =	rddreg [dreg:$0x1];
	p0 =	sne.s32 s2, $0x0  }
0xa7: {  	s3 =	rddreg [dreg:$0x2];
	[bflag:$0x3] =	sbarrier.arrive $0xFFFF;
	s2 =	simm.s32 @!p0 $0x1C03  }
0xa8: {  	[timem:s3], [sflag:s2] =	dma.local @!p0 [hbm:s0], s1  }
0xa9: {  	s0 =	simm.s32 @!p0 $0x3  }
0xaa: {  	_ =	swait.ge @!p0 [sflag:s0], s1  }
0xab: {  	s1 =	ssub.s32 @!p0 $0x0, s1;
	[sflag:s0] =	ssyncset.done @!p0 $0x0  }
0xac: {  	[sflag:s0] =	ssyncadd.s32 @!p0 s1  }
0xad: {  	[bflag:$0x3] =	sbarrier.arrive $0xFFFF  }
0xae: {  	_ =	shalt  }

// kernel: kernel.9.cloned.1.call-start
scs
__scs_entry_jumppad:
0x0: {  	(pc) =	sbr.rel $0x88, $3  }
0x1: {  	(tag) =	ssettag $0x0;
	lr =	simm.s32 $0x1  }
0x2: {  	[smem:$0x3F96] =	sst lr;
	_ =	strace $0xD0000000  }
0x3: {  	_ = 	snop  }
0x4: {  	_ = 	snop  }
0x5: {  	_ = 	snop  }
0x6: {  	_ = 	snop  }
0x7: {  	_ = 	snop  }
__scs_overlays_trampoline_lowered:
0x8: {  	[smem:$0x3FA5] =	sst s0  }
0x9: {  	[smem:$0x3FA6] =	sst s1  }
0xa: {  	[smem:$0x3FA7] =	sst s2  }
0xb: {  	[smem:$0x3FA8] =	sst s3  }
0xc: {  	[smem:$0x3FA9] =	sst s4  }
0xd: {  	[smem:$0x3FAA] =	sst s5  }
0xe: {  	[smem:$0x3FAB] =	sst s6  }
0xf: {  	[smem:$0x3FAC] =	sst s7  }
0x10: {  	[smem:$0x3FAD] =	sst s8  }
0x11: {  	[smem:$0x3FAE] =	sst s9;
	s0 =	simm.s32 @!p0 $0x0  }
0x12: {  	s1 =	sld [smem:$0x3F94];
	s0 =	simm.s32 @p0 $0x1  }
0x13: {  	[smem:$0x3FAF] =	sst s0;
	s0 =	simm.s32 @!p1 $0x0  }
0x14: {  	s2 =	sld [smem:$0x3F93];
	s0 =	simm.s32 @p1 $0x1  }
0x15: {  	[smem:$0x3FB0] =	sst s0;
	s0 =	simm.s32 @!p2 $0x0  }
0x16: {  	s3 =	sld [smem:$0x3FDB];
	s0 =	simm.s32 @p2 $0x1  }
0x17: {  	s4 =	simm.s32 $0x1BF5;
	[smem:$0x3FB2] =	sst s0  }
0x18: {  	s0 =	sld [smem:$0x3F95];
	_ =	swait.ge [sflag:s4], $0x0  }
0x19: {  	s7 =	sld [smem:$0x3F96]  }
0x1a: {  	s8 =	sadd.s32 $0xFFFFE003, lr  }
0x1b: {  	s9 =	sadd.s32 $0xFFFFFEF7, lr;
	s5 =	simm.s32 $0xFFFFFFFF;
	p2 =	slt.u32 s8, $0xFFFFF086  }
0x1c: {  	p1 =	slt.u32 s9, $0xF7A;
	s5 =	simm.s32 @!p2 $0x0  }
0x1d: {  	s5 =	simm.s32 @p1 $0x1;
	p0 =	seq.s32 s7, s2  }
0x1e: {  	s7 =	smul.u32 @!p0 $0xF7A, s2;
	p2 =	seq.s32 @!p0 s5, $0x0  }
0x1f: {  	s9 =	smul.u32 $0xF7A, s1;
	s8 =	simm.s32 @!p0 $0x1BF5;
	p2 =	por !p2, p0  }
0x20: {  	[sflag:s8] =	ssyncset.s32 @!p0 $0xFFFFF086;
	s6 =	sadd.s32 @!p0 s3, s7;
	s7 =	simm.s32 @!p0 $0x108  }
0x21: {  	s3 =	sadd.s32 s3, s9;
	s6 =	sadd.s32 @!p0 $0x88, s6;
	s7 =	simm.s32 @p2 $0x1082  }
0x22: {  	[simem:s7], [sflag:s8] =	dma.local @!p0 [hbm:s6], $0xF7A  }
0x23: {  	s9 =	sor.u32 $0xD0000000, s2;
	s6 =	simm.s32 $0x108;
	_ =	swait.ge @!p0 [sflag:s8], $0x0  }
0x24: {  	s3 =	sadd.s32 $0x88, s3;
	s6 =	simm.s32 @!p1 $0x1082;
	[sflag:s4] =	ssyncset.s32 $0xFFFFF086  }
0x25: {  	[simem:s6], [sflag:s4] =	dma.local [hbm:s3], $0xF7A  }
0x26: {  	[smem:$0x3F96] =	sst s1;
	(tag) =	ssettag s2;
	_ =	strace s9  }
0x27: {  	s1 =	sld [smem:$0x3FA6]  }
0x28: {  	s2 =	sld [smem:$0x3FA7]  }
0x29: {  	s4 =	sld [smem:$0x3FA9]  }
0x2a: {  	p0 =	seq.s32 s5, $0x0;
	s5 =	sld [smem:$0x3FAA]  }
0x2b: {  	s6 =	sld [smem:$0x3FAB]  }
0x2c: {  	s7 =	sld [smem:$0x3FAC]  }
0x2d: {  	s3 =	simm.s32 $0x108;
	s8 =	sld [smem:$0x3FAD]  }
0x2e: {  	s3 =	simm.s32 @!p0 $0x1082;
	s9 =	sld [smem:$0x3FAE]  }
0x2f: {  	lr =	sadd.s32 s0, s3;
	s0 =	sld [smem:$0x3FA5]  }
0x30: {  	s3 =	sld [smem:$0x3FA8]  }
0x31: {  	[smem:$0x3FB1] =	sst s10  }
0x32: {  	s10 =	sld [smem:$0x3FAF];
	_ =	sdelay $0x3  }
0x33: {  	p0 =	seq.s32 s10, $0x1;
	s10 =	sld [smem:$0x3FB1];
	_ =	sdelay $0x3  }
0x34: {  	[smem:$0x3FB1] =	sst s10  }
0x35: {  	s10 =	sld [smem:$0x3FB0];
	_ =	sdelay $0x3  }
0x36: {  	p1 =	seq.s32 s10, $0x1;
	s10 =	sld [smem:$0x3FB1];
	_ =	sdelay $0x3  }
0x37: {  	[smem:$0x3FB1] =	sst s10  }
0x38: {  	s10 =	sld [smem:$0x3FB2]  }
0x39: {  	_ = 	snop;
	(pc) =	sbr.ind lr, $3  }
0x3a: {  	_ = 	snop  }
0x3b: {  	_ = 	snop  }
0x3c: {  	p2 =	seq.s32 s10, $0x1;
	s10 =	sld [smem:$0x3FB1]  }
0x3d: {  	_ =	shalt  }
0x3e: {  	_ =	shalt  }
0x3f: {  	_ =	shalt  }
0x40: {  	_ =	shalt  }
0x41: {  	_ =	shalt  }
0x42: {  	_ =	shalt  }
0x43: {  	_ =	shalt  }
0x44: {  	_ =	shalt  }
0x45: {  	_ =	shalt  }
0x46: {  	_ =	shalt  }
0x47: {  	_ =	shalt  }
0x48: {  	_ =	shalt  }
0x49: {  	_ =	shalt  }
0x4a: {  	_ =	shalt  }
0x4b: {  	_ =	shalt  }
0x4c: {  	_ =	shalt  }
0x4d: {  	_ =	shalt  }
0x4e: {  	_ =	shalt  }
0x4f: {  	_ =	shalt  }
0x50: {  	_ =	shalt  }
0x51: {  	_ =	shalt  }
0x52: {  	_ =	shalt  }
0x53: {  	_ =	shalt  }
0x54: {  	_ =	shalt  }
0x55: {  	_ =	shalt  }
0x56: {  	_ =	shalt  }
0x57: {  	_ =	shalt  }
0x58: {  	_ =	shalt  }
0x59: {  	_ =	shalt  }
0x5a: {  	_ =	shalt  }
0x5b: {  	_ =	shalt  }
0x5c: {  	_ =	shalt  }
0x5d: {  	_ =	shalt  }
0x5e: {  	_ =	shalt  }
0x5f: {  	_ =	shalt  }
0x60: {  	_ =	shalt  }
0x61: {  	_ =	shalt  }
0x62: {  	_ =	shalt  }
0x63: {  	_ =	shalt  }
0x64: {  	_ =	shalt  }
0x65: {  	_ =	shalt  }
0x66: {  	_ =	shalt  }
0x67: {  	_ =	shalt  }
0x68: {  	_ =	shalt  }
0x69: {  	_ =	shalt  }
0x6a: {  	_ =	shalt  }
0x6b: {  	_ =	shalt  }
0x6c: {  	_ =	shalt  }
0x6d: {  	_ =	shalt  }
0x6e: {  	_ =	shalt  }
0x6f: {  	_ =	shalt  }
0x70: {  	_ =	shalt  }
0x71: {  	_ =	shalt  }
0x72: {  	_ =	shalt  }
0x73: {  	_ =	shalt  }
0x74: {  	_ =	shalt  }
0x75: {  	_ =	shalt  }
0x76: {  	_ =	shalt  }
0x77: {  	_ =	shalt  }
0x78: {  	_ =	shalt  }
0x79: {  	_ =	shalt  }
0x7a: {  	_ =	shalt  }
0x7b: {  	_ =	shalt  }
0x7c: {  	_ =	shalt  }
0x7d: {  	_ =	shalt  }
0x7e: {  	_ =	shalt  }
0x7f: {  	_ =	shalt  }
0x80: {  	_ =	shalt  }
0x81: {  	_ =	shalt  }
0x82: {  	_ =	shalt  }
0x83: {  	_ =	shalt  }
0x84: {  	_ =	shalt  }
0x85: {  	_ =	shalt  }
0x86: {  	_ =	shalt  }
0x87: {  	_ =	shalt  }
.Lfunc_end0:
.L_simem_size_0:
called_computation_lowered:
.L_overlay_start_0:
0x88: {  	s2 =	sld [smem:$0x3FD9]  }
0x89: {  	s3 =	sld [smem:$0x3FFE];
	_ =	sdelay $0x1  }
0x8a: {  	s1 =	srdreg.scid  }
0x8b: {  	s0 =	sand.u32 $0x1, s1  }
0x8c: {  	s16 =	sshll.u32 s0, $0xA;
	s2 =	sadd.s32 s3, s2  }
0x8d: {  	s2 =	sadd.s32 s2, s16  }
0x8e: {  	[smem:$0x3FBD] =	sst s2  }
0x8f: {  	_ = 	snop  }
0x90: {  	(tm) =	ssettm $0x1  }
0x91: {  	s17 =	sld [smem:$0x3FFB];
	_ =	sdelay $0x3  }
0x92: {  	_ =	strace s17  }
0x93: {  	s2 =	sld [smem:$0x3FFC];
	_ =	sdelay $0x3  }
0x94: {  	_ =	strace s2  }
0x95: {  	s2 =	sld [smem:$0x3FFD];
	_ =	sdelay $0x3  }
0x96: {  	_ =	strace s2  }
0x97: {  	_ =	strace $0x8FFFFFFF  }
0x98: {  	s18 =	sld [smem:$0x3FDB];
	_ =	sdelay $0x1  }
0x99: {  	s19 =	simm.s32 $_scs_section_size  }
0x9a: {  	s4 =	simm.s32 $_size__tile_overlayer_lowered;
	s5 =	simm.s32 $_tile_overlayer_lowered  }
0x9b: {  	s22 =	simm.s32 $0x1BFF;
	s21 =	sshll.u32 s5, $0x1;
	s2 =	sadd.s32 s19, s18  }
0x9c: {  	s6 =	simm.s32 $0x0;
	s20 =	sshll.u32 s4, $0x1;
	s4 =	sadd.s32 s21, s2  }
0x9d: {  	[timem:s6], [sflag:s22] =	dma.local [hbm:s4], s20  }
0x9e: {  	_ =	swait.ge [sflag:s22], s20  }
0x9f: {  	s3 =	ssub.s32 $0x0, s20;
	[sflag:s22] =	ssyncset.done $0x0  }
0xa0: {  	[sflag:s22] =	ssyncadd.s32 s3;
	_ =	sdelay $0x1  }
0xa1: {  	s23 =	simm.s32 $0x1B8B  }
0xa2: {  	_ =	swait.ge [sflag:s23], $0x1  }
0xa3: {  	[sflag:s23] =	ssyncset.done $0x0  }
0xa4: {  	s25 =	simm.s32 $0x1B8E;
	s24 =	sld [smem:$0x3FFE];
	[sflag:s23] =	ssyncadd.s32 $0xFFFFFFFF  }
0xa5: {  	s26 =	simm.s32 $execute0_lowered;
	[smem:$0x3FD2] =	sst s25  }
0xa6: {  	s4 =	sshll.u32 s26, $0x1;
	_ =	strace $0x80000046;
	[dreg:$0x1] =	wrdreg $0xFFFFFFFF  }
0xa7: {  	s28 =	simm.s32 $_size_execute0_lowered;
	s2 =	sadd.s32 s2, s4;
	[dreg:$0x0] =	wrdreg $0x0  }
0xa8: {  	s4 =	sshll.u32 s28, $0x1;
	[dreg:$0x2] =	wrdreg s2  }
0xa9: {  	[dreg:$0x3] =	wrdreg s4  }
0xaa: {  	[dreg:$0x4] =	wrdreg $0xC0  }
0xab: {  	_ =	task [dreg:s6], $0x5FFFF  }
0xac: {  	[dreg:$0x1] =	wrdreg $0xFFFFFFFF  }
0xad: {  	[dreg:$0x0] =	wrdreg $0x60  }
0xae: {  	[dreg:$0x2] =	wrdreg s24  }
0xaf: {  	[dreg:$0x3] =	wrdreg $0x51F80  }
0xb0: {  	[dreg:$0x4] =	wrdreg $0x9  }
0xb1: {  	_ =	task.clear_ibuf [dreg:s6], $0x5FFFF;
	_ =	strace $0x90000046  }
0xb2: {  	s29 =	simm.s32 $0x9;
	_ =	strace $0x80000048  }
0xb3: {  	_ =	swait.ge [sflag:s29], $0x1  }
0xb4: {  	[sflag:s29] =	ssyncadd.s32 $0xFFFFFFFF  }
0xb5: {  	_ =	strace $0x90000048  }
0xb6: {  	_ =	sfence  }
0xb7: {  	s30 =	sld [smem:$0x0];
	_ =	sdelay $0x2  }
0xb8: {  	s31 =	sshll.u32 s1, $0xD;
	s1 =	sshrl.u32 s1, $0x2  }
0xb9: {  	s3 =	sand.u32 $0x4000, s31;
	s1 =	sadd.s32 s1, s30  }
0xba: {  	s0 =	sor.u32 s3, s0;
	s1 =	sshll.u32 s1, $0x11  }
0xbb: {  	s0 =	sor.u32 s1, s0  }
0xbc: {  	s0 =	sadd.s32 $0x8F2B, s0  }
0xbd: {  	[sflag:s0] =	ssyncadd.remote.s32 $0x1  }
0xbe: {  	_ =	sfence.sel $0xFFFF  }
0xbf: {  	[dreg:$0x0] =	wrdreg $0xFFFFFFFF;
	(pc) =	sbr.abs _section_cstart, $3  }
0xc0: {  	[dreg:$0x1] =	wrdreg $0xFFFFFFFF  }
0xc1: {  	_ =	task.clear_ibuf [dreg:s6], $0x2FFFF;
	_ =	strace $0x9FFFFFFF  }
0xc2: {  	(tm) =	ssettm $0x7FFFFFFF  }
0xc3: {  	_ =	shalt  }
tec
execute0_lowered:
.L_overlay_start_1:
0x0: {  	(tag) =	ssettag $0x1  }
0x1: {  	s0 =	srdreg.scid;
	s7 =	rddreg [dreg:$0x0]  }
0x2: {  	s2 =	rddreg [dreg:$0x1];
	s1 =	stileid.u32  }
0x3: {  	s3 =	simm.s32 $0x0;
	s11 =	simm.s32 $0x18E00;
	s12 =	simm.s32 $0x2780  }
0x4: {  	s13 =	simm.s32 $0x80;
	s4 =	sand.u32 $0x1, s0;
	s0 =	rddreg [dreg:$0x2]  }
0x5: {  	s14 =	simm.s32 $0x5178;
	s15 =	simm.s32 $0x0;
	[smem:$0x7FF] =	sst s3  }
0x6: {  	s9 =	smul.u32 $0x278, s1;
	s5 =	sshll.u32 s4, $0x4;
	_ =	strace $0x80000047  }
0x7: {  	s6 =	ssub.s32 $0x2, s4;
	p0 =	seq.s32 s4, $0x1;
	s5 =	sor.u32 s1, s5  }
0x8: {  	s31 =	sshrl.u32 s6, $0x1;
	s11 =	simm.s32 @!p0 $0x18800;
	s5 =	smul.u32 $0x4F0, s5  }
0x9: {  	s4 =	sadd.s32 s9, s2;
	s9 =	sshrl.u32 s9, $0x3;
	s11 =	sadd.s32 s11, s7  }
0xa: {  	s10 =	ssub.s32 s6, s31;
	s9 =	sadd.s32 s11, s9;
	s8 =	sadd.s32 s5, s7  }
0xb: {  	s11 =	simm.s32 $0x1;
	s5 =	sadd.s32 $0x4C00, s8;
	s6 =	sadd.s32 $0xEA00, s8  }
0xc: {  	v0 =	vimm.f32 $0.0e+00;
	v1 =	vimm.f32 $1.000000000e+00;
	s7 =	sadd.s32 $0x19400, s8;
	s8 =	smax.u32 s10, $0x1;
	s10 =	simm.s32 $0x4F00  }
.LBB2_1:
0xd: {  	[tilespmem:$0x4F00] =	vst v0  }
0xe: {  	[tilespmem:$0x4F10] =	vst v0  }
0xf: {  	[tilespmem:$0x4F20] =	vst v0  }
0x10: {  	[tilespmem:$0x4F30] =	vst v0  }
0x11: {  	[tilespmem:$0x4F40] =	vst v0  }
0x12: {  	[tilespmem:$0x4F50] =	vst v0  }
0x13: {  	[tilespmem:$0x4F60] =	vst v0  }
0x14: {  	[tilespmem:$0x4F70] =	vst v0  }
0x15: {  	[tilespmem:$0x4F80] =	vst v0  }
0x16: {  	[tilespmem:$0x4F90] =	vst v0  }
0x17: {  	[tilespmem:$0x4FA0] =	vst v0  }
0x18: {  	[tilespmem:$0x4FB0] =	vst v0  }
0x19: {  	[tilespmem:$0x4FC0] =	vst v0  }
0x1a: {  	[tilespmem:$0x4FD0] =	vst v0  }
0x1b: {  	[tilespmem:$0x4FE0] =	vst v0  }
0x1c: {  	[tilespmem:$0x4FF0] =	vst v0  }
0x1d: {  	[tilespmem:$0x5000] =	vst v0  }
0x1e: {  	[tilespmem:$0x5010] =	vst v0  }
0x1f: {  	[tilespmem:$0x5020] =	vst v0  }
0x20: {  	[tilespmem:$0x5030] =	vst v0  }
0x21: {  	[tilespmem:$0x5040] =	vst v0  }
0x22: {  	[tilespmem:$0x5050] =	vst v0  }
0x23: {  	[tilespmem:$0x5060] =	vst v0  }
0x24: {  	[tilespmem:$0x5070] =	vst v0  }
0x25: {  	[tilespmem:$0x5080] =	vst v0  }
0x26: {  	[tilespmem:$0x5090] =	vst v0  }
0x27: {  	[tilespmem:$0x50A0] =	vst v0  }
0x28: {  	[tilespmem:$0x50B0] =	vst v0  }
0x29: {  	[tilespmem:$0x50C0] =	vst v0  }
0x2a: {  	[tilespmem:$0x50D0] =	vst v0  }
0x2b: {  	[tilespmem:$0x50E0] =	vst v0  }
0x2c: {  	[tilespmem:$0x50F0] =	vst v0  }
0x2d: {  	[tilespmem:$0x5100] =	vst v0  }
0x2e: {  	[tilespmem:$0x5110] =	vst v0  }
0x2f: {  	[tilespmem:$0x5120] =	vst v0  }
0x30: {  	[tilespmem:$0x5130] =	vst v0  }
0x31: {  	[tilespmem:$0x5140] =	vst v0  }
0x32: {  	[tilespmem:$0x5150] =	vst v0  }
0x33: {  	[tilespmem:$0x5160] =	vst v0  }
0x34: {  	[tilespmem:$0x5178] =	vst v1  }
0x35: {  	[tilespmem:$0x5188] =	vst v1  }
0x36: {  	[tilespmem:$0x5198] =	vst v1  }
0x37: {  	[tilespmem:$0x51A8] =	vst v1  }
0x38: {  	[tilespmem:$0x51B8] =	vst v1  }
0x39: {  	[tilespmem:$0x51C8] =	vst v1  }
0x3a: {  	[tilespmem:$0x51D8] =	vst v1  }
0x3b: {  	[tilespmem:$0x51E8] =	vst v1  }
0x3c: {  	[spmem:s4] =	stream.linear.scatter [tilespmem:s10], [sflag:$0x1], $0x278, $0x38;
	[tilespmem:$0x5470] =	vst v63  }
0x3d: {  	_ =	swait.ge [sflag:s11], $0x278  }
0x3e: {  	[sflag:s11] =	ssyncset.done $0x0  }
0x3f: {  	[sflag:s11] =	ssyncadd.s32 $0xFFFFFD88  }
0x40: {  	[tilespmem:s3], [sflag:$0x1] =	stream.linear.gather [hbm4b:s5+s3], $0x2780, $0x38;
	[tilespmem:$0x5470] =	vst v63  }
0x41: {  	_ =	swait.ge [sflag:s11], $0x2780  }
0x42: {  	[sflag:s11] =	ssyncset.done $0x0  }
0x43: {  	[sflag:s11] =	ssyncadd.s32 $0xFFFFD880  }
0x44: {  	[tilespmem:s12], [sflag:$0x1] =	stream.linear.gather [hbm4b:s6+s3], $0x2780, $0x38;
	[tilespmem:$0x5470] =	vst v63  }
0x45: {  	_ =	swait.ge [sflag:s11], $0x2780  }
0x46: {  	[sflag:s11] =	ssyncset.done $0x0  }
0x47: {  	s16 =	simm.s32 $0x0;
	[sflag:s11] =	ssyncadd.s32 $0xFFFFD880  }
0x48: {  	v8 =	vld [tilespmem:s16+$0x0]  }
0x49: {  	v15 =	vld [tilespmem:s16+$0x10]  }
0x4a: {  	v7 =	vld [tilespmem:s16+$0x20]  }
0x4b: {  	v6 =	vld [tilespmem:s16+$0x30]  }
0x4c: {  	v5 =	vld [tilespmem:s16+$0x40]  }
0x4d: {  	v4 =	vld [tilespmem:s16+$0x50]  }
0x4e: {  	v3 =	vld [tilespmem:s16+$0x60]  }
0x4f: {  	v2 =	vld [tilespmem:s16+$0x70]  }
0x50: {  	v14 =	vld [tilespmem:s16+$0x2780]  }
0x51: {  	v13 =	vld [tilespmem:s16+$0x2790]  }
0x52: {  	v12 =	vld [tilespmem:s16+$0x27A0]  }
0x53: {  	v11 =	vld [tilespmem:s16+$0x27B0]  }
0x54: {  	v10 =	vld [tilespmem:s16+$0x27C0]  }
0x55: {  	v9 =	vld [tilespmem:s16+$0x27D0];
	vm0 =	veq.s32 v8, v14  }
0x56: {  	s17 =	simm.s32 $0x200;
	v8 =	vld [tilespmem:s16+$0x27E0];
	v14 =	vsel vm0, $0x2710, v14;
	vm0 =	veq.s32 v15, v13  }
.LBB2_2:
0x57: {  	s18 =	sshra.s32 s17, $0x2;
	p0 =	sne.s32 s17, $0x9C00;
	[tilespmem:s16+$0x2780] =	vst v14;
	v13 =	vsel vm0, $0x2710, v13;
	vm0 =	veq.s32 v7, v12;
	v14 =	vld [tilespmem:s16+$0x27F0]  }
0x58: {  	v15 =	vld [tilespmem:s18+$0x0];
	[tilespmem:s16+$0x2790] =	vst v13;
	v7 =	vsel vm0, $0x2710, v12;
	vm0 =	veq.s32 v6, v11  }
0x59: {  	v16 =	vld [tilespmem:s18+$0x10];
	[tilespmem:s16+$0x27A0] =	vst v7;
	v6 =	vsel vm0, $0x2710, v11;
	vm0 =	veq.s32 v5, v10  }
0x5a: {  	v7 =	vld [tilespmem:s18+$0x20];
	[tilespmem:s16+$0x27B0] =	vst v6;
	v5 =	vsel vm0, $0x2710, v10;
	vm0 =	veq.s32 v4, v9  }
0x5b: {  	v6 =	vld [tilespmem:s18+$0x30];
	[tilespmem:s16+$0x27C0] =	vst v5;
	v4 =	vsel vm0, $0x2710, v9;
	vm0 =	veq.s32 v3, v8  }
0x5c: {  	v5 =	vld [tilespmem:s18+$0x40];
	[tilespmem:s16+$0x27D0] =	vst v4;
	v3 =	vsel vm0, $0x2710, v8;
	vm0 =	veq.s32 v2, v14  }
0x5d: {  	v4 =	vld [tilespmem:s18+$0x50];
	[tilespmem:s16+$0x27E0] =	vst v3;
	v2 =	vsel vm0, $0x2710, v14  }
0x5e: {  	v3 =	vld [tilespmem:s18+$0x60];
	[tilespmem:s16+$0x27F0] =	vst v2;
	s16 =	smov.u32 s18  }
0x5f: {  	v2 =	vld [tilespmem:s16+$0x70]  }
0x60: {  	v8 =	vld [tilespmem:s16+$0x2780]  }
0x61: {  	v13 =	vld [tilespmem:s16+$0x2790]  }
.Ltmp0:
0x62: {  	v12 =	vld [tilespmem:s16+$0x27A0];
	(pc) =	sbr.rel @p0 .LBB2_2-.Ltmp0, $4  }
0x63: {  	v11 =	vld [tilespmem:s16+$0x27B0]  }
0x64: {  	v10 =	vld [tilespmem:s16+$0x27C0]  }
0x65: {  	vm0 =	veq.s32 v15, v8;
	v9 =	vld [tilespmem:s16+$0x27D0]  }
0x66: {  	s17 =	sadd.s32 $0x200, s17;
	v14 =	vsel vm0, $0x2710, v8;
	vm0 =	veq.s32 v16, v13;
	v8 =	vld [tilespmem:s16+$0x27E0]  }
0x67: {  	[tilespmem:s16+$0x2780] =	vst v14;
	v13 =	vsel vm0, $0x2710, v13;
	vm10 =	veq.s32 v7, v12;
	v63 =	vld [tilespmem:s16+$0x27F0]  }
0x68: {  	[tilespmem:s16+$0x2790] =	vst v13;
	v12 =	vsel vm10, $0x2710, v12;
	vm11 =	veq.s32 v6, v11  }
0x69: {  	[tilespmem:s16+$0x27A0] =	vst v12;
	v6 =	vsel vm11, $0x2710, v11;
	vm12 =	veq.s32 v5, v10  }
0x6a: {  	[tilespmem:s16+$0x27B0] =	vst v6;
	v5 =	vsel vm12, $0x2710, v10;
	vm13 =	veq.s32 v4, v9  }
0x6b: {  	[tilespmem:s16+$0x27C0] =	vst v5;
	v4 =	vsel vm13, $0x2710, v9;
	vm14 =	veq.s32 v3, v8  }
0x6c: {  	[tilespmem:s16+$0x27D0] =	vst v4;
	v3 =	vsel vm14, $0x2710, v8;
	vm15 =	veq.s32 v2, v63  }
0x6d: {  	[tilespmem:s16+$0x27E0] =	vst v3;
	v2 =	vsel vm15, $0x2710, v63  }
0x6e: {  	s30 =	simm.s32 $0x0;
	[tilespmem:s16+$0x27F0] =	vst v2  }
0x6f: {  	[hbm4b:s7+s30] =	stream.linear.scatter [tilespmem:s12], [sflag:$0x1], $0x2780, $0x38;
	[tilespmem:$0x5470] =	vst v63  }
0x70: {  	_ =	swait.ge [sflag:s11], $0x2780  }
0x71: {  	[sflag:s11] =	ssyncset.done $0x0  }
0x72: {  	[sflag:s11] =	ssyncadd.s32 $0xFFFFD880  }
0x73: {  	s31 =	simm.s32 $0x2780;
	[bflag:$0x0] =	sbarrier.arrive $0xFFFF  }
0x74: {  	[spmem:s2] =	stream.indirect.scatter.add.f32 [tilespmem:s14], [sflag:$0x1], $0x1, s31, s13, $0xb8;
	[tilespmem:$0x5470] =	vst v63  }
0x75: {  	s16 =	simm.s32 $0x200;
	_ =	swait.ge [sflag:s11], $0x80  }
.LBB2_4:
0x76: {  	s17 =	sshra.s32 s16, $0x2;
	[sflag:s11] =	ssyncset.done $0x0;
	p0 =	sne.s32 s16, $0x9C00  }
.Ltmp1:
0x77: {  	s17 =	sadd.s32 $0x2780, s17;
	[sflag:s11] =	ssyncadd.s32 $0xFFFFFF80;
	(pc) =	sbr.rel @p0 .LBB2_4-.Ltmp1, $3  }
0x78: {  	[spmem:s2] =	stream.indirect.scatter.add.f32 [tilespmem:s14], [sflag:$0x1], $0x1, s17, s13, $0xb8;
	[tilespmem:$0x5470] =	vst v63  }
0x79: {  	s16 =	sadd.s32 $0x200, s16;
	_ =	sdelay $0x1  }
0x7a: {  	_ =	swait.ge [sflag:s11], $0x80  }
0x7b: {  	[sflag:s11] =	ssyncset.done $0x0  }
0x7c: {  	[sflag:s11] =	ssyncadd.s32 $0xFFFFFF80  }
0x7d: {  	[bflag:$0x0] =	sbarrier.arrive $0xFFFF  }
0x7e: {  	[tilespmem:s10], [sflag:$0x1] =	stream.linear.gather [spmem:s4], $0x278, $0x38;
	[tilespmem:$0x5470] =	vst v63  }
0x7f: {  	s15 =	sadd.s32 $0x1, s15;
	_ =	swait.ge [sflag:s11], $0x278  }
0x80: {  	p0 =	sne.s32 s15, s8;
	[sflag:s11] =	ssyncset.done $0x0  }
.Ltmp2:
0x81: {  	[sflag:s11] =	ssyncadd.s32 $0xFFFFFD88;
	(pc) =	sbr.rel @p0 .LBB2_1-.Ltmp2, $4  }
0x82: {  	[hbm4b:s9+s3] =	stream.linear.scatter [tilespmem:s10], [sflag:$0x1], $0x278, $0x38;
	[tilespmem:$0x5470] =	vst v63  }
0x83: {  	_ =	swait.ge [sflag:s11], $0x278  }
0x84: {  	[sflag:s11] =	ssyncset.done $0x0  }
0x85: {  	[sflag:s11] =	ssyncadd.s32 $0xFFFFFD88  }
0x86: {  	_ =	sfence.sel $0x180000  }
0x87: {  	[bflag:$0x0] =	sbarrier.arrive $0xFFFF  }
0x88: {  	p0 =	sne.s32 s1, $0x0;
	_ =	strace $0x90000047  }
0x89: {  	s0 =	sadd.s32 @!p0 $0x100000, s0;
	[bflag:$0x2] =	sbarrier.arrive $0xFFFF  }
0x8a: {  	[sflag:s0] =	ssyncadd.tile.s32 @!p0 $0x1;
	_ =	shalt  }
.Lfunc_end2:
_tile_overlayer_lowered:
.L_overlay_start_2:
0x8b: {  	(tag) =	ssettag $0x2  }
0x8c: {  	s0 =	rddreg [dreg:$0x0];
	s2 =	stileid.u32  }
0x8d: {  	s1 =	rddreg [dreg:$0x1];
	p0 =	sne.s32 s2, $0x0  }
0x8e: {  	s3 =	rddreg [dreg:$0x2];
	[bflag:$0x3] =	sbarrier.arrive $0xFFFF;
	s2 =	simm.s32 @!p0 $0x1C01  }
0x8f: {  	[timem:s3], [sflag:s2] =	dma.local @!p0 [hbm:s0], s1  }
0x90: {  	s0 =	simm.s32 @!p0 $0x1  }
0x91: {  	_ =	swait.ge @!p0 [sflag:s0], s1  }
0x92: {  	s1 =	ssub.s32 @!p0 $0x0, s1;
	[sflag:s0] =	ssyncset.done @!p0 $0x0  }
0x93: {  	[sflag:s0] =	ssyncadd.s32 @!p0 s1  }
0x94: {  	[bflag:$0x3] =	sbarrier.arrive $0xFFFF  }
0x95: {  	_ =	shalt  }

</sc_bundles>
